<compile_context>
chip_gen: v7x
topology: tpu7x:2x2x1
jax: 0.10.2.dev20260603
libtpu: 0.0.44.dev20260713+nightly
codegen_flags: <defaults>
</compile_context>

<pallas_src>
import functools

import jax
import jax.numpy as jnp
from jax import lax
from jax.experimental import pallas as pl
from jax.experimental.pallas import tpu as pltpu
from jax.experimental.pallas import tpu_sc as plsc

N = 10000
E = 320000
D = 128
G = 128
C = 10

NCORES = 2
NSUB = 16
NW = NCORES * NSUB
EPW = E // NW
CHUNK = 40
NCHUNK = EPW // CHUNK
DEPTH = 5
RPT = 624
REM = N - NSUB * RPT

BLK = 1000
NBLK = N // BLK

_PREC = lax.Precision.DEFAULT


def _sc_body(h_hbm, src_hbm, dst_hbm, zeros_hbm, out_hbm, *refs):
    c = lax.axis_index("c")
    s = lax.axis_index("s")
    wid = c * NSUB + s
    r0 = s * RPT
    base = wid * EPW

    sib = refs[0:DEPTH]
    dib = refs[DEPTH:2 * DEPTH]
    rows = refs[2 * DEPTH:3 * DEPTH]
    acc = refs[3 * DEPTH]
    gsem = refs[3 * DEPTH + 1:4 * DEPTH + 1]
    ssem = refs[4 * DEPTH + 1:5 * DEPTH + 1]
    sisem = refs[5 * DEPTH + 1:6 * DEPTH + 1]
    disem = refs[6 * DEPTH + 1:7 * DEPTH + 1]

    def si_start(i, k):
        pltpu.async_copy(src_hbm.at[pl.ds(base + i * CHUNK, CHUNK)],
                         sib[k], sisem[k])

    def si_wait(k):
        pltpu.make_async_copy(src_hbm.at[pl.ds(0, CHUNK)], sib[k],
                              sisem[k]).wait()

    def di_start(i, k):
        pltpu.async_copy(dst_hbm.at[pl.ds(base + i * CHUNK, CHUNK)],
                         dib[k], disem[k])

    def di_wait(k):
        pltpu.make_async_copy(dst_hbm.at[pl.ds(0, CHUNK)], dib[k],
                              disem[k]).wait()

    def gstart(k):
        pltpu.async_copy(h_hbm.at[sib[k]], rows[k], gsem[k])

    def gwait(k):
        pltpu.make_async_copy(h_hbm.at[pl.ds(0, CHUNK)], rows[k],
                              gsem[k]).wait()

    def sstart(k):
        pltpu.async_copy(rows[k], acc.at[dib[k]], ssem[k], add=True)

    def swait(k):
        pltpu.make_async_copy(h_hbm.at[pl.ds(0, CHUNK)], rows[k],
                              ssem[k]).wait()

    for k in range(DEPTH):
        si_start(k, k)
        di_start(k, k)

    @pl.when(c == 0)
    def _():
        pltpu.sync_copy(h_hbm.at[pl.ds(r0, RPT)], acc.at[pl.ds(r0, RPT)])

        @pl.when(s == NSUB - 1)
        def _():
            pltpu.sync_copy(h_hbm.at[pl.ds(NSUB * RPT, REM)],
                            acc.at[pl.ds(NSUB * RPT, REM)])

    @pl.when(c == 1)
    def _():
        pltpu.sync_copy(zeros_hbm.at[pl.ds(r0, RPT)], acc.at[pl.ds(r0, RPT)])

        @pl.when(s == NSUB - 1)
        def _():
            pltpu.sync_copy(zeros_hbm.at[pl.ds(NSUB * RPT, REM)],
                            acc.at[pl.ds(NSUB * RPT, REM)])

    for k in range(DEPTH):
        si_wait(k)
        gstart(k)

    plsc.subcore_barrier()

    def body(j, carry):
        i = DEPTH * j

        for k in range(DEPTH):
            gwait(k)
            si_start(i + k + DEPTH, k)
            di_wait(k)
            sstart(k)

        for k in range(DEPTH):
            swait(k)
            di_start(i + k + DEPTH, k)
            si_wait(k)
            gstart(k)

        return carry

    lax.fori_loop(0, NCHUNK // DEPTH - 1, body, 0)

    for k in range(DEPTH):
        gwait(k)
        di_wait(k)
        sstart(k)
    for k in range(DEPTH):
        swait(k)

    plsc.subcore_barrier()

    pltpu.sync_copy(acc.at[pl.ds(r0, RPT)],
                    out_hbm.at[pl.ds(c * N + r0, RPT)])

    @pl.when(s == NSUB - 1)
    def _():
        pltpu.sync_copy(acc.at[pl.ds(NSUB * RPT, REM)],
                        out_hbm.at[pl.ds(c * N + NSUB * RPT, REM)])


def _sc_segment_sum(h, src, dst, zeros):
    mesh = plsc.VectorSubcoreMesh(core_axis_name="c", subcore_axis_name="s")
    f = pl.kernel(
        _sc_body,
        out_type=jax.ShapeDtypeStruct((2 * N, D), jnp.float32),
        mesh=mesh,
        scratch_types=(
            [pltpu.VMEM((CHUNK,), jnp.int32)] * DEPTH
            + [pltpu.VMEM((CHUNK,), jnp.int32)] * DEPTH
            + [pltpu.VMEM((CHUNK, D), jnp.float32)] * DEPTH
            + [pltpu.VMEM_SHARED((N, D), jnp.float32)]
            + [pltpu.SemaphoreType.DMA] * (4 * DEPTH)
        ),
    )
    return f(h, src, dst, zeros)


def _mlp_phase0(i, p_ref, wa_ref, ba_ref, wb_ref, bb_ref,
                rbuf_ref, a0_ref, a1_ref):
    hin = p_ref[0] + p_ref[1]
    t = jnp.maximum(
        jnp.dot(hin, wa_ref[...], preferred_element_type=jnp.float32,
                precision=_PREC) + ba_ref[...], 0.0)
    r = jnp.maximum(
        jnp.dot(t, wb_ref[...], preferred_element_type=jnp.float32,
                precision=_PREC) + bb_ref[...], 0.0)
    rbuf_ref[pl.ds(i * BLK, BLK), :] = r

    @pl.when(i == 0)
    def _():
        a0_ref[...] = jnp.zeros_like(a0_ref)
        a1_ref[...] = jnp.zeros_like(a1_ref)

    a0_ref[...] += jnp.sum(r, axis=0, keepdims=True)
    a1_ref[...] += jnp.sum(r * r, axis=0, keepdims=True)


def _bn_block(j, rbuf_ref, a0_ref, a1_ref, g_ref, be_ref):
    m = a0_ref[...] * (1.0 / N)
    v = a1_ref[...] * (1.0 / N) - m * m
    inv = lax.rsqrt(v + 1e-5) * g_ref[...]
    return (rbuf_ref[pl.ds(j * BLK, BLK), :] - m) * inv + be_ref[...]


def _layer_body(p_ref, wa_ref, ba_ref, wb_ref, bb_ref,
                g_ref, be_ref, o_ref, rbuf_ref, a0_ref, a1_ref):
    i = pl.program_id(0)

    @pl.when(i < NBLK)
    def _():
        _mlp_phase0(i, p_ref, wa_ref, ba_ref, wb_ref,
                    bb_ref, rbuf_ref, a0_ref, a1_ref)

    @pl.when(i >= NBLK)
    def _():
        o_ref[...] = _bn_block(i - NBLK, rbuf_ref, a0_ref, a1_ref,
                               g_ref, be_ref)


def _tc_layer(parts, wa, ba, wb, bb, g, be):
    full = lambda i: (0, 0)
    return pl.pallas_call(
        _layer_body,
        grid=(2 * NBLK,),
        in_specs=[
            pl.BlockSpec((2, BLK, D),
                         lambda i: (0, jnp.minimum(i, NBLK - 1), 0)),
            pl.BlockSpec((D, D), full),
            pl.BlockSpec((1, D), full),
            pl.BlockSpec((D, D), full),
            pl.BlockSpec((1, D), full),
            pl.BlockSpec((1, D), full),
            pl.BlockSpec((1, D), full),
        ],
        out_specs=pl.BlockSpec((BLK, D), lambda i: (jnp.maximum(i - NBLK,
                                                                0), 0)),
        out_shape=jax.ShapeDtypeStruct((N, D), jnp.float32),
        scratch_shapes=[
            pltpu.VMEM((N, D), jnp.float32),
            pltpu.VMEM((1, D), jnp.float32),
            pltpu.VMEM((1, D), jnp.float32),
        ],
        compiler_params=pltpu.CompilerParams(
            dimension_semantics=("arbitrary",)),
    )(parts.reshape(2, N, D), wa, ba, wb, bb, g, be)


def _final_body(p_ref, b_ref, wa_ref, ba_ref, wb_ref,
                bb_ref, g_ref, be_ref, wf1_ref, bf1_ref, wf2_ref, bf2_ref,
                o_ref, rbuf_ref, a0_ref, a1_ref, pacc_ref):
    i = pl.program_id(0)

    @pl.when(i < NBLK)
    def _():
        _mlp_phase0(i, p_ref, wa_ref, ba_ref, wb_ref,
                    bb_ref, rbuf_ref, a0_ref, a1_ref)

    @pl.when(i >= NBLK)
    def _():
        j = i - NBLK
        hn = _bn_block(j, rbuf_ref, a0_ref, a1_ref, g_ref, be_ref)
        gids = lax.broadcasted_iota(jnp.int32, (1, G), 1).astype(jnp.float32)
        onehot = (b_ref[...] == gids).astype(jnp.float32)

        @pl.when(j == 0)
        def _():
            pacc_ref[...] = jnp.zeros_like(pacc_ref)

        pacc_ref[...] += lax.dot_general(
            onehot, hn, (((0,), (0,)), ((), ())),
            preferred_element_type=jnp.float32, precision=_PREC)

        @pl.when(j == NBLK - 1)
        def _():
            p = jnp.maximum(
                jnp.dot(pacc_ref[...], wf1_ref[...],
                        preferred_element_type=jnp.float32,
                        precision=_PREC) + bf1_ref[...], 0.0)
            o_ref[...] = jnp.dot(p, wf2_ref[...],
                                 preferred_element_type=jnp.float32,
                                 precision=_PREC) + bf2_ref[...]


def _tc_final(parts, batchf, wa, ba, wb, bb, g, be, wf1, bf1, wf2, bf2):
    full = lambda i: (0, 0)
    return pl.pallas_call(
        _final_body,
        grid=(2 * NBLK,),
        in_specs=[
            pl.BlockSpec((2, BLK, D),
                         lambda i: (0, jnp.minimum(i, NBLK - 1), 0)),
            pl.BlockSpec((BLK, 1), lambda i: (jnp.maximum(i - NBLK, 0), 0)),
            pl.BlockSpec((D, D), full),
            pl.BlockSpec((1, D), full),
            pl.BlockSpec((D, D), full),
            pl.BlockSpec((1, D), full),
            pl.BlockSpec((1, D), full),
            pl.BlockSpec((1, D), full),
            pl.BlockSpec((D, D), full),
            pl.BlockSpec((1, D), full),
            pl.BlockSpec((D, C), full),
            pl.BlockSpec((1, C), full),
        ],
        out_specs=pl.BlockSpec((G, C), full),
        out_shape=jax.ShapeDtypeStruct((G, C), jnp.float32),
        scratch_shapes=[
            pltpu.VMEM((N, D), jnp.float32),
            pltpu.VMEM((1, D), jnp.float32),
            pltpu.VMEM((1, D), jnp.float32),
            pltpu.VMEM((G, D), jnp.float32),
        ],
        compiler_params=pltpu.CompilerParams(
            dimension_semantics=("arbitrary",)),
    )(parts.reshape(2, N, D), batchf, wa, ba, wb, bb, g, be,
      wf1, bf1, wf2, bf2)


def _layer(h, src, dst, zeros, wa, ba, wb, bb, g, be):
    parts = _sc_segment_sum(h, src, dst, zeros)
    return _tc_layer(parts, wa, ba, wb, bb, g, be)


def kernel(x, edge_index, batch, w1a, b1a, w1b, b1b, g1, be1,
           w2a, b2a, w2b, b2b, g2, be2, w3a, b3a, w3b, b3b, g3, be3,
           wf1, bf1, wf2, bf2):
    src = edge_index[0]
    dst = edge_index[1]
    zeros = jnp.zeros((N, D), jnp.float32)
    row = lambda v: v.reshape(1, -1)

    h = _layer(x, src, dst, zeros, w1a, row(b1a), w1b, row(b1b),
               row(g1), row(be1))
    h = _layer(h, src, dst, zeros, w2a, row(b2a), w2b, row(b2b),
               row(g2), row(be2))

    batchf = batch.astype(jnp.float32).reshape(N, 1)
    parts3 = _sc_segment_sum(h, src, dst, zeros)
    return _tc_final(parts3, batchf, w3a, row(b3a), w3b, row(b3b),
                     row(g3), row(be3), wf1, row(bf1), wf2, row(bf2))

# --- scband reference (transcript-rebuilt; emitter-appended) ---
"""Pipeline reference for scband-gin-44100724196039 (READ-ONLY COPY).

The authoritative reference and input builder live on the scoring server;
editing this copy changes nothing except your own understanding.
"""

import jax, jax.numpy as jnp
import numpy as np

N = 10000
E = 320000
D = 128
HID = 128
C = 10
G = 128

def setup_inputs(seed: int = 0) -> dict:
    key = jax.random.key(seed)
    ks = jax.random.split(key, 16)
    s = 0.05
    inp = {}
    inp['x'] = jax.random.normal(ks[0], (N, D), dtype=jnp.float32)
    inp['edge_index'] = jax.random.randint(ks[1], (2, E), 0, N, dtype=jnp.int32)
    inp['batch'] = jnp.sort(jax.random.randint(ks[2], (N,), 0, G, dtype=jnp.int32))
    inp['w1a'] = jax.random.normal(ks[3], (D, HID), dtype=jnp.float32) * s
    inp['b1a'] = jnp.zeros((HID,), dtype=jnp.float32)
    inp['w1b'] = jax.random.normal(ks[4], (HID, HID), dtype=jnp.float32) * s
    inp['b1b'] = jnp.zeros((HID,), dtype=jnp.float32)
    inp['g1'] = jnp.ones((HID,), dtype=jnp.float32)
    inp['be1'] = jnp.zeros((HID,), dtype=jnp.float32)
    inp['w2a'] = jax.random.normal(ks[5], (HID, HID), dtype=jnp.float32) * s
    inp['b2a'] = jnp.zeros((HID,), dtype=jnp.float32)
    inp['w2b'] = jax.random.normal(ks[6], (HID, HID), dtype=jnp.float32) * s
    inp['b2b'] = jnp.zeros((HID,), dtype=jnp.float32)
    inp['g2'] = jnp.ones((HID,), dtype=jnp.float32)
    inp['be2'] = jnp.zeros((HID,), dtype=jnp.float32)
    inp['w3a'] = jax.random.normal(ks[7], (HID, HID), dtype=jnp.float32) * s
    inp['b3a'] = jnp.zeros((HID,), dtype=jnp.float32)
    inp['w3b'] = jax.random.normal(ks[8], (HID, HID), dtype=jnp.float32) * s
    inp['b3b'] = jnp.zeros((HID,), dtype=jnp.float32)
    inp['g3'] = jnp.ones((HID,), dtype=jnp.float32)
    inp['be3'] = jnp.zeros((HID,), dtype=jnp.float32)
    inp['wf1'] = jax.random.normal(ks[9], (HID, HID), dtype=jnp.float32) * s
    inp['bf1'] = jnp.zeros((HID,), dtype=jnp.float32)
    inp['wf2'] = jax.random.normal(ks[10], (HID, C), dtype=jnp.float32) * s
    inp['bf2'] = jnp.zeros((C,), dtype=jnp.float32)
    return inp

def _gin_conv(x, src, dst, wa, ba, wb, bb):
    # GINConv with eps=0: nn((1+eps)*x + sum_{j in N(i)} x_j)
    agg = jax.ops.segment_sum(x[src], dst, num_segments=x.shape[0])
    h = x + agg
    h = jnp.maximum(h @ wa + ba, 0.0)
    return h @ wb + bb

def _bn(x, g, b, eps=1e-5):
    m = jnp.mean(x, axis=0)
    v = jnp.var(x, axis=0)
    return (x - m) / jnp.sqrt(v + eps) * g + b

def reference(x, edge_index, batch, w1a, b1a, w1b, b1b, g1, be1, w2a, b2a, w2b, b2b, g2, be2, w3a, b3a, w3b, b3b, g3, be3, wf1, bf1, wf2, bf2):
    src = edge_index[0]
    dst = edge_index[1]
    h = jnp.maximum(_gin_conv(x, src, dst, w1a, b1a, w1b, b1b), 0.0)
    h = _bn(h, g1, be1)
    h = jnp.maximum(_gin_conv(h, src, dst, w2a, b2a, w2b, b2b), 0.0)
    h = _bn(h, g2, be2)
    h = jnp.maximum(_gin_conv(h, src, dst, w3a, b3a, w3b, b3b), 0.0)
    h = _bn(h, g3, be3)
    p = jax.ops.segment_sum(h, batch, num_segments=G)
    p = jnp.maximum(p @ wf1 + bf1, 0.0)
    # dropout is identity (inference); p=0.5 only active in training
    return p @ wf2 + bf2

if __name__ == "__main__":
    import jax
    _d = setup_inputs()
    print(jax.jit(kernel)(*tuple(_d.values())))

</pallas_src>

<mosaic_0001>
#map = affine_map<(d0, d1) -> (0, 0)>
#map1 = affine_map<(d0, d1) -> (0)>
module attributes {stable_mosaic.version = 14 : i64} {
  func.func @_sc_body(%arg0: i32, %arg1: i32, %arg2: memref<10000x128xf32, #tpu.memory_space<hbm>>, %arg3: memref<320000xi32, #tpu.memory_space<hbm>>, %arg4: memref<320000xi32, #tpu.memory_space<hbm>>, %arg5: memref<10000x128xf32, #tpu.memory_space<hbm>>, %arg6: memref<20000x128xf32, #tpu.memory_space<hbm>>, %arg7: memref<40xi32, #tpu.memory_space<vmem>>, %arg8: memref<40xi32, #tpu.memory_space<vmem>>, %arg9: memref<40xi32, #tpu.memory_space<vmem>>, %arg10: memref<40xi32, #tpu.memory_space<vmem>>, %arg11: memref<40xi32, #tpu.memory_space<vmem>>, %arg12: memref<40xi32, #tpu.memory_space<vmem>>, %arg13: memref<40xi32, #tpu.memory_space<vmem>>, %arg14: memref<40xi32, #tpu.memory_space<vmem>>, %arg15: memref<40xi32, #tpu.memory_space<vmem>>, %arg16: memref<40xi32, #tpu.memory_space<vmem>>, %arg17: memref<40x128xf32, #tpu.memory_space<vmem>>, %arg18: memref<40x128xf32, #tpu.memory_space<vmem>>, %arg19: memref<40x128xf32, #tpu.memory_space<vmem>>, %arg20: memref<40x128xf32, #tpu.memory_space<vmem>>, %arg21: memref<40x128xf32, #tpu.memory_space<vmem>>, %arg22: memref<10000x128xf32, #tpu.memory_space<vmem_shared>>, %arg23: memref<!tpu.dma_semaphore, #tpu.memory_space<semaphore_mem>>, %arg24: memref<!tpu.dma_semaphore, #tpu.memory_space<semaphore_mem>>, %arg25: memref<!tpu.dma_semaphore, #tpu.memory_space<semaphore_mem>>, %arg26: memref<!tpu.dma_semaphore, #tpu.memory_space<semaphore_mem>>, %arg27: memref<!tpu.dma_semaphore, #tpu.memory_space<semaphore_mem>>, %arg28: memref<!tpu.dma_semaphore, #tpu.memory_space<semaphore_mem>>, %arg29: memref<!tpu.dma_semaphore, #tpu.memory_space<semaphore_mem>>, %arg30: memref<!tpu.dma_semaphore, #tpu.memory_space<semaphore_mem>>, %arg31: memref<!tpu.dma_semaphore, #tpu.memory_space<semaphore_mem>>, %arg32: memref<!tpu.dma_semaphore, #tpu.memory_space<semaphore_mem>>, %arg33: memref<!tpu.dma_semaphore, #tpu.memory_space<semaphore_mem>>, %arg34: memref<!tpu.dma_semaphore, #tpu.memory_space<semaphore_mem>>, %arg35: memref<!tpu.dma_semaphore, #tpu.memory_space<semaphore_mem>>, %arg36: memref<!tpu.dma_semaphore, #tpu.memory_space<semaphore_mem>>, %arg37: memref<!tpu.dma_semaphore, #tpu.memory_space<semaphore_mem>>, %arg38: memref<!tpu.dma_semaphore, #tpu.memory_space<semaphore_mem>>, %arg39: memref<!tpu.dma_semaphore, #tpu.memory_space<semaphore_mem>>, %arg40: memref<!tpu.dma_semaphore, #tpu.memory_space<semaphore_mem>>, %arg41: memref<!tpu.dma_semaphore, #tpu.memory_space<semaphore_mem>>, %arg42: memref<!tpu.dma_semaphore, #tpu.memory_space<semaphore_mem>>) attributes {dimension_semantics = [#tpu.dimension_semantics<core_parallel>, #tpu.dimension_semantics<subcore_parallel>], iteration_bounds = array<i64: 2, 16>, scalar_prefetch = 0 : i64, scratch_operands = 36 : i64, tpu.core_type = #tpu.core_type<sc_vector_subcore>, window_params = [{transform_indices = #map}, {transform_indices = #map1}, {transform_indices = #map1}, {transform_indices = #map}, {transform_indices = #map}]} {
    %mul3A = arith.constant 16 : i32
    %mul3A_0 = arith.muli %arg0, %mul3A : i32
    %add3A = arith.addi %mul3A_0, %arg1 : i32
    %mul3A_1 = arith.constant 624 : i32
    %mul3A_2 = arith.muli %arg1, %mul3A_1 : i32
    %mul3A_3 = arith.constant 10000 : i32
    %mul3A_4 = arith.muli %add3A, %mul3A_3 : i32
    %add3A_5 = arith.constant 0 : i32
    %add3A_6 = arith.addi %mul3A_4, %add3A_5 : i32
    %dma_start3A = tpu.memref_slice %arg3[%add3A_6] : memref<320000xi32, #tpu.memory_space<hbm>> -> memref<40xi32, #tpu.memory_space<hbm>>
    %dma_start3A_7 = tpu.memref_slice %arg3[%add3A_6] : memref<320000xi32, #tpu.memory_space<hbm>> -> memref<40xi32, #tpu.memory_space<hbm>>
    tpu.enqueue_dma source(%dma_start3A_7 : memref<40xi32, #tpu.memory_space<hbm>>) target(%arg7 : memref<40xi32, #tpu.memory_space<vmem>>) target_semaphore(%arg33 : memref<!tpu.dma_semaphore, #tpu.memory_space<semaphore_mem>>)
    %add3A_8 = arith.constant 0 : i32
    %add3A_9 = arith.addi %mul3A_4, %add3A_8 : i32
    %dma_start3A_10 = tpu.memref_slice %arg4[%add3A_9] : memref<320000xi32, #tpu.memory_space<hbm>> -> memref<40xi32, #tpu.memory_space<hbm>>
    %dma_start3A_11 = tpu.memref_slice %arg4[%add3A_9] : memref<320000xi32, #tpu.memory_space<hbm>> -> memref<40xi32, #tpu.memory_space<hbm>>
    tpu.enqueue_dma source(%dma_start3A_11 : memref<40xi32, #tpu.memory_space<hbm>>) target(%arg12 : memref<40xi32, #tpu.memory_space<vmem>>) target_semaphore(%arg38 : memref<!tpu.dma_semaphore, #tpu.memory_space<semaphore_mem>>)
    %add3A_12 = arith.constant 40 : i32
    %add3A_13 = arith.addi %mul3A_4, %add3A_12 : i32
    %dma_start3A_14 = tpu.memref_slice %arg3[%add3A_13] : memref<320000xi32, #tpu.memory_space<hbm>> -> memref<40xi32, #tpu.memory_space<hbm>>
    %dma_start3A_15 = tpu.memref_slice %arg3[%add3A_13] : memref<320000xi32, #tpu.memory_space<hbm>> -> memref<40xi32, #tpu.memory_space<hbm>>
    tpu.enqueue_dma source(%dma_start3A_15 : memref<40xi32, #tpu.memory_space<hbm>>) target(%arg8 : memref<40xi32, #tpu.memory_space<vmem>>) target_semaphore(%arg34 : memref<!tpu.dma_semaphore, #tpu.memory_space<semaphore_mem>>)
    %add3A_16 = arith.constant 40 : i32
    %add3A_17 = arith.addi %mul3A_4, %add3A_16 : i32
    %dma_start3A_18 = tpu.memref_slice %arg4[%add3A_17] : memref<320000xi32, #tpu.memory_space<hbm>> -> memref<40xi32, #tpu.memory_space<hbm>>
    %dma_start3A_19 = tpu.memref_slice %arg4[%add3A_17] : memref<320000xi32, #tpu.memory_space<hbm>> -> memref<40xi32, #tpu.memory_space<hbm>>
    tpu.enqueue_dma source(%dma_start3A_19 : memref<40xi32, #tpu.memory_space<hbm>>) target(%arg13 : memref<40xi32, #tpu.memory_space<vmem>>) target_semaphore(%arg39 : memref<!tpu.dma_semaphore, #tpu.memory_space<semaphore_mem>>)
    %add3A_20 = arith.constant 80 : i32
    %add3A_21 = arith.addi %mul3A_4, %add3A_20 : i32
    %dma_start3A_22 = tpu.memref_slice %arg3[%add3A_21] : memref<320000xi32, #tpu.memory_space<hbm>> -> memref<40xi32, #tpu.memory_space<hbm>>
    %dma_start3A_23 = tpu.memref_slice %arg3[%add3A_21] : memref<320000xi32, #tpu.memory_space<hbm>> -> memref<40xi32, #tpu.memory_space<hbm>>
    tpu.enqueue_dma source(%dma_start3A_23 : memref<40xi32, #tpu.memory_space<hbm>>) target(%arg9 : memref<40xi32, #tpu.memory_space<vmem>>) target_semaphore(%arg35 : memref<!tpu.dma_semaphore, #tpu.memory_space<semaphore_mem>>)
    %add3A_24 = arith.constant 80 : i32
    %add3A_25 = arith.addi %mul3A_4, %add3A_24 : i32
    %dma_start3A_26 = tpu.memref_slice %arg4[%add3A_25] : memref<320000xi32, #tpu.memory_space<hbm>> -> memref<40xi32, #tpu.memory_space<hbm>>
    %dma_start3A_27 = tpu.memref_slice %arg4[%add3A_25] : memref<320000xi32, #tpu.memory_space<hbm>> -> memref<40xi32, #tpu.memory_space<hbm>>
    tpu.enqueue_dma source(%dma_start3A_27 : memref<40xi32, #tpu.memory_space<hbm>>) target(%arg14 : memref<40xi32, #tpu.memory_space<vmem>>) target_semaphore(%arg40 : memref<!tpu.dma_semaphore, #tpu.memory_space<semaphore_mem>>)
    %add3A_28 = arith.constant 120 : i32
    %add3A_29 = arith.addi %mul3A_4, %add3A_28 : i32
    %dma_start3A_30 = tpu.memref_slice %arg3[%add3A_29] : memref<320000xi32, #tpu.memory_space<hbm>> -> memref<40xi32, #tpu.memory_space<hbm>>
    %dma_start3A_31 = tpu.memref_slice %arg3[%add3A_29] : memref<320000xi32, #tpu.memory_space<hbm>> -> memref<40xi32, #tpu.memory_space<hbm>>
    tpu.enqueue_dma source(%dma_start3A_31 : memref<40xi32, #tpu.memory_space<hbm>>) target(%arg10 : memref<40xi32, #tpu.memory_space<vmem>>) target_semaphore(%arg36 : memref<!tpu.dma_semaphore, #tpu.memory_space<semaphore_mem>>)
    %add3A_32 = arith.constant 120 : i32
    %add3A_33 = arith.addi %mul3A_4, %add3A_32 : i32
    %dma_start3A_34 = tpu.memref_slice %arg4[%add3A_33] : memref<320000xi32, #tpu.memory_space<hbm>> -> memref<40xi32, #tpu.memory_space<hbm>>
    %dma_start3A_35 = tpu.memref_slice %arg4[%add3A_33] : memref<320000xi32, #tpu.memory_space<hbm>> -> memref<40xi32, #tpu.memory_space<hbm>>
    tpu.enqueue_dma source(%dma_start3A_35 : memref<40xi32, #tpu.memory_space<hbm>>) target(%arg15 : memref<40xi32, #tpu.memory_space<vmem>>) target_semaphore(%arg41 : memref<!tpu.dma_semaphore, #tpu.memory_space<semaphore_mem>>)
    %add3A_36 = arith.constant 160 : i32
    %add3A_37 = arith.addi %mul3A_4, %add3A_36 : i32
    %dma_start3A_38 = tpu.memref_slice %arg3[%add3A_37] : memref<320000xi32, #tpu.memory_space<hbm>> -> memref<40xi32, #tpu.memory_space<hbm>>
    %dma_start3A_39 = tpu.memref_slice %arg3[%add3A_37] : memref<320000xi32, #tpu.memory_space<hbm>> -> memref<40xi32, #tpu.memory_space<hbm>>
    tpu.enqueue_dma source(%dma_start3A_39 : memref<40xi32, #tpu.memory_space<hbm>>) target(%arg11 : memref<40xi32, #tpu.memory_space<vmem>>) target_semaphore(%arg37 : memref<!tpu.dma_semaphore, #tpu.memory_space<semaphore_mem>>)
    %add3A_40 = arith.constant 160 : i32
    %add3A_41 = arith.addi %mul3A_4, %add3A_40 : i32
    %dma_start3A_42 = tpu.memref_slice %arg4[%add3A_41] : memref<320000xi32, #tpu.memory_space<hbm>> -> memref<40xi32, #tpu.memory_space<hbm>>
    %dma_start3A_43 = tpu.memref_slice %arg4[%add3A_41] : memref<320000xi32, #tpu.memory_space<hbm>> -> memref<40xi32, #tpu.memory_space<hbm>>
    tpu.enqueue_dma source(%dma_start3A_43 : memref<40xi32, #tpu.memory_space<hbm>>) target(%arg16 : memref<40xi32, #tpu.memory_space<vmem>>) target_semaphore(%arg42 : memref<!tpu.dma_semaphore, #tpu.memory_space<semaphore_mem>>)
    %eq3A = arith.constant 0 : i32
    %eq3A_44 = arith.cmpi eq, %arg0, %eq3A : i32
    %convert_element_type3A = arith.extui %eq3A_44 : i1 to i32
    %cond3A = arith.constant 0 : i32
    %cond3A_45 = arith.cmpi ne, %convert_element_type3A, %cond3A : i32
    scf.if %cond3A_45 {
      "tpu.region"() ({
        %run_scoped3A = tpu.sem_alloc : memref<!tpu.dma_semaphore, #tpu.memory_space<semaphore_mem>>
        %dma_start3A_199 = arith.constant 0 : i32
        %dma_start3A_200 = tpu.memref_slice %arg22[%mul3A_2, %dma_start3A_199] : memref<10000x128xf32, #tpu.memory_space<vmem_shared>> -> memref<624x128xf32, #tpu.memory_space<vmem_shared>>
        %dma_start3A_201 = arith.constant 0 : i32
        %dma_start3A_202 = tpu.memref_slice %arg2[%mul3A_2, %dma_start3A_201] : memref<10000x128xf32, #tpu.memory_space<hbm>> -> memref<624x128xf32, #tpu.memory_space<hbm>>
        tpu.enqueue_dma source(%dma_start3A_202 : memref<624x128xf32, #tpu.memory_space<hbm>>) target(%dma_start3A_200 : memref<624x128xf32, #tpu.memory_space<vmem_shared>>) target_semaphore(%run_scoped3A : memref<!tpu.dma_semaphore, #tpu.memory_space<semaphore_mem>>)
        %dma_wait3A_203 = arith.constant 0 : i32
        %dma_wait3A_204 = tpu.memref_slice %arg22[%mul3A_2, %dma_wait3A_203] : memref<10000x128xf32, #tpu.memory_space<vmem_shared>> -> memref<624x128xf32, #tpu.memory_space<vmem_shared>>
        %dma_wait3A_205 = arith.constant 0 : i32
        %dma_wait3A_206 = tpu.memref_slice %arg2[%mul3A_2, %dma_wait3A_205] : memref<10000x128xf32, #tpu.memory_space<hbm>> -> memref<624x128xf32, #tpu.memory_space<hbm>>
        tpu.wait_dma2 semaphore(%run_scoped3A : memref<!tpu.dma_semaphore, #tpu.memory_space<semaphore_mem>>) src(%dma_wait3A_206 : memref<624x128xf32, #tpu.memory_space<hbm>>) dst(%dma_wait3A_204 : memref<624x128xf32, #tpu.memory_space<vmem_shared>>)
        tpu.yield
      }) : () -> ()
      %eq3A_194 = arith.constant 15 : i32
      %eq3A_195 = arith.cmpi eq, %arg1, %eq3A_194 : i32
      %convert_element_type3A_196 = arith.extui %eq3A_195 : i1 to i32
      %cond3A_197 = arith.constant 0 : i32
      %cond3A_198 = arith.cmpi ne, %convert_element_type3A_196, %cond3A_197 : i32
      scf.if %cond3A_198 {
        "tpu.region"() ({
          %run_scoped3A = tpu.sem_alloc : memref<!tpu.dma_semaphore, #tpu.memory_space<semaphore_mem>>
          %dma_start3A_199 = arith.constant 9984 : i32
          %dma_start3A_200 = arith.constant 0 : i32
          %dma_start3A_201 = tpu.memref_slice %arg22[%dma_start3A_199, %dma_start3A_200] : memref<10000x128xf32, #tpu.memory_space<vmem_shared>> -> memref<16x128xf32, #tpu.memory_space<vmem_shared>>
          %dma_start3A_202 = arith.constant 9984 : i32
          %dma_start3A_203 = arith.constant 0 : i32
          %dma_start3A_204 = tpu.memref_slice %arg2[%dma_start3A_202, %dma_start3A_203] : memref<10000x128xf32, #tpu.memory_space<hbm>> -> memref<16x128xf32, #tpu.memory_space<hbm>>
          tpu.enqueue_dma source(%dma_start3A_204 : memref<16x128xf32, #tpu.memory_space<hbm>>) target(%dma_start3A_201 : memref<16x128xf32, #tpu.memory_space<vmem_shared>>) target_semaphore(%run_scoped3A : memref<!tpu.dma_semaphore, #tpu.memory_space<semaphore_mem>>)
          %dma_wait3A_205 = arith.constant 9984 : i32
          %dma_wait3A_206 = arith.constant 0 : i32
          %dma_wait3A_207 = tpu.memref_slice %arg22[%dma_wait3A_205, %dma_wait3A_206] : memref<10000x128xf32, #tpu.memory_space<vmem_shared>> -> memref<16x128xf32, #tpu.memory_space<vmem_shared>>
          %dma_wait3A_208 = arith.constant 9984 : i32
          %dma_wait3A_209 = arith.constant 0 : i32
          %dma_wait3A_210 = tpu.memref_slice %arg2[%dma_wait3A_208, %dma_wait3A_209] : memref<10000x128xf32, #tpu.memory_space<hbm>> -> memref<16x128xf32, #tpu.memory_space<hbm>>
          tpu.wait_dma2 semaphore(%run_scoped3A : memref<!tpu.dma_semaphore, #tpu.memory_space<semaphore_mem>>) src(%dma_wait3A_210 : memref<16x128xf32, #tpu.memory_space<hbm>>) dst(%dma_wait3A_207 : memref<16x128xf32, #tpu.memory_space<vmem_shared>>)
          tpu.yield
        }) : () -> ()
      } else {
      }
    } else {
    }
    %eq3A_46 = arith.constant 1 : i32
    %eq3A_47 = arith.cmpi eq, %arg0, %eq3A_46 : i32
    %convert_element_type3A_48 = arith.extui %eq3A_47 : i1 to i32
    %cond3A_49 = arith.constant 0 : i32
    %cond3A_50 = arith.cmpi ne, %convert_element_type3A_48, %cond3A_49 : i32
    scf.if %cond3A_50 {
      "tpu.region"() ({
        %run_scoped3A = tpu.sem_alloc : memref<!tpu.dma_semaphore, #tpu.memory_space<semaphore_mem>>
        %dma_start3A_199 = arith.constant 0 : i32
        %dma_start3A_200 = tpu.memref_slice %arg22[%mul3A_2, %dma_start3A_199] : memref<10000x128xf32, #tpu.memory_space<vmem_shared>> -> memref<624x128xf32, #tpu.memory_space<vmem_shared>>
        %dma_start3A_201 = arith.constant 0 : i32
        %dma_start3A_202 = tpu.memref_slice %arg5[%mul3A_2, %dma_start3A_201] : memref<10000x128xf32, #tpu.memory_space<hbm>> -> memref<624x128xf32, #tpu.memory_space<hbm>>
        tpu.enqueue_dma source(%dma_start3A_202 : memref<624x128xf32, #tpu.memory_space<hbm>>) target(%dma_start3A_200 : memref<624x128xf32, #tpu.memory_space<vmem_shared>>) target_semaphore(%run_scoped3A : memref<!tpu.dma_semaphore, #tpu.memory_space<semaphore_mem>>)
        %dma_wait3A_203 = arith.constant 0 : i32
        %dma_wait3A_204 = tpu.memref_slice %arg22[%mul3A_2, %dma_wait3A_203] : memref<10000x128xf32, #tpu.memory_space<vmem_shared>> -> memref<624x128xf32, #tpu.memory_space<vmem_shared>>
        %dma_wait3A_205 = arith.constant 0 : i32
        %dma_wait3A_206 = tpu.memref_slice %arg5[%mul3A_2, %dma_wait3A_205] : memref<10000x128xf32, #tpu.memory_space<hbm>> -> memref<624x128xf32, #tpu.memory_space<hbm>>
        tpu.wait_dma2 semaphore(%run_scoped3A : memref<!tpu.dma_semaphore, #tpu.memory_space<semaphore_mem>>) src(%dma_wait3A_206 : memref<624x128xf32, #tpu.memory_space<hbm>>) dst(%dma_wait3A_204 : memref<624x128xf32, #tpu.memory_space<vmem_shared>>)
        tpu.yield
      }) : () -> ()
      %eq3A_194 = arith.constant 15 : i32
      %eq3A_195 = arith.cmpi eq, %arg1, %eq3A_194 : i32
      %convert_element_type3A_196 = arith.extui %eq3A_195 : i1 to i32
      %cond3A_197 = arith.constant 0 : i32
      %cond3A_198 = arith.cmpi ne, %convert_element_type3A_196, %cond3A_197 : i32
      scf.if %cond3A_198 {
        "tpu.region"() ({
          %run_scoped3A = tpu.sem_alloc : memref<!tpu.dma_semaphore, #tpu.memory_space<semaphore_mem>>
          %dma_start3A_199 = arith.constant 9984 : i32
          %dma_start3A_200 = arith.constant 0 : i32
          %dma_start3A_201 = tpu.memref_slice %arg22[%dma_start3A_199, %dma_start3A_200] : memref<10000x128xf32, #tpu.memory_space<vmem_shared>> -> memref<16x128xf32, #tpu.memory_space<vmem_shared>>
          %dma_start3A_202 = arith.constant 9984 : i32
          %dma_start3A_203 = arith.constant 0 : i32
          %dma_start3A_204 = tpu.memref_slice %arg5[%dma_start3A_202, %dma_start3A_203] : memref<10000x128xf32, #tpu.memory_space<hbm>> -> memref<16x128xf32, #tpu.memory_space<hbm>>
          tpu.enqueue_dma source(%dma_start3A_204 : memref<16x128xf32, #tpu.memory_space<hbm>>) target(%dma_start3A_201 : memref<16x128xf32, #tpu.memory_space<vmem_shared>>) target_semaphore(%run_scoped3A : memref<!tpu.dma_semaphore, #tpu.memory_space<semaphore_mem>>)
          %dma_wait3A_205 = arith.constant 9984 : i32
          %dma_wait3A_206 = arith.constant 0 : i32
          %dma_wait3A_207 = tpu.memref_slice %arg22[%dma_wait3A_205, %dma_wait3A_206] : memref<10000x128xf32, #tpu.memory_space<vmem_shared>> -> memref<16x128xf32, #tpu.memory_space<vmem_shared>>
          %dma_wait3A_208 = arith.constant 9984 : i32
          %dma_wait3A_209 = arith.constant 0 : i32
          %dma_wait3A_210 = tpu.memref_slice %arg5[%dma_wait3A_208, %dma_wait3A_209] : memref<10000x128xf32, #tpu.memory_space<hbm>> -> memref<16x128xf32, #tpu.memory_space<hbm>>
          tpu.wait_dma2 semaphore(%run_scoped3A : memref<!tpu.dma_semaphore, #tpu.memory_space<semaphore_mem>>) src(%dma_wait3A_210 : memref<16x128xf32, #tpu.memory_space<hbm>>) dst(%dma_wait3A_207 : memref<16x128xf32, #tpu.memory_space<vmem_shared>>)
          tpu.yield
        }) : () -> ()
      } else {
      }
    } else {
    }
    %dma_wait3A = arith.constant 0 : i32
    %dma_wait3A_51 = tpu.memref_slice %arg3[%dma_wait3A] : memref<320000xi32, #tpu.memory_space<hbm>> -> memref<40xi32, #tpu.memory_space<hbm>>
    %dma_wait3A_52 = arith.constant 0 : i32
    %dma_wait3A_53 = tpu.memref_slice %arg3[%dma_wait3A_52] : memref<320000xi32, #tpu.memory_space<hbm>> -> memref<40xi32, #tpu.memory_space<hbm>>
    tpu.wait_dma2 semaphore(%arg33 : memref<!tpu.dma_semaphore, #tpu.memory_space<semaphore_mem>>) src(%dma_wait3A_53 : memref<40xi32, #tpu.memory_space<hbm>>) dst(%arg7 : memref<40xi32, #tpu.memory_space<vmem>>)
    %dma_start3A_54 = arith.constant 0 : i32
    %dma_start3A_55 = arith.constant 0 : i32
    %dma_start3A_56 = tpu.memref_slice %arg2[%dma_start3A_54, %dma_start3A_55] : memref<10000x128xf32, #tpu.memory_space<hbm>> -> memref<10000x128xf32, #tpu.memory_space<hbm>>
    tpu.enqueue_indirect_dma source(%dma_start3A_56 : memref<10000x128xf32, #tpu.memory_space<hbm>>) target(%arg17 : memref<40x128xf32, #tpu.memory_space<vmem>>) offsets(%arg7 : memref<40xi32, #tpu.memory_space<vmem>>) semaphore(%arg23 : memref<!tpu.dma_semaphore, #tpu.memory_space<semaphore_mem>>)
    %dma_wait3A_57 = arith.constant 0 : i32
    %dma_wait3A_58 = tpu.memref_slice %arg3[%dma_wait3A_57] : memref<320000xi32, #tpu.memory_space<hbm>> -> memref<40xi32, #tpu.memory_space<hbm>>
    %dma_wait3A_59 = arith.constant 0 : i32
    %dma_wait3A_60 = tpu.memref_slice %arg3[%dma_wait3A_59] : memref<320000xi32, #tpu.memory_space<hbm>> -> memref<40xi32, #tpu.memory_space<hbm>>
    tpu.wait_dma2 semaphore(%arg34 : memref<!tpu.dma_semaphore, #tpu.memory_space<semaphore_mem>>) src(%dma_wait3A_60 : memref<40xi32, #tpu.memory_space<hbm>>) dst(%arg8 : memref<40xi32, #tpu.memory_space<vmem>>)
    %dma_start3A_61 = arith.constant 0 : i32
    %dma_start3A_62 = arith.constant 0 : i32
    %dma_start3A_63 = tpu.memref_slice %arg2[%dma_start3A_61, %dma_start3A_62] : memref<10000x128xf32, #tpu.memory_space<hbm>> -> memref<10000x128xf32, #tpu.memory_space<hbm>>
    tpu.enqueue_indirect_dma source(%dma_start3A_63 : memref<10000x128xf32, #tpu.memory_space<hbm>>) target(%arg18 : memref<40x128xf32, #tpu.memory_space<vmem>>) offsets(%arg8 : memref<40xi32, #tpu.memory_space<vmem>>) semaphore(%arg24 : memref<!tpu.dma_semaphore, #tpu.memory_space<semaphore_mem>>)
    %dma_wait3A_64 = arith.constant 0 : i32
    %dma_wait3A_65 = tpu.memref_slice %arg3[%dma_wait3A_64] : memref<320000xi32, #tpu.memory_space<hbm>> -> memref<40xi32, #tpu.memory_space<hbm>>
    %dma_wait3A_66 = arith.constant 0 : i32
    %dma_wait3A_67 = tpu.memref_slice %arg3[%dma_wait3A_66] : memref<320000xi32, #tpu.memory_space<hbm>> -> memref<40xi32, #tpu.memory_space<hbm>>
    tpu.wait_dma2 semaphore(%arg35 : memref<!tpu.dma_semaphore, #tpu.memory_space<semaphore_mem>>) src(%dma_wait3A_67 : memref<40xi32, #tpu.memory_space<hbm>>) dst(%arg9 : memref<40xi32, #tpu.memory_space<vmem>>)
    %dma_start3A_68 = arith.constant 0 : i32
    %dma_start3A_69 = arith.constant 0 : i32
    %dma_start3A_70 = tpu.memref_slice %arg2[%dma_start3A_68, %dma_start3A_69] : memref<10000x128xf32, #tpu.memory_space<hbm>> -> memref<10000x128xf32, #tpu.memory_space<hbm>>
    tpu.enqueue_indirect_dma source(%dma_start3A_70 : memref<10000x128xf32, #tpu.memory_space<hbm>>) target(%arg19 : memref<40x128xf32, #tpu.memory_space<vmem>>) offsets(%arg9 : memref<40xi32, #tpu.memory_space<vmem>>) semaphore(%arg25 : memref<!tpu.dma_semaphore, #tpu.memory_space<semaphore_mem>>)
    %dma_wait3A_71 = arith.constant 0 : i32
    %dma_wait3A_72 = tpu.memref_slice %arg3[%dma_wait3A_71] : memref<320000xi32, #tpu.memory_space<hbm>> -> memref<40xi32, #tpu.memory_space<hbm>>
    %dma_wait3A_73 = arith.constant 0 : i32
    %dma_wait3A_74 = tpu.memref_slice %arg3[%dma_wait3A_73] : memref<320000xi32, #tpu.memory_space<hbm>> -> memref<40xi32, #tpu.memory_space<hbm>>
    tpu.wait_dma2 semaphore(%arg36 : memref<!tpu.dma_semaphore, #tpu.memory_space<semaphore_mem>>) src(%dma_wait3A_74 : memref<40xi32, #tpu.memory_space<hbm>>) dst(%arg10 : memref<40xi32, #tpu.memory_space<vmem>>)
    %dma_start3A_75 = arith.constant 0 : i32
    %dma_start3A_76 = arith.constant 0 : i32
    %dma_start3A_77 = tpu.memref_slice %arg2[%dma_start3A_75, %dma_start3A_76] : memref<10000x128xf32, #tpu.memory_space<hbm>> -> memref<10000x128xf32, #tpu.memory_space<hbm>>
    tpu.enqueue_indirect_dma source(%dma_start3A_77 : memref<10000x128xf32, #tpu.memory_space<hbm>>) target(%arg20 : memref<40x128xf32, #tpu.memory_space<vmem>>) offsets(%arg10 : memref<40xi32, #tpu.memory_space<vmem>>) semaphore(%arg26 : memref<!tpu.dma_semaphore, #tpu.memory_space<semaphore_mem>>)
    %dma_wait3A_78 = arith.constant 0 : i32
    %dma_wait3A_79 = tpu.memref_slice %arg3[%dma_wait3A_78] : memref<320000xi32, #tpu.memory_space<hbm>> -> memref<40xi32, #tpu.memory_space<hbm>>
    %dma_wait3A_80 = arith.constant 0 : i32
    %dma_wait3A_81 = tpu.memref_slice %arg3[%dma_wait3A_80] : memref<320000xi32, #tpu.memory_space<hbm>> -> memref<40xi32, #tpu.memory_space<hbm>>
    tpu.wait_dma2 semaphore(%arg37 : memref<!tpu.dma_semaphore, #tpu.memory_space<semaphore_mem>>) src(%dma_wait3A_81 : memref<40xi32, #tpu.memory_space<hbm>>) dst(%arg11 : memref<40xi32, #tpu.memory_space<vmem>>)
    %dma_start3A_82 = arith.constant 0 : i32
    %dma_start3A_83 = arith.constant 0 : i32
    %dma_start3A_84 = tpu.memref_slice %arg2[%dma_start3A_82, %dma_start3A_83] : memref<10000x128xf32, #tpu.memory_space<hbm>> -> memref<10000x128xf32, #tpu.memory_space<hbm>>
    tpu.enqueue_indirect_dma source(%dma_start3A_84 : memref<10000x128xf32, #tpu.memory_space<hbm>>) target(%arg21 : memref<40x128xf32, #tpu.memory_space<vmem>>) offsets(%arg11 : memref<40xi32, #tpu.memory_space<vmem>>) semaphore(%arg27 : memref<!tpu.dma_semaphore, #tpu.memory_space<semaphore_mem>>)
    %barrier3A = arith.constant 0 : index
    tpu.barrier barrier_id(%barrier3A)
    %scan3A = arith.constant 0 : i32
    %scan3A_85 = arith.constant 0 : i32
    %scan3A_86 = arith.constant 49 : i32
    %scan3A_87 = arith.addi %scan3A_85, %scan3A_86 : i32
    %scan3A_88 = arith.constant 1 : i32
    scf.for %scan3A_194 = %scan3A_85 to %scan3A_87 step %scan3A_88  : i32 {
      %mul3A_195 = arith.constant 5 : i32
      %mul3A_196 = arith.muli %mul3A_195, %scan3A_194 : i32
      %dma_wait3A_197 = arith.constant 0 : i32
      %dma_wait3A_198 = arith.constant 0 : i32
      %dma_wait3A_199 = tpu.memref_slice %arg2[%dma_wait3A_197, %dma_wait3A_198] : memref<10000x128xf32, #tpu.memory_space<hbm>> -> memref<40x128xf32, #tpu.memory_space<hbm>>
      %dma_wait3A_200 = arith.constant 0 : i32
      %dma_wait3A_201 = arith.constant 0 : i32
      %dma_wait3A_202 = tpu.memref_slice %arg2[%dma_wait3A_200, %dma_wait3A_201] : memref<10000x128xf32, #tpu.memory_space<hbm>> -> memref<40x128xf32, #tpu.memory_space<hbm>>
      tpu.wait_dma2 semaphore(%arg23 : memref<!tpu.dma_semaphore, #tpu.memory_space<semaphore_mem>>) src(%dma_wait3A_202 : memref<40x128xf32, #tpu.memory_space<hbm>>) dst(%arg17 : memref<40x128xf32, #tpu.memory_space<vmem>>)
      %add3A_203 = arith.constant 0 : i32
      %add3A_204 = arith.addi %mul3A_196, %add3A_203 : i32
      %add3A_205 = arith.constant 5 : i32
      %add3A_206 = arith.addi %add3A_204, %add3A_205 : i32
      %mul3A_207 = arith.constant 40 : i32
      %mul3A_208 = arith.muli %add3A_206, %mul3A_207 : i32
      %add3A_209 = arith.addi %mul3A_4, %mul3A_208 : i32
      %dma_start3A_210 = tpu.memref_slice %arg3[%add3A_209] : memref<320000xi32, #tpu.memory_space<hbm>> -> memref<40xi32, #tpu.memory_space<hbm>>
      %dma_start3A_211 = tpu.memref_slice %arg3[%add3A_209] : memref<320000xi32, #tpu.memory_space<hbm>> -> memref<40xi32, #tpu.memory_space<hbm>>
      tpu.enqueue_dma source(%dma_start3A_211 : memref<40xi32, #tpu.memory_space<hbm>>) target(%arg7 : memref<40xi32, #tpu.memory_space<vmem>>) target_semaphore(%arg33 : memref<!tpu.dma_semaphore, #tpu.memory_space<semaphore_mem>>)
      %dma_wait3A_212 = arith.constant 0 : i32
      %dma_wait3A_213 = tpu.memref_slice %arg4[%dma_wait3A_212] : memref<320000xi32, #tpu.memory_space<hbm>> -> memref<40xi32, #tpu.memory_space<hbm>>
      %dma_wait3A_214 = arith.constant 0 : i32
      %dma_wait3A_215 = tpu.memref_slice %arg4[%dma_wait3A_214] : memref<320000xi32, #tpu.memory_space<hbm>> -> memref<40xi32, #tpu.memory_space<hbm>>
      tpu.wait_dma2 semaphore(%arg38 : memref<!tpu.dma_semaphore, #tpu.memory_space<semaphore_mem>>) src(%dma_wait3A_215 : memref<40xi32, #tpu.memory_space<hbm>>) dst(%arg12 : memref<40xi32, #tpu.memory_space<vmem>>)
      %dma_start3A_216 = arith.constant 0 : i32
      %dma_start3A_217 = arith.constant 0 : i32
      %dma_start3A_218 = tpu.memref_slice %arg22[%dma_start3A_216, %dma_start3A_217] : memref<10000x128xf32, #tpu.memory_space<vmem_shared>> -> memref<10000x128xf32, #tpu.memory_space<vmem_shared>>
      tpu.enqueue_indirect_dma source(%arg17 : memref<40x128xf32, #tpu.memory_space<vmem>>) target(%dma_start3A_218 : memref<10000x128xf32, #tpu.memory_space<vmem_shared>>) offsets(%arg12 : memref<40xi32, #tpu.memory_space<vmem>>) semaphore(%arg28 : memref<!tpu.dma_semaphore, #tpu.memory_space<semaphore_mem>>) {add = true}
      %dma_wait3A_219 = arith.constant 0 : i32
      %dma_wait3A_220 = arith.constant 0 : i32
      %dma_wait3A_221 = tpu.memref_slice %arg2[%dma_wait3A_219, %dma_wait3A_220] : memref<10000x128xf32, #tpu.memory_space<hbm>> -> memref<40x128xf32, #tpu.memory_space<hbm>>
      %dma_wait3A_222 = arith.constant 0 : i32
      %dma_wait3A_223 = arith.constant 0 : i32
      %dma_wait3A_224 = tpu.memref_slice %arg2[%dma_wait3A_222, %dma_wait3A_223] : memref<10000x128xf32, #tpu.memory_space<hbm>> -> memref<40x128xf32, #tpu.memory_space<hbm>>
      tpu.wait_dma2 semaphore(%arg24 : memref<!tpu.dma_semaphore, #tpu.memory_space<semaphore_mem>>) src(%dma_wait3A_224 : memref<40x128xf32, #tpu.memory_space<hbm>>) dst(%arg18 : memref<40x128xf32, #tpu.memory_space<vmem>>)
      %add3A_225 = arith.constant 1 : i32
      %add3A_226 = arith.addi %mul3A_196, %add3A_225 : i32
      %add3A_227 = arith.constant 5 : i32
      %add3A_228 = arith.addi %add3A_226, %add3A_227 : i32
      %mul3A_229 = arith.constant 40 : i32
      %mul3A_230 = arith.muli %add3A_228, %mul3A_229 : i32
      %add3A_231 = arith.addi %mul3A_4, %mul3A_230 : i32
      %dma_start3A_232 = tpu.memref_slice %arg3[%add3A_231] : memref<320000xi32, #tpu.memory_space<hbm>> -> memref<40xi32, #tpu.memory_space<hbm>>
      %dma_start3A_233 = tpu.memref_slice %arg3[%add3A_231] : memref<320000xi32, #tpu.memory_space<hbm>> -> memref<40xi32, #tpu.memory_space<hbm>>
      tpu.enqueue_dma source(%dma_start3A_233 : memref<40xi32, #tpu.memory_space<hbm>>) target(%arg8 : memref<40xi32, #tpu.memory_space<vmem>>) target_semaphore(%arg34 : memref<!tpu.dma_semaphore, #tpu.memory_space<semaphore_mem>>)
      %dma_wait3A_234 = arith.constant 0 : i32
      %dma_wait3A_235 = tpu.memref_slice %arg4[%dma_wait3A_234] : memref<320000xi32, #tpu.memory_space<hbm>> -> memref<40xi32, #tpu.memory_space<hbm>>
      %dma_wait3A_236 = arith.constant 0 : i32
      %dma_wait3A_237 = tpu.memref_slice %arg4[%dma_wait3A_236] : memref<320000xi32, #tpu.memory_space<hbm>> -> memref<40xi32, #tpu.memory_space<hbm>>
      tpu.wait_dma2 semaphore(%arg39 : memref<!tpu.dma_semaphore, #tpu.memory_space<semaphore_mem>>) src(%dma_wait3A_237 : memref<40xi32, #tpu.memory_space<hbm>>) dst(%arg13 : memref<40xi32, #tpu.memory_space<vmem>>)
      %dma_start3A_238 = arith.constant 0 : i32
      %dma_start3A_239 = arith.constant 0 : i32
      %dma_start3A_240 = tpu.memref_slice %arg22[%dma_start3A_238, %dma_start3A_239] : memref<10000x128xf32, #tpu.memory_space<vmem_shared>> -> memref<10000x128xf32, #tpu.memory_space<vmem_shared>>
      tpu.enqueue_indirect_dma source(%arg18 : memref<40x128xf32, #tpu.memory_space<vmem>>) target(%dma_start3A_240 : memref<10000x128xf32, #tpu.memory_space<vmem_shared>>) offsets(%arg13 : memref<40xi32, #tpu.memory_space<vmem>>) semaphore(%arg29 : memref<!tpu.dma_semaphore, #tpu.memory_space<semaphore_mem>>) {add = true}
      %dma_wait3A_241 = arith.constant 0 : i32
      %dma_wait3A_242 = arith.constant 0 : i32
      %dma_wait3A_243 = tpu.memref_slice %arg2[%dma_wait3A_241, %dma_wait3A_242] : memref<10000x128xf32, #tpu.memory_space<hbm>> -> memref<40x128xf32, #tpu.memory_space<hbm>>
      %dma_wait3A_244 = arith.constant 0 : i32
      %dma_wait3A_245 = arith.constant 0 : i32
      %dma_wait3A_246 = tpu.memref_slice %arg2[%dma_wait3A_244, %dma_wait3A_245] : memref<10000x128xf32, #tpu.memory_space<hbm>> -> memref<40x128xf32, #tpu.memory_space<hbm>>
      tpu.wait_dma2 semaphore(%arg25 : memref<!tpu.dma_semaphore, #tpu.memory_space<semaphore_mem>>) src(%dma_wait3A_246 : memref<40x128xf32, #tpu.memory_space<hbm>>) dst(%arg19 : memref<40x128xf32, #tpu.memory_space<vmem>>)
      %add3A_247 = arith.constant 2 : i32
      %add3A_248 = arith.addi %mul3A_196, %add3A_247 : i32
      %add3A_249 = arith.constant 5 : i32
      %add3A_250 = arith.addi %add3A_248, %add3A_249 : i32
      %mul3A_251 = arith.constant 40 : i32
      %mul3A_252 = arith.muli %add3A_250, %mul3A_251 : i32
      %add3A_253 = arith.addi %mul3A_4, %mul3A_252 : i32
      %dma_start3A_254 = tpu.memref_slice %arg3[%add3A_253] : memref<320000xi32, #tpu.memory_space<hbm>> -> memref<40xi32, #tpu.memory_space<hbm>>
      %dma_start3A_255 = tpu.memref_slice %arg3[%add3A_253] : memref<320000xi32, #tpu.memory_space<hbm>> -> memref<40xi32, #tpu.memory_space<hbm>>
      tpu.enqueue_dma source(%dma_start3A_255 : memref<40xi32, #tpu.memory_space<hbm>>) target(%arg9 : memref<40xi32, #tpu.memory_space<vmem>>) target_semaphore(%arg35 : memref<!tpu.dma_semaphore, #tpu.memory_space<semaphore_mem>>)
      %dma_wait3A_256 = arith.constant 0 : i32
      %dma_wait3A_257 = tpu.memref_slice %arg4[%dma_wait3A_256] : memref<320000xi32, #tpu.memory_space<hbm>> -> memref<40xi32, #tpu.memory_space<hbm>>
      %dma_wait3A_258 = arith.constant 0 : i32
      %dma_wait3A_259 = tpu.memref_slice %arg4[%dma_wait3A_258] : memref<320000xi32, #tpu.memory_space<hbm>> -> memref<40xi32, #tpu.memory_space<hbm>>
      tpu.wait_dma2 semaphore(%arg40 : memref<!tpu.dma_semaphore, #tpu.memory_space<semaphore_mem>>) src(%dma_wait3A_259 : memref<40xi32, #tpu.memory_space<hbm>>) dst(%arg14 : memref<40xi32, #tpu.memory_space<vmem>>)
      %dma_start3A_260 = arith.constant 0 : i32
      %dma_start3A_261 = arith.constant 0 : i32
      %dma_start3A_262 = tpu.memref_slice %arg22[%dma_start3A_260, %dma_start3A_261] : memref<10000x128xf32, #tpu.memory_space<vmem_shared>> -> memref<10000x128xf32, #tpu.memory_space<vmem_shared>>
      tpu.enqueue_indirect_dma source(%arg19 : memref<40x128xf32, #tpu.memory_space<vmem>>) target(%dma_start3A_262 : memref<10000x128xf32, #tpu.memory_space<vmem_shared>>) offsets(%arg14 : memref<40xi32, #tpu.memory_space<vmem>>) semaphore(%arg30 : memref<!tpu.dma_semaphore, #tpu.memory_space<semaphore_mem>>) {add = true}
      %dma_wait3A_263 = arith.constant 0 : i32
      %dma_wait3A_264 = arith.constant 0 : i32
      %dma_wait3A_265 = tpu.memref_slice %arg2[%dma_wait3A_263, %dma_wait3A_264] : memref<10000x128xf32, #tpu.memory_space<hbm>> -> memref<40x128xf32, #tpu.memory_space<hbm>>
      %dma_wait3A_266 = arith.constant 0 : i32
      %dma_wait3A_267 = arith.constant 0 : i32
      %dma_wait3A_268 = tpu.memref_slice %arg2[%dma_wait3A_266, %dma_wait3A_267] : memref<10000x128xf32, #tpu.memory_space<hbm>> -> memref<40x128xf32, #tpu.memory_space<hbm>>
      tpu.wait_dma2 semaphore(%arg26 : memref<!tpu.dma_semaphore, #tpu.memory_space<semaphore_mem>>) src(%dma_wait3A_268 : memref<40x128xf32, #tpu.memory_space<hbm>>) dst(%arg20 : memref<40x128xf32, #tpu.memory_space<vmem>>)
      %add3A_269 = arith.constant 3 : i32
      %add3A_270 = arith.addi %mul3A_196, %add3A_269 : i32
      %add3A_271 = arith.constant 5 : i32
      %add3A_272 = arith.addi %add3A_270, %add3A_271 : i32
      %mul3A_273 = arith.constant 40 : i32
      %mul3A_274 = arith.muli %add3A_272, %mul3A_273 : i32
      %add3A_275 = arith.addi %mul3A_4, %mul3A_274 : i32
      %dma_start3A_276 = tpu.memref_slice %arg3[%add3A_275] : memref<320000xi32, #tpu.memory_space<hbm>> -> memref<40xi32, #tpu.memory_space<hbm>>
      %dma_start3A_277 = tpu.memref_slice %arg3[%add3A_275] : memref<320000xi32, #tpu.memory_space<hbm>> -> memref<40xi32, #tpu.memory_space<hbm>>
      tpu.enqueue_dma source(%dma_start3A_277 : memref<40xi32, #tpu.memory_space<hbm>>) target(%arg10 : memref<40xi32, #tpu.memory_space<vmem>>) target_semaphore(%arg36 : memref<!tpu.dma_semaphore, #tpu.memory_space<semaphore_mem>>)
      %dma_wait3A_278 = arith.constant 0 : i32
      %dma_wait3A_279 = tpu.memref_slice %arg4[%dma_wait3A_278] : memref<320000xi32, #tpu.memory_space<hbm>> -> memref<40xi32, #tpu.memory_space<hbm>>
      %dma_wait3A_280 = arith.constant 0 : i32
      %dma_wait3A_281 = tpu.memref_slice %arg4[%dma_wait3A_280] : memref<320000xi32, #tpu.memory_space<hbm>> -> memref<40xi32, #tpu.memory_space<hbm>>
      tpu.wait_dma2 semaphore(%arg41 : memref<!tpu.dma_semaphore, #tpu.memory_space<semaphore_mem>>) src(%dma_wait3A_281 : memref<40xi32, #tpu.memory_space<hbm>>) dst(%arg15 : memref<40xi32, #tpu.memory_space<vmem>>)
      %dma_start3A_282 = arith.constant 0 : i32
      %dma_start3A_283 = arith.constant 0 : i32
      %dma_start3A_284 = tpu.memref_slice %arg22[%dma_start3A_282, %dma_start3A_283] : memref<10000x128xf32, #tpu.memory_space<vmem_shared>> -> memref<10000x128xf32, #tpu.memory_space<vmem_shared>>
      tpu.enqueue_indirect_dma source(%arg20 : memref<40x128xf32, #tpu.memory_space<vmem>>) target(%dma_start3A_284 : memref<10000x128xf32, #tpu.memory_space<vmem_shared>>) offsets(%arg15 : memref<40xi32, #tpu.memory_space<vmem>>) semaphore(%arg31 : memref<!tpu.dma_semaphore, #tpu.memory_space<semaphore_mem>>) {add = true}
      %dma_wait3A_285 = arith.constant 0 : i32
      %dma_wait3A_286 = arith.constant 0 : i32
      %dma_wait3A_287 = tpu.memref_slice %arg2[%dma_wait3A_285, %dma_wait3A_286] : memref<10000x128xf32, #tpu.memory_space<hbm>> -> memref<40x128xf32, #tpu.memory_space<hbm>>
      %dma_wait3A_288 = arith.constant 0 : i32
      %dma_wait3A_289 = arith.constant 0 : i32
      %dma_wait3A_290 = tpu.memref_slice %arg2[%dma_wait3A_288, %dma_wait3A_289] : memref<10000x128xf32, #tpu.memory_space<hbm>> -> memref<40x128xf32, #tpu.memory_space<hbm>>
      tpu.wait_dma2 semaphore(%arg27 : memref<!tpu.dma_semaphore, #tpu.memory_space<semaphore_mem>>) src(%dma_wait3A_290 : memref<40x128xf32, #tpu.memory_space<hbm>>) dst(%arg21 : memref<40x128xf32, #tpu.memory_space<vmem>>)
      %add3A_291 = arith.constant 4 : i32
      %add3A_292 = arith.addi %mul3A_196, %add3A_291 : i32
      %add3A_293 = arith.constant 5 : i32
      %add3A_294 = arith.addi %add3A_292, %add3A_293 : i32
      %mul3A_295 = arith.constant 40 : i32
      %mul3A_296 = arith.muli %add3A_294, %mul3A_295 : i32
      %add3A_297 = arith.addi %mul3A_4, %mul3A_296 : i32
      %dma_start3A_298 = tpu.memref_slice %arg3[%add3A_297] : memref<320000xi32, #tpu.memory_space<hbm>> -> memref<40xi32, #tpu.memory_space<hbm>>
      %dma_start3A_299 = tpu.memref_slice %arg3[%add3A_297] : memref<320000xi32, #tpu.memory_space<hbm>> -> memref<40xi32, #tpu.memory_space<hbm>>
      tpu.enqueue_dma source(%dma_start3A_299 : memref<40xi32, #tpu.memory_space<hbm>>) target(%arg11 : memref<40xi32, #tpu.memory_space<vmem>>) target_semaphore(%arg37 : memref<!tpu.dma_semaphore, #tpu.memory_space<semaphore_mem>>)
      %dma_wait3A_300 = arith.constant 0 : i32
      %dma_wait3A_301 = tpu.memref_slice %arg4[%dma_wait3A_300] : memref<320000xi32, #tpu.memory_space<hbm>> -> memref<40xi32, #tpu.memory_space<hbm>>
      %dma_wait3A_302 = arith.constant 0 : i32
      %dma_wait3A_303 = tpu.memref_slice %arg4[%dma_wait3A_302] : memref<320000xi32, #tpu.memory_space<hbm>> -> memref<40xi32, #tpu.memory_space<hbm>>
      tpu.wait_dma2 semaphore(%arg42 : memref<!tpu.dma_semaphore, #tpu.memory_space<semaphore_mem>>) src(%dma_wait3A_303 : memref<40xi32, #tpu.memory_space<hbm>>) dst(%arg16 : memref<40xi32, #tpu.memory_space<vmem>>)
      %dma_start3A_304 = arith.constant 0 : i32
      %dma_start3A_305 = arith.constant 0 : i32
      %dma_start3A_306 = tpu.memref_slice %arg22[%dma_start3A_304, %dma_start3A_305] : memref<10000x128xf32, #tpu.memory_space<vmem_shared>> -> memref<10000x128xf32, #tpu.memory_space<vmem_shared>>
      tpu.enqueue_indirect_dma source(%arg21 : memref<40x128xf32, #tpu.memory_space<vmem>>) target(%dma_start3A_306 : memref<10000x128xf32, #tpu.memory_space<vmem_shared>>) offsets(%arg16 : memref<40xi32, #tpu.memory_space<vmem>>) semaphore(%arg32 : memref<!tpu.dma_semaphore, #tpu.memory_space<semaphore_mem>>) {add = true}
      %dma_wait3A_307 = arith.constant 0 : i32
      %dma_wait3A_308 = arith.constant 0 : i32
      %dma_wait3A_309 = tpu.memref_slice %arg2[%dma_wait3A_307, %dma_wait3A_308] : memref<10000x128xf32, #tpu.memory_space<hbm>> -> memref<40x128xf32, #tpu.memory_space<hbm>>
      %dma_wait3A_310 = arith.constant 0 : i32
      %dma_wait3A_311 = arith.constant 0 : i32
      %dma_wait3A_312 = tpu.memref_slice %arg2[%dma_wait3A_310, %dma_wait3A_311] : memref<10000x128xf32, #tpu.memory_space<hbm>> -> memref<40x128xf32, #tpu.memory_space<hbm>>
      tpu.wait_dma2 semaphore(%arg28 : memref<!tpu.dma_semaphore, #tpu.memory_space<semaphore_mem>>) src(%dma_wait3A_312 : memref<40x128xf32, #tpu.memory_space<hbm>>) dst(%arg17 : memref<40x128xf32, #tpu.memory_space<vmem>>)
      %add3A_313 = arith.constant 0 : i32
      %add3A_314 = arith.addi %mul3A_196, %add3A_313 : i32
      %add3A_315 = arith.constant 5 : i32
      %add3A_316 = arith.addi %add3A_314, %add3A_315 : i32
      %mul3A_317 = arith.constant 40 : i32
      %mul3A_318 = arith.muli %add3A_316, %mul3A_317 : i32
      %add3A_319 = arith.addi %mul3A_4, %mul3A_318 : i32
      %dma_start3A_320 = tpu.memref_slice %arg4[%add3A_319] : memref<320000xi32, #tpu.memory_space<hbm>> -> memref<40xi32, #tpu.memory_space<hbm>>
      %dma_start3A_321 = tpu.memref_slice %arg4[%add3A_319] : memref<320000xi32, #tpu.memory_space<hbm>> -> memref<40xi32, #tpu.memory_space<hbm>>
      tpu.enqueue_dma source(%dma_start3A_321 : memref<40xi32, #tpu.memory_space<hbm>>) target(%arg12 : memref<40xi32, #tpu.memory_space<vmem>>) target_semaphore(%arg38 : memref<!tpu.dma_semaphore, #tpu.memory_space<semaphore_mem>>)
      %dma_wait3A_322 = arith.constant 0 : i32
      %dma_wait3A_323 = tpu.memref_slice %arg3[%dma_wait3A_322] : memref<320000xi32, #tpu.memory_space<hbm>> -> memref<40xi32, #tpu.memory_space<hbm>>
      %dma_wait3A_324 = arith.constant 0 : i32
      %dma_wait3A_325 = tpu.memref_slice %arg3[%dma_wait3A_324] : memref<320000xi32, #tpu.memory_space<hbm>> -> memref<40xi32, #tpu.memory_space<hbm>>
      tpu.wait_dma2 semaphore(%arg33 : memref<!tpu.dma_semaphore, #tpu.memory_space<semaphore_mem>>) src(%dma_wait3A_325 : memref<40xi32, #tpu.memory_space<hbm>>) dst(%arg7 : memref<40xi32, #tpu.memory_space<vmem>>)
      %dma_start3A_326 = arith.constant 0 : i32
      %dma_start3A_327 = arith.constant 0 : i32
      %dma_start3A_328 = tpu.memref_slice %arg2[%dma_start3A_326, %dma_start3A_327] : memref<10000x128xf32, #tpu.memory_space<hbm>> -> memref<10000x128xf32, #tpu.memory_space<hbm>>
      tpu.enqueue_indirect_dma source(%dma_start3A_328 : memref<10000x128xf32, #tpu.memory_space<hbm>>) target(%arg17 : memref<40x128xf32, #tpu.memory_space<vmem>>) offsets(%arg7 : memref<40xi32, #tpu.memory_space<vmem>>) semaphore(%arg23 : memref<!tpu.dma_semaphore, #tpu.memory_space<semaphore_mem>>)
      %dma_wait3A_329 = arith.constant 0 : i32
      %dma_wait3A_330 = arith.constant 0 : i32
      %dma_wait3A_331 = tpu.memref_slice %arg2[%dma_wait3A_329, %dma_wait3A_330] : memref<10000x128xf32, #tpu.memory_space<hbm>> -> memref<40x128xf32, #tpu.memory_space<hbm>>
      %dma_wait3A_332 = arith.constant 0 : i32
      %dma_wait3A_333 = arith.constant 0 : i32
      %dma_wait3A_334 = tpu.memref_slice %arg2[%dma_wait3A_332, %dma_wait3A_333] : memref<10000x128xf32, #tpu.memory_space<hbm>> -> memref<40x128xf32, #tpu.memory_space<hbm>>
      tpu.wait_dma2 semaphore(%arg29 : memref<!tpu.dma_semaphore, #tpu.memory_space<semaphore_mem>>) src(%dma_wait3A_334 : memref<40x128xf32, #tpu.memory_space<hbm>>) dst(%arg18 : memref<40x128xf32, #tpu.memory_space<vmem>>)
      %add3A_335 = arith.constant 1 : i32
      %add3A_336 = arith.addi %mul3A_196, %add3A_335 : i32
      %add3A_337 = arith.constant 5 : i32
      %add3A_338 = arith.addi %add3A_336, %add3A_337 : i32
      %mul3A_339 = arith.constant 40 : i32
      %mul3A_340 = arith.muli %add3A_338, %mul3A_339 : i32
      %add3A_341 = arith.addi %mul3A_4, %mul3A_340 : i32
      %dma_start3A_342 = tpu.memref_slice %arg4[%add3A_341] : memref<320000xi32, #tpu.memory_space<hbm>> -> memref<40xi32, #tpu.memory_space<hbm>>
      %dma_start3A_343 = tpu.memref_slice %arg4[%add3A_341] : memref<320000xi32, #tpu.memory_space<hbm>> -> memref<40xi32, #tpu.memory_space<hbm>>
      tpu.enqueue_dma source(%dma_start3A_343 : memref<40xi32, #tpu.memory_space<hbm>>) target(%arg13 : memref<40xi32, #tpu.memory_space<vmem>>) target_semaphore(%arg39 : memref<!tpu.dma_semaphore, #tpu.memory_space<semaphore_mem>>)
      %dma_wait3A_344 = arith.constant 0 : i32
      %dma_wait3A_345 = tpu.memref_slice %arg3[%dma_wait3A_344] : memref<320000xi32, #tpu.memory_space<hbm>> -> memref<40xi32, #tpu.memory_space<hbm>>
      %dma_wait3A_346 = arith.constant 0 : i32
      %dma_wait3A_347 = tpu.memref_slice %arg3[%dma_wait3A_346] : memref<320000xi32, #tpu.memory_space<hbm>> -> memref<40xi32, #tpu.memory_space<hbm>>
      tpu.wait_dma2 semaphore(%arg34 : memref<!tpu.dma_semaphore, #tpu.memory_space<semaphore_mem>>) src(%dma_wait3A_347 : memref<40xi32, #tpu.memory_space<hbm>>) dst(%arg8 : memref<40xi32, #tpu.memory_space<vmem>>)
      %dma_start3A_348 = arith.constant 0 : i32
      %dma_start3A_349 = arith.constant 0 : i32
      %dma_start3A_350 = tpu.memref_slice %arg2[%dma_start3A_348, %dma_start3A_349] : memref<10000x128xf32, #tpu.memory_space<hbm>> -> memref<10000x128xf32, #tpu.memory_space<hbm>>
      tpu.enqueue_indirect_dma source(%dma_start3A_350 : memref<10000x128xf32, #tpu.memory_space<hbm>>) target(%arg18 : memref<40x128xf32, #tpu.memory_space<vmem>>) offsets(%arg8 : memref<40xi32, #tpu.memory_space<vmem>>) semaphore(%arg24 : memref<!tpu.dma_semaphore, #tpu.memory_space<semaphore_mem>>)
      %dma_wait3A_351 = arith.constant 0 : i32
      %dma_wait3A_352 = arith.constant 0 : i32
      %dma_wait3A_353 = tpu.memref_slice %arg2[%dma_wait3A_351, %dma_wait3A_352] : memref<10000x128xf32, #tpu.memory_space<hbm>> -> memref<40x128xf32, #tpu.memory_space<hbm>>
      %dma_wait3A_354 = arith.constant 0 : i32
      %dma_wait3A_355 = arith.constant 0 : i32
      %dma_wait3A_356 = tpu.memref_slice %arg2[%dma_wait3A_354, %dma_wait3A_355] : memref<10000x128xf32, #tpu.memory_space<hbm>> -> memref<40x128xf32, #tpu.memory_space<hbm>>
      tpu.wait_dma2 semaphore(%arg30 : memref<!tpu.dma_semaphore, #tpu.memory_space<semaphore_mem>>) src(%dma_wait3A_356 : memref<40x128xf32, #tpu.memory_space<hbm>>) dst(%arg19 : memref<40x128xf32, #tpu.memory_space<vmem>>)
      %add3A_357 = arith.constant 2 : i32
      %add3A_358 = arith.addi %mul3A_196, %add3A_357 : i32
      %add3A_359 = arith.constant 5 : i32
      %add3A_360 = arith.addi %add3A_358, %add3A_359 : i32
      %mul3A_361 = arith.constant 40 : i32
      %mul3A_362 = arith.muli %add3A_360, %mul3A_361 : i32
      %add3A_363 = arith.addi %mul3A_4, %mul3A_362 : i32
      %dma_start3A_364 = tpu.memref_slice %arg4[%add3A_363] : memref<320000xi32, #tpu.memory_space<hbm>> -> memref<40xi32, #tpu.memory_space<hbm>>
      %dma_start3A_365 = tpu.memref_slice %arg4[%add3A_363] : memref<320000xi32, #tpu.memory_space<hbm>> -> memref<40xi32, #tpu.memory_space<hbm>>
      tpu.enqueue_dma source(%dma_start3A_365 : memref<40xi32, #tpu.memory_space<hbm>>) target(%arg14 : memref<40xi32, #tpu.memory_space<vmem>>) target_semaphore(%arg40 : memref<!tpu.dma_semaphore, #tpu.memory_space<semaphore_mem>>)
      %dma_wait3A_366 = arith.constant 0 : i32
      %dma_wait3A_367 = tpu.memref_slice %arg3[%dma_wait3A_366] : memref<320000xi32, #tpu.memory_space<hbm>> -> memref<40xi32, #tpu.memory_space<hbm>>
      %dma_wait3A_368 = arith.constant 0 : i32
      %dma_wait3A_369 = tpu.memref_slice %arg3[%dma_wait3A_368] : memref<320000xi32, #tpu.memory_space<hbm>> -> memref<40xi32, #tpu.memory_space<hbm>>
      tpu.wait_dma2 semaphore(%arg35 : memref<!tpu.dma_semaphore, #tpu.memory_space<semaphore_mem>>) src(%dma_wait3A_369 : memref<40xi32, #tpu.memory_space<hbm>>) dst(%arg9 : memref<40xi32, #tpu.memory_space<vmem>>)
      %dma_start3A_370 = arith.constant 0 : i32
      %dma_start3A_371 = arith.constant 0 : i32
      %dma_start3A_372 = tpu.memref_slice %arg2[%dma_start3A_370, %dma_start3A_371] : memref<10000x128xf32, #tpu.memory_space<hbm>> -> memref<10000x128xf32, #tpu.memory_space<hbm>>
      tpu.enqueue_indirect_dma source(%dma_start3A_372 : memref<10000x128xf32, #tpu.memory_space<hbm>>) target(%arg19 : memref<40x128xf32, #tpu.memory_space<vmem>>) offsets(%arg9 : memref<40xi32, #tpu.memory_space<vmem>>) semaphore(%arg25 : memref<!tpu.dma_semaphore, #tpu.memory_space<semaphore_mem>>)
      %dma_wait3A_373 = arith.constant 0 : i32
      %dma_wait3A_374 = arith.constant 0 : i32
      %dma_wait3A_375 = tpu.memref_slice %arg2[%dma_wait3A_373, %dma_wait3A_374] : memref<10000x128xf32, #tpu.memory_space<hbm>> -> memref<40x128xf32, #tpu.memory_space<hbm>>
      %dma_wait3A_376 = arith.constant 0 : i32
      %dma_wait3A_377 = arith.constant 0 : i32
      %dma_wait3A_378 = tpu.memref_slice %arg2[%dma_wait3A_376, %dma_wait3A_377] : memref<10000x128xf32, #tpu.memory_space<hbm>> -> memref<40x128xf32, #tpu.memory_space<hbm>>
      tpu.wait_dma2 semaphore(%arg31 : memref<!tpu.dma_semaphore, #tpu.memory_space<semaphore_mem>>) src(%dma_wait3A_378 : memref<40x128xf32, #tpu.memory_space<hbm>>) dst(%arg20 : memref<40x128xf32, #tpu.memory_space<vmem>>)
      %add3A_379 = arith.constant 3 : i32
      %add3A_380 = arith.addi %mul3A_196, %add3A_379 : i32
      %add3A_381 = arith.constant 5 : i32
      %add3A_382 = arith.addi %add3A_380, %add3A_381 : i32
      %mul3A_383 = arith.constant 40 : i32
      %mul3A_384 = arith.muli %add3A_382, %mul3A_383 : i32
      %add3A_385 = arith.addi %mul3A_4, %mul3A_384 : i32
      %dma_start3A_386 = tpu.memref_slice %arg4[%add3A_385] : memref<320000xi32, #tpu.memory_space<hbm>> -> memref<40xi32, #tpu.memory_space<hbm>>
      %dma_start3A_387 = tpu.memref_slice %arg4[%add3A_385] : memref<320000xi32, #tpu.memory_space<hbm>> -> memref<40xi32, #tpu.memory_space<hbm>>
      tpu.enqueue_dma source(%dma_start3A_387 : memref<40xi32, #tpu.memory_space<hbm>>) target(%arg15 : memref<40xi32, #tpu.memory_space<vmem>>) target_semaphore(%arg41 : memref<!tpu.dma_semaphore, #tpu.memory_space<semaphore_mem>>)
      %dma_wait3A_388 = arith.constant 0 : i32
      %dma_wait3A_389 = tpu.memref_slice %arg3[%dma_wait3A_388] : memref<320000xi32, #tpu.memory_space<hbm>> -> memref<40xi32, #tpu.memory_space<hbm>>
      %dma_wait3A_390 = arith.constant 0 : i32
      %dma_wait3A_391 = tpu.memref_slice %arg3[%dma_wait3A_390] : memref<320000xi32, #tpu.memory_space<hbm>> -> memref<40xi32, #tpu.memory_space<hbm>>
      tpu.wait_dma2 semaphore(%arg36 : memref<!tpu.dma_semaphore, #tpu.memory_space<semaphore_mem>>) src(%dma_wait3A_391 : memref<40xi32, #tpu.memory_space<hbm>>) dst(%arg10 : memref<40xi32, #tpu.memory_space<vmem>>)
      %dma_start3A_392 = arith.constant 0 : i32
      %dma_start3A_393 = arith.constant 0 : i32
      %dma_start3A_394 = tpu.memref_slice %arg2[%dma_start3A_392, %dma_start3A_393] : memref<10000x128xf32, #tpu.memory_space<hbm>> -> memref<10000x128xf32, #tpu.memory_space<hbm>>
      tpu.enqueue_indirect_dma source(%dma_start3A_394 : memref<10000x128xf32, #tpu.memory_space<hbm>>) target(%arg20 : memref<40x128xf32, #tpu.memory_space<vmem>>) offsets(%arg10 : memref<40xi32, #tpu.memory_space<vmem>>) semaphore(%arg26 : memref<!tpu.dma_semaphore, #tpu.memory_space<semaphore_mem>>)
      %dma_wait3A_395 = arith.constant 0 : i32
      %dma_wait3A_396 = arith.constant 0 : i32
      %dma_wait3A_397 = tpu.memref_slice %arg2[%dma_wait3A_395, %dma_wait3A_396] : memref<10000x128xf32, #tpu.memory_space<hbm>> -> memref<40x128xf32, #tpu.memory_space<hbm>>
      %dma_wait3A_398 = arith.constant 0 : i32
      %dma_wait3A_399 = arith.constant 0 : i32
      %dma_wait3A_400 = tpu.memref_slice %arg2[%dma_wait3A_398, %dma_wait3A_399] : memref<10000x128xf32, #tpu.memory_space<hbm>> -> memref<40x128xf32, #tpu.memory_space<hbm>>
      tpu.wait_dma2 semaphore(%arg32 : memref<!tpu.dma_semaphore, #tpu.memory_space<semaphore_mem>>) src(%dma_wait3A_400 : memref<40x128xf32, #tpu.memory_space<hbm>>) dst(%arg21 : memref<40x128xf32, #tpu.memory_space<vmem>>)
      %add3A_401 = arith.constant 4 : i32
      %add3A_402 = arith.addi %mul3A_196, %add3A_401 : i32
      %add3A_403 = arith.constant 5 : i32
      %add3A_404 = arith.addi %add3A_402, %add3A_403 : i32
      %mul3A_405 = arith.constant 40 : i32
      %mul3A_406 = arith.muli %add3A_404, %mul3A_405 : i32
      %add3A_407 = arith.addi %mul3A_4, %mul3A_406 : i32
      %dma_start3A_408 = tpu.memref_slice %arg4[%add3A_407] : memref<320000xi32, #tpu.memory_space<hbm>> -> memref<40xi32, #tpu.memory_space<hbm>>
      %dma_start3A_409 = tpu.memref_slice %arg4[%add3A_407] : memref<320000xi32, #tpu.memory_space<hbm>> -> memref<40xi32, #tpu.memory_space<hbm>>
      tpu.enqueue_dma source(%dma_start3A_409 : memref<40xi32, #tpu.memory_space<hbm>>) target(%arg16 : memref<40xi32, #tpu.memory_space<vmem>>) target_semaphore(%arg42 : memref<!tpu.dma_semaphore, #tpu.memory_space<semaphore_mem>>)
      %dma_wait3A_410 = arith.constant 0 : i32
      %dma_wait3A_411 = tpu.memref_slice %arg3[%dma_wait3A_410] : memref<320000xi32, #tpu.memory_space<hbm>> -> memref<40xi32, #tpu.memory_space<hbm>>
      %dma_wait3A_412 = arith.constant 0 : i32
      %dma_wait3A_413 = tpu.memref_slice %arg3[%dma_wait3A_412] : memref<320000xi32, #tpu.memory_space<hbm>> -> memref<40xi32, #tpu.memory_space<hbm>>
      tpu.wait_dma2 semaphore(%arg37 : memref<!tpu.dma_semaphore, #tpu.memory_space<semaphore_mem>>) src(%dma_wait3A_413 : memref<40xi32, #tpu.memory_space<hbm>>) dst(%arg11 : memref<40xi32, #tpu.memory_space<vmem>>)
      %dma_start3A_414 = arith.constant 0 : i32
      %dma_start3A_415 = arith.constant 0 : i32
      %dma_start3A_416 = tpu.memref_slice %arg2[%dma_start3A_414, %dma_start3A_415] : memref<10000x128xf32, #tpu.memory_space<hbm>> -> memref<10000x128xf32, #tpu.memory_space<hbm>>
      tpu.enqueue_indirect_dma source(%dma_start3A_416 : memref<10000x128xf32, #tpu.memory_space<hbm>>) target(%arg21 : memref<40x128xf32, #tpu.memory_space<vmem>>) offsets(%arg11 : memref<40xi32, #tpu.memory_space<vmem>>) semaphore(%arg27 : memref<!tpu.dma_semaphore, #tpu.memory_space<semaphore_mem>>)
    }
    %scan3A_89 = arith.constant 49 : i32
    %dma_wait3A_90 = arith.constant 0 : i32
    %dma_wait3A_91 = arith.constant 0 : i32
    %dma_wait3A_92 = tpu.memref_slice %arg2[%dma_wait3A_90, %dma_wait3A_91] : memref<10000x128xf32, #tpu.memory_space<hbm>> -> memref<40x128xf32, #tpu.memory_space<hbm>>
    %dma_wait3A_93 = arith.constant 0 : i32
    %dma_wait3A_94 = arith.constant 0 : i32
    %dma_wait3A_95 = tpu.memref_slice %arg2[%dma_wait3A_93, %dma_wait3A_94] : memref<10000x128xf32, #tpu.memory_space<hbm>> -> memref<40x128xf32, #tpu.memory_space<hbm>>
    tpu.wait_dma2 semaphore(%arg23 : memref<!tpu.dma_semaphore, #tpu.memory_space<semaphore_mem>>) src(%dma_wait3A_95 : memref<40x128xf32, #tpu.memory_space<hbm>>) dst(%arg17 : memref<40x128xf32, #tpu.memory_space<vmem>>)
    %dma_wait3A_96 = arith.constant 0 : i32
    %dma_wait3A_97 = tpu.memref_slice %arg4[%dma_wait3A_96] : memref<320000xi32, #tpu.memory_space<hbm>> -> memref<40xi32, #tpu.memory_space<hbm>>
    %dma_wait3A_98 = arith.constant 0 : i32
    %dma_wait3A_99 = tpu.memref_slice %arg4[%dma_wait3A_98] : memref<320000xi32, #tpu.memory_space<hbm>> -> memref<40xi32, #tpu.memory_space<hbm>>
    tpu.wait_dma2 semaphore(%arg38 : memref<!tpu.dma_semaphore, #tpu.memory_space<semaphore_mem>>) src(%dma_wait3A_99 : memref<40xi32, #tpu.memory_space<hbm>>) dst(%arg12 : memref<40xi32, #tpu.memory_space<vmem>>)
    %dma_start3A_100 = arith.constant 0 : i32
    %dma_start3A_101 = arith.constant 0 : i32
    %dma_start3A_102 = tpu.memref_slice %arg22[%dma_start3A_100, %dma_start3A_101] : memref<10000x128xf32, #tpu.memory_space<vmem_shared>> -> memref<10000x128xf32, #tpu.memory_space<vmem_shared>>
    tpu.enqueue_indirect_dma source(%arg17 : memref<40x128xf32, #tpu.memory_space<vmem>>) target(%dma_start3A_102 : memref<10000x128xf32, #tpu.memory_space<vmem_shared>>) offsets(%arg12 : memref<40xi32, #tpu.memory_space<vmem>>) semaphore(%arg28 : memref<!tpu.dma_semaphore, #tpu.memory_space<semaphore_mem>>) {add = true}
    %dma_wait3A_103 = arith.constant 0 : i32
    %dma_wait3A_104 = arith.constant 0 : i32
    %dma_wait3A_105 = tpu.memref_slice %arg2[%dma_wait3A_103, %dma_wait3A_104] : memref<10000x128xf32, #tpu.memory_space<hbm>> -> memref<40x128xf32, #tpu.memory_space<hbm>>
    %dma_wait3A_106 = arith.constant 0 : i32
    %dma_wait3A_107 = arith.constant 0 : i32
    %dma_wait3A_108 = tpu.memref_slice %arg2[%dma_wait3A_106, %dma_wait3A_107] : memref<10000x128xf32, #tpu.memory_space<hbm>> -> memref<40x128xf32, #tpu.memory_space<hbm>>
    tpu.wait_dma2 semaphore(%arg24 : memref<!tpu.dma_semaphore, #tpu.memory_space<semaphore_mem>>) src(%dma_wait3A_108 : memref<40x128xf32, #tpu.memory_space<hbm>>) dst(%arg18 : memref<40x128xf32, #tpu.memory_space<vmem>>)
    %dma_wait3A_109 = arith.constant 0 : i32
    %dma_wait3A_110 = tpu.memref_slice %arg4[%dma_wait3A_109] : memref<320000xi32, #tpu.memory_space<hbm>> -> memref<40xi32, #tpu.memory_space<hbm>>
    %dma_wait3A_111 = arith.constant 0 : i32
    %dma_wait3A_112 = tpu.memref_slice %arg4[%dma_wait3A_111] : memref<320000xi32, #tpu.memory_space<hbm>> -> memref<40xi32, #tpu.memory_space<hbm>>
    tpu.wait_dma2 semaphore(%arg39 : memref<!tpu.dma_semaphore, #tpu.memory_space<semaphore_mem>>) src(%dma_wait3A_112 : memref<40xi32, #tpu.memory_space<hbm>>) dst(%arg13 : memref<40xi32, #tpu.memory_space<vmem>>)
    %dma_start3A_113 = arith.constant 0 : i32
    %dma_start3A_114 = arith.constant 0 : i32
    %dma_start3A_115 = tpu.memref_slice %arg22[%dma_start3A_113, %dma_start3A_114] : memref<10000x128xf32, #tpu.memory_space<vmem_shared>> -> memref<10000x128xf32, #tpu.memory_space<vmem_shared>>
    tpu.enqueue_indirect_dma source(%arg18 : memref<40x128xf32, #tpu.memory_space<vmem>>) target(%dma_start3A_115 : memref<10000x128xf32, #tpu.memory_space<vmem_shared>>) offsets(%arg13 : memref<40xi32, #tpu.memory_space<vmem>>) semaphore(%arg29 : memref<!tpu.dma_semaphore, #tpu.memory_space<semaphore_mem>>) {add = true}
    %dma_wait3A_116 = arith.constant 0 : i32
    %dma_wait3A_117 = arith.constant 0 : i32
    %dma_wait3A_118 = tpu.memref_slice %arg2[%dma_wait3A_116, %dma_wait3A_117] : memref<10000x128xf32, #tpu.memory_space<hbm>> -> memref<40x128xf32, #tpu.memory_space<hbm>>
    %dma_wait3A_119 = arith.constant 0 : i32
    %dma_wait3A_120 = arith.constant 0 : i32
    %dma_wait3A_121 = tpu.memref_slice %arg2[%dma_wait3A_119, %dma_wait3A_120] : memref<10000x128xf32, #tpu.memory_space<hbm>> -> memref<40x128xf32, #tpu.memory_space<hbm>>
    tpu.wait_dma2 semaphore(%arg25 : memref<!tpu.dma_semaphore, #tpu.memory_space<semaphore_mem>>) src(%dma_wait3A_121 : memref<40x128xf32, #tpu.memory_space<hbm>>) dst(%arg19 : memref<40x128xf32, #tpu.memory_space<vmem>>)
    %dma_wait3A_122 = arith.constant 0 : i32
    %dma_wait3A_123 = tpu.memref_slice %arg4[%dma_wait3A_122] : memref<320000xi32, #tpu.memory_space<hbm>> -> memref<40xi32, #tpu.memory_space<hbm>>
    %dma_wait3A_124 = arith.constant 0 : i32
    %dma_wait3A_125 = tpu.memref_slice %arg4[%dma_wait3A_124] : memref<320000xi32, #tpu.memory_space<hbm>> -> memref<40xi32, #tpu.memory_space<hbm>>
    tpu.wait_dma2 semaphore(%arg40 : memref<!tpu.dma_semaphore, #tpu.memory_space<semaphore_mem>>) src(%dma_wait3A_125 : memref<40xi32, #tpu.memory_space<hbm>>) dst(%arg14 : memref<40xi32, #tpu.memory_space<vmem>>)
    %dma_start3A_126 = arith.constant 0 : i32
    %dma_start3A_127 = arith.constant 0 : i32
    %dma_start3A_128 = tpu.memref_slice %arg22[%dma_start3A_126, %dma_start3A_127] : memref<10000x128xf32, #tpu.memory_space<vmem_shared>> -> memref<10000x128xf32, #tpu.memory_space<vmem_shared>>
    tpu.enqueue_indirect_dma source(%arg19 : memref<40x128xf32, #tpu.memory_space<vmem>>) target(%dma_start3A_128 : memref<10000x128xf32, #tpu.memory_space<vmem_shared>>) offsets(%arg14 : memref<40xi32, #tpu.memory_space<vmem>>) semaphore(%arg30 : memref<!tpu.dma_semaphore, #tpu.memory_space<semaphore_mem>>) {add = true}
    %dma_wait3A_129 = arith.constant 0 : i32
    %dma_wait3A_130 = arith.constant 0 : i32
    %dma_wait3A_131 = tpu.memref_slice %arg2[%dma_wait3A_129, %dma_wait3A_130] : memref<10000x128xf32, #tpu.memory_space<hbm>> -> memref<40x128xf32, #tpu.memory_space<hbm>>
    %dma_wait3A_132 = arith.constant 0 : i32
    %dma_wait3A_133 = arith.constant 0 : i32
    %dma_wait3A_134 = tpu.memref_slice %arg2[%dma_wait3A_132, %dma_wait3A_133] : memref<10000x128xf32, #tpu.memory_space<hbm>> -> memref<40x128xf32, #tpu.memory_space<hbm>>
    tpu.wait_dma2 semaphore(%arg26 : memref<!tpu.dma_semaphore, #tpu.memory_space<semaphore_mem>>) src(%dma_wait3A_134 : memref<40x128xf32, #tpu.memory_space<hbm>>) dst(%arg20 : memref<40x128xf32, #tpu.memory_space<vmem>>)
    %dma_wait3A_135 = arith.constant 0 : i32
    %dma_wait3A_136 = tpu.memref_slice %arg4[%dma_wait3A_135] : memref<320000xi32, #tpu.memory_space<hbm>> -> memref<40xi32, #tpu.memory_space<hbm>>
    %dma_wait3A_137 = arith.constant 0 : i32
    %dma_wait3A_138 = tpu.memref_slice %arg4[%dma_wait3A_137] : memref<320000xi32, #tpu.memory_space<hbm>> -> memref<40xi32, #tpu.memory_space<hbm>>
    tpu.wait_dma2 semaphore(%arg41 : memref<!tpu.dma_semaphore, #tpu.memory_space<semaphore_mem>>) src(%dma_wait3A_138 : memref<40xi32, #tpu.memory_space<hbm>>) dst(%arg15 : memref<40xi32, #tpu.memory_space<vmem>>)
    %dma_start3A_139 = arith.constant 0 : i32
    %dma_start3A_140 = arith.constant 0 : i32
    %dma_start3A_141 = tpu.memref_slice %arg22[%dma_start3A_139, %dma_start3A_140] : memref<10000x128xf32, #tpu.memory_space<vmem_shared>> -> memref<10000x128xf32, #tpu.memory_space<vmem_shared>>
    tpu.enqueue_indirect_dma source(%arg20 : memref<40x128xf32, #tpu.memory_space<vmem>>) target(%dma_start3A_141 : memref<10000x128xf32, #tpu.memory_space<vmem_shared>>) offsets(%arg15 : memref<40xi32, #tpu.memory_space<vmem>>) semaphore(%arg31 : memref<!tpu.dma_semaphore, #tpu.memory_space<semaphore_mem>>) {add = true}
    %dma_wait3A_142 = arith.constant 0 : i32
    %dma_wait3A_143 = arith.constant 0 : i32
    %dma_wait3A_144 = tpu.memref_slice %arg2[%dma_wait3A_142, %dma_wait3A_143] : memref<10000x128xf32, #tpu.memory_space<hbm>> -> memref<40x128xf32, #tpu.memory_space<hbm>>
    %dma_wait3A_145 = arith.constant 0 : i32
    %dma_wait3A_146 = arith.constant 0 : i32
    %dma_wait3A_147 = tpu.memref_slice %arg2[%dma_wait3A_145, %dma_wait3A_146] : memref<10000x128xf32, #tpu.memory_space<hbm>> -> memref<40x128xf32, #tpu.memory_space<hbm>>
    tpu.wait_dma2 semaphore(%arg27 : memref<!tpu.dma_semaphore, #tpu.memory_space<semaphore_mem>>) src(%dma_wait3A_147 : memref<40x128xf32, #tpu.memory_space<hbm>>) dst(%arg21 : memref<40x128xf32, #tpu.memory_space<vmem>>)
    %dma_wait3A_148 = arith.constant 0 : i32
    %dma_wait3A_149 = tpu.memref_slice %arg4[%dma_wait3A_148] : memref<320000xi32, #tpu.memory_space<hbm>> -> memref<40xi32, #tpu.memory_space<hbm>>
    %dma_wait3A_150 = arith.constant 0 : i32
    %dma_wait3A_151 = tpu.memref_slice %arg4[%dma_wait3A_150] : memref<320000xi32, #tpu.memory_space<hbm>> -> memref<40xi32, #tpu.memory_space<hbm>>
    tpu.wait_dma2 semaphore(%arg42 : memref<!tpu.dma_semaphore, #tpu.memory_space<semaphore_mem>>) src(%dma_wait3A_151 : memref<40xi32, #tpu.memory_space<hbm>>) dst(%arg16 : memref<40xi32, #tpu.memory_space<vmem>>)
    %dma_start3A_152 = arith.constant 0 : i32
    %dma_start3A_153 = arith.constant 0 : i32
    %dma_start3A_154 = tpu.memref_slice %arg22[%dma_start3A_152, %dma_start3A_153] : memref<10000x128xf32, #tpu.memory_space<vmem_shared>> -> memref<10000x128xf32, #tpu.memory_space<vmem_shared>>
    tpu.enqueue_indirect_dma source(%arg21 : memref<40x128xf32, #tpu.memory_space<vmem>>) target(%dma_start3A_154 : memref<10000x128xf32, #tpu.memory_space<vmem_shared>>) offsets(%arg16 : memref<40xi32, #tpu.memory_space<vmem>>) semaphore(%arg32 : memref<!tpu.dma_semaphore, #tpu.memory_space<semaphore_mem>>) {add = true}
    %dma_wait3A_155 = arith.constant 0 : i32
    %dma_wait3A_156 = arith.constant 0 : i32
    %dma_wait3A_157 = tpu.memref_slice %arg2[%dma_wait3A_155, %dma_wait3A_156] : memref<10000x128xf32, #tpu.memory_space<hbm>> -> memref<40x128xf32, #tpu.memory_space<hbm>>
    %dma_wait3A_158 = arith.constant 0 : i32
    %dma_wait3A_159 = arith.constant 0 : i32
    %dma_wait3A_160 = tpu.memref_slice %arg2[%dma_wait3A_158, %dma_wait3A_159] : memref<10000x128xf32, #tpu.memory_space<hbm>> -> memref<40x128xf32, #tpu.memory_space<hbm>>
    tpu.wait_dma2 semaphore(%arg28 : memref<!tpu.dma_semaphore, #tpu.memory_space<semaphore_mem>>) src(%dma_wait3A_160 : memref<40x128xf32, #tpu.memory_space<hbm>>) dst(%arg17 : memref<40x128xf32, #tpu.memory_space<vmem>>)
    %dma_wait3A_161 = arith.constant 0 : i32
    %dma_wait3A_162 = arith.constant 0 : i32
    %dma_wait3A_163 = tpu.memref_slice %arg2[%dma_wait3A_161, %dma_wait3A_162] : memref<10000x128xf32, #tpu.memory_space<hbm>> -> memref<40x128xf32, #tpu.memory_space<hbm>>
    %dma_wait3A_164 = arith.constant 0 : i32
    %dma_wait3A_165 = arith.constant 0 : i32
    %dma_wait3A_166 = tpu.memref_slice %arg2[%dma_wait3A_164, %dma_wait3A_165] : memref<10000x128xf32, #tpu.memory_space<hbm>> -> memref<40x128xf32, #tpu.memory_space<hbm>>
    tpu.wait_dma2 semaphore(%arg29 : memref<!tpu.dma_semaphore, #tpu.memory_space<semaphore_mem>>) src(%dma_wait3A_166 : memref<40x128xf32, #tpu.memory_space<hbm>>) dst(%arg18 : memref<40x128xf32, #tpu.memory_space<vmem>>)
    %dma_wait3A_167 = arith.constant 0 : i32
    %dma_wait3A_168 = arith.constant 0 : i32
    %dma_wait3A_169 = tpu.memref_slice %arg2[%dma_wait3A_167, %dma_wait3A_168] : memref<10000x128xf32, #tpu.memory_space<hbm>> -> memref<40x128xf32, #tpu.memory_space<hbm>>
    %dma_wait3A_170 = arith.constant 0 : i32
    %dma_wait3A_171 = arith.constant 0 : i32
    %dma_wait3A_172 = tpu.memref_slice %arg2[%dma_wait3A_170, %dma_wait3A_171] : memref<10000x128xf32, #tpu.memory_space<hbm>> -> memref<40x128xf32, #tpu.memory_space<hbm>>
    tpu.wait_dma2 semaphore(%arg30 : memref<!tpu.dma_semaphore, #tpu.memory_space<semaphore_mem>>) src(%dma_wait3A_172 : memref<40x128xf32, #tpu.memory_space<hbm>>) dst(%arg19 : memref<40x128xf32, #tpu.memory_space<vmem>>)
    %dma_wait3A_173 = arith.constant 0 : i32
    %dma_wait3A_174 = arith.constant 0 : i32
    %dma_wait3A_175 = tpu.memref_slice %arg2[%dma_wait3A_173, %dma_wait3A_174] : memref<10000x128xf32, #tpu.memory_space<hbm>> -> memref<40x128xf32, #tpu.memory_space<hbm>>
    %dma_wait3A_176 = arith.constant 0 : i32
    %dma_wait3A_177 = arith.constant 0 : i32
    %dma_wait3A_178 = tpu.memref_slice %arg2[%dma_wait3A_176, %dma_wait3A_177] : memref<10000x128xf32, #tpu.memory_space<hbm>> -> memref<40x128xf32, #tpu.memory_space<hbm>>
    tpu.wait_dma2 semaphore(%arg31 : memref<!tpu.dma_semaphore, #tpu.memory_space<semaphore_mem>>) src(%dma_wait3A_178 : memref<40x128xf32, #tpu.memory_space<hbm>>) dst(%arg20 : memref<40x128xf32, #tpu.memory_space<vmem>>)
    %dma_wait3A_179 = arith.constant 0 : i32
    %dma_wait3A_180 = arith.constant 0 : i32
    %dma_wait3A_181 = tpu.memref_slice %arg2[%dma_wait3A_179, %dma_wait3A_180] : memref<10000x128xf32, #tpu.memory_space<hbm>> -> memref<40x128xf32, #tpu.memory_space<hbm>>
    %dma_wait3A_182 = arith.constant 0 : i32
    %dma_wait3A_183 = arith.constant 0 : i32
    %dma_wait3A_184 = tpu.memref_slice %arg2[%dma_wait3A_182, %dma_wait3A_183] : memref<10000x128xf32, #tpu.memory_space<hbm>> -> memref<40x128xf32, #tpu.memory_space<hbm>>
    tpu.wait_dma2 semaphore(%arg32 : memref<!tpu.dma_semaphore, #tpu.memory_space<semaphore_mem>>) src(%dma_wait3A_184 : memref<40x128xf32, #tpu.memory_space<hbm>>) dst(%arg21 : memref<40x128xf32, #tpu.memory_space<vmem>>)
    %barrier3A_185 = arith.constant 0 : index
    tpu.barrier barrier_id(%barrier3A_185)
    %mul3A_186 = arith.constant 10000 : i32
    %mul3A_187 = arith.muli %arg0, %mul3A_186 : i32
    %add3A_188 = arith.addi %mul3A_187, %mul3A_2 : i32
    "tpu.region"() ({
      %run_scoped3A = tpu.sem_alloc : memref<!tpu.dma_semaphore, #tpu.memory_space<semaphore_mem>>
      %dma_start3A_194 = arith.constant 0 : i32
      %dma_start3A_195 = tpu.memref_slice %arg6[%add3A_188, %dma_start3A_194] : memref<20000x128xf32, #tpu.memory_space<hbm>> -> memref<624x128xf32, #tpu.memory_space<hbm>>
      %dma_start3A_196 = arith.constant 0 : i32
      %dma_start3A_197 = tpu.memref_slice %arg22[%mul3A_2, %dma_start3A_196] : memref<10000x128xf32, #tpu.memory_space<vmem_shared>> -> memref<624x128xf32, #tpu.memory_space<vmem_shared>>
      tpu.enqueue_dma source(%dma_start3A_197 : memref<624x128xf32, #tpu.memory_space<vmem_shared>>) target(%dma_start3A_195 : memref<624x128xf32, #tpu.memory_space<hbm>>) target_semaphore(%run_scoped3A : memref<!tpu.dma_semaphore, #tpu.memory_space<semaphore_mem>>)
      %dma_wait3A_198 = arith.constant 0 : i32
      %dma_wait3A_199 = tpu.memref_slice %arg6[%add3A_188, %dma_wait3A_198] : memref<20000x128xf32, #tpu.memory_space<hbm>> -> memref<624x128xf32, #tpu.memory_space<hbm>>
      %dma_wait3A_200 = arith.constant 0 : i32
      %dma_wait3A_201 = tpu.memref_slice %arg22[%mul3A_2, %dma_wait3A_200] : memref<10000x128xf32, #tpu.memory_space<vmem_shared>> -> memref<624x128xf32, #tpu.memory_space<vmem_shared>>
      tpu.wait_dma2 semaphore(%run_scoped3A : memref<!tpu.dma_semaphore, #tpu.memory_space<semaphore_mem>>) src(%dma_wait3A_201 : memref<624x128xf32, #tpu.memory_space<vmem_shared>>) dst(%dma_wait3A_199 : memref<624x128xf32, #tpu.memory_space<hbm>>)
      tpu.yield
    }) : () -> ()
    %eq3A_189 = arith.constant 15 : i32
    %eq3A_190 = arith.cmpi eq, %arg1, %eq3A_189 : i32
    %convert_element_type3A_191 = arith.extui %eq3A_190 : i1 to i32
    %cond3A_192 = arith.constant 0 : i32
    %cond3A_193 = arith.cmpi ne, %convert_element_type3A_191, %cond3A_192 : i32
    scf.if %cond3A_193 {
      %mul3A_194 = arith.constant 10000 : i32
      %mul3A_195 = arith.muli %arg0, %mul3A_194 : i32
      %add3A_196 = arith.constant 9984 : i32
      %add3A_197 = arith.addi %mul3A_195, %add3A_196 : i32
      "tpu.region"() ({
        %run_scoped3A = tpu.sem_alloc : memref<!tpu.dma_semaphore, #tpu.memory_space<semaphore_mem>>
        %dma_start3A_198 = arith.constant 0 : i32
        %dma_start3A_199 = tpu.memref_slice %arg6[%add3A_197, %dma_start3A_198] : memref<20000x128xf32, #tpu.memory_space<hbm>> -> memref<16x128xf32, #tpu.memory_space<hbm>>
        %dma_start3A_200 = arith.constant 9984 : i32
        %dma_start3A_201 = arith.constant 0 : i32
        %dma_start3A_202 = tpu.memref_slice %arg22[%dma_start3A_200, %dma_start3A_201] : memref<10000x128xf32, #tpu.memory_space<vmem_shared>> -> memref<16x128xf32, #tpu.memory_space<vmem_shared>>
        tpu.enqueue_dma source(%dma_start3A_202 : memref<16x128xf32, #tpu.memory_space<vmem_shared>>) target(%dma_start3A_199 : memref<16x128xf32, #tpu.memory_space<hbm>>) target_semaphore(%run_scoped3A : memref<!tpu.dma_semaphore, #tpu.memory_space<semaphore_mem>>)
        %dma_wait3A_203 = arith.constant 0 : i32
        %dma_wait3A_204 = tpu.memref_slice %arg6[%add3A_197, %dma_wait3A_203] : memref<20000x128xf32, #tpu.memory_space<hbm>> -> memref<16x128xf32, #tpu.memory_space<hbm>>
        %dma_wait3A_205 = arith.constant 9984 : i32
        %dma_wait3A_206 = arith.constant 0 : i32
        %dma_wait3A_207 = tpu.memref_slice %arg22[%dma_wait3A_205, %dma_wait3A_206] : memref<10000x128xf32, #tpu.memory_space<vmem_shared>> -> memref<16x128xf32, #tpu.memory_space<vmem_shared>>
        tpu.wait_dma2 semaphore(%run_scoped3A : memref<!tpu.dma_semaphore, #tpu.memory_space<semaphore_mem>>) src(%dma_wait3A_207 : memref<16x128xf32, #tpu.memory_space<vmem_shared>>) dst(%dma_wait3A_204 : memref<16x128xf32, #tpu.memory_space<hbm>>)
        tpu.yield
      }) : () -> ()
    } else {
    }
    return
  }
}

#map = affine_map<(d0, d1) -> (0, 0)>
#map1 = affine_map<(d0, d1) -> (0)>
module attributes {stable_mosaic.version = 14 : i64} {
  func.func @_sc_body(%arg0: i32, %arg1: i32, %arg2: memref<10000x128xf32, #tpu.memory_space<hbm>>, %arg3: memref<320000xi32, #tpu.memory_space<hbm>>, %arg4: memref<320000xi32, #tpu.memory_space<hbm>>, %arg5: memref<10000x128xf32, #tpu.memory_space<hbm>>, %arg6: memref<20000x128xf32, #tpu.memory_space<hbm>>, %arg7: memref<40xi32, #tpu.memory_space<vmem>>, %arg8: memref<40xi32, #tpu.memory_space<vmem>>, %arg9: memref<40xi32, #tpu.memory_space<vmem>>, %arg10: memref<40xi32, #tpu.memory_space<vmem>>, %arg11: memref<40xi32, #tpu.memory_space<vmem>>, %arg12: memref<40xi32, #tpu.memory_space<vmem>>, %arg13: memref<40xi32, #tpu.memory_space<vmem>>, %arg14: memref<40xi32, #tpu.memory_space<vmem>>, %arg15: memref<40xi32, #tpu.memory_space<vmem>>, %arg16: memref<40xi32, #tpu.memory_space<vmem>>, %arg17: memref<40x128xf32, #tpu.memory_space<vmem>>, %arg18: memref<40x128xf32, #tpu.memory_space<vmem>>, %arg19: memref<40x128xf32, #tpu.memory_space<vmem>>, %arg20: memref<40x128xf32, #tpu.memory_space<vmem>>, %arg21: memref<40x128xf32, #tpu.memory_space<vmem>>, %arg22: memref<10000x128xf32, #tpu.memory_space<vmem_shared>>, %arg23: memref<!tpu.dma_semaphore, #tpu.memory_space<semaphore_mem>>, %arg24: memref<!tpu.dma_semaphore, #tpu.memory_space<semaphore_mem>>, %arg25: memref<!tpu.dma_semaphore, #tpu.memory_space<semaphore_mem>>, %arg26: memref<!tpu.dma_semaphore, #tpu.memory_space<semaphore_mem>>, %arg27: memref<!tpu.dma_semaphore, #tpu.memory_space<semaphore_mem>>, %arg28: memref<!tpu.dma_semaphore, #tpu.memory_space<semaphore_mem>>, %arg29: memref<!tpu.dma_semaphore, #tpu.memory_space<semaphore_mem>>, %arg30: memref<!tpu.dma_semaphore, #tpu.memory_space<semaphore_mem>>, %arg31: memref<!tpu.dma_semaphore, #tpu.memory_space<semaphore_mem>>, %arg32: memref<!tpu.dma_semaphore, #tpu.memory_space<semaphore_mem>>, %arg33: memref<!tpu.dma_semaphore, #tpu.memory_space<semaphore_mem>>, %arg34: memref<!tpu.dma_semaphore, #tpu.memory_space<semaphore_mem>>, %arg35: memref<!tpu.dma_semaphore, #tpu.memory_space<semaphore_mem>>, %arg36: memref<!tpu.dma_semaphore, #tpu.memory_space<semaphore_mem>>, %arg37: memref<!tpu.dma_semaphore, #tpu.memory_space<semaphore_mem>>, %arg38: memref<!tpu.dma_semaphore, #tpu.memory_space<semaphore_mem>>, %arg39: memref<!tpu.dma_semaphore, #tpu.memory_space<semaphore_mem>>, %arg40: memref<!tpu.dma_semaphore, #tpu.memory_space<semaphore_mem>>, %arg41: memref<!tpu.dma_semaphore, #tpu.memory_space<semaphore_mem>>, %arg42: memref<!tpu.dma_semaphore, #tpu.memory_space<semaphore_mem>>) attributes {dimension_semantics = [#tpu.dimension_semantics<core_parallel>, #tpu.dimension_semantics<subcore_parallel>], iteration_bounds = array<i64: 2, 16>, scalar_prefetch = 0 : i64, scratch_operands = 36 : i64, tpu.core_type = #tpu.core_type<sc_vector_subcore>, window_params = [{transform_indices = #map}, {transform_indices = #map1}, {transform_indices = #map1}, {transform_indices = #map}, {transform_indices = #map}]} {
    %mul3A = arith.constant 16 : i32
    %mul3A_0 = arith.muli %arg0, %mul3A : i32
    %add3A = arith.addi %mul3A_0, %arg1 : i32
    %mul3A_1 = arith.constant 624 : i32
    %mul3A_2 = arith.muli %arg1, %mul3A_1 : i32
    %mul3A_3 = arith.constant 10000 : i32
    %mul3A_4 = arith.muli %add3A, %mul3A_3 : i32
    %add3A_5 = arith.constant 0 : i32
    %add3A_6 = arith.addi %mul3A_4, %add3A_5 : i32
    %dma_start3A = tpu.memref_slice %arg3[%add3A_6] : memref<320000xi32, #tpu.memory_space<hbm>> -> memref<40xi32, #tpu.memory_space<hbm>>
    %dma_start3A_7 = tpu.memref_slice %arg3[%add3A_6] : memref<320000xi32, #tpu.memory_space<hbm>> -> memref<40xi32, #tpu.memory_space<hbm>>
    tpu.enqueue_dma source(%dma_start3A_7 : memref<40xi32, #tpu.memory_space<hbm>>) target(%arg7 : memref<40xi32, #tpu.memory_space<vmem>>) target_semaphore(%arg33 : memref<!tpu.dma_semaphore, #tpu.memory_space<semaphore_mem>>)
    %add3A_8 = arith.constant 0 : i32
    %add3A_9 = arith.addi %mul3A_4, %add3A_8 : i32
    %dma_start3A_10 = tpu.memref_slice %arg4[%add3A_9] : memref<320000xi32, #tpu.memory_space<hbm>> -> memref<40xi32, #tpu.memory_space<hbm>>
    %dma_start3A_11 = tpu.memref_slice %arg4[%add3A_9] : memref<320000xi32, #tpu.memory_space<hbm>> -> memref<40xi32, #tpu.memory_space<hbm>>
    tpu.enqueue_dma source(%dma_start3A_11 : memref<40xi32, #tpu.memory_space<hbm>>) target(%arg12 : memref<40xi32, #tpu.memory_space<vmem>>) target_semaphore(%arg38 : memref<!tpu.dma_semaphore, #tpu.memory_space<semaphore_mem>>)
    %add3A_12 = arith.constant 40 : i32
    %add3A_13 = arith.addi %mul3A_4, %add3A_12 : i32
    %dma_start3A_14 = tpu.memref_slice %arg3[%add3A_13] : memref<320000xi32, #tpu.memory_space<hbm>> -> memref<40xi32, #tpu.memory_space<hbm>>
    %dma_start3A_15 = tpu.memref_slice %arg3[%add3A_13] : memref<320000xi32, #tpu.memory_space<hbm>> -> memref<40xi32, #tpu.memory_space<hbm>>
    tpu.enqueue_dma source(%dma_start3A_15 : memref<40xi32, #tpu.memory_space<hbm>>) target(%arg8 : memref<40xi32, #tpu.memory_space<vmem>>) target_semaphore(%arg34 : memref<!tpu.dma_semaphore, #tpu.memory_space<semaphore_mem>>)
    %add3A_16 = arith.constant 40 : i32
    %add3A_17 = arith.addi %mul3A_4, %add3A_16 : i32
    %dma_start3A_18 = tpu.memref_slice %arg4[%add3A_17] : memref<320000xi32, #tpu.memory_space<hbm>> -> memref<40xi32, #tpu.memory_space<hbm>>
    %dma_start3A_19 = tpu.memref_slice %arg4[%add3A_17] : memref<320000xi32, #tpu.memory_space<hbm>> -> memref<40xi32, #tpu.memory_space<hbm>>
    tpu.enqueue_dma source(%dma_start3A_19 : memref<40xi32, #tpu.memory_space<hbm>>) target(%arg13 : memref<40xi32, #tpu.memory_space<vmem>>) target_semaphore(%arg39 : memref<!tpu.dma_semaphore, #tpu.memory_space<semaphore_mem>>)
    %add3A_20 = arith.constant 80 : i32
    %add3A_21 = arith.addi %mul3A_4, %add3A_20 : i32
    %dma_start3A_22 = tpu.memref_slice %arg3[%add3A_21] : memref<320000xi32, #tpu.memory_space<hbm>> -> memref<40xi32, #tpu.memory_space<hbm>>
    %dma_start3A_23 = tpu.memref_slice %arg3[%add3A_21] : memref<320000xi32, #tpu.memory_space<hbm>> -> memref<40xi32, #tpu.memory_space<hbm>>
    tpu.enqueue_dma source(%dma_start3A_23 : memref<40xi32, #tpu.memory_space<hbm>>) target(%arg9 : memref<40xi32, #tpu.memory_space<vmem>>) target_semaphore(%arg35 : memref<!tpu.dma_semaphore, #tpu.memory_space<semaphore_mem>>)
    %add3A_24 = arith.constant 80 : i32
    %add3A_25 = arith.addi %mul3A_4, %add3A_24 : i32
    %dma_start3A_26 = tpu.memref_slice %arg4[%add3A_25] : memref<320000xi32, #tpu.memory_space<hbm>> -> memref<40xi32, #tpu.memory_space<hbm>>
    %dma_start3A_27 = tpu.memref_slice %arg4[%add3A_25] : memref<320000xi32, #tpu.memory_space<hbm>> -> memref<40xi32, #tpu.memory_space<hbm>>
    tpu.enqueue_dma source(%dma_start3A_27 : memref<40xi32, #tpu.memory_space<hbm>>) target(%arg14 : memref<40xi32, #tpu.memory_space<vmem>>) target_semaphore(%arg40 : memref<!tpu.dma_semaphore, #tpu.memory_space<semaphore_mem>>)
    %add3A_28 = arith.constant 120 : i32
    %add3A_29 = arith.addi %mul3A_4, %add3A_28 : i32
    %dma_start3A_30 = tpu.memref_slice %arg3[%add3A_29] : memref<320000xi32, #tpu.memory_space<hbm>> -> memref<40xi32, #tpu.memory_space<hbm>>
    %dma_start3A_31 = tpu.memref_slice %arg3[%add3A_29] : memref<320000xi32, #tpu.memory_space<hbm>> -> memref<40xi32, #tpu.memory_space<hbm>>
    tpu.enqueue_dma source(%dma_start3A_31 : memref<40xi32, #tpu.memory_space<hbm>>) target(%arg10 : memref<40xi32, #tpu.memory_space<vmem>>) target_semaphore(%arg36 : memref<!tpu.dma_semaphore, #tpu.memory_space<semaphore_mem>>)
    %add3A_32 = arith.constant 120 : i32
    %add3A_33 = arith.addi %mul3A_4, %add3A_32 : i32
    %dma_start3A_34 = tpu.memref_slice %arg4[%add3A_33] : memref<320000xi32, #tpu.memory_space<hbm>> -> memref<40xi32, #tpu.memory_space<hbm>>
    %dma_start3A_35 = tpu.memref_slice %arg4[%add3A_33] : memref<320000xi32, #tpu.memory_space<hbm>> -> memref<40xi32, #tpu.memory_space<hbm>>
    tpu.enqueue_dma source(%dma_start3A_35 : memref<40xi32, #tpu.memory_space<hbm>>) target(%arg15 : memref<40xi32, #tpu.memory_space<vmem>>) target_semaphore(%arg41 : memref<!tpu.dma_semaphore, #tpu.memory_space<semaphore_mem>>)
    %add3A_36 = arith.constant 160 : i32
    %add3A_37 = arith.addi %mul3A_4, %add3A_36 : i32
    %dma_start3A_38 = tpu.memref_slice %arg3[%add3A_37] : memref<320000xi32, #tpu.memory_space<hbm>> -> memref<40xi32, #tpu.memory_space<hbm>>
    %dma_start3A_39 = tpu.memref_slice %arg3[%add3A_37] : memref<320000xi32, #tpu.memory_space<hbm>> -> memref<40xi32, #tpu.memory_space<hbm>>
    tpu.enqueue_dma source(%dma_start3A_39 : memref<40xi32, #tpu.memory_space<hbm>>) target(%arg11 : memref<40xi32, #tpu.memory_space<vmem>>) target_semaphore(%arg37 : memref<!tpu.dma_semaphore, #tpu.memory_space<semaphore_mem>>)
    %add3A_40 = arith.constant 160 : i32
    %add3A_41 = arith.addi %mul3A_4, %add3A_40 : i32
    %dma_start3A_42 = tpu.memref_slice %arg4[%add3A_41] : memref<320000xi32, #tpu.memory_space<hbm>> -> memref<40xi32, #tpu.memory_space<hbm>>
    %dma_start3A_43 = tpu.memref_slice %arg4[%add3A_41] : memref<320000xi32, #tpu.memory_space<hbm>> -> memref<40xi32, #tpu.memory_space<hbm>>
    tpu.enqueue_dma source(%dma_start3A_43 : memref<40xi32, #tpu.memory_space<hbm>>) target(%arg16 : memref<40xi32, #tpu.memory_space<vmem>>) target_semaphore(%arg42 : memref<!tpu.dma_semaphore, #tpu.memory_space<semaphore_mem>>)
    %eq3A = arith.constant 0 : i32
    %eq3A_44 = arith.cmpi eq, %arg0, %eq3A : i32
    %convert_element_type3A = arith.extui %eq3A_44 : i1 to i32
    %cond3A = arith.constant 0 : i32
    %cond3A_45 = arith.cmpi ne, %convert_element_type3A, %cond3A : i32
    scf.if %cond3A_45 {
      "tpu.region"() ({
        %run_scoped3A = tpu.sem_alloc : memref<!tpu.dma_semaphore, #tpu.memory_space<semaphore_mem>>
        %dma_start3A_199 = arith.constant 0 : i32
        %dma_start3A_200 = tpu.memref_slice %arg22[%mul3A_2, %dma_start3A_199] : memref<10000x128xf32, #tpu.memory_space<vmem_shared>> -> memref<624x128xf32, #tpu.memory_space<vmem_shared>>
        %dma_start3A_201 = arith.constant 0 : i32
        %dma_start3A_202 = tpu.memref_slice %arg2[%mul3A_2, %dma_start3A_201] : memref<10000x128xf32, #tpu.memory_space<hbm>> -> memref<624x128xf32, #tpu.memory_space<hbm>>
        tpu.enqueue_dma source(%dma_start3A_202 : memref<624x128xf32, #tpu.memory_space<hbm>>) target(%dma_start3A_200 : memref<624x128xf32, #tpu.memory_space<vmem_shared>>) target_semaphore(%run_scoped3A : memref<!tpu.dma_semaphore, #tpu.memory_space<semaphore_mem>>)
        %dma_wait3A_203 = arith.constant 0 : i32
        %dma_wait3A_204 = tpu.memref_slice %arg22[%mul3A_2, %dma_wait3A_203] : memref<10000x128xf32, #tpu.memory_space<vmem_shared>> -> memref<624x128xf32, #tpu.memory_space<vmem_shared>>
        %dma_wait3A_205 = arith.constant 0 : i32
        %dma_wait3A_206 = tpu.memref_slice %arg2[%mul3A_2, %dma_wait3A_205] : memref<10000x128xf32, #tpu.memory_space<hbm>> -> memref<624x128xf32, #tpu.memory_space<hbm>>
        tpu.wait_dma2 semaphore(%run_scoped3A : memref<!tpu.dma_semaphore, #tpu.memory_space<semaphore_mem>>) src(%dma_wait3A_206 : memref<624x128xf32, #tpu.memory_space<hbm>>) dst(%dma_wait3A_204 : memref<624x128xf32, #tpu.memory_space<vmem_shared>>)
        tpu.yield
      }) : () -> ()
      %eq3A_194 = arith.constant 15 : i32
      %eq3A_195 = arith.cmpi eq, %arg1, %eq3A_194 : i32
      %convert_element_type3A_196 = arith.extui %eq3A_195 : i1 to i32
      %cond3A_197 = arith.constant 0 : i32
      %cond3A_198 = arith.cmpi ne, %convert_element_type3A_196, %cond3A_197 : i32
      scf.if %cond3A_198 {
        "tpu.region"() ({
          %run_scoped3A = tpu.sem_alloc : memref<!tpu.dma_semaphore, #tpu.memory_space<semaphore_mem>>
          %dma_start3A_199 = arith.constant 9984 : i32
          %dma_start3A_200 = arith.constant 0 : i32
          %dma_start3A_201 = tpu.memref_slice %arg22[%dma_start3A_199, %dma_start3A_200] : memref<10000x128xf32, #tpu.memory_space<vmem_shared>> -> memref<16x128xf32, #tpu.memory_space<vmem_shared>>
          %dma_start3A_202 = arith.constant 9984 : i32
          %dma_start3A_203 = arith.constant 0 : i32
          %dma_start3A_204 = tpu.memref_slice %arg2[%dma_start3A_202, %dma_start3A_203] : memref<10000x128xf32, #tpu.memory_space<hbm>> -> memref<16x128xf32, #tpu.memory_space<hbm>>
          tpu.enqueue_dma source(%dma_start3A_204 : memref<16x128xf32, #tpu.memory_space<hbm>>) target(%dma_start3A_201 : memref<16x128xf32, #tpu.memory_space<vmem_shared>>) target_semaphore(%run_scoped3A : memref<!tpu.dma_semaphore, #tpu.memory_space<semaphore_mem>>)
          %dma_wait3A_205 = arith.constant 9984 : i32
          %dma_wait3A_206 = arith.constant 0 : i32
          %dma_wait3A_207 = tpu.memref_slice %arg22[%dma_wait3A_205, %dma_wait3A_206] : memref<10000x128xf32, #tpu.memory_space<vmem_shared>> -> memref<16x128xf32, #tpu.memory_space<vmem_shared>>
          %dma_wait3A_208 = arith.constant 9984 : i32
          %dma_wait3A_209 = arith.constant 0 : i32
          %dma_wait3A_210 = tpu.memref_slice %arg2[%dma_wait3A_208, %dma_wait3A_209] : memref<10000x128xf32, #tpu.memory_space<hbm>> -> memref<16x128xf32, #tpu.memory_space<hbm>>
          tpu.wait_dma2 semaphore(%run_scoped3A : memref<!tpu.dma_semaphore, #tpu.memory_space<semaphore_mem>>) src(%dma_wait3A_210 : memref<16x128xf32, #tpu.memory_space<hbm>>) dst(%dma_wait3A_207 : memref<16x128xf32, #tpu.memory_space<vmem_shared>>)
          tpu.yield
        }) : () -> ()
      } else {
      }
    } else {
    }
    %eq3A_46 = arith.constant 1 : i32
    %eq3A_47 = arith.cmpi eq, %arg0, %eq3A_46 : i32
    %convert_element_type3A_48 = arith.extui %eq3A_47 : i1 to i32
    %cond3A_49 = arith.constant 0 : i32
    %cond3A_50 = arith.cmpi ne, %convert_element_type3A_48, %cond3A_49 : i32
    scf.if %cond3A_50 {
      "tpu.region"() ({
        %run_scoped3A = tpu.sem_alloc : memref<!tpu.dma_semaphore, #tpu.memory_space<semaphore_mem>>
        %dma_start3A_199 = arith.constant 0 : i32
        %dma_start3A_200 = tpu.memref_slice %arg22[%mul3A_2, %dma_start3A_199] : memref<10000x128xf32, #tpu.memory_space<vmem_shared>> -> memref<624x128xf32, #tpu.memory_space<vmem_shared>>
        %dma_start3A_201 = arith.constant 0 : i32
        %dma_start3A_202 = tpu.memref_slice %arg5[%mul3A_2, %dma_start3A_201] : memref<10000x128xf32, #tpu.memory_space<hbm>> -> memref<624x128xf32, #tpu.memory_space<hbm>>
        tpu.enqueue_dma source(%dma_start3A_202 : memref<624x128xf32, #tpu.memory_space<hbm>>) target(%dma_start3A_200 : memref<624x128xf32, #tpu.memory_space<vmem_shared>>) target_semaphore(%run_scoped3A : memref<!tpu.dma_semaphore, #tpu.memory_space<semaphore_mem>>)
        %dma_wait3A_203 = arith.constant 0 : i32
        %dma_wait3A_204 = tpu.memref_slice %arg22[%mul3A_2, %dma_wait3A_203] : memref<10000x128xf32, #tpu.memory_space<vmem_shared>> -> memref<624x128xf32, #tpu.memory_space<vmem_shared>>
        %dma_wait3A_205 = arith.constant 0 : i32
        %dma_wait3A_206 = tpu.memref_slice %arg5[%mul3A_2, %dma_wait3A_205] : memref<10000x128xf32, #tpu.memory_space<hbm>> -> memref<624x128xf32, #tpu.memory_space<hbm>>
        tpu.wait_dma2 semaphore(%run_scoped3A : memref<!tpu.dma_semaphore, #tpu.memory_space<semaphore_mem>>) src(%dma_wait3A_206 : memref<624x128xf32, #tpu.memory_space<hbm>>) dst(%dma_wait3A_204 : memref<624x128xf32, #tpu.memory_space<vmem_shared>>)
        tpu.yield
      }) : () -> ()
      %eq3A_194 = arith.constant 15 : i32
      %eq3A_195 = arith.cmpi eq, %arg1, %eq3A_194 : i32
      %convert_element_type3A_196 = arith.extui %eq3A_195 : i1 to i32
      %cond3A_197 = arith.constant 0 : i32
      %cond3A_198 = arith.cmpi ne, %convert_element_type3A_196, %cond3A_197 : i32
      scf.if %cond3A_198 {
        "tpu.region"() ({
          %run_scoped3A = tpu.sem_alloc : memref<!tpu.dma_semaphore, #tpu.memory_space<semaphore_mem>>
          %dma_start3A_199 = arith.constant 9984 : i32
          %dma_start3A_200 = arith.constant 0 : i32
          %dma_start3A_201 = tpu.memref_slice %arg22[%dma_start3A_199, %dma_start3A_200] : memref<10000x128xf32, #tpu.memory_space<vmem_shared>> -> memref<16x128xf32, #tpu.memory_space<vmem_shared>>
          %dma_start3A_202 = arith.constant 9984 : i32
          %dma_start3A_203 = arith.constant 0 : i32
          %dma_start3A_204 = tpu.memref_slice %arg5[%dma_start3A_202, %dma_start3A_203] : memref<10000x128xf32, #tpu.memory_space<hbm>> -> memref<16x128xf32, #tpu.memory_space<hbm>>
          tpu.enqueue_dma source(%dma_start3A_204 : memref<16x128xf32, #tpu.memory_space<hbm>>) target(%dma_start3A_201 : memref<16x128xf32, #tpu.memory_space<vmem_shared>>) target_semaphore(%run_scoped3A : memref<!tpu.dma_semaphore, #tpu.memory_space<semaphore_mem>>)
          %dma_wait3A_205 = arith.constant 9984 : i32
          %dma_wait3A_206 = arith.constant 0 : i32
          %dma_wait3A_207 = tpu.memref_slice %arg22[%dma_wait3A_205, %dma_wait3A_206] : memref<10000x128xf32, #tpu.memory_space<vmem_shared>> -> memref<16x128xf32, #tpu.memory_space<vmem_shared>>
          %dma_wait3A_208 = arith.constant 9984 : i32
          %dma_wait3A_209 = arith.constant 0 : i32
          %dma_wait3A_210 = tpu.memref_slice %arg5[%dma_wait3A_208, %dma_wait3A_209] : memref<10000x128xf32, #tpu.memory_space<hbm>> -> memref<16x128xf32, #tpu.memory_space<hbm>>
          tpu.wait_dma2 semaphore(%run_scoped3A : memref<!tpu.dma_semaphore, #tpu.memory_space<semaphore_mem>>) src(%dma_wait3A_210 : memref<16x128xf32, #tpu.memory_space<hbm>>) dst(%dma_wait3A_207 : memref<16x128xf32, #tpu.memory_space<vmem_shared>>)
          tpu.yield
        }) : () -> ()
      } else {
      }
    } else {
    }
    %dma_wait3A = arith.constant 0 : i32
    %dma_wait3A_51 = tpu.memref_slice %arg3[%dma_wait3A] : memref<320000xi32, #tpu.memory_space<hbm>> -> memref<40xi32, #tpu.memory_space<hbm>>
    %dma_wait3A_52 = arith.constant 0 : i32
    %dma_wait3A_53 = tpu.memref_slice %arg3[%dma_wait3A_52] : memref<320000xi32, #tpu.memory_space<hbm>> -> memref<40xi32, #tpu.memory_space<hbm>>
    tpu.wait_dma2 semaphore(%arg33 : memref<!tpu.dma_semaphore, #tpu.memory_space<semaphore_mem>>) src(%dma_wait3A_53 : memref<40xi32, #tpu.memory_space<hbm>>) dst(%arg7 : memref<40xi32, #tpu.memory_space<vmem>>)
    %dma_start3A_54 = arith.constant 0 : i32
    %dma_start3A_55 = arith.constant 0 : i32
    %dma_start3A_56 = tpu.memref_slice %arg2[%dma_start3A_54, %dma_start3A_55] : memref<10000x128xf32, #tpu.memory_space<hbm>> -> memref<10000x128xf32, #tpu.memory_space<hbm>>
    tpu.enqueue_indirect_dma source(%dma_start3A_56 : memref<10000x128xf32, #tpu.memory_space<hbm>>) target(%arg17 : memref<40x128xf32, #tpu.memory_space<vmem>>) offsets(%arg7 : memref<40xi32, #tpu.memory_space<vmem>>) semaphore(%arg23 : memref<!tpu.dma_semaphore, #tpu.memory_space<semaphore_mem>>)
    %dma_wait3A_57 = arith.constant 0 : i32
    %dma_wait3A_58 = tpu.memref_slice %arg3[%dma_wait3A_57] : memref<320000xi32, #tpu.memory_space<hbm>> -> memref<40xi32, #tpu.memory_space<hbm>>
    %dma_wait3A_59 = arith.constant 0 : i32
    %dma_wait3A_60 = tpu.memref_slice %arg3[%dma_wait3A_59] : memref<320000xi32, #tpu.memory_space<hbm>> -> memref<40xi32, #tpu.memory_space<hbm>>
    tpu.wait_dma2 semaphore(%arg34 : memref<!tpu.dma_semaphore, #tpu.memory_space<semaphore_mem>>) src(%dma_wait3A_60 : memref<40xi32, #tpu.memory_space<hbm>>) dst(%arg8 : memref<40xi32, #tpu.memory_space<vmem>>)
    %dma_start3A_61 = arith.constant 0 : i32
    %dma_start3A_62 = arith.constant 0 : i32
    %dma_start3A_63 = tpu.memref_slice %arg2[%dma_start3A_61, %dma_start3A_62] : memref<10000x128xf32, #tpu.memory_space<hbm>> -> memref<10000x128xf32, #tpu.memory_space<hbm>>
    tpu.enqueue_indirect_dma source(%dma_start3A_63 : memref<10000x128xf32, #tpu.memory_space<hbm>>) target(%arg18 : memref<40x128xf32, #tpu.memory_space<vmem>>) offsets(%arg8 : memref<40xi32, #tpu.memory_space<vmem>>) semaphore(%arg24 : memref<!tpu.dma_semaphore, #tpu.memory_space<semaphore_mem>>)
    %dma_wait3A_64 = arith.constant 0 : i32
    %dma_wait3A_65 = tpu.memref_slice %arg3[%dma_wait3A_64] : memref<320000xi32, #tpu.memory_space<hbm>> -> memref<40xi32, #tpu.memory_space<hbm>>
    %dma_wait3A_66 = arith.constant 0 : i32
    %dma_wait3A_67 = tpu.memref_slice %arg3[%dma_wait3A_66] : memref<320000xi32, #tpu.memory_space<hbm>> -> memref<40xi32, #tpu.memory_space<hbm>>
    tpu.wait_dma2 semaphore(%arg35 : memref<!tpu.dma_semaphore, #tpu.memory_space<semaphore_mem>>) src(%dma_wait3A_67 : memref<40xi32, #tpu.memory_space<hbm>>) dst(%arg9 : memref<40xi32, #tpu.memory_space<vmem>>)
    %dma_start3A_68 = arith.constant 0 : i32
    %dma_start3A_69 = arith.constant 0 : i32
    %dma_start3A_70 = tpu.memref_slice %arg2[%dma_start3A_68, %dma_start3A_69] : memref<10000x128xf32, #tpu.memory_space<hbm>> -> memref<10000x128xf32, #tpu.memory_space<hbm>>
    tpu.enqueue_indirect_dma source(%dma_start3A_70 : memref<10000x128xf32, #tpu.memory_space<hbm>>) target(%arg19 : memref<40x128xf32, #tpu.memory_space<vmem>>) offsets(%arg9 : memref<40xi32, #tpu.memory_space<vmem>>) semaphore(%arg25 : memref<!tpu.dma_semaphore, #tpu.memory_space<semaphore_mem>>)
    %dma_wait3A_71 = arith.constant 0 : i32
    %dma_wait3A_72 = tpu.memref_slice %arg3[%dma_wait3A_71] : memref<320000xi32, #tpu.memory_space<hbm>> -> memref<40xi32, #tpu.memory_space<hbm>>
    %dma_wait3A_73 = arith.constant 0 : i32
    %dma_wait3A_74 = tpu.memref_slice %arg3[%dma_wait3A_73] : memref<320000xi32, #tpu.memory_space<hbm>> -> memref<40xi32, #tpu.memory_space<hbm>>
    tpu.wait_dma2 semaphore(%arg36 : memref<!tpu.dma_semaphore, #tpu.memory_space<semaphore_mem>>) src(%dma_wait3A_74 : memref<40xi32, #tpu.memory_space<hbm>>) dst(%arg10 : memref<40xi32, #tpu.memory_space<vmem>>)
    %dma_start3A_75 = arith.constant 0 : i32
    %dma_start3A_76 = arith.constant 0 : i32
    %dma_start3A_77 = tpu.memref_slice %arg2[%dma_start3A_75, %dma_start3A_76] : memref<10000x128xf32, #tpu.memory_space<hbm>> -> memref<10000x128xf32, #tpu.memory_space<hbm>>
    tpu.enqueue_indirect_dma source(%dma_start3A_77 : memref<10000x128xf32, #tpu.memory_space<hbm>>) target(%arg20 : memref<40x128xf32, #tpu.memory_space<vmem>>) offsets(%arg10 : memref<40xi32, #tpu.memory_space<vmem>>) semaphore(%arg26 : memref<!tpu.dma_semaphore, #tpu.memory_space<semaphore_mem>>)
    %dma_wait3A_78 = arith.constant 0 : i32
    %dma_wait3A_79 = tpu.memref_slice %arg3[%dma_wait3A_78] : memref<320000xi32, #tpu.memory_space<hbm>> -> memref<40xi32, #tpu.memory_space<hbm>>
    %dma_wait3A_80 = arith.constant 0 : i32
    %dma_wait3A_81 = tpu.memref_slice %arg3[%dma_wait3A_80] : memref<320000xi32, #tpu.memory_space<hbm>> -> memref<40xi32, #tpu.memory_space<hbm>>
    tpu.wait_dma2 semaphore(%arg37 : memref<!tpu.dma_semaphore, #tpu.memory_space<semaphore_mem>>) src(%dma_wait3A_81 : memref<40xi32, #tpu.memory_space<hbm>>) dst(%arg11 : memref<40xi32, #tpu.memory_space<vmem>>)
    %dma_start3A_82 = arith.constant 0 : i32
    %dma_start3A_83 = arith.constant 0 : i32
    %dma_start3A_84 = tpu.memref_slice %arg2[%dma_start3A_82, %dma_start3A_83] : memref<10000x128xf32, #tpu.memory_space<hbm>> -> memref<10000x128xf32, #tpu.memory_space<hbm>>
    tpu.enqueue_indirect_dma source(%dma_start3A_84 : memref<10000x128xf32, #tpu.memory_space<hbm>>) target(%arg21 : memref<40x128xf32, #tpu.memory_space<vmem>>) offsets(%arg11 : memref<40xi32, #tpu.memory_space<vmem>>) semaphore(%arg27 : memref<!tpu.dma_semaphore, #tpu.memory_space<semaphore_mem>>)
    %barrier3A = arith.constant 0 : index
    tpu.barrier barrier_id(%barrier3A)
    %scan3A = arith.constant 0 : i32
    %scan3A_85 = arith.constant 0 : i32
    %scan3A_86 = arith.constant 49 : i32
    %scan3A_87 = arith.addi %scan3A_85, %scan3A_86 : i32
    %scan3A_88 = arith.constant 1 : i32
    scf.for %scan3A_194 = %scan3A_85 to %scan3A_87 step %scan3A_88  : i32 {
      %mul3A_195 = arith.constant 5 : i32
      %mul3A_196 = arith.muli %mul3A_195, %scan3A_194 : i32
      %dma_wait3A_197 = arith.constant 0 : i32
      %dma_wait3A_198 = arith.constant 0 : i32
      %dma_wait3A_199 = tpu.memref_slice %arg2[%dma_wait3A_197, %dma_wait3A_198] : memref<10000x128xf32, #tpu.memory_space<hbm>> -> memref<40x128xf32, #tpu.memory_space<hbm>>
      %dma_wait3A_200 = arith.constant 0 : i32
      %dma_wait3A_201 = arith.constant 0 : i32
      %dma_wait3A_202 = tpu.memref_slice %arg2[%dma_wait3A_200, %dma_wait3A_201] : memref<10000x128xf32, #tpu.memory_space<hbm>> -> memref<40x128xf32, #tpu.memory_space<hbm>>
      tpu.wait_dma2 semaphore(%arg23 : memref<!tpu.dma_semaphore, #tpu.memory_space<semaphore_mem>>) src(%dma_wait3A_202 : memref<40x128xf32, #tpu.memory_space<hbm>>) dst(%arg17 : memref<40x128xf32, #tpu.memory_space<vmem>>)
      %add3A_203 = arith.constant 0 : i32
      %add3A_204 = arith.addi %mul3A_196, %add3A_203 : i32
      %add3A_205 = arith.constant 5 : i32
      %add3A_206 = arith.addi %add3A_204, %add3A_205 : i32
      %mul3A_207 = arith.constant 40 : i32
      %mul3A_208 = arith.muli %add3A_206, %mul3A_207 : i32
      %add3A_209 = arith.addi %mul3A_4, %mul3A_208 : i32
      %dma_start3A_210 = tpu.memref_slice %arg3[%add3A_209] : memref<320000xi32, #tpu.memory_space<hbm>> -> memref<40xi32, #tpu.memory_space<hbm>>
      %dma_start3A_211 = tpu.memref_slice %arg3[%add3A_209] : memref<320000xi32, #tpu.memory_space<hbm>> -> memref<40xi32, #tpu.memory_space<hbm>>
      tpu.enqueue_dma source(%dma_start3A_211 : memref<40xi32, #tpu.memory_space<hbm>>) target(%arg7 : memref<40xi32, #tpu.memory_space<vmem>>) target_semaphore(%arg33 : memref<!tpu.dma_semaphore, #tpu.memory_space<semaphore_mem>>)
      %dma_wait3A_212 = arith.constant 0 : i32
      %dma_wait3A_213 = tpu.memref_slice %arg4[%dma_wait3A_212] : memref<320000xi32, #tpu.memory_space<hbm>> -> memref<40xi32, #tpu.memory_space<hbm>>
      %dma_wait3A_214 = arith.constant 0 : i32
      %dma_wait3A_215 = tpu.memref_slice %arg4[%dma_wait3A_214] : memref<320000xi32, #tpu.memory_space<hbm>> -> memref<40xi32, #tpu.memory_space<hbm>>
      tpu.wait_dma2 semaphore(%arg38 : memref<!tpu.dma_semaphore, #tpu.memory_space<semaphore_mem>>) src(%dma_wait3A_215 : memref<40xi32, #tpu.memory_space<hbm>>) dst(%arg12 : memref<40xi32, #tpu.memory_space<vmem>>)
      %dma_start3A_216 = arith.constant 0 : i32
      %dma_start3A_217 = arith.constant 0 : i32
      %dma_start3A_218 = tpu.memref_slice %arg22[%dma_start3A_216, %dma_start3A_217] : memref<10000x128xf32, #tpu.memory_space<vmem_shared>> -> memref<10000x128xf32, #tpu.memory_space<vmem_shared>>
      tpu.enqueue_indirect_dma source(%arg17 : memref<40x128xf32, #tpu.memory_space<vmem>>) target(%dma_start3A_218 : memref<10000x128xf32, #tpu.memory_space<vmem_shared>>) offsets(%arg12 : memref<40xi32, #tpu.memory_space<vmem>>) semaphore(%arg28 : memref<!tpu.dma_semaphore, #tpu.memory_space<semaphore_mem>>) {add = true}
      %dma_wait3A_219 = arith.constant 0 : i32
      %dma_wait3A_220 = arith.constant 0 : i32
      %dma_wait3A_221 = tpu.memref_slice %arg2[%dma_wait3A_219, %dma_wait3A_220] : memref<10000x128xf32, #tpu.memory_space<hbm>> -> memref<40x128xf32, #tpu.memory_space<hbm>>
      %dma_wait3A_222 = arith.constant 0 : i32
      %dma_wait3A_223 = arith.constant 0 : i32
      %dma_wait3A_224 = tpu.memref_slice %arg2[%dma_wait3A_222, %dma_wait3A_223] : memref<10000x128xf32, #tpu.memory_space<hbm>> -> memref<40x128xf32, #tpu.memory_space<hbm>>
      tpu.wait_dma2 semaphore(%arg24 : memref<!tpu.dma_semaphore, #tpu.memory_space<semaphore_mem>>) src(%dma_wait3A_224 : memref<40x128xf32, #tpu.memory_space<hbm>>) dst(%arg18 : memref<40x128xf32, #tpu.memory_space<vmem>>)
      %add3A_225 = arith.constant 1 : i32
      %add3A_226 = arith.addi %mul3A_196, %add3A_225 : i32
      %add3A_227 = arith.constant 5 : i32
      %add3A_228 = arith.addi %add3A_226, %add3A_227 : i32
      %mul3A_229 = arith.constant 40 : i32
      %mul3A_230 = arith.muli %add3A_228, %mul3A_229 : i32
      %add3A_231 = arith.addi %mul3A_4, %mul3A_230 : i32
      %dma_start3A_232 = tpu.memref_slice %arg3[%add3A_231] : memref<320000xi32, #tpu.memory_space<hbm>> -> memref<40xi32, #tpu.memory_space<hbm>>
      %dma_start3A_233 = tpu.memref_slice %arg3[%add3A_231] : memref<320000xi32, #tpu.memory_space<hbm>> -> memref<40xi32, #tpu.memory_space<hbm>>
      tpu.enqueue_dma source(%dma_start3A_233 : memref<40xi32, #tpu.memory_space<hbm>>) target(%arg8 : memref<40xi32, #tpu.memory_space<vmem>>) target_semaphore(%arg34 : memref<!tpu.dma_semaphore, #tpu.memory_space<semaphore_mem>>)
      %dma_wait3A_234 = arith.constant 0 : i32
      %dma_wait3A_235 = tpu.memref_slice %arg4[%dma_wait3A_234] : memref<320000xi32, #tpu.memory_space<hbm>> -> memref<40xi32, #tpu.memory_space<hbm>>
      %dma_wait3A_236 = arith.constant 0 : i32
      %dma_wait3A_237 = tpu.memref_slice %arg4[%dma_wait3A_236] : memref<320000xi32, #tpu.memory_space<hbm>> -> memref<40xi32, #tpu.memory_space<hbm>>
      tpu.wait_dma2 semaphore(%arg39 : memref<!tpu.dma_semaphore, #tpu.memory_space<semaphore_mem>>) src(%dma_wait3A_237 : memref<40xi32, #tpu.memory_space<hbm>>) dst(%arg13 : memref<40xi32, #tpu.memory_space<vmem>>)
      %dma_start3A_238 = arith.constant 0 : i32
      %dma_start3A_239 = arith.constant 0 : i32
      %dma_start3A_240 = tpu.memref_slice %arg22[%dma_start3A_238, %dma_start3A_239] : memref<10000x128xf32, #tpu.memory_space<vmem_shared>> -> memref<10000x128xf32, #tpu.memory_space<vmem_shared>>
      tpu.enqueue_indirect_dma source(%arg18 : memref<40x128xf32, #tpu.memory_space<vmem>>) target(%dma_start3A_240 : memref<10000x128xf32, #tpu.memory_space<vmem_shared>>) offsets(%arg13 : memref<40xi32, #tpu.memory_space<vmem>>) semaphore(%arg29 : memref<!tpu.dma_semaphore, #tpu.memory_space<semaphore_mem>>) {add = true}
      %dma_wait3A_241 = arith.constant 0 : i32
      %dma_wait3A_242 = arith.constant 0 : i32
      %dma_wait3A_243 = tpu.memref_slice %arg2[%dma_wait3A_241, %dma_wait3A_242] : memref<10000x128xf32, #tpu.memory_space<hbm>> -> memref<40x128xf32, #tpu.memory_space<hbm>>
      %dma_wait3A_244 = arith.constant 0 : i32
      %dma_wait3A_245 = arith.constant 0 : i32
      %dma_wait3A_246 = tpu.memref_slice %arg2[%dma_wait3A_244, %dma_wait3A_245] : memref<10000x128xf32, #tpu.memory_space<hbm>> -> memref<40x128xf32, #tpu.memory_space<hbm>>
      tpu.wait_dma2 semaphore(%arg25 : memref<!tpu.dma_semaphore, #tpu.memory_space<semaphore_mem>>) src(%dma_wait3A_246 : memref<40x128xf32, #tpu.memory_space<hbm>>) dst(%arg19 : memref<40x128xf32, #tpu.memory_space<vmem>>)
      %add3A_247 = arith.constant 2 : i32
      %add3A_248 = arith.addi %mul3A_196, %add3A_247 : i32
      %add3A_249 = arith.constant 5 : i32
      %add3A_250 = arith.addi %add3A_248, %add3A_249 : i32
      %mul3A_251 = arith.constant 40 : i32
      %mul3A_252 = arith.muli %add3A_250, %mul3A_251 : i32
      %add3A_253 = arith.addi %mul3A_4, %mul3A_252 : i32
      %dma_start3A_254 = tpu.memref_slice %arg3[%add3A_253] : memref<320000xi32, #tpu.memory_space<hbm>> -> memref<40xi32, #tpu.memory_space<hbm>>
      %dma_start3A_255 = tpu.memref_slice %arg3[%add3A_253] : memref<320000xi32, #tpu.memory_space<hbm>> -> memref<40xi32, #tpu.memory_space<hbm>>
      tpu.enqueue_dma source(%dma_start3A_255 : memref<40xi32, #tpu.memory_space<hbm>>) target(%arg9 : memref<40xi32, #tpu.memory_space<vmem>>) target_semaphore(%arg35 : memref<!tpu.dma_semaphore, #tpu.memory_space<semaphore_mem>>)
      %dma_wait3A_256 = arith.constant 0 : i32
      %dma_wait3A_257 = tpu.memref_slice %arg4[%dma_wait3A_256] : memref<320000xi32, #tpu.memory_space<hbm>> -> memref<40xi32, #tpu.memory_space<hbm>>
      %dma_wait3A_258 = arith.constant 0 : i32
      %dma_wait3A_259 = tpu.memref_slice %arg4[%dma_wait3A_258] : memref<320000xi32, #tpu.memory_space<hbm>> -> memref<40xi32, #tpu.memory_space<hbm>>
      tpu.wait_dma2 semaphore(%arg40 : memref<!tpu.dma_semaphore, #tpu.memory_space<semaphore_mem>>) src(%dma_wait3A_259 : memref<40xi32, #tpu.memory_space<hbm>>) dst(%arg14 : memref<40xi32, #tpu.memory_space<vmem>>)
      %dma_start3A_260 = arith.constant 0 : i32
      %dma_start3A_261 = arith.constant 0 : i32
      %dma_start3A_262 = tpu.memref_slice %arg22[%dma_start3A_260, %dma_start3A_261] : memref<10000x128xf32, #tpu.memory_space<vmem_shared>> -> memref<10000x128xf32, #tpu.memory_space<vmem_shared>>
      tpu.enqueue_indirect_dma source(%arg19 : memref<40x128xf32, #tpu.memory_space<vmem>>) target(%dma_start3A_262 : memref<10000x128xf32, #tpu.memory_space<vmem_shared>>) offsets(%arg14 : memref<40xi32, #tpu.memory_space<vmem>>) semaphore(%arg30 : memref<!tpu.dma_semaphore, #tpu.memory_space<semaphore_mem>>) {add = true}
      %dma_wait3A_263 = arith.constant 0 : i32
      %dma_wait3A_264 = arith.constant 0 : i32
      %dma_wait3A_265 = tpu.memref_slice %arg2[%dma_wait3A_263, %dma_wait3A_264] : memref<10000x128xf32, #tpu.memory_space<hbm>> -> memref<40x128xf32, #tpu.memory_space<hbm>>
      %dma_wait3A_266 = arith.constant 0 : i32
      %dma_wait3A_267 = arith.constant 0 : i32
      %dma_wait3A_268 = tpu.memref_slice %arg2[%dma_wait3A_266, %dma_wait3A_267] : memref<10000x128xf32, #tpu.memory_space<hbm>> -> memref<40x128xf32, #tpu.memory_space<hbm>>
      tpu.wait_dma2 semaphore(%arg26 : memref<!tpu.dma_semaphore, #tpu.memory_space<semaphore_mem>>) src(%dma_wait3A_268 : memref<40x128xf32, #tpu.memory_space<hbm>>) dst(%arg20 : memref<40x128xf32, #tpu.memory_space<vmem>>)
      %add3A_269 = arith.constant 3 : i32
      %add3A_270 = arith.addi %mul3A_196, %add3A_269 : i32
      %add3A_271 = arith.constant 5 : i32
      %add3A_272 = arith.addi %add3A_270, %add3A_271 : i32
      %mul3A_273 = arith.constant 40 : i32
      %mul3A_274 = arith.muli %add3A_272, %mul3A_273 : i32
      %add3A_275 = arith.addi %mul3A_4, %mul3A_274 : i32
      %dma_start3A_276 = tpu.memref_slice %arg3[%add3A_275] : memref<320000xi32, #tpu.memory_space<hbm>> -> memref<40xi32, #tpu.memory_space<hbm>>
      %dma_start3A_277 = tpu.memref_slice %arg3[%add3A_275] : memref<320000xi32, #tpu.memory_space<hbm>> -> memref<40xi32, #tpu.memory_space<hbm>>
      tpu.enqueue_dma source(%dma_start3A_277 : memref<40xi32, #tpu.memory_space<hbm>>) target(%arg10 : memref<40xi32, #tpu.memory_space<vmem>>) target_semaphore(%arg36 : memref<!tpu.dma_semaphore, #tpu.memory_space<semaphore_mem>>)
      %dma_wait3A_278 = arith.constant 0 : i32
      %dma_wait3A_279 = tpu.memref_slice %arg4[%dma_wait3A_278] : memref<320000xi32, #tpu.memory_space<hbm>> -> memref<40xi32, #tpu.memory_space<hbm>>
      %dma_wait3A_280 = arith.constant 0 : i32
      %dma_wait3A_281 = tpu.memref_slice %arg4[%dma_wait3A_280] : memref<320000xi32, #tpu.memory_space<hbm>> -> memref<40xi32, #tpu.memory_space<hbm>>
      tpu.wait_dma2 semaphore(%arg41 : memref<!tpu.dma_semaphore, #tpu.memory_space<semaphore_mem>>) src(%dma_wait3A_281 : memref<40xi32, #tpu.memory_space<hbm>>) dst(%arg15 : memref<40xi32, #tpu.memory_space<vmem>>)
      %dma_start3A_282 = arith.constant 0 : i32
      %dma_start3A_283 = arith.constant 0 : i32
      %dma_start3A_284 = tpu.memref_slice %arg22[%dma_start3A_282, %dma_start3A_283] : memref<10000x128xf32, #tpu.memory_space<vmem_shared>> -> memref<10000x128xf32, #tpu.memory_space<vmem_shared>>
      tpu.enqueue_indirect_dma source(%arg20 : memref<40x128xf32, #tpu.memory_space<vmem>>) target(%dma_start3A_284 : memref<10000x128xf32, #tpu.memory_space<vmem_shared>>) offsets(%arg15 : memref<40xi32, #tpu.memory_space<vmem>>) semaphore(%arg31 : memref<!tpu.dma_semaphore, #tpu.memory_space<semaphore_mem>>) {add = true}
      %dma_wait3A_285 = arith.constant 0 : i32
      %dma_wait3A_286 = arith.constant 0 : i32
      %dma_wait3A_287 = tpu.memref_slice %arg2[%dma_wait3A_285, %dma_wait3A_286] : memref<10000x128xf32, #tpu.memory_space<hbm>> -> memref<40x128xf32, #tpu.memory_space<hbm>>
      %dma_wait3A_288 = arith.constant 0 : i32
      %dma_wait3A_289 = arith.constant 0 : i32
      %dma_wait3A_290 = tpu.memref_slice %arg2[%dma_wait3A_288, %dma_wait3A_289] : memref<10000x128xf32, #tpu.memory_space<hbm>> -> memref<40x128xf32, #tpu.memory_space<hbm>>
      tpu.wait_dma2 semaphore(%arg27 : memref<!tpu.dma_semaphore, #tpu.memory_space<semaphore_mem>>) src(%dma_wait3A_290 : memref<40x128xf32, #tpu.memory_space<hbm>>) dst(%arg21 : memref<40x128xf32, #tpu.memory_space<vmem>>)
      %add3A_291 = arith.constant 4 : i32
      %add3A_292 = arith.addi %mul3A_196, %add3A_291 : i32
      %add3A_293 = arith.constant 5 : i32
      %add3A_294 = arith.addi %add3A_292, %add3A_293 : i32
      %mul3A_295 = arith.constant 40 : i32
      %mul3A_296 = arith.muli %add3A_294, %mul3A_295 : i32
      %add3A_297 = arith.addi %mul3A_4, %mul3A_296 : i32
      %dma_start3A_298 = tpu.memref_slice %arg3[%add3A_297] : memref<320000xi32, #tpu.memory_space<hbm>> -> memref<40xi32, #tpu.memory_space<hbm>>
      %dma_start3A_299 = tpu.memref_slice %arg3[%add3A_297] : memref<320000xi32, #tpu.memory_space<hbm>> -> memref<40xi32, #tpu.memory_space<hbm>>
      tpu.enqueue_dma source(%dma_start3A_299 : memref<40xi32, #tpu.memory_space<hbm>>) target(%arg11 : memref<40xi32, #tpu.memory_space<vmem>>) target_semaphore(%arg37 : memref<!tpu.dma_semaphore, #tpu.memory_space<semaphore_mem>>)
      %dma_wait3A_300 = arith.constant 0 : i32
      %dma_wait3A_301 = tpu.memref_slice %arg4[%dma_wait3A_300] : memref<320000xi32, #tpu.memory_space<hbm>> -> memref<40xi32, #tpu.memory_space<hbm>>
      %dma_wait3A_302 = arith.constant 0 : i32
      %dma_wait3A_303 = tpu.memref_slice %arg4[%dma_wait3A_302] : memref<320000xi32, #tpu.memory_space<hbm>> -> memref<40xi32, #tpu.memory_space<hbm>>
      tpu.wait_dma2 semaphore(%arg42 : memref<!tpu.dma_semaphore, #tpu.memory_space<semaphore_mem>>) src(%dma_wait3A_303 : memref<40xi32, #tpu.memory_space<hbm>>) dst(%arg16 : memref<40xi32, #tpu.memory_space<vmem>>)
      %dma_start3A_304 = arith.constant 0 : i32
      %dma_start3A_305 = arith.constant 0 : i32
      %dma_start3A_306 = tpu.memref_slice %arg22[%dma_start3A_304, %dma_start3A_305] : memref<10000x128xf32, #tpu.memory_space<vmem_shared>> -> memref<10000x128xf32, #tpu.memory_space<vmem_shared>>
      tpu.enqueue_indirect_dma source(%arg21 : memref<40x128xf32, #tpu.memory_space<vmem>>) target(%dma_start3A_306 : memref<10000x128xf32, #tpu.memory_space<vmem_shared>>) offsets(%arg16 : memref<40xi32, #tpu.memory_space<vmem>>) semaphore(%arg32 : memref<!tpu.dma_semaphore, #tpu.memory_space<semaphore_mem>>) {add = true}
      %dma_wait3A_307 = arith.constant 0 : i32
      %dma_wait3A_308 = arith.constant 0 : i32
      %dma_wait3A_309 = tpu.memref_slice %arg2[%dma_wait3A_307, %dma_wait3A_308] : memref<10000x128xf32, #tpu.memory_space<hbm>> -> memref<40x128xf32, #tpu.memory_space<hbm>>
      %dma_wait3A_310 = arith.constant 0 : i32
      %dma_wait3A_311 = arith.constant 0 : i32
      %dma_wait3A_312 = tpu.memref_slice %arg2[%dma_wait3A_310, %dma_wait3A_311] : memref<10000x128xf32, #tpu.memory_space<hbm>> -> memref<40x128xf32, #tpu.memory_space<hbm>>
      tpu.wait_dma2 semaphore(%arg28 : memref<!tpu.dma_semaphore, #tpu.memory_space<semaphore_mem>>) src(%dma_wait3A_312 : memref<40x128xf32, #tpu.memory_space<hbm>>) dst(%arg17 : memref<40x128xf32, #tpu.memory_space<vmem>>)
      %add3A_313 = arith.constant 0 : i32
      %add3A_314 = arith.addi %mul3A_196, %add3A_313 : i32
      %add3A_315 = arith.constant 5 : i32
      %add3A_316 = arith.addi %add3A_314, %add3A_315 : i32
      %mul3A_317 = arith.constant 40 : i32
      %mul3A_318 = arith.muli %add3A_316, %mul3A_317 : i32
      %add3A_319 = arith.addi %mul3A_4, %mul3A_318 : i32
      %dma_start3A_320 = tpu.memref_slice %arg4[%add3A_319] : memref<320000xi32, #tpu.memory_space<hbm>> -> memref<40xi32, #tpu.memory_space<hbm>>
      %dma_start3A_321 = tpu.memref_slice %arg4[%add3A_319] : memref<320000xi32, #tpu.memory_space<hbm>> -> memref<40xi32, #tpu.memory_space<hbm>>
      tpu.enqueue_dma source(%dma_start3A_321 : memref<40xi32, #tpu.memory_space<hbm>>) target(%arg12 : memref<40xi32, #tpu.memory_space<vmem>>) target_semaphore(%arg38 : memref<!tpu.dma_semaphore, #tpu.memory_space<semaphore_mem>>)
      %dma_wait3A_322 = arith.constant 0 : i32
      %dma_wait3A_323 = tpu.memref_slice %arg3[%dma_wait3A_322] : memref<320000xi32, #tpu.memory_space<hbm>> -> memref<40xi32, #tpu.memory_space<hbm>>
      %dma_wait3A_324 = arith.constant 0 : i32
      %dma_wait3A_325 = tpu.memref_slice %arg3[%dma_wait3A_324] : memref<320000xi32, #tpu.memory_space<hbm>> -> memref<40xi32, #tpu.memory_space<hbm>>
      tpu.wait_dma2 semaphore(%arg33 : memref<!tpu.dma_semaphore, #tpu.memory_space<semaphore_mem>>) src(%dma_wait3A_325 : memref<40xi32, #tpu.memory_space<hbm>>) dst(%arg7 : memref<40xi32, #tpu.memory_space<vmem>>)
      %dma_start3A_326 = arith.constant 0 : i32
      %dma_start3A_327 = arith.constant 0 : i32
      %dma_start3A_328 = tpu.memref_slice %arg2[%dma_start3A_326, %dma_start3A_327] : memref<10000x128xf32, #tpu.memory_space<hbm>> -> memref<10000x128xf32, #tpu.memory_space<hbm>>
      tpu.enqueue_indirect_dma source(%dma_start3A_328 : memref<10000x128xf32, #tpu.memory_space<hbm>>) target(%arg17 : memref<40x128xf32, #tpu.memory_space<vmem>>) offsets(%arg7 : memref<40xi32, #tpu.memory_space<vmem>>) semaphore(%arg23 : memref<!tpu.dma_semaphore, #tpu.memory_space<semaphore_mem>>)
      %dma_wait3A_329 = arith.constant 0 : i32
      %dma_wait3A_330 = arith.constant 0 : i32
      %dma_wait3A_331 = tpu.memref_slice %arg2[%dma_wait3A_329, %dma_wait3A_330] : memref<10000x128xf32, #tpu.memory_space<hbm>> -> memref<40x128xf32, #tpu.memory_space<hbm>>
      %dma_wait3A_332 = arith.constant 0 : i32
      %dma_wait3A_333 = arith.constant 0 : i32
      %dma_wait3A_334 = tpu.memref_slice %arg2[%dma_wait3A_332, %dma_wait3A_333] : memref<10000x128xf32, #tpu.memory_space<hbm>> -> memref<40x128xf32, #tpu.memory_space<hbm>>
      tpu.wait_dma2 semaphore(%arg29 : memref<!tpu.dma_semaphore, #tpu.memory_space<semaphore_mem>>) src(%dma_wait3A_334 : memref<40x128xf32, #tpu.memory_space<hbm>>) dst(%arg18 : memref<40x128xf32, #tpu.memory_space<vmem>>)
      %add3A_335 = arith.constant 1 : i32
      %add3A_336 = arith.addi %mul3A_196, %add3A_335 : i32
      %add3A_337 = arith.constant 5 : i32
      %add3A_338 = arith.addi %add3A_336, %add3A_337 : i32
      %mul3A_339 = arith.constant 40 : i32
      %mul3A_340 = arith.muli %add3A_338, %mul3A_339 : i32
      %add3A_341 = arith.addi %mul3A_4, %mul3A_340 : i32
      %dma_start3A_342 = tpu.memref_slice %arg4[%add3A_341] : memref<320000xi32, #tpu.memory_space<hbm>> -> memref<40xi32, #tpu.memory_space<hbm>>
      %dma_start3A_343 = tpu.memref_slice %arg4[%add3A_341] : memref<320000xi32, #tpu.memory_space<hbm>> -> memref<40xi32, #tpu.memory_space<hbm>>
      tpu.enqueue_dma source(%dma_start3A_343 : memref<40xi32, #tpu.memory_space<hbm>>) target(%arg13 : memref<40xi32, #tpu.memory_space<vmem>>) target_semaphore(%arg39 : memref<!tpu.dma_semaphore, #tpu.memory_space<semaphore_mem>>)
      %dma_wait3A_344 = arith.constant 0 : i32
      %dma_wait3A_345 = tpu.memref_slice %arg3[%dma_wait3A_344] : memref<320000xi32, #tpu.memory_space<hbm>> -> memref<40xi32, #tpu.memory_space<hbm>>
      %dma_wait3A_346 = arith.constant 0 : i32
      %dma_wait3A_347 = tpu.memref_slice %arg3[%dma_wait3A_346] : memref<320000xi32, #tpu.memory_space<hbm>> -> memref<40xi32, #tpu.memory_space<hbm>>
      tpu.wait_dma2 semaphore(%arg34 : memref<!tpu.dma_semaphore, #tpu.memory_space<semaphore_mem>>) src(%dma_wait3A_347 : memref<40xi32, #tpu.memory_space<hbm>>) dst(%arg8 : memref<40xi32, #tpu.memory_space<vmem>>)
      %dma_start3A_348 = arith.constant 0 : i32
      %dma_start3A_349 = arith.constant 0 : i32
      %dma_start3A_350 = tpu.memref_slice %arg2[%dma_start3A_348, %dma_start3A_349] : memref<10000x128xf32, #tpu.memory_space<hbm>> -> memref<10000x128xf32, #tpu.memory_space<hbm>>
      tpu.enqueue_indirect_dma source(%dma_start3A_350 : memref<10000x128xf32, #tpu.memory_space<hbm>>) target(%arg18 : memref<40x128xf32, #tpu.memory_space<vmem>>) offsets(%arg8 : memref<40xi32, #tpu.memory_space<vmem>>) semaphore(%arg24 : memref<!tpu.dma_semaphore, #tpu.memory_space<semaphore_mem>>)
      %dma_wait3A_351 = arith.constant 0 : i32
      %dma_wait3A_352 = arith.constant 0 : i32
      %dma_wait3A_353 = tpu.memref_slice %arg2[%dma_wait3A_351, %dma_wait3A_352] : memref<10000x128xf32, #tpu.memory_space<hbm>> -> memref<40x128xf32, #tpu.memory_space<hbm>>
      %dma_wait3A_354 = arith.constant 0 : i32
      %dma_wait3A_355 = arith.constant 0 : i32
      %dma_wait3A_356 = tpu.memref_slice %arg2[%dma_wait3A_354, %dma_wait3A_355] : memref<10000x128xf32, #tpu.memory_space<hbm>> -> memref<40x128xf32, #tpu.memory_space<hbm>>
      tpu.wait_dma2 semaphore(%arg30 : memref<!tpu.dma_semaphore, #tpu.memory_space<semaphore_mem>>) src(%dma_wait3A_356 : memref<40x128xf32, #tpu.memory_space<hbm>>) dst(%arg19 : memref<40x128xf32, #tpu.memory_space<vmem>>)
      %add3A_357 = arith.constant 2 : i32
      %add3A_358 = arith.addi %mul3A_196, %add3A_357 : i32
      %add3A_359 = arith.constant 5 : i32
      %add3A_360 = arith.addi %add3A_358, %add3A_359 : i32
      %mul3A_361 = arith.constant 40 : i32
      %mul3A_362 = arith.muli %add3A_360, %mul3A_361 : i32
      %add3A_363 = arith.addi %mul3A_4, %mul3A_362 : i32
      %dma_start3A_364 = tpu.memref_slice %arg4[%add3A_363] : memref<320000xi32, #tpu.memory_space<hbm>> -> memref<40xi32, #tpu.memory_space<hbm>>
      %dma_start3A_365 = tpu.memref_slice %arg4[%add3A_363] : memref<320000xi32, #tpu.memory_space<hbm>> -> memref<40xi32, #tpu.memory_space<hbm>>
      tpu.enqueue_dma source(%dma_start3A_365 : memref<40xi32, #tpu.memory_space<hbm>>) target(%arg14 : memref<40xi32, #tpu.memory_space<vmem>>) target_semaphore(%arg40 : memref<!tpu.dma_semaphore, #tpu.memory_space<semaphore_mem>>)
      %dma_wait3A_366 = arith.constant 0 : i32
      %dma_wait3A_367 = tpu.memref_slice %arg3[%dma_wait3A_366] : memref<320000xi32, #tpu.memory_space<hbm>> -> memref<40xi32, #tpu.memory_space<hbm>>
      %dma_wait3A_368 = arith.constant 0 : i32
      %dma_wait3A_369 = tpu.memref_slice %arg3[%dma_wait3A_368] : memref<320000xi32, #tpu.memory_space<hbm>> -> memref<40xi32, #tpu.memory_space<hbm>>
      tpu.wait_dma2 semaphore(%arg35 : memref<!tpu.dma_semaphore, #tpu.memory_space<semaphore_mem>>) src(%dma_wait3A_369 : memref<40xi32, #tpu.memory_space<hbm>>) dst(%arg9 : memref<40xi32, #tpu.memory_space<vmem>>)
      %dma_start3A_370 = arith.constant 0 : i32
      %dma_start3A_371 = arith.constant 0 : i32
      %dma_start3A_372 = tpu.memref_slice %arg2[%dma_start3A_370, %dma_start3A_371] : memref<10000x128xf32, #tpu.memory_space<hbm>> -> memref<10000x128xf32, #tpu.memory_space<hbm>>
      tpu.enqueue_indirect_dma source(%dma_start3A_372 : memref<10000x128xf32, #tpu.memory_space<hbm>>) target(%arg19 : memref<40x128xf32, #tpu.memory_space<vmem>>) offsets(%arg9 : memref<40xi32, #tpu.memory_space<vmem>>) semaphore(%arg25 : memref<!tpu.dma_semaphore, #tpu.memory_space<semaphore_mem>>)
      %dma_wait3A_373 = arith.constant 0 : i32
      %dma_wait3A_374 = arith.constant 0 : i32
      %dma_wait3A_375 = tpu.memref_slice %arg2[%dma_wait3A_373, %dma_wait3A_374] : memref<10000x128xf32, #tpu.memory_space<hbm>> -> memref<40x128xf32, #tpu.memory_space<hbm>>
      %dma_wait3A_376 = arith.constant 0 : i32
      %dma_wait3A_377 = arith.constant 0 : i32
      %dma_wait3A_378 = tpu.memref_slice %arg2[%dma_wait3A_376, %dma_wait3A_377] : memref<10000x128xf32, #tpu.memory_space<hbm>> -> memref<40x128xf32, #tpu.memory_space<hbm>>
      tpu.wait_dma2 semaphore(%arg31 : memref<!tpu.dma_semaphore, #tpu.memory_space<semaphore_mem>>) src(%dma_wait3A_378 : memref<40x128xf32, #tpu.memory_space<hbm>>) dst(%arg20 : memref<40x128xf32, #tpu.memory_space<vmem>>)
      %add3A_379 = arith.constant 3 : i32
      %add3A_380 = arith.addi %mul3A_196, %add3A_379 : i32
      %add3A_381 = arith.constant 5 : i32
      %add3A_382 = arith.addi %add3A_380, %add3A_381 : i32
      %mul3A_383 = arith.constant 40 : i32
      %mul3A_384 = arith.muli %add3A_382, %mul3A_383 : i32
      %add3A_385 = arith.addi %mul3A_4, %mul3A_384 : i32
      %dma_start3A_386 = tpu.memref_slice %arg4[%add3A_385] : memref<320000xi32, #tpu.memory_space<hbm>> -> memref<40xi32, #tpu.memory_space<hbm>>
      %dma_start3A_387 = tpu.memref_slice %arg4[%add3A_385] : memref<320000xi32, #tpu.memory_space<hbm>> -> memref<40xi32, #tpu.memory_space<hbm>>
      tpu.enqueue_dma source(%dma_start3A_387 : memref<40xi32, #tpu.memory_space<hbm>>) target(%arg15 : memref<40xi32, #tpu.memory_space<vmem>>) target_semaphore(%arg41 : memref<!tpu.dma_semaphore, #tpu.memory_space<semaphore_mem>>)
      %dma_wait3A_388 = arith.constant 0 : i32
      %dma_wait3A_389 = tpu.memref_slice %arg3[%dma_wait3A_388] : memref<320000xi32, #tpu.memory_space<hbm>> -> memref<40xi32, #tpu.memory_space<hbm>>
      %dma_wait3A_390 = arith.constant 0 : i32
      %dma_wait3A_391 = tpu.memref_slice %arg3[%dma_wait3A_390] : memref<320000xi32, #tpu.memory_space<hbm>> -> memref<40xi32, #tpu.memory_space<hbm>>
      tpu.wait_dma2 semaphore(%arg36 : memref<!tpu.dma_semaphore, #tpu.memory_space<semaphore_mem>>) src(%dma_wait3A_391 : memref<40xi32, #tpu.memory_space<hbm>>) dst(%arg10 : memref<40xi32, #tpu.memory_space<vmem>>)
      %dma_start3A_392 = arith.constant 0 : i32
      %dma_start3A_393 = arith.constant 0 : i32
      %dma_start3A_394 = tpu.memref_slice %arg2[%dma_start3A_392, %dma_start3A_393] : memref<10000x128xf32, #tpu.memory_space<hbm>> -> memref<10000x128xf32, #tpu.memory_space<hbm>>
      tpu.enqueue_indirect_dma source(%dma_start3A_394 : memref<10000x128xf32, #tpu.memory_space<hbm>>) target(%arg20 : memref<40x128xf32, #tpu.memory_space<vmem>>) offsets(%arg10 : memref<40xi32, #tpu.memory_space<vmem>>) semaphore(%arg26 : memref<!tpu.dma_semaphore, #tpu.memory_space<semaphore_mem>>)
      %dma_wait3A_395 = arith.constant 0 : i32
      %dma_wait3A_396 = arith.constant 0 : i32
      %dma_wait3A_397 = tpu.memref_slice %arg2[%dma_wait3A_395, %dma_wait3A_396] : memref<10000x128xf32, #tpu.memory_space<hbm>> -> memref<40x128xf32, #tpu.memory_space<hbm>>
      %dma_wait3A_398 = arith.constant 0 : i32
      %dma_wait3A_399 = arith.constant 0 : i32
      %dma_wait3A_400 = tpu.memref_slice %arg2[%dma_wait3A_398, %dma_wait3A_399] : memref<10000x128xf32, #tpu.memory_space<hbm>> -> memref<40x128xf32, #tpu.memory_space<hbm>>
      tpu.wait_dma2 semaphore(%arg32 : memref<!tpu.dma_semaphore, #tpu.memory_space<semaphore_mem>>) src(%dma_wait3A_400 : memref<40x128xf32, #tpu.memory_space<hbm>>) dst(%arg21 : memref<40x128xf32, #tpu.memory_space<vmem>>)
      %add3A_401 = arith.constant 4 : i32
      %add3A_402 = arith.addi %mul3A_196, %add3A_401 : i32
      %add3A_403 = arith.constant 5 : i32
      %add3A_404 = arith.addi %add3A_402, %add3A_403 : i32
      %mul3A_405 = arith.constant 40 : i32
      %mul3A_406 = arith.muli %add3A_404, %mul3A_405 : i32
      %add3A_407 = arith.addi %mul3A_4, %mul3A_406 : i32
      %dma_start3A_408 = tpu.memref_slice %arg4[%add3A_407] : memref<320000xi32, #tpu.memory_space<hbm>> -> memref<40xi32, #tpu.memory_space<hbm>>
      %dma_start3A_409 = tpu.memref_slice %arg4[%add3A_407] : memref<320000xi32, #tpu.memory_space<hbm>> -> memref<40xi32, #tpu.memory_space<hbm>>
      tpu.enqueue_dma source(%dma_start3A_409 : memref<40xi32, #tpu.memory_space<hbm>>) target(%arg16 : memref<40xi32, #tpu.memory_space<vmem>>) target_semaphore(%arg42 : memref<!tpu.dma_semaphore, #tpu.memory_space<semaphore_mem>>)
      %dma_wait3A_410 = arith.constant 0 : i32
      %dma_wait3A_411 = tpu.memref_slice %arg3[%dma_wait3A_410] : memref<320000xi32, #tpu.memory_space<hbm>> -> memref<40xi32, #tpu.memory_space<hbm>>
      %dma_wait3A_412 = arith.constant 0 : i32
      %dma_wait3A_413 = tpu.memref_slice %arg3[%dma_wait3A_412] : memref<320000xi32, #tpu.memory_space<hbm>> -> memref<40xi32, #tpu.memory_space<hbm>>
      tpu.wait_dma2 semaphore(%arg37 : memref<!tpu.dma_semaphore, #tpu.memory_space<semaphore_mem>>) src(%dma_wait3A_413 : memref<40xi32, #tpu.memory_space<hbm>>) dst(%arg11 : memref<40xi32, #tpu.memory_space<vmem>>)
      %dma_start3A_414 = arith.constant 0 : i32
      %dma_start3A_415 = arith.constant 0 : i32
      %dma_start3A_416 = tpu.memref_slice %arg2[%dma_start3A_414, %dma_start3A_415] : memref<10000x128xf32, #tpu.memory_space<hbm>> -> memref<10000x128xf32, #tpu.memory_space<hbm>>
      tpu.enqueue_indirect_dma source(%dma_start3A_416 : memref<10000x128xf32, #tpu.memory_space<hbm>>) target(%arg21 : memref<40x128xf32, #tpu.memory_space<vmem>>) offsets(%arg11 : memref<40xi32, #tpu.memory_space<vmem>>) semaphore(%arg27 : memref<!tpu.dma_semaphore, #tpu.memory_space<semaphore_mem>>)
    }
    %scan3A_89 = arith.constant 49 : i32
    %dma_wait3A_90 = arith.constant 0 : i32
    %dma_wait3A_91 = arith.constant 0 : i32
    %dma_wait3A_92 = tpu.memref_slice %arg2[%dma_wait3A_90, %dma_wait3A_91] : memref<10000x128xf32, #tpu.memory_space<hbm>> -> memref<40x128xf32, #tpu.memory_space<hbm>>
    %dma_wait3A_93 = arith.constant 0 : i32
    %dma_wait3A_94 = arith.constant 0 : i32
    %dma_wait3A_95 = tpu.memref_slice %arg2[%dma_wait3A_93, %dma_wait3A_94] : memref<10000x128xf32, #tpu.memory_space<hbm>> -> memref<40x128xf32, #tpu.memory_space<hbm>>
    tpu.wait_dma2 semaphore(%arg23 : memref<!tpu.dma_semaphore, #tpu.memory_space<semaphore_mem>>) src(%dma_wait3A_95 : memref<40x128xf32, #tpu.memory_space<hbm>>) dst(%arg17 : memref<40x128xf32, #tpu.memory_space<vmem>>)
    %dma_wait3A_96 = arith.constant 0 : i32
    %dma_wait3A_97 = tpu.memref_slice %arg4[%dma_wait3A_96] : memref<320000xi32, #tpu.memory_space<hbm>> -> memref<40xi32, #tpu.memory_space<hbm>>
    %dma_wait3A_98 = arith.constant 0 : i32
    %dma_wait3A_99 = tpu.memref_slice %arg4[%dma_wait3A_98] : memref<320000xi32, #tpu.memory_space<hbm>> -> memref<40xi32, #tpu.memory_space<hbm>>
    tpu.wait_dma2 semaphore(%arg38 : memref<!tpu.dma_semaphore, #tpu.memory_space<semaphore_mem>>) src(%dma_wait3A_99 : memref<40xi32, #tpu.memory_space<hbm>>) dst(%arg12 : memref<40xi32, #tpu.memory_space<vmem>>)
    %dma_start3A_100 = arith.constant 0 : i32
    %dma_start3A_101 = arith.constant 0 : i32
    %dma_start3A_102 = tpu.memref_slice %arg22[%dma_start3A_100, %dma_start3A_101] : memref<10000x128xf32, #tpu.memory_space<vmem_shared>> -> memref<10000x128xf32, #tpu.memory_space<vmem_shared>>
    tpu.enqueue_indirect_dma source(%arg17 : memref<40x128xf32, #tpu.memory_space<vmem>>) target(%dma_start3A_102 : memref<10000x128xf32, #tpu.memory_space<vmem_shared>>) offsets(%arg12 : memref<40xi32, #tpu.memory_space<vmem>>) semaphore(%arg28 : memref<!tpu.dma_semaphore, #tpu.memory_space<semaphore_mem>>) {add = true}
    %dma_wait3A_103 = arith.constant 0 : i32
    %dma_wait3A_104 = arith.constant 0 : i32
    %dma_wait3A_105 = tpu.memref_slice %arg2[%dma_wait3A_103, %dma_wait3A_104] : memref<10000x128xf32, #tpu.memory_space<hbm>> -> memref<40x128xf32, #tpu.memory_space<hbm>>
    %dma_wait3A_106 = arith.constant 0 : i32
    %dma_wait3A_107 = arith.constant 0 : i32
    %dma_wait3A_108 = tpu.memref_slice %arg2[%dma_wait3A_106, %dma_wait3A_107] : memref<10000x128xf32, #tpu.memory_space<hbm>> -> memref<40x128xf32, #tpu.memory_space<hbm>>
    tpu.wait_dma2 semaphore(%arg24 : memref<!tpu.dma_semaphore, #tpu.memory_space<semaphore_mem>>) src(%dma_wait3A_108 : memref<40x128xf32, #tpu.memory_space<hbm>>) dst(%arg18 : memref<40x128xf32, #tpu.memory_space<vmem>>)
    %dma_wait3A_109 = arith.constant 0 : i32
    %dma_wait3A_110 = tpu.memref_slice %arg4[%dma_wait3A_109] : memref<320000xi32, #tpu.memory_space<hbm>> -> memref<40xi32, #tpu.memory_space<hbm>>
    %dma_wait3A_111 = arith.constant 0 : i32
    %dma_wait3A_112 = tpu.memref_slice %arg4[%dma_wait3A_111] : memref<320000xi32, #tpu.memory_space<hbm>> -> memref<40xi32, #tpu.memory_space<hbm>>
    tpu.wait_dma2 semaphore(%arg39 : memref<!tpu.dma_semaphore, #tpu.memory_space<semaphore_mem>>) src(%dma_wait3A_112 : memref<40xi32, #tpu.memory_space<hbm>>) dst(%arg13 : memref<40xi32, #tpu.memory_space<vmem>>)
    %dma_start3A_113 = arith.constant 0 : i32
    %dma_start3A_114 = arith.constant 0 : i32
    %dma_start3A_115 = tpu.memref_slice %arg22[%dma_start3A_113, %dma_start3A_114] : memref<10000x128xf32, #tpu.memory_space<vmem_shared>> -> memref<10000x128xf32, #tpu.memory_space<vmem_shared>>
    tpu.enqueue_indirect_dma source(%arg18 : memref<40x128xf32, #tpu.memory_space<vmem>>) target(%dma_start3A_115 : memref<10000x128xf32, #tpu.memory_space<vmem_shared>>) offsets(%arg13 : memref<40xi32, #tpu.memory_space<vmem>>) semaphore(%arg29 : memref<!tpu.dma_semaphore, #tpu.memory_space<semaphore_mem>>) {add = true}
    %dma_wait3A_116 = arith.constant 0 : i32
    %dma_wait3A_117 = arith.constant 0 : i32
    %dma_wait3A_118 = tpu.memref_slice %arg2[%dma_wait3A_116, %dma_wait3A_117] : memref<10000x128xf32, #tpu.memory_space<hbm>> -> memref<40x128xf32, #tpu.memory_space<hbm>>
    %dma_wait3A_119 = arith.constant 0 : i32
    %dma_wait3A_120 = arith.constant 0 : i32
    %dma_wait3A_121 = tpu.memref_slice %arg2[%dma_wait3A_119, %dma_wait3A_120] : memref<10000x128xf32, #tpu.memory_space<hbm>> -> memref<40x128xf32, #tpu.memory_space<hbm>>
    tpu.wait_dma2 semaphore(%arg25 : memref<!tpu.dma_semaphore, #tpu.memory_space<semaphore_mem>>) src(%dma_wait3A_121 : memref<40x128xf32, #tpu.memory_space<hbm>>) dst(%arg19 : memref<40x128xf32, #tpu.memory_space<vmem>>)
    %dma_wait3A_122 = arith.constant 0 : i32
    %dma_wait3A_123 = tpu.memref_slice %arg4[%dma_wait3A_122] : memref<320000xi32, #tpu.memory_space<hbm>> -> memref<40xi32, #tpu.memory_space<hbm>>
    %dma_wait3A_124 = arith.constant 0 : i32
    %dma_wait3A_125 = tpu.memref_slice %arg4[%dma_wait3A_124] : memref<320000xi32, #tpu.memory_space<hbm>> -> memref<40xi32, #tpu.memory_space<hbm>>
    tpu.wait_dma2 semaphore(%arg40 : memref<!tpu.dma_semaphore, #tpu.memory_space<semaphore_mem>>) src(%dma_wait3A_125 : memref<40xi32, #tpu.memory_space<hbm>>) dst(%arg14 : memref<40xi32, #tpu.memory_space<vmem>>)
    %dma_start3A_126 = arith.constant 0 : i32
    %dma_start3A_127 = arith.constant 0 : i32
    %dma_start3A_128 = tpu.memref_slice %arg22[%dma_start3A_126, %dma_start3A_127] : memref<10000x128xf32, #tpu.memory_space<vmem_shared>> -> memref<10000x128xf32, #tpu.memory_space<vmem_shared>>
    tpu.enqueue_indirect_dma source(%arg19 : memref<40x128xf32, #tpu.memory_space<vmem>>) target(%dma_start3A_128 : memref<10000x128xf32, #tpu.memory_space<vmem_shared>>) offsets(%arg14 : memref<40xi32, #tpu.memory_space<vmem>>) semaphore(%arg30 : memref<!tpu.dma_semaphore, #tpu.memory_space<semaphore_mem>>) {add = true}
    %dma_wait3A_129 = arith.constant 0 : i32
    %dma_wait3A_130 = arith.constant 0 : i32
    %dma_wait3A_131 = tpu.memref_slice %arg2[%dma_wait3A_129, %dma_wait3A_130] : memref<10000x128xf32, #tpu.memory_space<hbm>> -> memref<40x128xf32, #tpu.memory_space<hbm>>
    %dma_wait3A_132 = arith.constant 0 : i32
    %dma_wait3A_133 = arith.constant 0 : i32
    %dma_wait3A_134 = tpu.memref_slice %arg2[%dma_wait3A_132, %dma_wait3A_133] : memref<10000x128xf32, #tpu.memory_space<hbm>> -> memref<40x128xf32, #tpu.memory_space<hbm>>
    tpu.wait_dma2 semaphore(%arg26 : memref<!tpu.dma_semaphore, #tpu.memory_space<semaphore_mem>>) src(%dma_wait3A_134 : memref<40x128xf32, #tpu.memory_space<hbm>>) dst(%arg20 : memref<40x128xf32, #tpu.memory_space<vmem>>)
    %dma_wait3A_135 = arith.constant 0 : i32
    %dma_wait3A_136 = tpu.memref_slice %arg4[%dma_wait3A_135] : memref<320000xi32, #tpu.memory_space<hbm>> -> memref<40xi32, #tpu.memory_space<hbm>>
    %dma_wait3A_137 = arith.constant 0 : i32
    %dma_wait3A_138 = tpu.memref_slice %arg4[%dma_wait3A_137] : memref<320000xi32, #tpu.memory_space<hbm>> -> memref<40xi32, #tpu.memory_space<hbm>>
    tpu.wait_dma2 semaphore(%arg41 : memref<!tpu.dma_semaphore, #tpu.memory_space<semaphore_mem>>) src(%dma_wait3A_138 : memref<40xi32, #tpu.memory_space<hbm>>) dst(%arg15 : memref<40xi32, #tpu.memory_space<vmem>>)
    %dma_start3A_139 = arith.constant 0 : i32
    %dma_start3A_140 = arith.constant 0 : i32
    %dma_start3A_141 = tpu.memref_slice %arg22[%dma_start3A_139, %dma_start3A_140] : memref<10000x128xf32, #tpu.memory_space<vmem_shared>> -> memref<10000x128xf32, #tpu.memory_space<vmem_shared>>
    tpu.enqueue_indirect_dma source(%arg20 : memref<40x128xf32, #tpu.memory_space<vmem>>) target(%dma_start3A_141 : memref<10000x128xf32, #tpu.memory_space<vmem_shared>>) offsets(%arg15 : memref<40xi32, #tpu.memory_space<vmem>>) semaphore(%arg31 : memref<!tpu.dma_semaphore, #tpu.memory_space<semaphore_mem>>) {add = true}
    %dma_wait3A_142 = arith.constant 0 : i32
    %dma_wait3A_143 = arith.constant 0 : i32
    %dma_wait3A_144 = tpu.memref_slice %arg2[%dma_wait3A_142, %dma_wait3A_143] : memref<10000x128xf32, #tpu.memory_space<hbm>> -> memref<40x128xf32, #tpu.memory_space<hbm>>
    %dma_wait3A_145 = arith.constant 0 : i32
    %dma_wait3A_146 = arith.constant 0 : i32
    %dma_wait3A_147 = tpu.memref_slice %arg2[%dma_wait3A_145, %dma_wait3A_146] : memref<10000x128xf32, #tpu.memory_space<hbm>> -> memref<40x128xf32, #tpu.memory_space<hbm>>
    tpu.wait_dma2 semaphore(%arg27 : memref<!tpu.dma_semaphore, #tpu.memory_space<semaphore_mem>>) src(%dma_wait3A_147 : memref<40x128xf32, #tpu.memory_space<hbm>>) dst(%arg21 : memref<40x128xf32, #tpu.memory_space<vmem>>)
    %dma_wait3A_148 = arith.constant 0 : i32
    %dma_wait3A_149 = tpu.memref_slice %arg4[%dma_wait3A_148] : memref<320000xi32, #tpu.memory_space<hbm>> -> memref<40xi32, #tpu.memory_space<hbm>>
    %dma_wait3A_150 = arith.constant 0 : i32
    %dma_wait3A_151 = tpu.memref_slice %arg4[%dma_wait3A_150] : memref<320000xi32, #tpu.memory_space<hbm>> -> memref<40xi32, #tpu.memory_space<hbm>>
    tpu.wait_dma2 semaphore(%arg42 : memref<!tpu.dma_semaphore, #tpu.memory_space<semaphore_mem>>) src(%dma_wait3A_151 : memref<40xi32, #tpu.memory_space<hbm>>) dst(%arg16 : memref<40xi32, #tpu.memory_space<vmem>>)
    %dma_start3A_152 = arith.constant 0 : i32
    %dma_start3A_153 = arith.constant 0 : i32
    %dma_start3A_154 = tpu.memref_slice %arg22[%dma_start3A_152, %dma_start3A_153] : memref<10000x128xf32, #tpu.memory_space<vmem_shared>> -> memref<10000x128xf32, #tpu.memory_space<vmem_shared>>
    tpu.enqueue_indirect_dma source(%arg21 : memref<40x128xf32, #tpu.memory_space<vmem>>) target(%dma_start3A_154 : memref<10000x128xf32, #tpu.memory_space<vmem_shared>>) offsets(%arg16 : memref<40xi32, #tpu.memory_space<vmem>>) semaphore(%arg32 : memref<!tpu.dma_semaphore, #tpu.memory_space<semaphore_mem>>) {add = true}
    %dma_wait3A_155 = arith.constant 0 : i32
    %dma_wait3A_156 = arith.constant 0 : i32
    %dma_wait3A_157 = tpu.memref_slice %arg2[%dma_wait3A_155, %dma_wait3A_156] : memref<10000x128xf32, #tpu.memory_space<hbm>> -> memref<40x128xf32, #tpu.memory_space<hbm>>
    %dma_wait3A_158 = arith.constant 0 : i32
    %dma_wait3A_159 = arith.constant 0 : i32
    %dma_wait3A_160 = tpu.memref_slice %arg2[%dma_wait3A_158, %dma_wait3A_159] : memref<10000x128xf32, #tpu.memory_space<hbm>> -> memref<40x128xf32, #tpu.memory_space<hbm>>
    tpu.wait_dma2 semaphore(%arg28 : memref<!tpu.dma_semaphore, #tpu.memory_space<semaphore_mem>>) src(%dma_wait3A_160 : memref<40x128xf32, #tpu.memory_space<hbm>>) dst(%arg17 : memref<40x128xf32, #tpu.memory_space<vmem>>)
    %dma_wait3A_161 = arith.constant 0 : i32
    %dma_wait3A_162 = arith.constant 0 : i32
    %dma_wait3A_163 = tpu.memref_slice %arg2[%dma_wait3A_161, %dma_wait3A_162] : memref<10000x128xf32, #tpu.memory_space<hbm>> -> memref<40x128xf32, #tpu.memory_space<hbm>>
    %dma_wait3A_164 = arith.constant 0 : i32
    %dma_wait3A_165 = arith.constant 0 : i32
    %dma_wait3A_166 = tpu.memref_slice %arg2[%dma_wait3A_164, %dma_wait3A_165] : memref<10000x128xf32, #tpu.memory_space<hbm>> -> memref<40x128xf32, #tpu.memory_space<hbm>>
    tpu.wait_dma2 semaphore(%arg29 : memref<!tpu.dma_semaphore, #tpu.memory_space<semaphore_mem>>) src(%dma_wait3A_166 : memref<40x128xf32, #tpu.memory_space<hbm>>) dst(%arg18 : memref<40x128xf32, #tpu.memory_space<vmem>>)
    %dma_wait3A_167 = arith.constant 0 : i32
    %dma_wait3A_168 = arith.constant 0 : i32
    %dma_wait3A_169 = tpu.memref_slice %arg2[%dma_wait3A_167, %dma_wait3A_168] : memref<10000x128xf32, #tpu.memory_space<hbm>> -> memref<40x128xf32, #tpu.memory_space<hbm>>
    %dma_wait3A_170 = arith.constant 0 : i32
    %dma_wait3A_171 = arith.constant 0 : i32
    %dma_wait3A_172 = tpu.memref_slice %arg2[%dma_wait3A_170, %dma_wait3A_171] : memref<10000x128xf32, #tpu.memory_space<hbm>> -> memref<40x128xf32, #tpu.memory_space<hbm>>
    tpu.wait_dma2 semaphore(%arg30 : memref<!tpu.dma_semaphore, #tpu.memory_space<semaphore_mem>>) src(%dma_wait3A_172 : memref<40x128xf32, #tpu.memory_space<hbm>>) dst(%arg19 : memref<40x128xf32, #tpu.memory_space<vmem>>)
    %dma_wait3A_173 = arith.constant 0 : i32
    %dma_wait3A_174 = arith.constant 0 : i32
    %dma_wait3A_175 = tpu.memref_slice %arg2[%dma_wait3A_173, %dma_wait3A_174] : memref<10000x128xf32, #tpu.memory_space<hbm>> -> memref<40x128xf32, #tpu.memory_space<hbm>>
    %dma_wait3A_176 = arith.constant 0 : i32
    %dma_wait3A_177 = arith.constant 0 : i32
    %dma_wait3A_178 = tpu.memref_slice %arg2[%dma_wait3A_176, %dma_wait3A_177] : memref<10000x128xf32, #tpu.memory_space<hbm>> -> memref<40x128xf32, #tpu.memory_space<hbm>>
    tpu.wait_dma2 semaphore(%arg31 : memref<!tpu.dma_semaphore, #tpu.memory_space<semaphore_mem>>) src(%dma_wait3A_178 : memref<40x128xf32, #tpu.memory_space<hbm>>) dst(%arg20 : memref<40x128xf32, #tpu.memory_space<vmem>>)
    %dma_wait3A_179 = arith.constant 0 : i32
    %dma_wait3A_180 = arith.constant 0 : i32
    %dma_wait3A_181 = tpu.memref_slice %arg2[%dma_wait3A_179, %dma_wait3A_180] : memref<10000x128xf32, #tpu.memory_space<hbm>> -> memref<40x128xf32, #tpu.memory_space<hbm>>
    %dma_wait3A_182 = arith.constant 0 : i32
    %dma_wait3A_183 = arith.constant 0 : i32
    %dma_wait3A_184 = tpu.memref_slice %arg2[%dma_wait3A_182, %dma_wait3A_183] : memref<10000x128xf32, #tpu.memory_space<hbm>> -> memref<40x128xf32, #tpu.memory_space<hbm>>
    tpu.wait_dma2 semaphore(%arg32 : memref<!tpu.dma_semaphore, #tpu.memory_space<semaphore_mem>>) src(%dma_wait3A_184 : memref<40x128xf32, #tpu.memory_space<hbm>>) dst(%arg21 : memref<40x128xf32, #tpu.memory_space<vmem>>)
    %barrier3A_185 = arith.constant 0 : index
    tpu.barrier barrier_id(%barrier3A_185)
    %mul3A_186 = arith.constant 10000 : i32
    %mul3A_187 = arith.muli %arg0, %mul3A_186 : i32
    %add3A_188 = arith.addi %mul3A_187, %mul3A_2 : i32
    "tpu.region"() ({
      %run_scoped3A = tpu.sem_alloc : memref<!tpu.dma_semaphore, #tpu.memory_space<semaphore_mem>>
      %dma_start3A_194 = arith.constant 0 : i32
      %dma_start3A_195 = tpu.memref_slice %arg6[%add3A_188, %dma_start3A_194] : memref<20000x128xf32, #tpu.memory_space<hbm>> -> memref<624x128xf32, #tpu.memory_space<hbm>>
      %dma_start3A_196 = arith.constant 0 : i32
      %dma_start3A_197 = tpu.memref_slice %arg22[%mul3A_2, %dma_start3A_196] : memref<10000x128xf32, #tpu.memory_space<vmem_shared>> -> memref<624x128xf32, #tpu.memory_space<vmem_shared>>
      tpu.enqueue_dma source(%dma_start3A_197 : memref<624x128xf32, #tpu.memory_space<vmem_shared>>) target(%dma_start3A_195 : memref<624x128xf32, #tpu.memory_space<hbm>>) target_semaphore(%run_scoped3A : memref<!tpu.dma_semaphore, #tpu.memory_space<semaphore_mem>>)
      %dma_wait3A_198 = arith.constant 0 : i32
      %dma_wait3A_199 = tpu.memref_slice %arg6[%add3A_188, %dma_wait3A_198] : memref<20000x128xf32, #tpu.memory_space<hbm>> -> memref<624x128xf32, #tpu.memory_space<hbm>>
      %dma_wait3A_200 = arith.constant 0 : i32
      %dma_wait3A_201 = tpu.memref_slice %arg22[%mul3A_2, %dma_wait3A_200] : memref<10000x128xf32, #tpu.memory_space<vmem_shared>> -> memref<624x128xf32, #tpu.memory_space<vmem_shared>>
      tpu.wait_dma2 semaphore(%run_scoped3A : memref<!tpu.dma_semaphore, #tpu.memory_space<semaphore_mem>>) src(%dma_wait3A_201 : memref<624x128xf32, #tpu.memory_space<vmem_shared>>) dst(%dma_wait3A_199 : memref<624x128xf32, #tpu.memory_space<hbm>>)
      tpu.yield
    }) : () -> ()
    %eq3A_189 = arith.constant 15 : i32
    %eq3A_190 = arith.cmpi eq, %arg1, %eq3A_189 : i32
    %convert_element_type3A_191 = arith.extui %eq3A_190 : i1 to i32
    %cond3A_192 = arith.constant 0 : i32
    %cond3A_193 = arith.cmpi ne, %convert_element_type3A_191, %cond3A_192 : i32
    scf.if %cond3A_193 {
      %mul3A_194 = arith.constant 10000 : i32
      %mul3A_195 = arith.muli %arg0, %mul3A_194 : i32
      %add3A_196 = arith.constant 9984 : i32
      %add3A_197 = arith.addi %mul3A_195, %add3A_196 : i32
      "tpu.region"() ({
        %run_scoped3A = tpu.sem_alloc : memref<!tpu.dma_semaphore, #tpu.memory_space<semaphore_mem>>
        %dma_start3A_198 = arith.constant 0 : i32
        %dma_start3A_199 = tpu.memref_slice %arg6[%add3A_197, %dma_start3A_198] : memref<20000x128xf32, #tpu.memory_space<hbm>> -> memref<16x128xf32, #tpu.memory_space<hbm>>
        %dma_start3A_200 = arith.constant 9984 : i32
        %dma_start3A_201 = arith.constant 0 : i32
        %dma_start3A_202 = tpu.memref_slice %arg22[%dma_start3A_200, %dma_start3A_201] : memref<10000x128xf32, #tpu.memory_space<vmem_shared>> -> memref<16x128xf32, #tpu.memory_space<vmem_shared>>
        tpu.enqueue_dma source(%dma_start3A_202 : memref<16x128xf32, #tpu.memory_space<vmem_shared>>) target(%dma_start3A_199 : memref<16x128xf32, #tpu.memory_space<hbm>>) target_semaphore(%run_scoped3A : memref<!tpu.dma_semaphore, #tpu.memory_space<semaphore_mem>>)
        %dma_wait3A_203 = arith.constant 0 : i32
        %dma_wait3A_204 = tpu.memref_slice %arg6[%add3A_197, %dma_wait3A_203] : memref<20000x128xf32, #tpu.memory_space<hbm>> -> memref<16x128xf32, #tpu.memory_space<hbm>>
        %dma_wait3A_205 = arith.constant 9984 : i32
        %dma_wait3A_206 = arith.constant 0 : i32
        %dma_wait3A_207 = tpu.memref_slice %arg22[%dma_wait3A_205, %dma_wait3A_206] : memref<10000x128xf32, #tpu.memory_space<vmem_shared>> -> memref<16x128xf32, #tpu.memory_space<vmem_shared>>
        tpu.wait_dma2 semaphore(%run_scoped3A : memref<!tpu.dma_semaphore, #tpu.memory_space<semaphore_mem>>) src(%dma_wait3A_207 : memref<16x128xf32, #tpu.memory_space<vmem_shared>>) dst(%dma_wait3A_204 : memref<16x128xf32, #tpu.memory_space<hbm>>)
        tpu.yield
      }) : () -> ()
    } else {
    }
    return
  }
}

#map = affine_map<(d0, d1) -> (0, 0)>
#map1 = affine_map<(d0, d1) -> (0)>
module attributes {stable_mosaic.version = 14 : i64} {
  func.func @_sc_body(%arg0: i32, %arg1: i32, %arg2: memref<10000x128xf32, #tpu.memory_space<hbm>>, %arg3: memref<320000xi32, #tpu.memory_space<hbm>>, %arg4: memref<320000xi32, #tpu.memory_space<hbm>>, %arg5: memref<10000x128xf32, #tpu.memory_space<hbm>>, %arg6: memref<20000x128xf32, #tpu.memory_space<hbm>>, %arg7: memref<40xi32, #tpu.memory_space<vmem>>, %arg8: memref<40xi32, #tpu.memory_space<vmem>>, %arg9: memref<40xi32, #tpu.memory_space<vmem>>, %arg10: memref<40xi32, #tpu.memory_space<vmem>>, %arg11: memref<40xi32, #tpu.memory_space<vmem>>, %arg12: memref<40xi32, #tpu.memory_space<vmem>>, %arg13: memref<40xi32, #tpu.memory_space<vmem>>, %arg14: memref<40xi32, #tpu.memory_space<vmem>>, %arg15: memref<40xi32, #tpu.memory_space<vmem>>, %arg16: memref<40xi32, #tpu.memory_space<vmem>>, %arg17: memref<40x128xf32, #tpu.memory_space<vmem>>, %arg18: memref<40x128xf32, #tpu.memory_space<vmem>>, %arg19: memref<40x128xf32, #tpu.memory_space<vmem>>, %arg20: memref<40x128xf32, #tpu.memory_space<vmem>>, %arg21: memref<40x128xf32, #tpu.memory_space<vmem>>, %arg22: memref<10000x128xf32, #tpu.memory_space<vmem_shared>>, %arg23: memref<!tpu.dma_semaphore, #tpu.memory_space<semaphore_mem>>, %arg24: memref<!tpu.dma_semaphore, #tpu.memory_space<semaphore_mem>>, %arg25: memref<!tpu.dma_semaphore, #tpu.memory_space<semaphore_mem>>, %arg26: memref<!tpu.dma_semaphore, #tpu.memory_space<semaphore_mem>>, %arg27: memref<!tpu.dma_semaphore, #tpu.memory_space<semaphore_mem>>, %arg28: memref<!tpu.dma_semaphore, #tpu.memory_space<semaphore_mem>>, %arg29: memref<!tpu.dma_semaphore, #tpu.memory_space<semaphore_mem>>, %arg30: memref<!tpu.dma_semaphore, #tpu.memory_space<semaphore_mem>>, %arg31: memref<!tpu.dma_semaphore, #tpu.memory_space<semaphore_mem>>, %arg32: memref<!tpu.dma_semaphore, #tpu.memory_space<semaphore_mem>>, %arg33: memref<!tpu.dma_semaphore, #tpu.memory_space<semaphore_mem>>, %arg34: memref<!tpu.dma_semaphore, #tpu.memory_space<semaphore_mem>>, %arg35: memref<!tpu.dma_semaphore, #tpu.memory_space<semaphore_mem>>, %arg36: memref<!tpu.dma_semaphore, #tpu.memory_space<semaphore_mem>>, %arg37: memref<!tpu.dma_semaphore, #tpu.memory_space<semaphore_mem>>, %arg38: memref<!tpu.dma_semaphore, #tpu.memory_space<semaphore_mem>>, %arg39: memref<!tpu.dma_semaphore, #tpu.memory_space<semaphore_mem>>, %arg40: memref<!tpu.dma_semaphore, #tpu.memory_space<semaphore_mem>>, %arg41: memref<!tpu.dma_semaphore, #tpu.memory_space<semaphore_mem>>, %arg42: memref<!tpu.dma_semaphore, #tpu.memory_space<semaphore_mem>>) attributes {dimension_semantics = [#tpu.dimension_semantics<core_parallel>, #tpu.dimension_semantics<subcore_parallel>], iteration_bounds = array<i64: 2, 16>, scalar_prefetch = 0 : i64, scratch_operands = 36 : i64, tpu.core_type = #tpu.core_type<sc_vector_subcore>, window_params = [{transform_indices = #map}, {transform_indices = #map1}, {transform_indices = #map1}, {transform_indices = #map}, {transform_indices = #map}]} {
    %mul3A = arith.constant 16 : i32
    %mul3A_0 = arith.muli %arg0, %mul3A : i32
    %add3A = arith.addi %mul3A_0, %arg1 : i32
    %mul3A_1 = arith.constant 624 : i32
    %mul3A_2 = arith.muli %arg1, %mul3A_1 : i32
    %mul3A_3 = arith.constant 10000 : i32
    %mul3A_4 = arith.muli %add3A, %mul3A_3 : i32
    %add3A_5 = arith.constant 0 : i32
    %add3A_6 = arith.addi %mul3A_4, %add3A_5 : i32
    %dma_start3A = tpu.memref_slice %arg3[%add3A_6] : memref<320000xi32, #tpu.memory_space<hbm>> -> memref<40xi32, #tpu.memory_space<hbm>>
    %dma_start3A_7 = tpu.memref_slice %arg3[%add3A_6] : memref<320000xi32, #tpu.memory_space<hbm>> -> memref<40xi32, #tpu.memory_space<hbm>>
    tpu.enqueue_dma source(%dma_start3A_7 : memref<40xi32, #tpu.memory_space<hbm>>) target(%arg7 : memref<40xi32, #tpu.memory_space<vmem>>) target_semaphore(%arg33 : memref<!tpu.dma_semaphore, #tpu.memory_space<semaphore_mem>>)
    %add3A_8 = arith.constant 0 : i32
    %add3A_9 = arith.addi %mul3A_4, %add3A_8 : i32
    %dma_start3A_10 = tpu.memref_slice %arg4[%add3A_9] : memref<320000xi32, #tpu.memory_space<hbm>> -> memref<40xi32, #tpu.memory_space<hbm>>
    %dma_start3A_11 = tpu.memref_slice %arg4[%add3A_9] : memref<320000xi32, #tpu.memory_space<hbm>> -> memref<40xi32, #tpu.memory_space<hbm>>
    tpu.enqueue_dma source(%dma_start3A_11 : memref<40xi32, #tpu.memory_space<hbm>>) target(%arg12 : memref<40xi32, #tpu.memory_space<vmem>>) target_semaphore(%arg38 : memref<!tpu.dma_semaphore, #tpu.memory_space<semaphore_mem>>)
    %add3A_12 = arith.constant 40 : i32
    %add3A_13 = arith.addi %mul3A_4, %add3A_12 : i32
    %dma_start3A_14 = tpu.memref_slice %arg3[%add3A_13] : memref<320000xi32, #tpu.memory_space<hbm>> -> memref<40xi32, #tpu.memory_space<hbm>>
    %dma_start3A_15 = tpu.memref_slice %arg3[%add3A_13] : memref<320000xi32, #tpu.memory_space<hbm>> -> memref<40xi32, #tpu.memory_space<hbm>>
    tpu.enqueue_dma source(%dma_start3A_15 : memref<40xi32, #tpu.memory_space<hbm>>) target(%arg8 : memref<40xi32, #tpu.memory_space<vmem>>) target_semaphore(%arg34 : memref<!tpu.dma_semaphore, #tpu.memory_space<semaphore_mem>>)
    %add3A_16 = arith.constant 40 : i32
    %add3A_17 = arith.addi %mul3A_4, %add3A_16 : i32
    %dma_start3A_18 = tpu.memref_slice %arg4[%add3A_17] : memref<320000xi32, #tpu.memory_space<hbm>> -> memref<40xi32, #tpu.memory_space<hbm>>
    %dma_start3A_19 = tpu.memref_slice %arg4[%add3A_17] : memref<320000xi32, #tpu.memory_space<hbm>> -> memref<40xi32, #tpu.memory_space<hbm>>
    tpu.enqueue_dma source(%dma_start3A_19 : memref<40xi32, #tpu.memory_space<hbm>>) target(%arg13 : memref<40xi32, #tpu.memory_space<vmem>>) target_semaphore(%arg39 : memref<!tpu.dma_semaphore, #tpu.memory_space<semaphore_mem>>)
    %add3A_20 = arith.constant 80 : i32
    %add3A_21 = arith.addi %mul3A_4, %add3A_20 : i32
    %dma_start3A_22 = tpu.memref_slice %arg3[%add3A_21] : memref<320000xi32, #tpu.memory_space<hbm>> -> memref<40xi32, #tpu.memory_space<hbm>>
    %dma_start3A_23 = tpu.memref_slice %arg3[%add3A_21] : memref<320000xi32, #tpu.memory_space<hbm>> -> memref<40xi32, #tpu.memory_space<hbm>>
    tpu.enqueue_dma source(%dma_start3A_23 : memref<40xi32, #tpu.memory_space<hbm>>) target(%arg9 : memref<40xi32, #tpu.memory_space<vmem>>) target_semaphore(%arg35 : memref<!tpu.dma_semaphore, #tpu.memory_space<semaphore_mem>>)
    %add3A_24 = arith.constant 80 : i32
    %add3A_25 = arith.addi %mul3A_4, %add3A_24 : i32
    %dma_start3A_26 = tpu.memref_slice %arg4[%add3A_25] : memref<320000xi32, #tpu.memory_space<hbm>> -> memref<40xi32, #tpu.memory_space<hbm>>
    %dma_start3A_27 = tpu.memref_slice %arg4[%add3A_25] : memref<320000xi32, #tpu.memory_space<hbm>> -> memref<40xi32, #tpu.memory_space<hbm>>
    tpu.enqueue_dma source(%dma_start3A_27 : memref<40xi32, #tpu.memory_space<hbm>>) target(%arg14 : memref<40xi32, #tpu.memory_space<vmem>>) target_semaphore(%arg40 : memref<!tpu.dma_semaphore, #tpu.memory_space<semaphore_mem>>)
    %add3A_28 = arith.constant 120 : i32
    %add3A_29 = arith.addi %mul3A_4, %add3A_28 : i32
    %dma_start3A_30 = tpu.memref_slice %arg3[%add3A_29] : memref<320000xi32, #tpu.memory_space<hbm>> -> memref<40xi32, #tpu.memory_space<hbm>>
    %dma_start3A_31 = tpu.memref_slice %arg3[%add3A_29] : memref<320000xi32, #tpu.memory_space<hbm>> -> memref<40xi32, #tpu.memory_space<hbm>>
    tpu.enqueue_dma source(%dma_start3A_31 : memref<40xi32, #tpu.memory_space<hbm>>) target(%arg10 : memref<40xi32, #tpu.memory_space<vmem>>) target_semaphore(%arg36 : memref<!tpu.dma_semaphore, #tpu.memory_space<semaphore_mem>>)
    %add3A_32 = arith.constant 120 : i32
    %add3A_33 = arith.addi %mul3A_4, %add3A_32 : i32
    %dma_start3A_34 = tpu.memref_slice %arg4[%add3A_33] : memref<320000xi32, #tpu.memory_space<hbm>> -> memref<40xi32, #tpu.memory_space<hbm>>
    %dma_start3A_35 = tpu.memref_slice %arg4[%add3A_33] : memref<320000xi32, #tpu.memory_space<hbm>> -> memref<40xi32, #tpu.memory_space<hbm>>
    tpu.enqueue_dma source(%dma_start3A_35 : memref<40xi32, #tpu.memory_space<hbm>>) target(%arg15 : memref<40xi32, #tpu.memory_space<vmem>>) target_semaphore(%arg41 : memref<!tpu.dma_semaphore, #tpu.memory_space<semaphore_mem>>)
    %add3A_36 = arith.constant 160 : i32
    %add3A_37 = arith.addi %mul3A_4, %add3A_36 : i32
    %dma_start3A_38 = tpu.memref_slice %arg3[%add3A_37] : memref<320000xi32, #tpu.memory_space<hbm>> -> memref<40xi32, #tpu.memory_space<hbm>>
    %dma_start3A_39 = tpu.memref_slice %arg3[%add3A_37] : memref<320000xi32, #tpu.memory_space<hbm>> -> memref<40xi32, #tpu.memory_space<hbm>>
    tpu.enqueue_dma source(%dma_start3A_39 : memref<40xi32, #tpu.memory_space<hbm>>) target(%arg11 : memref<40xi32, #tpu.memory_space<vmem>>) target_semaphore(%arg37 : memref<!tpu.dma_semaphore, #tpu.memory_space<semaphore_mem>>)
    %add3A_40 = arith.constant 160 : i32
    %add3A_41 = arith.addi %mul3A_4, %add3A_40 : i32
    %dma_start3A_42 = tpu.memref_slice %arg4[%add3A_41] : memref<320000xi32, #tpu.memory_space<hbm>> -> memref<40xi32, #tpu.memory_space<hbm>>
    %dma_start3A_43 = tpu.memref_slice %arg4[%add3A_41] : memref<320000xi32, #tpu.memory_space<hbm>> -> memref<40xi32, #tpu.memory_space<hbm>>
    tpu.enqueue_dma source(%dma_start3A_43 : memref<40xi32, #tpu.memory_space<hbm>>) target(%arg16 : memref<40xi32, #tpu.memory_space<vmem>>) target_semaphore(%arg42 : memref<!tpu.dma_semaphore, #tpu.memory_space<semaphore_mem>>)
    %eq3A = arith.constant 0 : i32
    %eq3A_44 = arith.cmpi eq, %arg0, %eq3A : i32
    %convert_element_type3A = arith.extui %eq3A_44 : i1 to i32
    %cond3A = arith.constant 0 : i32
    %cond3A_45 = arith.cmpi ne, %convert_element_type3A, %cond3A : i32
    scf.if %cond3A_45 {
      "tpu.region"() ({
        %run_scoped3A = tpu.sem_alloc : memref<!tpu.dma_semaphore, #tpu.memory_space<semaphore_mem>>
        %dma_start3A_199 = arith.constant 0 : i32
        %dma_start3A_200 = tpu.memref_slice %arg22[%mul3A_2, %dma_start3A_199] : memref<10000x128xf32, #tpu.memory_space<vmem_shared>> -> memref<624x128xf32, #tpu.memory_space<vmem_shared>>
        %dma_start3A_201 = arith.constant 0 : i32
        %dma_start3A_202 = tpu.memref_slice %arg2[%mul3A_2, %dma_start3A_201] : memref<10000x128xf32, #tpu.memory_space<hbm>> -> memref<624x128xf32, #tpu.memory_space<hbm>>
        tpu.enqueue_dma source(%dma_start3A_202 : memref<624x128xf32, #tpu.memory_space<hbm>>) target(%dma_start3A_200 : memref<624x128xf32, #tpu.memory_space<vmem_shared>>) target_semaphore(%run_scoped3A : memref<!tpu.dma_semaphore, #tpu.memory_space<semaphore_mem>>)
        %dma_wait3A_203 = arith.constant 0 : i32
        %dma_wait3A_204 = tpu.memref_slice %arg22[%mul3A_2, %dma_wait3A_203] : memref<10000x128xf32, #tpu.memory_space<vmem_shared>> -> memref<624x128xf32, #tpu.memory_space<vmem_shared>>
        %dma_wait3A_205 = arith.constant 0 : i32
        %dma_wait3A_206 = tpu.memref_slice %arg2[%mul3A_2, %dma_wait3A_205] : memref<10000x128xf32, #tpu.memory_space<hbm>> -> memref<624x128xf32, #tpu.memory_space<hbm>>
        tpu.wait_dma2 semaphore(%run_scoped3A : memref<!tpu.dma_semaphore, #tpu.memory_space<semaphore_mem>>) src(%dma_wait3A_206 : memref<624x128xf32, #tpu.memory_space<hbm>>) dst(%dma_wait3A_204 : memref<624x128xf32, #tpu.memory_space<vmem_shared>>)
        tpu.yield
      }) : () -> ()
      %eq3A_194 = arith.constant 15 : i32
      %eq3A_195 = arith.cmpi eq, %arg1, %eq3A_194 : i32
      %convert_element_type3A_196 = arith.extui %eq3A_195 : i1 to i32
      %cond3A_197 = arith.constant 0 : i32
      %cond3A_198 = arith.cmpi ne, %convert_element_type3A_196, %cond3A_197 : i32
      scf.if %cond3A_198 {
        "tpu.region"() ({
          %run_scoped3A = tpu.sem_alloc : memref<!tpu.dma_semaphore, #tpu.memory_space<semaphore_mem>>
          %dma_start3A_199 = arith.constant 9984 : i32
          %dma_start3A_200 = arith.constant 0 : i32
          %dma_start3A_201 = tpu.memref_slice %arg22[%dma_start3A_199, %dma_start3A_200] : memref<10000x128xf32, #tpu.memory_space<vmem_shared>> -> memref<16x128xf32, #tpu.memory_space<vmem_shared>>
          %dma_start3A_202 = arith.constant 9984 : i32
          %dma_start3A_203 = arith.constant 0 : i32
          %dma_start3A_204 = tpu.memref_slice %arg2[%dma_start3A_202, %dma_start3A_203] : memref<10000x128xf32, #tpu.memory_space<hbm>> -> memref<16x128xf32, #tpu.memory_space<hbm>>
          tpu.enqueue_dma source(%dma_start3A_204 : memref<16x128xf32, #tpu.memory_space<hbm>>) target(%dma_start3A_201 : memref<16x128xf32, #tpu.memory_space<vmem_shared>>) target_semaphore(%run_scoped3A : memref<!tpu.dma_semaphore, #tpu.memory_space<semaphore_mem>>)
          %dma_wait3A_205 = arith.constant 9984 : i32
          %dma_wait3A_206 = arith.constant 0 : i32
          %dma_wait3A_207 = tpu.memref_slice %arg22[%dma_wait3A_205, %dma_wait3A_206] : memref<10000x128xf32, #tpu.memory_space<vmem_shared>> -> memref<16x128xf32, #tpu.memory_space<vmem_shared>>
          %dma_wait3A_208 = arith.constant 9984 : i32
          %dma_wait3A_209 = arith.constant 0 : i32
          %dma_wait3A_210 = tpu.memref_slice %arg2[%dma_wait3A_208, %dma_wait3A_209] : memref<10000x128xf32, #tpu.memory_space<hbm>> -> memref<16x128xf32, #tpu.memory_space<hbm>>
          tpu.wait_dma2 semaphore(%run_scoped3A : memref<!tpu.dma_semaphore, #tpu.memory_space<semaphore_mem>>) src(%dma_wait3A_210 : memref<16x128xf32, #tpu.memory_space<hbm>>) dst(%dma_wait3A_207 : memref<16x128xf32, #tpu.memory_space<vmem_shared>>)
          tpu.yield
        }) : () -> ()
      } else {
      }
    } else {
    }
    %eq3A_46 = arith.constant 1 : i32
    %eq3A_47 = arith.cmpi eq, %arg0, %eq3A_46 : i32
    %convert_element_type3A_48 = arith.extui %eq3A_47 : i1 to i32
    %cond3A_49 = arith.constant 0 : i32
    %cond3A_50 = arith.cmpi ne, %convert_element_type3A_48, %cond3A_49 : i32
    scf.if %cond3A_50 {
      "tpu.region"() ({
        %run_scoped3A = tpu.sem_alloc : memref<!tpu.dma_semaphore, #tpu.memory_space<semaphore_mem>>
        %dma_start3A_199 = arith.constant 0 : i32
        %dma_start3A_200 = tpu.memref_slice %arg22[%mul3A_2, %dma_start3A_199] : memref<10000x128xf32, #tpu.memory_space<vmem_shared>> -> memref<624x128xf32, #tpu.memory_space<vmem_shared>>
        %dma_start3A_201 = arith.constant 0 : i32
        %dma_start3A_202 = tpu.memref_slice %arg5[%mul3A_2, %dma_start3A_201] : memref<10000x128xf32, #tpu.memory_space<hbm>> -> memref<624x128xf32, #tpu.memory_space<hbm>>
        tpu.enqueue_dma source(%dma_start3A_202 : memref<624x128xf32, #tpu.memory_space<hbm>>) target(%dma_start3A_200 : memref<624x128xf32, #tpu.memory_space<vmem_shared>>) target_semaphore(%run_scoped3A : memref<!tpu.dma_semaphore, #tpu.memory_space<semaphore_mem>>)
        %dma_wait3A_203 = arith.constant 0 : i32
        %dma_wait3A_204 = tpu.memref_slice %arg22[%mul3A_2, %dma_wait3A_203] : memref<10000x128xf32, #tpu.memory_space<vmem_shared>> -> memref<624x128xf32, #tpu.memory_space<vmem_shared>>
        %dma_wait3A_205 = arith.constant 0 : i32
        %dma_wait3A_206 = tpu.memref_slice %arg5[%mul3A_2, %dma_wait3A_205] : memref<10000x128xf32, #tpu.memory_space<hbm>> -> memref<624x128xf32, #tpu.memory_space<hbm>>
        tpu.wait_dma2 semaphore(%run_scoped3A : memref<!tpu.dma_semaphore, #tpu.memory_space<semaphore_mem>>) src(%dma_wait3A_206 : memref<624x128xf32, #tpu.memory_space<hbm>>) dst(%dma_wait3A_204 : memref<624x128xf32, #tpu.memory_space<vmem_shared>>)
        tpu.yield
      }) : () -> ()
      %eq3A_194 = arith.constant 15 : i32
      %eq3A_195 = arith.cmpi eq, %arg1, %eq3A_194 : i32
      %convert_element_type3A_196 = arith.extui %eq3A_195 : i1 to i32
      %cond3A_197 = arith.constant 0 : i32
      %cond3A_198 = arith.cmpi ne, %convert_element_type3A_196, %cond3A_197 : i32
      scf.if %cond3A_198 {
        "tpu.region"() ({
          %run_scoped3A = tpu.sem_alloc : memref<!tpu.dma_semaphore, #tpu.memory_space<semaphore_mem>>
          %dma_start3A_199 = arith.constant 9984 : i32
          %dma_start3A_200 = arith.constant 0 : i32
          %dma_start3A_201 = tpu.memref_slice %arg22[%dma_start3A_199, %dma_start3A_200] : memref<10000x128xf32, #tpu.memory_space<vmem_shared>> -> memref<16x128xf32, #tpu.memory_space<vmem_shared>>
          %dma_start3A_202 = arith.constant 9984 : i32
          %dma_start3A_203 = arith.constant 0 : i32
          %dma_start3A_204 = tpu.memref_slice %arg5[%dma_start3A_202, %dma_start3A_203] : memref<10000x128xf32, #tpu.memory_space<hbm>> -> memref<16x128xf32, #tpu.memory_space<hbm>>
          tpu.enqueue_dma source(%dma_start3A_204 : memref<16x128xf32, #tpu.memory_space<hbm>>) target(%dma_start3A_201 : memref<16x128xf32, #tpu.memory_space<vmem_shared>>) target_semaphore(%run_scoped3A : memref<!tpu.dma_semaphore, #tpu.memory_space<semaphore_mem>>)
          %dma_wait3A_205 = arith.constant 9984 : i32
          %dma_wait3A_206 = arith.constant 0 : i32
          %dma_wait3A_207 = tpu.memref_slice %arg22[%dma_wait3A_205, %dma_wait3A_206] : memref<10000x128xf32, #tpu.memory_space<vmem_shared>> -> memref<16x128xf32, #tpu.memory_space<vmem_shared>>
          %dma_wait3A_208 = arith.constant 9984 : i32
          %dma_wait3A_209 = arith.constant 0 : i32
          %dma_wait3A_210 = tpu.memref_slice %arg5[%dma_wait3A_208, %dma_wait3A_209] : memref<10000x128xf32, #tpu.memory_space<hbm>> -> memref<16x128xf32, #tpu.memory_space<hbm>>
          tpu.wait_dma2 semaphore(%run_scoped3A : memref<!tpu.dma_semaphore, #tpu.memory_space<semaphore_mem>>) src(%dma_wait3A_210 : memref<16x128xf32, #tpu.memory_space<hbm>>) dst(%dma_wait3A_207 : memref<16x128xf32, #tpu.memory_space<vmem_shared>>)
          tpu.yield
        }) : () -> ()
      } else {
      }
    } else {
    }
    %dma_wait3A = arith.constant 0 : i32
    %dma_wait3A_51 = tpu.memref_slice %arg3[%dma_wait3A] : memref<320000xi32, #tpu.memory_space<hbm>> -> memref<40xi32, #tpu.memory_space<hbm>>
    %dma_wait3A_52 = arith.constant 0 : i32
    %dma_wait3A_53 = tpu.memref_slice %arg3[%dma_wait3A_52] : memref<320000xi32, #tpu.memory_space<hbm>> -> memref<40xi32, #tpu.memory_space<hbm>>
    tpu.wait_dma2 semaphore(%arg33 : memref<!tpu.dma_semaphore, #tpu.memory_space<semaphore_mem>>) src(%dma_wait3A_53 : memref<40xi32, #tpu.memory_space<hbm>>) dst(%arg7 : memref<40xi32, #tpu.memory_space<vmem>>)
    %dma_start3A_54 = arith.constant 0 : i32
    %dma_start3A_55 = arith.constant 0 : i32
    %dma_start3A_56 = tpu.memref_slice %arg2[%dma_start3A_54, %dma_start3A_55] : memref<10000x128xf32, #tpu.memory_space<hbm>> -> memref<10000x128xf32, #tpu.memory_space<hbm>>
    tpu.enqueue_indirect_dma source(%dma_start3A_56 : memref<10000x128xf32, #tpu.memory_space<hbm>>) target(%arg17 : memref<40x128xf32, #tpu.memory_space<vmem>>) offsets(%arg7 : memref<40xi32, #tpu.memory_space<vmem>>) semaphore(%arg23 : memref<!tpu.dma_semaphore, #tpu.memory_space<semaphore_mem>>)
    %dma_wait3A_57 = arith.constant 0 : i32
    %dma_wait3A_58 = tpu.memref_slice %arg3[%dma_wait3A_57] : memref<320000xi32, #tpu.memory_space<hbm>> -> memref<40xi32, #tpu.memory_space<hbm>>
    %dma_wait3A_59 = arith.constant 0 : i32
    %dma_wait3A_60 = tpu.memref_slice %arg3[%dma_wait3A_59] : memref<320000xi32, #tpu.memory_space<hbm>> -> memref<40xi32, #tpu.memory_space<hbm>>
    tpu.wait_dma2 semaphore(%arg34 : memref<!tpu.dma_semaphore, #tpu.memory_space<semaphore_mem>>) src(%dma_wait3A_60 : memref<40xi32, #tpu.memory_space<hbm>>) dst(%arg8 : memref<40xi32, #tpu.memory_space<vmem>>)
    %dma_start3A_61 = arith.constant 0 : i32
    %dma_start3A_62 = arith.constant 0 : i32
    %dma_start3A_63 = tpu.memref_slice %arg2[%dma_start3A_61, %dma_start3A_62] : memref<10000x128xf32, #tpu.memory_space<hbm>> -> memref<10000x128xf32, #tpu.memory_space<hbm>>
    tpu.enqueue_indirect_dma source(%dma_start3A_63 : memref<10000x128xf32, #tpu.memory_space<hbm>>) target(%arg18 : memref<40x128xf32, #tpu.memory_space<vmem>>) offsets(%arg8 : memref<40xi32, #tpu.memory_space<vmem>>) semaphore(%arg24 : memref<!tpu.dma_semaphore, #tpu.memory_space<semaphore_mem>>)
    %dma_wait3A_64 = arith.constant 0 : i32
    %dma_wait3A_65 = tpu.memref_slice %arg3[%dma_wait3A_64] : memref<320000xi32, #tpu.memory_space<hbm>> -> memref<40xi32, #tpu.memory_space<hbm>>
    %dma_wait3A_66 = arith.constant 0 : i32
    %dma_wait3A_67 = tpu.memref_slice %arg3[%dma_wait3A_66] : memref<320000xi32, #tpu.memory_space<hbm>> -> memref<40xi32, #tpu.memory_space<hbm>>
    tpu.wait_dma2 semaphore(%arg35 : memref<!tpu.dma_semaphore, #tpu.memory_space<semaphore_mem>>) src(%dma_wait3A_67 : memref<40xi32, #tpu.memory_space<hbm>>) dst(%arg9 : memref<40xi32, #tpu.memory_space<vmem>>)
    %dma_start3A_68 = arith.constant 0 : i32
    %dma_start3A_69 = arith.constant 0 : i32
    %dma_start3A_70 = tpu.memref_slice %arg2[%dma_start3A_68, %dma_start3A_69] : memref<10000x128xf32, #tpu.memory_space<hbm>> -> memref<10000x128xf32, #tpu.memory_space<hbm>>
    tpu.enqueue_indirect_dma source(%dma_start3A_70 : memref<10000x128xf32, #tpu.memory_space<hbm>>) target(%arg19 : memref<40x128xf32, #tpu.memory_space<vmem>>) offsets(%arg9 : memref<40xi32, #tpu.memory_space<vmem>>) semaphore(%arg25 : memref<!tpu.dma_semaphore, #tpu.memory_space<semaphore_mem>>)
    %dma_wait3A_71 = arith.constant 0 : i32
    %dma_wait3A_72 = tpu.memref_slice %arg3[%dma_wait3A_71] : memref<320000xi32, #tpu.memory_space<hbm>> -> memref<40xi32, #tpu.memory_space<hbm>>
    %dma_wait3A_73 = arith.constant 0 : i32
    %dma_wait3A_74 = tpu.memref_slice %arg3[%dma_wait3A_73] : memref<320000xi32, #tpu.memory_space<hbm>> -> memref<40xi32, #tpu.memory_space<hbm>>
    tpu.wait_dma2 semaphore(%arg36 : memref<!tpu.dma_semaphore, #tpu.memory_space<semaphore_mem>>) src(%dma_wait3A_74 : memref<40xi32, #tpu.memory_space<hbm>>) dst(%arg10 : memref<40xi32, #tpu.memory_space<vmem>>)
    %dma_start3A_75 = arith.constant 0 : i32
    %dma_start3A_76 = arith.constant 0 : i32
    %dma_start3A_77 = tpu.memref_slice %arg2[%dma_start3A_75, %dma_start3A_76] : memref<10000x128xf32, #tpu.memory_space<hbm>> -> memref<10000x128xf32, #tpu.memory_space<hbm>>
    tpu.enqueue_indirect_dma source(%dma_start3A_77 : memref<10000x128xf32, #tpu.memory_space<hbm>>) target(%arg20 : memref<40x128xf32, #tpu.memory_space<vmem>>) offsets(%arg10 : memref<40xi32, #tpu.memory_space<vmem>>) semaphore(%arg26 : memref<!tpu.dma_semaphore, #tpu.memory_space<semaphore_mem>>)
    %dma_wait3A_78 = arith.constant 0 : i32
    %dma_wait3A_79 = tpu.memref_slice %arg3[%dma_wait3A_78] : memref<320000xi32, #tpu.memory_space<hbm>> -> memref<40xi32, #tpu.memory_space<hbm>>
    %dma_wait3A_80 = arith.constant 0 : i32
    %dma_wait3A_81 = tpu.memref_slice %arg3[%dma_wait3A_80] : memref<320000xi32, #tpu.memory_space<hbm>> -> memref<40xi32, #tpu.memory_space<hbm>>
    tpu.wait_dma2 semaphore(%arg37 : memref<!tpu.dma_semaphore, #tpu.memory_space<semaphore_mem>>) src(%dma_wait3A_81 : memref<40xi32, #tpu.memory_space<hbm>>) dst(%arg11 : memref<40xi32, #tpu.memory_space<vmem>>)
    %dma_start3A_82 = arith.constant 0 : i32
    %dma_start3A_83 = arith.constant 0 : i32
    %dma_start3A_84 = tpu.memref_slice %arg2[%dma_start3A_82, %dma_start3A_83] : memref<10000x128xf32, #tpu.memory_space<hbm>> -> memref<10000x128xf32, #tpu.memory_space<hbm>>
    tpu.enqueue_indirect_dma source(%dma_start3A_84 : memref<10000x128xf32, #tpu.memory_space<hbm>>) target(%arg21 : memref<40x128xf32, #tpu.memory_space<vmem>>) offsets(%arg11 : memref<40xi32, #tpu.memory_space<vmem>>) semaphore(%arg27 : memref<!tpu.dma_semaphore, #tpu.memory_space<semaphore_mem>>)
    %barrier3A = arith.constant 0 : index
    tpu.barrier barrier_id(%barrier3A)
    %scan3A = arith.constant 0 : i32
    %scan3A_85 = arith.constant 0 : i32
    %scan3A_86 = arith.constant 49 : i32
    %scan3A_87 = arith.addi %scan3A_85, %scan3A_86 : i32
    %scan3A_88 = arith.constant 1 : i32
    scf.for %scan3A_194 = %scan3A_85 to %scan3A_87 step %scan3A_88  : i32 {
      %mul3A_195 = arith.constant 5 : i32
      %mul3A_196 = arith.muli %mul3A_195, %scan3A_194 : i32
      %dma_wait3A_197 = arith.constant 0 : i32
      %dma_wait3A_198 = arith.constant 0 : i32
      %dma_wait3A_199 = tpu.memref_slice %arg2[%dma_wait3A_197, %dma_wait3A_198] : memref<10000x128xf32, #tpu.memory_space<hbm>> -> memref<40x128xf32, #tpu.memory_space<hbm>>
      %dma_wait3A_200 = arith.constant 0 : i32
      %dma_wait3A_201 = arith.constant 0 : i32
      %dma_wait3A_202 = tpu.memref_slice %arg2[%dma_wait3A_200, %dma_wait3A_201] : memref<10000x128xf32, #tpu.memory_space<hbm>> -> memref<40x128xf32, #tpu.memory_space<hbm>>
      tpu.wait_dma2 semaphore(%arg23 : memref<!tpu.dma_semaphore, #tpu.memory_space<semaphore_mem>>) src(%dma_wait3A_202 : memref<40x128xf32, #tpu.memory_space<hbm>>) dst(%arg17 : memref<40x128xf32, #tpu.memory_space<vmem>>)
      %add3A_203 = arith.constant 0 : i32
      %add3A_204 = arith.addi %mul3A_196, %add3A_203 : i32
      %add3A_205 = arith.constant 5 : i32
      %add3A_206 = arith.addi %add3A_204, %add3A_205 : i32
      %mul3A_207 = arith.constant 40 : i32
      %mul3A_208 = arith.muli %add3A_206, %mul3A_207 : i32
      %add3A_209 = arith.addi %mul3A_4, %mul3A_208 : i32
      %dma_start3A_210 = tpu.memref_slice %arg3[%add3A_209] : memref<320000xi32, #tpu.memory_space<hbm>> -> memref<40xi32, #tpu.memory_space<hbm>>
      %dma_start3A_211 = tpu.memref_slice %arg3[%add3A_209] : memref<320000xi32, #tpu.memory_space<hbm>> -> memref<40xi32, #tpu.memory_space<hbm>>
      tpu.enqueue_dma source(%dma_start3A_211 : memref<40xi32, #tpu.memory_space<hbm>>) target(%arg7 : memref<40xi32, #tpu.memory_space<vmem>>) target_semaphore(%arg33 : memref<!tpu.dma_semaphore, #tpu.memory_space<semaphore_mem>>)
      %dma_wait3A_212 = arith.constant 0 : i32
      %dma_wait3A_213 = tpu.memref_slice %arg4[%dma_wait3A_212] : memref<320000xi32, #tpu.memory_space<hbm>> -> memref<40xi32, #tpu.memory_space<hbm>>
      %dma_wait3A_214 = arith.constant 0 : i32
      %dma_wait3A_215 = tpu.memref_slice %arg4[%dma_wait3A_214] : memref<320000xi32, #tpu.memory_space<hbm>> -> memref<40xi32, #tpu.memory_space<hbm>>
      tpu.wait_dma2 semaphore(%arg38 : memref<!tpu.dma_semaphore, #tpu.memory_space<semaphore_mem>>) src(%dma_wait3A_215 : memref<40xi32, #tpu.memory_space<hbm>>) dst(%arg12 : memref<40xi32, #tpu.memory_space<vmem>>)
      %dma_start3A_216 = arith.constant 0 : i32
      %dma_start3A_217 = arith.constant 0 : i32
      %dma_start3A_218 = tpu.memref_slice %arg22[%dma_start3A_216, %dma_start3A_217] : memref<10000x128xf32, #tpu.memory_space<vmem_shared>> -> memref<10000x128xf32, #tpu.memory_space<vmem_shared>>
      tpu.enqueue_indirect_dma source(%arg17 : memref<40x128xf32, #tpu.memory_space<vmem>>) target(%dma_start3A_218 : memref<10000x128xf32, #tpu.memory_space<vmem_shared>>) offsets(%arg12 : memref<40xi32, #tpu.memory_space<vmem>>) semaphore(%arg28 : memref<!tpu.dma_semaphore, #tpu.memory_space<semaphore_mem>>) {add = true}
      %dma_wait3A_219 = arith.constant 0 : i32
      %dma_wait3A_220 = arith.constant 0 : i32
      %dma_wait3A_221 = tpu.memref_slice %arg2[%dma_wait3A_219, %dma_wait3A_220] : memref<10000x128xf32, #tpu.memory_space<hbm>> -> memref<40x128xf32, #tpu.memory_space<hbm>>
      %dma_wait3A_222 = arith.constant 0 : i32
      %dma_wait3A_223 = arith.constant 0 : i32
      %dma_wait3A_224 = tpu.memref_slice %arg2[%dma_wait3A_222, %dma_wait3A_223] : memref<10000x128xf32, #tpu.memory_space<hbm>> -> memref<40x128xf32, #tpu.memory_space<hbm>>
      tpu.wait_dma2 semaphore(%arg24 : memref<!tpu.dma_semaphore, #tpu.memory_space<semaphore_mem>>) src(%dma_wait3A_224 : memref<40x128xf32, #tpu.memory_space<hbm>>) dst(%arg18 : memref<40x128xf32, #tpu.memory_space<vmem>>)
      %add3A_225 = arith.constant 1 : i32
      %add3A_226 = arith.addi %mul3A_196, %add3A_225 : i32
      %add3A_227 = arith.constant 5 : i32
      %add3A_228 = arith.addi %add3A_226, %add3A_227 : i32
      %mul3A_229 = arith.constant 40 : i32
      %mul3A_230 = arith.muli %add3A_228, %mul3A_229 : i32
      %add3A_231 = arith.addi %mul3A_4, %mul3A_230 : i32
      %dma_start3A_232 = tpu.memref_slice %arg3[%add3A_231] : memref<320000xi32, #tpu.memory_space<hbm>> -> memref<40xi32, #tpu.memory_space<hbm>>
      %dma_start3A_233 = tpu.memref_slice %arg3[%add3A_231] : memref<320000xi32, #tpu.memory_space<hbm>> -> memref<40xi32, #tpu.memory_space<hbm>>
      tpu.enqueue_dma source(%dma_start3A_233 : memref<40xi32, #tpu.memory_space<hbm>>) target(%arg8 : memref<40xi32, #tpu.memory_space<vmem>>) target_semaphore(%arg34 : memref<!tpu.dma_semaphore, #tpu.memory_space<semaphore_mem>>)
      %dma_wait3A_234 = arith.constant 0 : i32
      %dma_wait3A_235 = tpu.memref_slice %arg4[%dma_wait3A_234] : memref<320000xi32, #tpu.memory_space<hbm>> -> memref<40xi32, #tpu.memory_space<hbm>>
      %dma_wait3A_236 = arith.constant 0 : i32
      %dma_wait3A_237 = tpu.memref_slice %arg4[%dma_wait3A_236] : memref<320000xi32, #tpu.memory_space<hbm>> -> memref<40xi32, #tpu.memory_space<hbm>>
      tpu.wait_dma2 semaphore(%arg39 : memref<!tpu.dma_semaphore, #tpu.memory_space<semaphore_mem>>) src(%dma_wait3A_237 : memref<40xi32, #tpu.memory_space<hbm>>) dst(%arg13 : memref<40xi32, #tpu.memory_space<vmem>>)
      %dma_start3A_238 = arith.constant 0 : i32
      %dma_start3A_239 = arith.constant 0 : i32
      %dma_start3A_240 = tpu.memref_slice %arg22[%dma_start3A_238, %dma_start3A_239] : memref<10000x128xf32, #tpu.memory_space<vmem_shared>> -> memref<10000x128xf32, #tpu.memory_space<vmem_shared>>
      tpu.enqueue_indirect_dma source(%arg18 : memref<40x128xf32, #tpu.memory_space<vmem>>) target(%dma_start3A_240 : memref<10000x128xf32, #tpu.memory_space<vmem_shared>>) offsets(%arg13 : memref<40xi32, #tpu.memory_space<vmem>>) semaphore(%arg29 : memref<!tpu.dma_semaphore, #tpu.memory_space<semaphore_mem>>) {add = true}
      %dma_wait3A_241 = arith.constant 0 : i32
      %dma_wait3A_242 = arith.constant 0 : i32
      %dma_wait3A_243 = tpu.memref_slice %arg2[%dma_wait3A_241, %dma_wait3A_242] : memref<10000x128xf32, #tpu.memory_space<hbm>> -> memref<40x128xf32, #tpu.memory_space<hbm>>
      %dma_wait3A_244 = arith.constant 0 : i32
      %dma_wait3A_245 = arith.constant 0 : i32
      %dma_wait3A_246 = tpu.memref_slice %arg2[%dma_wait3A_244, %dma_wait3A_245] : memref<10000x128xf32, #tpu.memory_space<hbm>> -> memref<40x128xf32, #tpu.memory_space<hbm>>
      tpu.wait_dma2 semaphore(%arg25 : memref<!tpu.dma_semaphore, #tpu.memory_space<semaphore_mem>>) src(%dma_wait3A_246 : memref<40x128xf32, #tpu.memory_space<hbm>>) dst(%arg19 : memref<40x128xf32, #tpu.memory_space<vmem>>)
      %add3A_247 = arith.constant 2 : i32
      %add3A_248 = arith.addi %mul3A_196, %add3A_247 : i32
      %add3A_249 = arith.constant 5 : i32
      %add3A_250 = arith.addi %add3A_248, %add3A_249 : i32
      %mul3A_251 = arith.constant 40 : i32
      %mul3A_252 = arith.muli %add3A_250, %mul3A_251 : i32
      %add3A_253 = arith.addi %mul3A_4, %mul3A_252 : i32
      %dma_start3A_254 = tpu.memref_slice %arg3[%add3A_253] : memref<320000xi32, #tpu.memory_space<hbm>> -> memref<40xi32, #tpu.memory_space<hbm>>
      %dma_start3A_255 = tpu.memref_slice %arg3[%add3A_253] : memref<320000xi32, #tpu.memory_space<hbm>> -> memref<40xi32, #tpu.memory_space<hbm>>
      tpu.enqueue_dma source(%dma_start3A_255 : memref<40xi32, #tpu.memory_space<hbm>>) target(%arg9 : memref<40xi32, #tpu.memory_space<vmem>>) target_semaphore(%arg35 : memref<!tpu.dma_semaphore, #tpu.memory_space<semaphore_mem>>)
      %dma_wait3A_256 = arith.constant 0 : i32
      %dma_wait3A_257 = tpu.memref_slice %arg4[%dma_wait3A_256] : memref<320000xi32, #tpu.memory_space<hbm>> -> memref<40xi32, #tpu.memory_space<hbm>>
      %dma_wait3A_258 = arith.constant 0 : i32
      %dma_wait3A_259 = tpu.memref_slice %arg4[%dma_wait3A_258] : memref<320000xi32, #tpu.memory_space<hbm>> -> memref<40xi32, #tpu.memory_space<hbm>>
      tpu.wait_dma2 semaphore(%arg40 : memref<!tpu.dma_semaphore, #tpu.memory_space<semaphore_mem>>) src(%dma_wait3A_259 : memref<40xi32, #tpu.memory_space<hbm>>) dst(%arg14 : memref<40xi32, #tpu.memory_space<vmem>>)
      %dma_start3A_260 = arith.constant 0 : i32
      %dma_start3A_261 = arith.constant 0 : i32
      %dma_start3A_262 = tpu.memref_slice %arg22[%dma_start3A_260, %dma_start3A_261] : memref<10000x128xf32, #tpu.memory_space<vmem_shared>> -> memref<10000x128xf32, #tpu.memory_space<vmem_shared>>
      tpu.enqueue_indirect_dma source(%arg19 : memref<40x128xf32, #tpu.memory_space<vmem>>) target(%dma_start3A_262 : memref<10000x128xf32, #tpu.memory_space<vmem_shared>>) offsets(%arg14 : memref<40xi32, #tpu.memory_space<vmem>>) semaphore(%arg30 : memref<!tpu.dma_semaphore, #tpu.memory_space<semaphore_mem>>) {add = true}
      %dma_wait3A_263 = arith.constant 0 : i32
      %dma_wait3A_264 = arith.constant 0 : i32
      %dma_wait3A_265 = tpu.memref_slice %arg2[%dma_wait3A_263, %dma_wait3A_264] : memref<10000x128xf32, #tpu.memory_space<hbm>> -> memref<40x128xf32, #tpu.memory_space<hbm>>
      %dma_wait3A_266 = arith.constant 0 : i32
      %dma_wait3A_267 = arith.constant 0 : i32
      %dma_wait3A_268 = tpu.memref_slice %arg2[%dma_wait3A_266, %dma_wait3A_267] : memref<10000x128xf32, #tpu.memory_space<hbm>> -> memref<40x128xf32, #tpu.memory_space<hbm>>
      tpu.wait_dma2 semaphore(%arg26 : memref<!tpu.dma_semaphore, #tpu.memory_space<semaphore_mem>>) src(%dma_wait3A_268 : memref<40x128xf32, #tpu.memory_space<hbm>>) dst(%arg20 : memref<40x128xf32, #tpu.memory_space<vmem>>)
      %add3A_269 = arith.constant 3 : i32
      %add3A_270 = arith.addi %mul3A_196, %add3A_269 : i32
      %add3A_271 = arith.constant 5 : i32
      %add3A_272 = arith.addi %add3A_270, %add3A_271 : i32
      %mul3A_273 = arith.constant 40 : i32
      %mul3A_274 = arith.muli %add3A_272, %mul3A_273 : i32
      %add3A_275 = arith.addi %mul3A_4, %mul3A_274 : i32
      %dma_start3A_276 = tpu.memref_slice %arg3[%add3A_275] : memref<320000xi32, #tpu.memory_space<hbm>> -> memref<40xi32, #tpu.memory_space<hbm>>
      %dma_start3A_277 = tpu.memref_slice %arg3[%add3A_275] : memref<320000xi32, #tpu.memory_space<hbm>> -> memref<40xi32, #tpu.memory_space<hbm>>
      tpu.enqueue_dma source(%dma_start3A_277 : memref<40xi32, #tpu.memory_space<hbm>>) target(%arg10 : memref<40xi32, #tpu.memory_space<vmem>>) target_semaphore(%arg36 : memref<!tpu.dma_semaphore, #tpu.memory_space<semaphore_mem>>)
      %dma_wait3A_278 = arith.constant 0 : i32
      %dma_wait3A_279 = tpu.memref_slice %arg4[%dma_wait3A_278] : memref<320000xi32, #tpu.memory_space<hbm>> -> memref<40xi32, #tpu.memory_space<hbm>>
      %dma_wait3A_280 = arith.constant 0 : i32
      %dma_wait3A_281 = tpu.memref_slice %arg4[%dma_wait3A_280] : memref<320000xi32, #tpu.memory_space<hbm>> -> memref<40xi32, #tpu.memory_space<hbm>>
      tpu.wait_dma2 semaphore(%arg41 : memref<!tpu.dma_semaphore, #tpu.memory_space<semaphore_mem>>) src(%dma_wait3A_281 : memref<40xi32, #tpu.memory_space<hbm>>) dst(%arg15 : memref<40xi32, #tpu.memory_space<vmem>>)
      %dma_start3A_282 = arith.constant 0 : i32
      %dma_start3A_283 = arith.constant 0 : i32
      %dma_start3A_284 = tpu.memref_slice %arg22[%dma_start3A_282, %dma_start3A_283] : memref<10000x128xf32, #tpu.memory_space<vmem_shared>> -> memref<10000x128xf32, #tpu.memory_space<vmem_shared>>
      tpu.enqueue_indirect_dma source(%arg20 : memref<40x128xf32, #tpu.memory_space<vmem>>) target(%dma_start3A_284 : memref<10000x128xf32, #tpu.memory_space<vmem_shared>>) offsets(%arg15 : memref<40xi32, #tpu.memory_space<vmem>>) semaphore(%arg31 : memref<!tpu.dma_semaphore, #tpu.memory_space<semaphore_mem>>) {add = true}
      %dma_wait3A_285 = arith.constant 0 : i32
      %dma_wait3A_286 = arith.constant 0 : i32
      %dma_wait3A_287 = tpu.memref_slice %arg2[%dma_wait3A_285, %dma_wait3A_286] : memref<10000x128xf32, #tpu.memory_space<hbm>> -> memref<40x128xf32, #tpu.memory_space<hbm>>
      %dma_wait3A_288 = arith.constant 0 : i32
      %dma_wait3A_289 = arith.constant 0 : i32
      %dma_wait3A_290 = tpu.memref_slice %arg2[%dma_wait3A_288, %dma_wait3A_289] : memref<10000x128xf32, #tpu.memory_space<hbm>> -> memref<40x128xf32, #tpu.memory_space<hbm>>
      tpu.wait_dma2 semaphore(%arg27 : memref<!tpu.dma_semaphore, #tpu.memory_space<semaphore_mem>>) src(%dma_wait3A_290 : memref<40x128xf32, #tpu.memory_space<hbm>>) dst(%arg21 : memref<40x128xf32, #tpu.memory_space<vmem>>)
      %add3A_291 = arith.constant 4 : i32
      %add3A_292 = arith.addi %mul3A_196, %add3A_291 : i32
      %add3A_293 = arith.constant 5 : i32
      %add3A_294 = arith.addi %add3A_292, %add3A_293 : i32
      %mul3A_295 = arith.constant 40 : i32
      %mul3A_296 = arith.muli %add3A_294, %mul3A_295 : i32
      %add3A_297 = arith.addi %mul3A_4, %mul3A_296 : i32
      %dma_start3A_298 = tpu.memref_slice %arg3[%add3A_297] : memref<320000xi32, #tpu.memory_space<hbm>> -> memref<40xi32, #tpu.memory_space<hbm>>
      %dma_start3A_299 = tpu.memref_slice %arg3[%add3A_297] : memref<320000xi32, #tpu.memory_space<hbm>> -> memref<40xi32, #tpu.memory_space<hbm>>
      tpu.enqueue_dma source(%dma_start3A_299 : memref<40xi32, #tpu.memory_space<hbm>>) target(%arg11 : memref<40xi32, #tpu.memory_space<vmem>>) target_semaphore(%arg37 : memref<!tpu.dma_semaphore, #tpu.memory_space<semaphore_mem>>)
      %dma_wait3A_300 = arith.constant 0 : i32
      %dma_wait3A_301 = tpu.memref_slice %arg4[%dma_wait3A_300] : memref<320000xi32, #tpu.memory_space<hbm>> -> memref<40xi32, #tpu.memory_space<hbm>>
      %dma_wait3A_302 = arith.constant 0 : i32
      %dma_wait3A_303 = tpu.memref_slice %arg4[%dma_wait3A_302] : memref<320000xi32, #tpu.memory_space<hbm>> -> memref<40xi32, #tpu.memory_space<hbm>>
      tpu.wait_dma2 semaphore(%arg42 : memref<!tpu.dma_semaphore, #tpu.memory_space<semaphore_mem>>) src(%dma_wait3A_303 : memref<40xi32, #tpu.memory_space<hbm>>) dst(%arg16 : memref<40xi32, #tpu.memory_space<vmem>>)
      %dma_start3A_304 = arith.constant 0 : i32
      %dma_start3A_305 = arith.constant 0 : i32
      %dma_start3A_306 = tpu.memref_slice %arg22[%dma_start3A_304, %dma_start3A_305] : memref<10000x128xf32, #tpu.memory_space<vmem_shared>> -> memref<10000x128xf32, #tpu.memory_space<vmem_shared>>
      tpu.enqueue_indirect_dma source(%arg21 : memref<40x128xf32, #tpu.memory_space<vmem>>) target(%dma_start3A_306 : memref<10000x128xf32, #tpu.memory_space<vmem_shared>>) offsets(%arg16 : memref<40xi32, #tpu.memory_space<vmem>>) semaphore(%arg32 : memref<!tpu.dma_semaphore, #tpu.memory_space<semaphore_mem>>) {add = true}
      %dma_wait3A_307 = arith.constant 0 : i32
      %dma_wait3A_308 = arith.constant 0 : i32
      %dma_wait3A_309 = tpu.memref_slice %arg2[%dma_wait3A_307, %dma_wait3A_308] : memref<10000x128xf32, #tpu.memory_space<hbm>> -> memref<40x128xf32, #tpu.memory_space<hbm>>
      %dma_wait3A_310 = arith.constant 0 : i32
      %dma_wait3A_311 = arith.constant 0 : i32
      %dma_wait3A_312 = tpu.memref_slice %arg2[%dma_wait3A_310, %dma_wait3A_311] : memref<10000x128xf32, #tpu.memory_space<hbm>> -> memref<40x128xf32, #tpu.memory_space<hbm>>
      tpu.wait_dma2 semaphore(%arg28 : memref<!tpu.dma_semaphore, #tpu.memory_space<semaphore_mem>>) src(%dma_wait3A_312 : memref<40x128xf32, #tpu.memory_space<hbm>>) dst(%arg17 : memref<40x128xf32, #tpu.memory_space<vmem>>)
      %add3A_313 = arith.constant 0 : i32
      %add3A_314 = arith.addi %mul3A_196, %add3A_313 : i32
      %add3A_315 = arith.constant 5 : i32
      %add3A_316 = arith.addi %add3A_314, %add3A_315 : i32
      %mul3A_317 = arith.constant 40 : i32
      %mul3A_318 = arith.muli %add3A_316, %mul3A_317 : i32
      %add3A_319 = arith.addi %mul3A_4, %mul3A_318 : i32
      %dma_start3A_320 = tpu.memref_slice %arg4[%add3A_319] : memref<320000xi32, #tpu.memory_space<hbm>> -> memref<40xi32, #tpu.memory_space<hbm>>
      %dma_start3A_321 = tpu.memref_slice %arg4[%add3A_319] : memref<320000xi32, #tpu.memory_space<hbm>> -> memref<40xi32, #tpu.memory_space<hbm>>
      tpu.enqueue_dma source(%dma_start3A_321 : memref<40xi32, #tpu.memory_space<hbm>>) target(%arg12 : memref<40xi32, #tpu.memory_space<vmem>>) target_semaphore(%arg38 : memref<!tpu.dma_semaphore, #tpu.memory_space<semaphore_mem>>)
      %dma_wait3A_322 = arith.constant 0 : i32
      %dma_wait3A_323 = tpu.memref_slice %arg3[%dma_wait3A_322] : memref<320000xi32, #tpu.memory_space<hbm>> -> memref<40xi32, #tpu.memory_space<hbm>>
      %dma_wait3A_324 = arith.constant 0 : i32
      %dma_wait3A_325 = tpu.memref_slice %arg3[%dma_wait3A_324] : memref<320000xi32, #tpu.memory_space<hbm>> -> memref<40xi32, #tpu.memory_space<hbm>>
      tpu.wait_dma2 semaphore(%arg33 : memref<!tpu.dma_semaphore, #tpu.memory_space<semaphore_mem>>) src(%dma_wait3A_325 : memref<40xi32, #tpu.memory_space<hbm>>) dst(%arg7 : memref<40xi32, #tpu.memory_space<vmem>>)
      %dma_start3A_326 = arith.constant 0 : i32
      %dma_start3A_327 = arith.constant 0 : i32
      %dma_start3A_328 = tpu.memref_slice %arg2[%dma_start3A_326, %dma_start3A_327] : memref<10000x128xf32, #tpu.memory_space<hbm>> -> memref<10000x128xf32, #tpu.memory_space<hbm>>
      tpu.enqueue_indirect_dma source(%dma_start3A_328 : memref<10000x128xf32, #tpu.memory_space<hbm>>) target(%arg17 : memref<40x128xf32, #tpu.memory_space<vmem>>) offsets(%arg7 : memref<40xi32, #tpu.memory_space<vmem>>) semaphore(%arg23 : memref<!tpu.dma_semaphore, #tpu.memory_space<semaphore_mem>>)
      %dma_wait3A_329 = arith.constant 0 : i32
      %dma_wait3A_330 = arith.constant 0 : i32
      %dma_wait3A_331 = tpu.memref_slice %arg2[%dma_wait3A_329, %dma_wait3A_330] : memref<10000x128xf32, #tpu.memory_space<hbm>> -> memref<40x128xf32, #tpu.memory_space<hbm>>
      %dma_wait3A_332 = arith.constant 0 : i32
      %dma_wait3A_333 = arith.constant 0 : i32
      %dma_wait3A_334 = tpu.memref_slice %arg2[%dma_wait3A_332, %dma_wait3A_333] : memref<10000x128xf32, #tpu.memory_space<hbm>> -> memref<40x128xf32, #tpu.memory_space<hbm>>
      tpu.wait_dma2 semaphore(%arg29 : memref<!tpu.dma_semaphore, #tpu.memory_space<semaphore_mem>>) src(%dma_wait3A_334 : memref<40x128xf32, #tpu.memory_space<hbm>>) dst(%arg18 : memref<40x128xf32, #tpu.memory_space<vmem>>)
      %add3A_335 = arith.constant 1 : i32
      %add3A_336 = arith.addi %mul3A_196, %add3A_335 : i32
      %add3A_337 = arith.constant 5 : i32
      %add3A_338 = arith.addi %add3A_336, %add3A_337 : i32
      %mul3A_339 = arith.constant 40 : i32
      %mul3A_340 = arith.muli %add3A_338, %mul3A_339 : i32
      %add3A_341 = arith.addi %mul3A_4, %mul3A_340 : i32
      %dma_start3A_342 = tpu.memref_slice %arg4[%add3A_341] : memref<320000xi32, #tpu.memory_space<hbm>> -> memref<40xi32, #tpu.memory_space<hbm>>
      %dma_start3A_343 = tpu.memref_slice %arg4[%add3A_341] : memref<320000xi32, #tpu.memory_space<hbm>> -> memref<40xi32, #tpu.memory_space<hbm>>
      tpu.enqueue_dma source(%dma_start3A_343 : memref<40xi32, #tpu.memory_space<hbm>>) target(%arg13 : memref<40xi32, #tpu.memory_space<vmem>>) target_semaphore(%arg39 : memref<!tpu.dma_semaphore, #tpu.memory_space<semaphore_mem>>)
      %dma_wait3A_344 = arith.constant 0 : i32
      %dma_wait3A_345 = tpu.memref_slice %arg3[%dma_wait3A_344] : memref<320000xi32, #tpu.memory_space<hbm>> -> memref<40xi32, #tpu.memory_space<hbm>>
      %dma_wait3A_346 = arith.constant 0 : i32
      %dma_wait3A_347 = tpu.memref_slice %arg3[%dma_wait3A_346] : memref<320000xi32, #tpu.memory_space<hbm>> -> memref<40xi32, #tpu.memory_space<hbm>>
      tpu.wait_dma2 semaphore(%arg34 : memref<!tpu.dma_semaphore, #tpu.memory_space<semaphore_mem>>) src(%dma_wait3A_347 : memref<40xi32, #tpu.memory_space<hbm>>) dst(%arg8 : memref<40xi32, #tpu.memory_space<vmem>>)
      %dma_start3A_348 = arith.constant 0 : i32
      %dma_start3A_349 = arith.constant 0 : i32
      %dma_start3A_350 = tpu.memref_slice %arg2[%dma_start3A_348, %dma_start3A_349] : memref<10000x128xf32, #tpu.memory_space<hbm>> -> memref<10000x128xf32, #tpu.memory_space<hbm>>
      tpu.enqueue_indirect_dma source(%dma_start3A_350 : memref<10000x128xf32, #tpu.memory_space<hbm>>) target(%arg18 : memref<40x128xf32, #tpu.memory_space<vmem>>) offsets(%arg8 : memref<40xi32, #tpu.memory_space<vmem>>) semaphore(%arg24 : memref<!tpu.dma_semaphore, #tpu.memory_space<semaphore_mem>>)
      %dma_wait3A_351 = arith.constant 0 : i32
      %dma_wait3A_352 = arith.constant 0 : i32
      %dma_wait3A_353 = tpu.memref_slice %arg2[%dma_wait3A_351, %dma_wait3A_352] : memref<10000x128xf32, #tpu.memory_space<hbm>> -> memref<40x128xf32, #tpu.memory_space<hbm>>
      %dma_wait3A_354 = arith.constant 0 : i32
      %dma_wait3A_355 = arith.constant 0 : i32
      %dma_wait3A_356 = tpu.memref_slice %arg2[%dma_wait3A_354, %dma_wait3A_355] : memref<10000x128xf32, #tpu.memory_space<hbm>> -> memref<40x128xf32, #tpu.memory_space<hbm>>
      tpu.wait_dma2 semaphore(%arg30 : memref<!tpu.dma_semaphore, #tpu.memory_space<semaphore_mem>>) src(%dma_wait3A_356 : memref<40x128xf32, #tpu.memory_space<hbm>>) dst(%arg19 : memref<40x128xf32, #tpu.memory_space<vmem>>)
      %add3A_357 = arith.constant 2 : i32
      %add3A_358 = arith.addi %mul3A_196, %add3A_357 : i32
      %add3A_359 = arith.constant 5 : i32
      %add3A_360 = arith.addi %add3A_358, %add3A_359 : i32
      %mul3A_361 = arith.constant 40 : i32
      %mul3A_362 = arith.muli %add3A_360, %mul3A_361 : i32
      %add3A_363 = arith.addi %mul3A_4, %mul3A_362 : i32
      %dma_start3A_364 = tpu.memref_slice %arg4[%add3A_363] : memref<320000xi32, #tpu.memory_space<hbm>> -> memref<40xi32, #tpu.memory_space<hbm>>
      %dma_start3A_365 = tpu.memref_slice %arg4[%add3A_363] : memref<320000xi32, #tpu.memory_space<hbm>> -> memref<40xi32, #tpu.memory_space<hbm>>
      tpu.enqueue_dma source(%dma_start3A_365 : memref<40xi32, #tpu.memory_space<hbm>>) target(%arg14 : memref<40xi32, #tpu.memory_space<vmem>>) target_semaphore(%arg40 : memref<!tpu.dma_semaphore, #tpu.memory_space<semaphore_mem>>)
      %dma_wait3A_366 = arith.constant 0 : i32
      %dma_wait3A_367 = tpu.memref_slice %arg3[%dma_wait3A_366] : memref<320000xi32, #tpu.memory_space<hbm>> -> memref<40xi32, #tpu.memory_space<hbm>>
      %dma_wait3A_368 = arith.constant 0 : i32
      %dma_wait3A_369 = tpu.memref_slice %arg3[%dma_wait3A_368] : memref<320000xi32, #tpu.memory_space<hbm>> -> memref<40xi32, #tpu.memory_space<hbm>>
      tpu.wait_dma2 semaphore(%arg35 : memref<!tpu.dma_semaphore, #tpu.memory_space<semaphore_mem>>) src(%dma_wait3A_369 : memref<40xi32, #tpu.memory_space<hbm>>) dst(%arg9 : memref<40xi32, #tpu.memory_space<vmem>>)
      %dma_start3A_370 = arith.constant 0 : i32
      %dma_start3A_371 = arith.constant 0 : i32
      %dma_start3A_372 = tpu.memref_slice %arg2[%dma_start3A_370, %dma_start3A_371] : memref<10000x128xf32, #tpu.memory_space<hbm>> -> memref<10000x128xf32, #tpu.memory_space<hbm>>
      tpu.enqueue_indirect_dma source(%dma_start3A_372 : memref<10000x128xf32, #tpu.memory_space<hbm>>) target(%arg19 : memref<40x128xf32, #tpu.memory_space<vmem>>) offsets(%arg9 : memref<40xi32, #tpu.memory_space<vmem>>) semaphore(%arg25 : memref<!tpu.dma_semaphore, #tpu.memory_space<semaphore_mem>>)
      %dma_wait3A_373 = arith.constant 0 : i32
      %dma_wait3A_374 = arith.constant 0 : i32
      %dma_wait3A_375 = tpu.memref_slice %arg2[%dma_wait3A_373, %dma_wait3A_374] : memref<10000x128xf32, #tpu.memory_space<hbm>> -> memref<40x128xf32, #tpu.memory_space<hbm>>
      %dma_wait3A_376 = arith.constant 0 : i32
      %dma_wait3A_377 = arith.constant 0 : i32
      %dma_wait3A_378 = tpu.memref_slice %arg2[%dma_wait3A_376, %dma_wait3A_377] : memref<10000x128xf32, #tpu.memory_space<hbm>> -> memref<40x128xf32, #tpu.memory_space<hbm>>
      tpu.wait_dma2 semaphore(%arg31 : memref<!tpu.dma_semaphore, #tpu.memory_space<semaphore_mem>>) src(%dma_wait3A_378 : memref<40x128xf32, #tpu.memory_space<hbm>>) dst(%arg20 : memref<40x128xf32, #tpu.memory_space<vmem>>)
      %add3A_379 = arith.constant 3 : i32
      %add3A_380 = arith.addi %mul3A_196, %add3A_379 : i32
      %add3A_381 = arith.constant 5 : i32
      %add3A_382 = arith.addi %add3A_380, %add3A_381 : i32
      %mul3A_383 = arith.constant 40 : i32
      %mul3A_384 = arith.muli %add3A_382, %mul3A_383 : i32
      %add3A_385 = arith.addi %mul3A_4, %mul3A_384 : i32
      %dma_start3A_386 = tpu.memref_slice %arg4[%add3A_385] : memref<320000xi32, #tpu.memory_space<hbm>> -> memref<40xi32, #tpu.memory_space<hbm>>
      %dma_start3A_387 = tpu.memref_slice %arg4[%add3A_385] : memref<320000xi32, #tpu.memory_space<hbm>> -> memref<40xi32, #tpu.memory_space<hbm>>
      tpu.enqueue_dma source(%dma_start3A_387 : memref<40xi32, #tpu.memory_space<hbm>>) target(%arg15 : memref<40xi32, #tpu.memory_space<vmem>>) target_semaphore(%arg41 : memref<!tpu.dma_semaphore, #tpu.memory_space<semaphore_mem>>)
      %dma_wait3A_388 = arith.constant 0 : i32
      %dma_wait3A_389 = tpu.memref_slice %arg3[%dma_wait3A_388] : memref<320000xi32, #tpu.memory_space<hbm>> -> memref<40xi32, #tpu.memory_space<hbm>>
      %dma_wait3A_390 = arith.constant 0 : i32
      %dma_wait3A_391 = tpu.memref_slice %arg3[%dma_wait3A_390] : memref<320000xi32, #tpu.memory_space<hbm>> -> memref<40xi32, #tpu.memory_space<hbm>>
      tpu.wait_dma2 semaphore(%arg36 : memref<!tpu.dma_semaphore, #tpu.memory_space<semaphore_mem>>) src(%dma_wait3A_391 : memref<40xi32, #tpu.memory_space<hbm>>) dst(%arg10 : memref<40xi32, #tpu.memory_space<vmem>>)
      %dma_start3A_392 = arith.constant 0 : i32
      %dma_start3A_393 = arith.constant 0 : i32
      %dma_start3A_394 = tpu.memref_slice %arg2[%dma_start3A_392, %dma_start3A_393] : memref<10000x128xf32, #tpu.memory_space<hbm>> -> memref<10000x128xf32, #tpu.memory_space<hbm>>
      tpu.enqueue_indirect_dma source(%dma_start3A_394 : memref<10000x128xf32, #tpu.memory_space<hbm>>) target(%arg20 : memref<40x128xf32, #tpu.memory_space<vmem>>) offsets(%arg10 : memref<40xi32, #tpu.memory_space<vmem>>) semaphore(%arg26 : memref<!tpu.dma_semaphore, #tpu.memory_space<semaphore_mem>>)
      %dma_wait3A_395 = arith.constant 0 : i32
      %dma_wait3A_396 = arith.constant 0 : i32
      %dma_wait3A_397 = tpu.memref_slice %arg2[%dma_wait3A_395, %dma_wait3A_396] : memref<10000x128xf32, #tpu.memory_space<hbm>> -> memref<40x128xf32, #tpu.memory_space<hbm>>
      %dma_wait3A_398 = arith.constant 0 : i32
      %dma_wait3A_399 = arith.constant 0 : i32
      %dma_wait3A_400 = tpu.memref_slice %arg2[%dma_wait3A_398, %dma_wait3A_399] : memref<10000x128xf32, #tpu.memory_space<hbm>> -> memref<40x128xf32, #tpu.memory_space<hbm>>
      tpu.wait_dma2 semaphore(%arg32 : memref<!tpu.dma_semaphore, #tpu.memory_space<semaphore_mem>>) src(%dma_wait3A_400 : memref<40x128xf32, #tpu.memory_space<hbm>>) dst(%arg21 : memref<40x128xf32, #tpu.memory_space<vmem>>)
      %add3A_401 = arith.constant 4 : i32
      %add3A_402 = arith.addi %mul3A_196, %add3A_401 : i32
      %add3A_403 = arith.constant 5 : i32
      %add3A_404 = arith.addi %add3A_402, %add3A_403 : i32
      %mul3A_405 = arith.constant 40 : i32
      %mul3A_406 = arith.muli %add3A_404, %mul3A_405 : i32
      %add3A_407 = arith.addi %mul3A_4, %mul3A_406 : i32
      %dma_start3A_408 = tpu.memref_slice %arg4[%add3A_407] : memref<320000xi32, #tpu.memory_space<hbm>> -> memref<40xi32, #tpu.memory_space<hbm>>
      %dma_start3A_409 = tpu.memref_slice %arg4[%add3A_407] : memref<320000xi32, #tpu.memory_space<hbm>> -> memref<40xi32, #tpu.memory_space<hbm>>
      tpu.enqueue_dma source(%dma_start3A_409 : memref<40xi32, #tpu.memory_space<hbm>>) target(%arg16 : memref<40xi32, #tpu.memory_space<vmem>>) target_semaphore(%arg42 : memref<!tpu.dma_semaphore, #tpu.memory_space<semaphore_mem>>)
      %dma_wait3A_410 = arith.constant 0 : i32
      %dma_wait3A_411 = tpu.memref_slice %arg3[%dma_wait3A_410] : memref<320000xi32, #tpu.memory_space<hbm>> -> memref<40xi32, #tpu.memory_space<hbm>>
      %dma_wait3A_412 = arith.constant 0 : i32
      %dma_wait3A_413 = tpu.memref_slice %arg3[%dma_wait3A_412] : memref<320000xi32, #tpu.memory_space<hbm>> -> memref<40xi32, #tpu.memory_space<hbm>>
      tpu.wait_dma2 semaphore(%arg37 : memref<!tpu.dma_semaphore, #tpu.memory_space<semaphore_mem>>) src(%dma_wait3A_413 : memref<40xi32, #tpu.memory_space<hbm>>) dst(%arg11 : memref<40xi32, #tpu.memory_space<vmem>>)
      %dma_start3A_414 = arith.constant 0 : i32
      %dma_start3A_415 = arith.constant 0 : i32
      %dma_start3A_416 = tpu.memref_slice %arg2[%dma_start3A_414, %dma_start3A_415] : memref<10000x128xf32, #tpu.memory_space<hbm>> -> memref<10000x128xf32, #tpu.memory_space<hbm>>
      tpu.enqueue_indirect_dma source(%dma_start3A_416 : memref<10000x128xf32, #tpu.memory_space<hbm>>) target(%arg21 : memref<40x128xf32, #tpu.memory_space<vmem>>) offsets(%arg11 : memref<40xi32, #tpu.memory_space<vmem>>) semaphore(%arg27 : memref<!tpu.dma_semaphore, #tpu.memory_space<semaphore_mem>>)
    }
    %scan3A_89 = arith.constant 49 : i32
    %dma_wait3A_90 = arith.constant 0 : i32
    %dma_wait3A_91 = arith.constant 0 : i32
    %dma_wait3A_92 = tpu.memref_slice %arg2[%dma_wait3A_90, %dma_wait3A_91] : memref<10000x128xf32, #tpu.memory_space<hbm>> -> memref<40x128xf32, #tpu.memory_space<hbm>>
    %dma_wait3A_93 = arith.constant 0 : i32
    %dma_wait3A_94 = arith.constant 0 : i32
    %dma_wait3A_95 = tpu.memref_slice %arg2[%dma_wait3A_93, %dma_wait3A_94] : memref<10000x128xf32, #tpu.memory_space<hbm>> -> memref<40x128xf32, #tpu.memory_space<hbm>>
    tpu.wait_dma2 semaphore(%arg23 : memref<!tpu.dma_semaphore, #tpu.memory_space<semaphore_mem>>) src(%dma_wait3A_95 : memref<40x128xf32, #tpu.memory_space<hbm>>) dst(%arg17 : memref<40x128xf32, #tpu.memory_space<vmem>>)
    %dma_wait3A_96 = arith.constant 0 : i32
    %dma_wait3A_97 = tpu.memref_slice %arg4[%dma_wait3A_96] : memref<320000xi32, #tpu.memory_space<hbm>> -> memref<40xi32, #tpu.memory_space<hbm>>
    %dma_wait3A_98 = arith.constant 0 : i32
    %dma_wait3A_99 = tpu.memref_slice %arg4[%dma_wait3A_98] : memref<320000xi32, #tpu.memory_space<hbm>> -> memref<40xi32, #tpu.memory_space<hbm>>
    tpu.wait_dma2 semaphore(%arg38 : memref<!tpu.dma_semaphore, #tpu.memory_space<semaphore_mem>>) src(%dma_wait3A_99 : memref<40xi32, #tpu.memory_space<hbm>>) dst(%arg12 : memref<40xi32, #tpu.memory_space<vmem>>)
    %dma_start3A_100 = arith.constant 0 : i32
    %dma_start3A_101 = arith.constant 0 : i32
    %dma_start3A_102 = tpu.memref_slice %arg22[%dma_start3A_100, %dma_start3A_101] : memref<10000x128xf32, #tpu.memory_space<vmem_shared>> -> memref<10000x128xf32, #tpu.memory_space<vmem_shared>>
    tpu.enqueue_indirect_dma source(%arg17 : memref<40x128xf32, #tpu.memory_space<vmem>>) target(%dma_start3A_102 : memref<10000x128xf32, #tpu.memory_space<vmem_shared>>) offsets(%arg12 : memref<40xi32, #tpu.memory_space<vmem>>) semaphore(%arg28 : memref<!tpu.dma_semaphore, #tpu.memory_space<semaphore_mem>>) {add = true}
    %dma_wait3A_103 = arith.constant 0 : i32
    %dma_wait3A_104 = arith.constant 0 : i32
    %dma_wait3A_105 = tpu.memref_slice %arg2[%dma_wait3A_103, %dma_wait3A_104] : memref<10000x128xf32, #tpu.memory_space<hbm>> -> memref<40x128xf32, #tpu.memory_space<hbm>>
    %dma_wait3A_106 = arith.constant 0 : i32
    %dma_wait3A_107 = arith.constant 0 : i32
    %dma_wait3A_108 = tpu.memref_slice %arg2[%dma_wait3A_106, %dma_wait3A_107] : memref<10000x128xf32, #tpu.memory_space<hbm>> -> memref<40x128xf32, #tpu.memory_space<hbm>>
    tpu.wait_dma2 semaphore(%arg24 : memref<!tpu.dma_semaphore, #tpu.memory_space<semaphore_mem>>) src(%dma_wait3A_108 : memref<40x128xf32, #tpu.memory_space<hbm>>) dst(%arg18 : memref<40x128xf32, #tpu.memory_space<vmem>>)
    %dma_wait3A_109 = arith.constant 0 : i32
    %dma_wait3A_110 = tpu.memref_slice %arg4[%dma_wait3A_109] : memref<320000xi32, #tpu.memory_space<hbm>> -> memref<40xi32, #tpu.memory_space<hbm>>
    %dma_wait3A_111 = arith.constant 0 : i32
    %dma_wait3A_112 = tpu.memref_slice %arg4[%dma_wait3A_111] : memref<320000xi32, #tpu.memory_space<hbm>> -> memref<40xi32, #tpu.memory_space<hbm>>
    tpu.wait_dma2 semaphore(%arg39 : memref<!tpu.dma_semaphore, #tpu.memory_space<semaphore_mem>>) src(%dma_wait3A_112 : memref<40xi32, #tpu.memory_space<hbm>>) dst(%arg13 : memref<40xi32, #tpu.memory_space<vmem>>)
    %dma_start3A_113 = arith.constant 0 : i32
    %dma_start3A_114 = arith.constant 0 : i32
    %dma_start3A_115 = tpu.memref_slice %arg22[%dma_start3A_113, %dma_start3A_114] : memref<10000x128xf32, #tpu.memory_space<vmem_shared>> -> memref<10000x128xf32, #tpu.memory_space<vmem_shared>>
    tpu.enqueue_indirect_dma source(%arg18 : memref<40x128xf32, #tpu.memory_space<vmem>>) target(%dma_start3A_115 : memref<10000x128xf32, #tpu.memory_space<vmem_shared>>) offsets(%arg13 : memref<40xi32, #tpu.memory_space<vmem>>) semaphore(%arg29 : memref<!tpu.dma_semaphore, #tpu.memory_space<semaphore_mem>>) {add = true}
    %dma_wait3A_116 = arith.constant 0 : i32
    %dma_wait3A_117 = arith.constant 0 : i32
    %dma_wait3A_118 = tpu.memref_slice %arg2[%dma_wait3A_116, %dma_wait3A_117] : memref<10000x128xf32, #tpu.memory_space<hbm>> -> memref<40x128xf32, #tpu.memory_space<hbm>>
    %dma_wait3A_119 = arith.constant 0 : i32
    %dma_wait3A_120 = arith.constant 0 : i32
    %dma_wait3A_121 = tpu.memref_slice %arg2[%dma_wait3A_119, %dma_wait3A_120] : memref<10000x128xf32, #tpu.memory_space<hbm>> -> memref<40x128xf32, #tpu.memory_space<hbm>>
    tpu.wait_dma2 semaphore(%arg25 : memref<!tpu.dma_semaphore, #tpu.memory_space<semaphore_mem>>) src(%dma_wait3A_121 : memref<40x128xf32, #tpu.memory_space<hbm>>) dst(%arg19 : memref<40x128xf32, #tpu.memory_space<vmem>>)
    %dma_wait3A_122 = arith.constant 0 : i32
    %dma_wait3A_123 = tpu.memref_slice %arg4[%dma_wait3A_122] : memref<320000xi32, #tpu.memory_space<hbm>> -> memref<40xi32, #tpu.memory_space<hbm>>
    %dma_wait3A_124 = arith.constant 0 : i32
    %dma_wait3A_125 = tpu.memref_slice %arg4[%dma_wait3A_124] : memref<320000xi32, #tpu.memory_space<hbm>> -> memref<40xi32, #tpu.memory_space<hbm>>
    tpu.wait_dma2 semaphore(%arg40 : memref<!tpu.dma_semaphore, #tpu.memory_space<semaphore_mem>>) src(%dma_wait3A_125 : memref<40xi32, #tpu.memory_space<hbm>>) dst(%arg14 : memref<40xi32, #tpu.memory_space<vmem>>)
    %dma_start3A_126 = arith.constant 0 : i32
    %dma_start3A_127 = arith.constant 0 : i32
    %dma_start3A_128 = tpu.memref_slice %arg22[%dma_start3A_126, %dma_start3A_127] : memref<10000x128xf32, #tpu.memory_space<vmem_shared>> -> memref<10000x128xf32, #tpu.memory_space<vmem_shared>>
    tpu.enqueue_indirect_dma source(%arg19 : memref<40x128xf32, #tpu.memory_space<vmem>>) target(%dma_start3A_128 : memref<10000x128xf32, #tpu.memory_space<vmem_shared>>) offsets(%arg14 : memref<40xi32, #tpu.memory_space<vmem>>) semaphore(%arg30 : memref<!tpu.dma_semaphore, #tpu.memory_space<semaphore_mem>>) {add = true}
    %dma_wait3A_129 = arith.constant 0 : i32
    %dma_wait3A_130 = arith.constant 0 : i32
    %dma_wait3A_131 = tpu.memref_slice %arg2[%dma_wait3A_129, %dma_wait3A_130] : memref<10000x128xf32, #tpu.memory_space<hbm>> -> memref<40x128xf32, #tpu.memory_space<hbm>>
    %dma_wait3A_132 = arith.constant 0 : i32
    %dma_wait3A_133 = arith.constant 0 : i32
    %dma_wait3A_134 = tpu.memref_slice %arg2[%dma_wait3A_132, %dma_wait3A_133] : memref<10000x128xf32, #tpu.memory_space<hbm>> -> memref<40x128xf32, #tpu.memory_space<hbm>>
    tpu.wait_dma2 semaphore(%arg26 : memref<!tpu.dma_semaphore, #tpu.memory_space<semaphore_mem>>) src(%dma_wait3A_134 : memref<40x128xf32, #tpu.memory_space<hbm>>) dst(%arg20 : memref<40x128xf32, #tpu.memory_space<vmem>>)
    %dma_wait3A_135 = arith.constant 0 : i32
    %dma_wait3A_136 = tpu.memref_slice %arg4[%dma_wait3A_135] : memref<320000xi32, #tpu.memory_space<hbm>> -> memref<40xi32, #tpu.memory_space<hbm>>
    %dma_wait3A_137 = arith.constant 0 : i32
    %dma_wait3A_138 = tpu.memref_slice %arg4[%dma_wait3A_137] : memref<320000xi32, #tpu.memory_space<hbm>> -> memref<40xi32, #tpu.memory_space<hbm>>
    tpu.wait_dma2 semaphore(%arg41 : memref<!tpu.dma_semaphore, #tpu.memory_space<semaphore_mem>>) src(%dma_wait3A_138 : memref<40xi32, #tpu.memory_space<hbm>>) dst(%arg15 : memref<40xi32, #tpu.memory_space<vmem>>)
    %dma_start3A_139 = arith.constant 0 : i32
    %dma_start3A_140 = arith.constant 0 : i32
    %dma_start3A_141 = tpu.memref_slice %arg22[%dma_start3A_139, %dma_start3A_140] : memref<10000x128xf32, #tpu.memory_space<vmem_shared>> -> memref<10000x128xf32, #tpu.memory_space<vmem_shared>>
    tpu.enqueue_indirect_dma source(%arg20 : memref<40x128xf32, #tpu.memory_space<vmem>>) target(%dma_start3A_141 : memref<10000x128xf32, #tpu.memory_space<vmem_shared>>) offsets(%arg15 : memref<40xi32, #tpu.memory_space<vmem>>) semaphore(%arg31 : memref<!tpu.dma_semaphore, #tpu.memory_space<semaphore_mem>>) {add = true}
    %dma_wait3A_142 = arith.constant 0 : i32
    %dma_wait3A_143 = arith.constant 0 : i32
    %dma_wait3A_144 = tpu.memref_slice %arg2[%dma_wait3A_142, %dma_wait3A_143] : memref<10000x128xf32, #tpu.memory_space<hbm>> -> memref<40x128xf32, #tpu.memory_space<hbm>>
    %dma_wait3A_145 = arith.constant 0 : i32
    %dma_wait3A_146 = arith.constant 0 : i32
    %dma_wait3A_147 = tpu.memref_slice %arg2[%dma_wait3A_145, %dma_wait3A_146] : memref<10000x128xf32, #tpu.memory_space<hbm>> -> memref<40x128xf32, #tpu.memory_space<hbm>>
    tpu.wait_dma2 semaphore(%arg27 : memref<!tpu.dma_semaphore, #tpu.memory_space<semaphore_mem>>) src(%dma_wait3A_147 : memref<40x128xf32, #tpu.memory_space<hbm>>) dst(%arg21 : memref<40x128xf32, #tpu.memory_space<vmem>>)
    %dma_wait3A_148 = arith.constant 0 : i32
    %dma_wait3A_149 = tpu.memref_slice %arg4[%dma_wait3A_148] : memref<320000xi32, #tpu.memory_space<hbm>> -> memref<40xi32, #tpu.memory_space<hbm>>
    %dma_wait3A_150 = arith.constant 0 : i32
    %dma_wait3A_151 = tpu.memref_slice %arg4[%dma_wait3A_150] : memref<320000xi32, #tpu.memory_space<hbm>> -> memref<40xi32, #tpu.memory_space<hbm>>
    tpu.wait_dma2 semaphore(%arg42 : memref<!tpu.dma_semaphore, #tpu.memory_space<semaphore_mem>>) src(%dma_wait3A_151 : memref<40xi32, #tpu.memory_space<hbm>>) dst(%arg16 : memref<40xi32, #tpu.memory_space<vmem>>)
    %dma_start3A_152 = arith.constant 0 : i32
    %dma_start3A_153 = arith.constant 0 : i32
    %dma_start3A_154 = tpu.memref_slice %arg22[%dma_start3A_152, %dma_start3A_153] : memref<10000x128xf32, #tpu.memory_space<vmem_shared>> -> memref<10000x128xf32, #tpu.memory_space<vmem_shared>>
    tpu.enqueue_indirect_dma source(%arg21 : memref<40x128xf32, #tpu.memory_space<vmem>>) target(%dma_start3A_154 : memref<10000x128xf32, #tpu.memory_space<vmem_shared>>) offsets(%arg16 : memref<40xi32, #tpu.memory_space<vmem>>) semaphore(%arg32 : memref<!tpu.dma_semaphore, #tpu.memory_space<semaphore_mem>>) {add = true}
    %dma_wait3A_155 = arith.constant 0 : i32
    %dma_wait3A_156 = arith.constant 0 : i32
    %dma_wait3A_157 = tpu.memref_slice %arg2[%dma_wait3A_155, %dma_wait3A_156] : memref<10000x128xf32, #tpu.memory_space<hbm>> -> memref<40x128xf32, #tpu.memory_space<hbm>>
    %dma_wait3A_158 = arith.constant 0 : i32
    %dma_wait3A_159 = arith.constant 0 : i32
    %dma_wait3A_160 = tpu.memref_slice %arg2[%dma_wait3A_158, %dma_wait3A_159] : memref<10000x128xf32, #tpu.memory_space<hbm>> -> memref<40x128xf32, #tpu.memory_space<hbm>>
    tpu.wait_dma2 semaphore(%arg28 : memref<!tpu.dma_semaphore, #tpu.memory_space<semaphore_mem>>) src(%dma_wait3A_160 : memref<40x128xf32, #tpu.memory_space<hbm>>) dst(%arg17 : memref<40x128xf32, #tpu.memory_space<vmem>>)
    %dma_wait3A_161 = arith.constant 0 : i32
    %dma_wait3A_162 = arith.constant 0 : i32
    %dma_wait3A_163 = tpu.memref_slice %arg2[%dma_wait3A_161, %dma_wait3A_162] : memref<10000x128xf32, #tpu.memory_space<hbm>> -> memref<40x128xf32, #tpu.memory_space<hbm>>
    %dma_wait3A_164 = arith.constant 0 : i32
    %dma_wait3A_165 = arith.constant 0 : i32
    %dma_wait3A_166 = tpu.memref_slice %arg2[%dma_wait3A_164, %dma_wait3A_165] : memref<10000x128xf32, #tpu.memory_space<hbm>> -> memref<40x128xf32, #tpu.memory_space<hbm>>
    tpu.wait_dma2 semaphore(%arg29 : memref<!tpu.dma_semaphore, #tpu.memory_space<semaphore_mem>>) src(%dma_wait3A_166 : memref<40x128xf32, #tpu.memory_space<hbm>>) dst(%arg18 : memref<40x128xf32, #tpu.memory_space<vmem>>)
    %dma_wait3A_167 = arith.constant 0 : i32
    %dma_wait3A_168 = arith.constant 0 : i32
    %dma_wait3A_169 = tpu.memref_slice %arg2[%dma_wait3A_167, %dma_wait3A_168] : memref<10000x128xf32, #tpu.memory_space<hbm>> -> memref<40x128xf32, #tpu.memory_space<hbm>>
    %dma_wait3A_170 = arith.constant 0 : i32
    %dma_wait3A_171 = arith.constant 0 : i32
    %dma_wait3A_172 = tpu.memref_slice %arg2[%dma_wait3A_170, %dma_wait3A_171] : memref<10000x128xf32, #tpu.memory_space<hbm>> -> memref<40x128xf32, #tpu.memory_space<hbm>>
    tpu.wait_dma2 semaphore(%arg30 : memref<!tpu.dma_semaphore, #tpu.memory_space<semaphore_mem>>) src(%dma_wait3A_172 : memref<40x128xf32, #tpu.memory_space<hbm>>) dst(%arg19 : memref<40x128xf32, #tpu.memory_space<vmem>>)
    %dma_wait3A_173 = arith.constant 0 : i32
    %dma_wait3A_174 = arith.constant 0 : i32
    %dma_wait3A_175 = tpu.memref_slice %arg2[%dma_wait3A_173, %dma_wait3A_174] : memref<10000x128xf32, #tpu.memory_space<hbm>> -> memref<40x128xf32, #tpu.memory_space<hbm>>
    %dma_wait3A_176 = arith.constant 0 : i32
    %dma_wait3A_177 = arith.constant 0 : i32
    %dma_wait3A_178 = tpu.memref_slice %arg2[%dma_wait3A_176, %dma_wait3A_177] : memref<10000x128xf32, #tpu.memory_space<hbm>> -> memref<40x128xf32, #tpu.memory_space<hbm>>
    tpu.wait_dma2 semaphore(%arg31 : memref<!tpu.dma_semaphore, #tpu.memory_space<semaphore_mem>>) src(%dma_wait3A_178 : memref<40x128xf32, #tpu.memory_space<hbm>>) dst(%arg20 : memref<40x128xf32, #tpu.memory_space<vmem>>)
    %dma_wait3A_179 = arith.constant 0 : i32
    %dma_wait3A_180 = arith.constant 0 : i32
    %dma_wait3A_181 = tpu.memref_slice %arg2[%dma_wait3A_179, %dma_wait3A_180] : memref<10000x128xf32, #tpu.memory_space<hbm>> -> memref<40x128xf32, #tpu.memory_space<hbm>>
    %dma_wait3A_182 = arith.constant 0 : i32
    %dma_wait3A_183 = arith.constant 0 : i32
    %dma_wait3A_184 = tpu.memref_slice %arg2[%dma_wait3A_182, %dma_wait3A_183] : memref<10000x128xf32, #tpu.memory_space<hbm>> -> memref<40x128xf32, #tpu.memory_space<hbm>>
    tpu.wait_dma2 semaphore(%arg32 : memref<!tpu.dma_semaphore, #tpu.memory_space<semaphore_mem>>) src(%dma_wait3A_184 : memref<40x128xf32, #tpu.memory_space<hbm>>) dst(%arg21 : memref<40x128xf32, #tpu.memory_space<vmem>>)
    %barrier3A_185 = arith.constant 0 : index
    tpu.barrier barrier_id(%barrier3A_185)
    %mul3A_186 = arith.constant 10000 : i32
    %mul3A_187 = arith.muli %arg0, %mul3A_186 : i32
    %add3A_188 = arith.addi %mul3A_187, %mul3A_2 : i32
    "tpu.region"() ({
      %run_scoped3A = tpu.sem_alloc : memref<!tpu.dma_semaphore, #tpu.memory_space<semaphore_mem>>
      %dma_start3A_194 = arith.constant 0 : i32
      %dma_start3A_195 = tpu.memref_slice %arg6[%add3A_188, %dma_start3A_194] : memref<20000x128xf32, #tpu.memory_space<hbm>> -> memref<624x128xf32, #tpu.memory_space<hbm>>
      %dma_start3A_196 = arith.constant 0 : i32
      %dma_start3A_197 = tpu.memref_slice %arg22[%mul3A_2, %dma_start3A_196] : memref<10000x128xf32, #tpu.memory_space<vmem_shared>> -> memref<624x128xf32, #tpu.memory_space<vmem_shared>>
      tpu.enqueue_dma source(%dma_start3A_197 : memref<624x128xf32, #tpu.memory_space<vmem_shared>>) target(%dma_start3A_195 : memref<624x128xf32, #tpu.memory_space<hbm>>) target_semaphore(%run_scoped3A : memref<!tpu.dma_semaphore, #tpu.memory_space<semaphore_mem>>)
      %dma_wait3A_198 = arith.constant 0 : i32
      %dma_wait3A_199 = tpu.memref_slice %arg6[%add3A_188, %dma_wait3A_198] : memref<20000x128xf32, #tpu.memory_space<hbm>> -> memref<624x128xf32, #tpu.memory_space<hbm>>
      %dma_wait3A_200 = arith.constant 0 : i32
      %dma_wait3A_201 = tpu.memref_slice %arg22[%mul3A_2, %dma_wait3A_200] : memref<10000x128xf32, #tpu.memory_space<vmem_shared>> -> memref<624x128xf32, #tpu.memory_space<vmem_shared>>
      tpu.wait_dma2 semaphore(%run_scoped3A : memref<!tpu.dma_semaphore, #tpu.memory_space<semaphore_mem>>) src(%dma_wait3A_201 : memref<624x128xf32, #tpu.memory_space<vmem_shared>>) dst(%dma_wait3A_199 : memref<624x128xf32, #tpu.memory_space<hbm>>)
      tpu.yield
    }) : () -> ()
    %eq3A_189 = arith.constant 15 : i32
    %eq3A_190 = arith.cmpi eq, %arg1, %eq3A_189 : i32
    %convert_element_type3A_191 = arith.extui %eq3A_190 : i1 to i32
    %cond3A_192 = arith.constant 0 : i32
    %cond3A_193 = arith.cmpi ne, %convert_element_type3A_191, %cond3A_192 : i32
    scf.if %cond3A_193 {
      %mul3A_194 = arith.constant 10000 : i32
      %mul3A_195 = arith.muli %arg0, %mul3A_194 : i32
      %add3A_196 = arith.constant 9984 : i32
      %add3A_197 = arith.addi %mul3A_195, %add3A_196 : i32
      "tpu.region"() ({
        %run_scoped3A = tpu.sem_alloc : memref<!tpu.dma_semaphore, #tpu.memory_space<semaphore_mem>>
        %dma_start3A_198 = arith.constant 0 : i32
        %dma_start3A_199 = tpu.memref_slice %arg6[%add3A_197, %dma_start3A_198] : memref<20000x128xf32, #tpu.memory_space<hbm>> -> memref<16x128xf32, #tpu.memory_space<hbm>>
        %dma_start3A_200 = arith.constant 9984 : i32
        %dma_start3A_201 = arith.constant 0 : i32
        %dma_start3A_202 = tpu.memref_slice %arg22[%dma_start3A_200, %dma_start3A_201] : memref<10000x128xf32, #tpu.memory_space<vmem_shared>> -> memref<16x128xf32, #tpu.memory_space<vmem_shared>>
        tpu.enqueue_dma source(%dma_start3A_202 : memref<16x128xf32, #tpu.memory_space<vmem_shared>>) target(%dma_start3A_199 : memref<16x128xf32, #tpu.memory_space<hbm>>) target_semaphore(%run_scoped3A : memref<!tpu.dma_semaphore, #tpu.memory_space<semaphore_mem>>)
        %dma_wait3A_203 = arith.constant 0 : i32
        %dma_wait3A_204 = tpu.memref_slice %arg6[%add3A_197, %dma_wait3A_203] : memref<20000x128xf32, #tpu.memory_space<hbm>> -> memref<16x128xf32, #tpu.memory_space<hbm>>
        %dma_wait3A_205 = arith.constant 9984 : i32
        %dma_wait3A_206 = arith.constant 0 : i32
        %dma_wait3A_207 = tpu.memref_slice %arg22[%dma_wait3A_205, %dma_wait3A_206] : memref<10000x128xf32, #tpu.memory_space<vmem_shared>> -> memref<16x128xf32, #tpu.memory_space<vmem_shared>>
        tpu.wait_dma2 semaphore(%run_scoped3A : memref<!tpu.dma_semaphore, #tpu.memory_space<semaphore_mem>>) src(%dma_wait3A_207 : memref<16x128xf32, #tpu.memory_space<vmem_shared>>) dst(%dma_wait3A_204 : memref<16x128xf32, #tpu.memory_space<hbm>>)
        tpu.yield
      }) : () -> ()
    } else {
    }
    return
  }
}

module attributes {stable_mosaic.version = 14 : i64} {
  func.func @_layer_body(%arg0: i32, %arg1: memref<2x1000x128xf32, #tpu.memory_space<vmem>>, %arg2: memref<128x128xf32, #tpu.memory_space<vmem>>, %arg3: memref<1x128xf32, #tpu.memory_space<vmem>>, %arg4: memref<128x128xf32, #tpu.memory_space<vmem>>, %arg5: memref<1x128xf32, #tpu.memory_space<vmem>>, %arg6: memref<1x128xf32, #tpu.memory_space<vmem>>, %arg7: memref<1x128xf32, #tpu.memory_space<vmem>>, %arg8: memref<1000x128xf32, #tpu.memory_space<vmem>>, %arg9: memref<10000x128xf32, #tpu.memory_space<vmem>>, %arg10: memref<1x128xf32, #tpu.memory_space<vmem>>, %arg11: memref<1x128xf32, #tpu.memory_space<vmem>>) attributes {dimension_semantics = [#tpu.dimension_semantics<arbitrary>], iteration_bounds = array<i64: 20>, scalar_prefetch = 0 : i64, scratch_operands = 3 : i64, tpu.core_type = #tpu.core_type<tc>, window_params = [{transform_indices = @transform_0, window_bounds = array<i64: 2, 1000, 128>}, {pipeline_mode = #tpu.pipeline_mode<synchronous>, transform_indices = @transform_1, window_bounds = array<i64: 128, 128>}, {pipeline_mode = #tpu.pipeline_mode<synchronous>, transform_indices = @transform_2, window_bounds = array<i64: 1, 128>}, {pipeline_mode = #tpu.pipeline_mode<synchronous>, transform_indices = @transform_3, window_bounds = array<i64: 128, 128>}, {pipeline_mode = #tpu.pipeline_mode<synchronous>, transform_indices = @transform_4, window_bounds = array<i64: 1, 128>}, {pipeline_mode = #tpu.pipeline_mode<synchronous>, transform_indices = @transform_5, window_bounds = array<i64: 1, 128>}, {pipeline_mode = #tpu.pipeline_mode<synchronous>, transform_indices = @transform_6, window_bounds = array<i64: 1, 128>}, {transform_indices = @transform_7, window_bounds = array<i64: 1000, 128>}]} {
    %lt3A = arith.constant 10 : i32
    %lt3A_0 = arith.cmpi slt, %arg0, %lt3A : i32
    %convert_element_type3A = arith.extui %lt3A_0 : i1 to i32
    %cond3A = arith.constant 0 : i32
    %cond3A_1 = arith.cmpi ne, %convert_element_type3A, %cond3A : i32
    scf.if %cond3A_1 {
      %get3A = arith.constant 0 : index
      %get3A_6 = arith.constant 0 : index
      %get3A_7 = arith.constant 0 : index
      %get3A_8 = vector.load %arg1[%get3A, %get3A_6, %get3A_7] : memref<2x1000x128xf32, #tpu.memory_space<vmem>>, vector<1x1000x128xf32>
      %get3A_9 = vector.shape_cast %get3A_8 : vector<1x1000x128xf32> to vector<1000x128xf32>
      %get3A_10 = arith.constant 1 : index
      %get3A_11 = arith.constant 0 : index
      %get3A_12 = arith.constant 0 : index
      %get3A_13 = vector.load %arg1[%get3A_10, %get3A_11, %get3A_12] : memref<2x1000x128xf32, #tpu.memory_space<vmem>>, vector<1x1000x128xf32>
      %get3A_14 = vector.shape_cast %get3A_13 : vector<1x1000x128xf32> to vector<1000x128xf32>
      %add3A = arith.addf %get3A_9, %get3A_14 : vector<1000x128xf32>
      %get3A_15 = arith.constant 0 : index
      %get3A_16 = arith.constant 0 : index
      %get3A_17 = vector.load %arg2[%get3A_15, %get3A_16] : memref<128x128xf32, #tpu.memory_space<vmem>>, vector<128x128xf32>
      %dot_general3A = arith.constant dense<0.000000e+00> : vector<1000x128xf32>
      %dot_general3A_18 = tpu.matmul %add3A, %get3A_17, %dot_general3A {dimension_numbers = #tpu.dot_dimension_numbers<[1], [0], [0], [1], [0, 0, 1, 1], [], []>, transpose_lhs_hint = false} : vector<1000x128xf32>, vector<128x128xf32>, vector<1000x128xf32> -> vector<1000x128xf32>
      %get3A_19 = arith.constant 0 : index
      %get3A_20 = arith.constant 0 : index
      %get3A_21 = vector.load %arg3[%get3A_19, %get3A_20] : memref<1x128xf32, #tpu.memory_space<vmem>>, vector<1x128xf32>
      %add3A_22 = vector.broadcast %get3A_21 : vector<1x128xf32> to vector<1000x128xf32>
      %add3A_23 = arith.addf %dot_general3A_18, %add3A_22 : vector<1000x128xf32>
      %max3A = arith.constant 0.000000e+00 : f32
      %max3A_24 = vector.broadcast %max3A : f32 to vector<1000x128xf32>
      %max3A_25 = arith.maximumf %add3A_23, %max3A_24 : vector<1000x128xf32>
      %get3A_26 = arith.constant 0 : index
      %get3A_27 = arith.constant 0 : index
      %get3A_28 = vector.load %arg4[%get3A_26, %get3A_27] : memref<128x128xf32, #tpu.memory_space<vmem>>, vector<128x128xf32>
      %dot_general3A_29 = arith.constant dense<0.000000e+00> : vector<1000x128xf32>
      %dot_general3A_30 = tpu.matmul %max3A_25, %get3A_28, %dot_general3A_29 {dimension_numbers = #tpu.dot_dimension_numbers<[1], [0], [0], [1], [0, 0, 1, 1], [], []>, transpose_lhs_hint = false} : vector<1000x128xf32>, vector<128x128xf32>, vector<1000x128xf32> -> vector<1000x128xf32>
      %get3A_31 = arith.constant 0 : index
      %get3A_32 = arith.constant 0 : index
      %get3A_33 = vector.load %arg5[%get3A_31, %get3A_32] : memref<1x128xf32, #tpu.memory_space<vmem>>, vector<1x128xf32>
      %add3A_34 = vector.broadcast %get3A_33 : vector<1x128xf32> to vector<1000x128xf32>
      %add3A_35 = arith.addf %dot_general3A_30, %add3A_34 : vector<1000x128xf32>
      %max3A_36 = arith.constant 0.000000e+00 : f32
      %max3A_37 = vector.broadcast %max3A_36 : f32 to vector<1000x128xf32>
      %max3A_38 = arith.maximumf %add3A_35, %max3A_37 : vector<1000x128xf32>
      %mul3A = arith.constant 1000 : i32
      %mul3A_39 = arith.muli %arg0, %mul3A : i32
      %swap3A = arith.index_cast %mul3A_39 : i32 to index
      %swap3A_40 = arith.constant 0 : index
      %swap3A_41 = vector.load %arg9[%swap3A, %swap3A_40] : memref<10000x128xf32, #tpu.memory_space<vmem>>, vector<1000x128xf32>
      tpu.vector_store %arg9[%swap3A, %swap3A_40], %max3A_38 {strides = array<i32>} : memref<10000x128xf32, #tpu.memory_space<vmem>>, vector<1000x128xf32>,
      %eq3A = arith.constant 0 : i32
      %eq3A_42 = arith.cmpi eq, %arg0, %eq3A : i32
      %convert_element_type3A_43 = arith.extui %eq3A_42 : i1 to i32
      %cond3A_44 = arith.constant 0 : i32
      %cond3A_45 = arith.cmpi ne, %convert_element_type3A_43, %cond3A_44 : i32
      scf.if %cond3A_45 {
        %broadcast_in_dim3A_65 = arith.constant 0.000000e+00 : f32
        %broadcast_in_dim3A_66 = vector.broadcast %broadcast_in_dim3A_65 : f32 to vector<1x128xf32>
        %swap3A_67 = arith.constant 0 : index
        %swap3A_68 = arith.constant 0 : index
        %swap3A_69 = vector.load %arg10[%swap3A_67, %swap3A_68] : memref<1x128xf32, #tpu.memory_space<vmem>>, vector<1x128xf32>
        tpu.vector_store %arg10[%swap3A_67, %swap3A_68], %broadcast_in_dim3A_66 {strides = array<i32>} : memref<1x128xf32, #tpu.memory_space<vmem>>, vector<1x128xf32>,
        %broadcast_in_dim3A_70 = arith.constant 0.000000e+00 : f32
        %broadcast_in_dim3A_71 = vector.broadcast %broadcast_in_dim3A_70 : f32 to vector<1x128xf32>
        %swap3A_72 = arith.constant 0 : index
        %swap3A_73 = arith.constant 0 : index
        %swap3A_74 = vector.load %arg11[%swap3A_72, %swap3A_73] : memref<1x128xf32, #tpu.memory_space<vmem>>, vector<1x128xf32>
        tpu.vector_store %arg11[%swap3A_72, %swap3A_73], %broadcast_in_dim3A_71 {strides = array<i32>} : memref<1x128xf32, #tpu.memory_space<vmem>>, vector<1x128xf32>,
      } else {
      }
      %get3A_46 = arith.constant 0 : index
      %get3A_47 = arith.constant 0 : index
      %get3A_48 = vector.load %arg10[%get3A_46, %get3A_47] : memref<1x128xf32, #tpu.memory_space<vmem>>, vector<1x128xf32>
      %reduce_sum3A = arith.constant dense<0.000000e+00> : vector<128xf32>
      %reduce_sum3A_49 = vector.multi_reduction <add>, %max3A_38, %reduce_sum3A [0] : vector<1000x128xf32> to vector<128xf32>
      %broadcast_in_dim3A = vector.shape_cast %reduce_sum3A_49 : vector<128xf32> to vector<1x128xf32>
      %add3A_50 = arith.addf %get3A_48, %broadcast_in_dim3A : vector<1x128xf32>
      %swap3A_51 = arith.constant 0 : index
      %swap3A_52 = arith.constant 0 : index
      %swap3A_53 = vector.load %arg10[%swap3A_51, %swap3A_52] : memref<1x128xf32, #tpu.memory_space<vmem>>, vector<1x128xf32>
      tpu.vector_store %arg10[%swap3A_51, %swap3A_52], %add3A_50 {strides = array<i32>} : memref<1x128xf32, #tpu.memory_space<vmem>>, vector<1x128xf32>,
      %get3A_54 = arith.constant 0 : index
      %get3A_55 = arith.constant 0 : index
      %get3A_56 = vector.load %arg11[%get3A_54, %get3A_55] : memref<1x128xf32, #tpu.memory_space<vmem>>, vector<1x128xf32>
      %mul3A_57 = arith.mulf %max3A_38, %max3A_38 : vector<1000x128xf32>
      %reduce_sum3A_58 = arith.constant dense<0.000000e+00> : vector<128xf32>
      %reduce_sum3A_59 = vector.multi_reduction <add>, %mul3A_57, %reduce_sum3A_58 [0] : vector<1000x128xf32> to vector<128xf32>
      %broadcast_in_dim3A_60 = vector.shape_cast %reduce_sum3A_59 : vector<128xf32> to vector<1x128xf32>
      %add3A_61 = arith.addf %get3A_56, %broadcast_in_dim3A_60 : vector<1x128xf32>
      %swap3A_62 = arith.constant 0 : index
      %swap3A_63 = arith.constant 0 : index
      %swap3A_64 = vector.load %arg11[%swap3A_62, %swap3A_63] : memref<1x128xf32, #tpu.memory_space<vmem>>, vector<1x128xf32>
      tpu.vector_store %arg11[%swap3A_62, %swap3A_63], %add3A_61 {strides = array<i32>} : memref<1x128xf32, #tpu.memory_space<vmem>>, vector<1x128xf32>,
    } else {
    }
    %ge3A = arith.constant 10 : i32
    %ge3A_2 = arith.cmpi sge, %arg0, %ge3A : i32
    %convert_element_type3A_3 = arith.extui %ge3A_2 : i1 to i32
    %cond3A_4 = arith.constant 0 : i32
    %cond3A_5 = arith.cmpi ne, %convert_element_type3A_3, %cond3A_4 : i32
    scf.if %cond3A_5 {
      %sub3A = arith.constant 10 : i32
      %sub3A_6 = arith.subi %arg0, %sub3A : i32
      %get3A = arith.constant 0 : index
      %get3A_7 = arith.constant 0 : index
      %get3A_8 = vector.load %arg10[%get3A, %get3A_7] : memref<1x128xf32, #tpu.memory_space<vmem>>, vector<1x128xf32>
      %mul3A = arith.constant 9.99999974E-5 : f32
      %mul3A_9 = vector.broadcast %mul3A : f32 to vector<1x128xf32>
      %mul3A_10 = arith.mulf %get3A_8, %mul3A_9 : vector<1x128xf32>
      %get3A_11 = arith.constant 0 : index
      %get3A_12 = arith.constant 0 : index
      %get3A_13 = vector.load %arg11[%get3A_11, %get3A_12] : memref<1x128xf32, #tpu.memory_space<vmem>>, vector<1x128xf32>
      %mul3A_14 = arith.constant 9.99999974E-5 : f32
      %mul3A_15 = vector.broadcast %mul3A_14 : f32 to vector<1x128xf32>
      %mul3A_16 = arith.mulf %get3A_13, %mul3A_15 : vector<1x128xf32>
      %mul3A_17 = arith.mulf %mul3A_10, %mul3A_10 : vector<1x128xf32>
      %sub3A_18 = arith.subf %mul3A_16, %mul3A_17 : vector<1x128xf32>
      %add3A = arith.constant 9.99999974E-6 : f32
      %add3A_19 = vector.broadcast %add3A : f32 to vector<1x128xf32>
      %add3A_20 = arith.addf %sub3A_18, %add3A_19 : vector<1x128xf32>
      %rsqrt3A = math.rsqrt %add3A_20 : vector<1x128xf32>
      %get3A_21 = arith.constant 0 : index
      %get3A_22 = arith.constant 0 : index
      %get3A_23 = vector.load %arg6[%get3A_21, %get3A_22] : memref<1x128xf32, #tpu.memory_space<vmem>>, vector<1x128xf32>
      %mul3A_24 = arith.mulf %rsqrt3A, %get3A_23 : vector<1x128xf32>
      %mul3A_25 = arith.constant 1000 : i32
      %mul3A_26 = arith.muli %sub3A_6, %mul3A_25 : i32
      %get3A_27 = arith.index_cast %mul3A_26 : i32 to index
      %get3A_28 = arith.constant 0 : index
      %get3A_29 = vector.load %arg9[%get3A_27, %get3A_28] : memref<10000x128xf32, #tpu.memory_space<vmem>>, vector<1000x128xf32>
      %sub3A_30 = vector.broadcast %mul3A_10 : vector<1x128xf32> to vector<1000x128xf32>
      %sub3A_31 = arith.subf %get3A_29, %sub3A_30 : vector<1000x128xf32>
      %mul3A_32 = vector.broadcast %mul3A_24 : vector<1x128xf32> to vector<1000x128xf32>
      %mul3A_33 = arith.mulf %sub3A_31, %mul3A_32 : vector<1000x128xf32>
      %get3A_34 = arith.constant 0 : index
      %get3A_35 = arith.constant 0 : index
      %get3A_36 = vector.load %arg7[%get3A_34, %get3A_35] : memref<1x128xf32, #tpu.memory_space<vmem>>, vector<1x128xf32>
      %add3A_37 = vector.broadcast %get3A_36 : vector<1x128xf32> to vector<1000x128xf32>
      %add3A_38 = arith.addf %mul3A_33, %add3A_37 : vector<1000x128xf32>
      %swap3A = arith.constant 0 : index
      %swap3A_39 = arith.constant 0 : index
      %swap3A_40 = vector.load %arg8[%swap3A, %swap3A_39] : memref<1000x128xf32, #tpu.memory_space<vmem>>, vector<1000x128xf32>
      tpu.vector_store %arg8[%swap3A, %swap3A_39], %add3A_38 {strides = array<i32>} : memref<1000x128xf32, #tpu.memory_space<vmem>>, vector<1000x128xf32>,
    } else {
    }
    return
  }
  func.func @transform_0(%arg0: i32) -> (i32, i32, i32) {
    %min3A = arith.constant 9 : i32
    %min3A_0 = arith.minsi %arg0, %min3A : i32
    %c0_i32 = arith.constant 0 : i32
    %c0_i32_1 = arith.constant 0 : i32
    %c0_i32_2 = arith.constant 0 : i32
    return %c0_i32, %min3A_0, %c0_i32_1 : i32, i32, i32
  }
  func.func @transform_1(%arg0: i32) -> (i32, i32) {
    %c0_i32 = arith.constant 0 : i32
    %c0_i32_0 = arith.constant 0 : i32
    %c0_i32_1 = arith.constant 0 : i32
    return %c0_i32, %c0_i32_0 : i32, i32
  }
  func.func @transform_2(%arg0: i32) -> (i32, i32) {
    %c0_i32 = arith.constant 0 : i32
    %c0_i32_0 = arith.constant 0 : i32
    %c0_i32_1 = arith.constant 0 : i32
    return %c0_i32, %c0_i32_0 : i32, i32
  }
  func.func @transform_3(%arg0: i32) -> (i32, i32) {
    %c0_i32 = arith.constant 0 : i32
    %c0_i32_0 = arith.constant 0 : i32
    %c0_i32_1 = arith.constant 0 : i32
    return %c0_i32, %c0_i32_0 : i32, i32
  }
  func.func @transform_4(%arg0: i32) -> (i32, i32) {
    %c0_i32 = arith.constant 0 : i32
    %c0_i32_0 = arith.constant 0 : i32
    %c0_i32_1 = arith.constant 0 : i32
    return %c0_i32, %c0_i32_0 : i32, i32
  }
  func.func @transform_5(%arg0: i32) -> (i32, i32) {
    %c0_i32 = arith.constant 0 : i32
    %c0_i32_0 = arith.constant 0 : i32
    %c0_i32_1 = arith.constant 0 : i32
    return %c0_i32, %c0_i32_0 : i32, i32
  }
  func.func @transform_6(%arg0: i32) -> (i32, i32) {
    %c0_i32 = arith.constant 0 : i32
    %c0_i32_0 = arith.constant 0 : i32
    %c0_i32_1 = arith.constant 0 : i32
    return %c0_i32, %c0_i32_0 : i32, i32
  }
  func.func @transform_7(%arg0: i32) -> (i32, i32) {
    %sub3A = arith.constant 10 : i32
    %sub3A_0 = arith.subi %arg0, %sub3A : i32
    %max3A = arith.constant 0 : i32
    %max3A_1 = arith.maxsi %sub3A_0, %max3A : i32
    %c0_i32 = arith.constant 0 : i32
    %c0_i32_2 = arith.constant 0 : i32
    return %max3A_1, %c0_i32 : i32, i32
  }
}

module attributes {stable_mosaic.version = 14 : i64} {
  func.func @_final_body(%arg0: i32, %arg1: memref<2x1000x128xf32, #tpu.memory_space<vmem>>, %arg2: memref<1000x1xf32, #tpu.memory_space<vmem>>, %arg3: memref<128x128xf32, #tpu.memory_space<vmem>>, %arg4: memref<1x128xf32, #tpu.memory_space<vmem>>, %arg5: memref<128x128xf32, #tpu.memory_space<vmem>>, %arg6: memref<1x128xf32, #tpu.memory_space<vmem>>, %arg7: memref<1x128xf32, #tpu.memory_space<vmem>>, %arg8: memref<1x128xf32, #tpu.memory_space<vmem>>, %arg9: memref<128x128xf32, #tpu.memory_space<vmem>>, %arg10: memref<1x128xf32, #tpu.memory_space<vmem>>, %arg11: memref<128x10xf32, #tpu.memory_space<vmem>>, %arg12: memref<1x10xf32, #tpu.memory_space<vmem>>, %arg13: memref<128x10xf32, #tpu.memory_space<vmem>>, %arg14: memref<10000x128xf32, #tpu.memory_space<vmem>>, %arg15: memref<1x128xf32, #tpu.memory_space<vmem>>, %arg16: memref<1x128xf32, #tpu.memory_space<vmem>>, %arg17: memref<128x128xf32, #tpu.memory_space<vmem>>) attributes {dimension_semantics = [#tpu.dimension_semantics<arbitrary>], iteration_bounds = array<i64: 20>, scalar_prefetch = 0 : i64, scratch_operands = 4 : i64, tpu.core_type = #tpu.core_type<tc>, window_params = [{transform_indices = @transform_0, window_bounds = array<i64: 2, 1000, 128>}, {transform_indices = @transform_1, window_bounds = array<i64: 1000, 1>}, {pipeline_mode = #tpu.pipeline_mode<synchronous>, transform_indices = @transform_2, window_bounds = array<i64: 128, 128>}, {pipeline_mode = #tpu.pipeline_mode<synchronous>, transform_indices = @transform_3, window_bounds = array<i64: 1, 128>}, {pipeline_mode = #tpu.pipeline_mode<synchronous>, transform_indices = @transform_4, window_bounds = array<i64: 128, 128>}, {pipeline_mode = #tpu.pipeline_mode<synchronous>, transform_indices = @transform_5, window_bounds = array<i64: 1, 128>}, {pipeline_mode = #tpu.pipeline_mode<synchronous>, transform_indices = @transform_6, window_bounds = array<i64: 1, 128>}, {pipeline_mode = #tpu.pipeline_mode<synchronous>, transform_indices = @transform_7, window_bounds = array<i64: 1, 128>}, {pipeline_mode = #tpu.pipeline_mode<synchronous>, transform_indices = @transform_8, window_bounds = array<i64: 128, 128>}, {pipeline_mode = #tpu.pipeline_mode<synchronous>, transform_indices = @transform_9, window_bounds = array<i64: 1, 128>}, {pipeline_mode = #tpu.pipeline_mode<synchronous>, transform_indices = @transform_10, window_bounds = array<i64: 128, 10>}, {pipeline_mode = #tpu.pipeline_mode<synchronous>, transform_indices = @transform_11, window_bounds = array<i64: 1, 10>}, {pipeline_mode = #tpu.pipeline_mode<synchronous>, transform_indices = @transform_12, window_bounds = array<i64: 128, 10>}]} {
    %lt3A = arith.constant 10 : i32
    %lt3A_0 = arith.cmpi slt, %arg0, %lt3A : i32
    %convert_element_type3A = arith.extui %lt3A_0 : i1 to i32
    %cond3A = arith.constant 0 : i32
    %cond3A_1 = arith.cmpi ne, %convert_element_type3A, %cond3A : i32
    scf.if %cond3A_1 {
      %get3A = arith.constant 0 : index
      %get3A_6 = arith.constant 0 : index
      %get3A_7 = arith.constant 0 : index
      %get3A_8 = vector.load %arg1[%get3A, %get3A_6, %get3A_7] : memref<2x1000x128xf32, #tpu.memory_space<vmem>>, vector<1x1000x128xf32>
      %get3A_9 = vector.shape_cast %get3A_8 : vector<1x1000x128xf32> to vector<1000x128xf32>
      %get3A_10 = arith.constant 1 : index
      %get3A_11 = arith.constant 0 : index
      %get3A_12 = arith.constant 0 : index
      %get3A_13 = vector.load %arg1[%get3A_10, %get3A_11, %get3A_12] : memref<2x1000x128xf32, #tpu.memory_space<vmem>>, vector<1x1000x128xf32>
      %get3A_14 = vector.shape_cast %get3A_13 : vector<1x1000x128xf32> to vector<1000x128xf32>
      %add3A = arith.addf %get3A_9, %get3A_14 : vector<1000x128xf32>
      %get3A_15 = arith.constant 0 : index
      %get3A_16 = arith.constant 0 : index
      %get3A_17 = vector.load %arg3[%get3A_15, %get3A_16] : memref<128x128xf32, #tpu.memory_space<vmem>>, vector<128x128xf32>
      %dot_general3A = arith.constant dense<0.000000e+00> : vector<1000x128xf32>
      %dot_general3A_18 = tpu.matmul %add3A, %get3A_17, %dot_general3A {dimension_numbers = #tpu.dot_dimension_numbers<[1], [0], [0], [1], [0, 0, 1, 1], [], []>, transpose_lhs_hint = false} : vector<1000x128xf32>, vector<128x128xf32>, vector<1000x128xf32> -> vector<1000x128xf32>
      %get3A_19 = arith.constant 0 : index
      %get3A_20 = arith.constant 0 : index
      %get3A_21 = vector.load %arg4[%get3A_19, %get3A_20] : memref<1x128xf32, #tpu.memory_space<vmem>>, vector<1x128xf32>
      %add3A_22 = vector.broadcast %get3A_21 : vector<1x128xf32> to vector<1000x128xf32>
      %add3A_23 = arith.addf %dot_general3A_18, %add3A_22 : vector<1000x128xf32>
      %max3A = arith.constant 0.000000e+00 : f32
      %max3A_24 = vector.broadcast %max3A : f32 to vector<1000x128xf32>
      %max3A_25 = arith.maximumf %add3A_23, %max3A_24 : vector<1000x128xf32>
      %get3A_26 = arith.constant 0 : index
      %get3A_27 = arith.constant 0 : index
      %get3A_28 = vector.load %arg5[%get3A_26, %get3A_27] : memref<128x128xf32, #tpu.memory_space<vmem>>, vector<128x128xf32>
      %dot_general3A_29 = arith.constant dense<0.000000e+00> : vector<1000x128xf32>
      %dot_general3A_30 = tpu.matmul %max3A_25, %get3A_28, %dot_general3A_29 {dimension_numbers = #tpu.dot_dimension_numbers<[1], [0], [0], [1], [0, 0, 1, 1], [], []>, transpose_lhs_hint = false} : vector<1000x128xf32>, vector<128x128xf32>, vector<1000x128xf32> -> vector<1000x128xf32>
      %get3A_31 = arith.constant 0 : index
      %get3A_32 = arith.constant 0 : index
      %get3A_33 = vector.load %arg6[%get3A_31, %get3A_32] : memref<1x128xf32, #tpu.memory_space<vmem>>, vector<1x128xf32>
      %add3A_34 = vector.broadcast %get3A_33 : vector<1x128xf32> to vector<1000x128xf32>
      %add3A_35 = arith.addf %dot_general3A_30, %add3A_34 : vector<1000x128xf32>
      %max3A_36 = arith.constant 0.000000e+00 : f32
      %max3A_37 = vector.broadcast %max3A_36 : f32 to vector<1000x128xf32>
      %max3A_38 = arith.maximumf %add3A_35, %max3A_37 : vector<1000x128xf32>
      %mul3A = arith.constant 1000 : i32
      %mul3A_39 = arith.muli %arg0, %mul3A : i32
      %swap3A = arith.index_cast %mul3A_39 : i32 to index
      %swap3A_40 = arith.constant 0 : index
      %swap3A_41 = vector.load %arg14[%swap3A, %swap3A_40] : memref<10000x128xf32, #tpu.memory_space<vmem>>, vector<1000x128xf32>
      tpu.vector_store %arg14[%swap3A, %swap3A_40], %max3A_38 {strides = array<i32>} : memref<10000x128xf32, #tpu.memory_space<vmem>>, vector<1000x128xf32>,
      %eq3A = arith.constant 0 : i32
      %eq3A_42 = arith.cmpi eq, %arg0, %eq3A : i32
      %convert_element_type3A_43 = arith.extui %eq3A_42 : i1 to i32
      %cond3A_44 = arith.constant 0 : i32
      %cond3A_45 = arith.cmpi ne, %convert_element_type3A_43, %cond3A_44 : i32
      scf.if %cond3A_45 {
        %broadcast_in_dim3A_65 = arith.constant 0.000000e+00 : f32
        %broadcast_in_dim3A_66 = vector.broadcast %broadcast_in_dim3A_65 : f32 to vector<1x128xf32>
        %swap3A_67 = arith.constant 0 : index
        %swap3A_68 = arith.constant 0 : index
        %swap3A_69 = vector.load %arg15[%swap3A_67, %swap3A_68] : memref<1x128xf32, #tpu.memory_space<vmem>>, vector<1x128xf32>
        tpu.vector_store %arg15[%swap3A_67, %swap3A_68], %broadcast_in_dim3A_66 {strides = array<i32>} : memref<1x128xf32, #tpu.memory_space<vmem>>, vector<1x128xf32>,
        %broadcast_in_dim3A_70 = arith.constant 0.000000e+00 : f32
        %broadcast_in_dim3A_71 = vector.broadcast %broadcast_in_dim3A_70 : f32 to vector<1x128xf32>
        %swap3A_72 = arith.constant 0 : index
        %swap3A_73 = arith.constant 0 : index
        %swap3A_74 = vector.load %arg16[%swap3A_72, %swap3A_73] : memref<1x128xf32, #tpu.memory_space<vmem>>, vector<1x128xf32>
        tpu.vector_store %arg16[%swap3A_72, %swap3A_73], %broadcast_in_dim3A_71 {strides = array<i32>} : memref<1x128xf32, #tpu.memory_space<vmem>>, vector<1x128xf32>,
      } else {
      }
      %get3A_46 = arith.constant 0 : index
      %get3A_47 = arith.constant 0 : index
      %get3A_48 = vector.load %arg15[%get3A_46, %get3A_47] : memref<1x128xf32, #tpu.memory_space<vmem>>, vector<1x128xf32>
      %reduce_sum3A = arith.constant dense<0.000000e+00> : vector<128xf32>
      %reduce_sum3A_49 = vector.multi_reduction <add>, %max3A_38, %reduce_sum3A [0] : vector<1000x128xf32> to vector<128xf32>
      %broadcast_in_dim3A = vector.shape_cast %reduce_sum3A_49 : vector<128xf32> to vector<1x128xf32>
      %add3A_50 = arith.addf %get3A_48, %broadcast_in_dim3A : vector<1x128xf32>
      %swap3A_51 = arith.constant 0 : index
      %swap3A_52 = arith.constant 0 : index
      %swap3A_53 = vector.load %arg15[%swap3A_51, %swap3A_52] : memref<1x128xf32, #tpu.memory_space<vmem>>, vector<1x128xf32>
      tpu.vector_store %arg15[%swap3A_51, %swap3A_52], %add3A_50 {strides = array<i32>} : memref<1x128xf32, #tpu.memory_space<vmem>>, vector<1x128xf32>,
      %get3A_54 = arith.constant 0 : index
      %get3A_55 = arith.constant 0 : index
      %get3A_56 = vector.load %arg16[%get3A_54, %get3A_55] : memref<1x128xf32, #tpu.memory_space<vmem>>, vector<1x128xf32>
      %mul3A_57 = arith.mulf %max3A_38, %max3A_38 : vector<1000x128xf32>
      %reduce_sum3A_58 = arith.constant dense<0.000000e+00> : vector<128xf32>
      %reduce_sum3A_59 = vector.multi_reduction <add>, %mul3A_57, %reduce_sum3A_58 [0] : vector<1000x128xf32> to vector<128xf32>
      %broadcast_in_dim3A_60 = vector.shape_cast %reduce_sum3A_59 : vector<128xf32> to vector<1x128xf32>
      %add3A_61 = arith.addf %get3A_56, %broadcast_in_dim3A_60 : vector<1x128xf32>
      %swap3A_62 = arith.constant 0 : index
      %swap3A_63 = arith.constant 0 : index
      %swap3A_64 = vector.load %arg16[%swap3A_62, %swap3A_63] : memref<1x128xf32, #tpu.memory_space<vmem>>, vector<1x128xf32>
      tpu.vector_store %arg16[%swap3A_62, %swap3A_63], %add3A_61 {strides = array<i32>} : memref<1x128xf32, #tpu.memory_space<vmem>>, vector<1x128xf32>,
    } else {
    }
    %ge3A = arith.constant 10 : i32
    %ge3A_2 = arith.cmpi sge, %arg0, %ge3A : i32
    %convert_element_type3A_3 = arith.extui %ge3A_2 : i1 to i32
    %cond3A_4 = arith.constant 0 : i32
    %cond3A_5 = arith.cmpi ne, %convert_element_type3A_3, %cond3A_4 : i32
    scf.if %cond3A_5 {
      %sub3A = arith.constant 10 : i32
      %sub3A_6 = arith.subi %arg0, %sub3A : i32
      %get3A = arith.constant 0 : index
      %get3A_7 = arith.constant 0 : index
      %get3A_8 = vector.load %arg15[%get3A, %get3A_7] : memref<1x128xf32, #tpu.memory_space<vmem>>, vector<1x128xf32>
      %mul3A = arith.constant 9.99999974E-5 : f32
      %mul3A_9 = vector.broadcast %mul3A : f32 to vector<1x128xf32>
      %mul3A_10 = arith.mulf %get3A_8, %mul3A_9 : vector<1x128xf32>
      %get3A_11 = arith.constant 0 : index
      %get3A_12 = arith.constant 0 : index
      %get3A_13 = vector.load %arg16[%get3A_11, %get3A_12] : memref<1x128xf32, #tpu.memory_space<vmem>>, vector<1x128xf32>
      %mul3A_14 = arith.constant 9.99999974E-5 : f32
      %mul3A_15 = vector.broadcast %mul3A_14 : f32 to vector<1x128xf32>
      %mul3A_16 = arith.mulf %get3A_13, %mul3A_15 : vector<1x128xf32>
      %mul3A_17 = arith.mulf %mul3A_10, %mul3A_10 : vector<1x128xf32>
      %sub3A_18 = arith.subf %mul3A_16, %mul3A_17 : vector<1x128xf32>
      %add3A = arith.constant 9.99999974E-6 : f32
      %add3A_19 = vector.broadcast %add3A : f32 to vector<1x128xf32>
      %add3A_20 = arith.addf %sub3A_18, %add3A_19 : vector<1x128xf32>
      %rsqrt3A = math.rsqrt %add3A_20 : vector<1x128xf32>
      %get3A_21 = arith.constant 0 : index
      %get3A_22 = arith.constant 0 : index
      %get3A_23 = vector.load %arg7[%get3A_21, %get3A_22] : memref<1x128xf32, #tpu.memory_space<vmem>>, vector<1x128xf32>
      %mul3A_24 = arith.mulf %rsqrt3A, %get3A_23 : vector<1x128xf32>
      %mul3A_25 = arith.constant 1000 : i32
      %mul3A_26 = arith.muli %sub3A_6, %mul3A_25 : i32
      %get3A_27 = arith.index_cast %mul3A_26 : i32 to index
      %get3A_28 = arith.constant 0 : index
      %get3A_29 = vector.load %arg14[%get3A_27, %get3A_28] : memref<10000x128xf32, #tpu.memory_space<vmem>>, vector<1000x128xf32>
      %sub3A_30 = vector.broadcast %mul3A_10 : vector<1x128xf32> to vector<1000x128xf32>
      %sub3A_31 = arith.subf %get3A_29, %sub3A_30 : vector<1000x128xf32>
      %mul3A_32 = vector.broadcast %mul3A_24 : vector<1x128xf32> to vector<1000x128xf32>
      %mul3A_33 = arith.mulf %sub3A_31, %mul3A_32 : vector<1000x128xf32>
      %get3A_34 = arith.constant 0 : index
      %get3A_35 = arith.constant 0 : index
      %get3A_36 = vector.load %arg8[%get3A_34, %get3A_35] : memref<1x128xf32, #tpu.memory_space<vmem>>, vector<1x128xf32>
      %add3A_37 = vector.broadcast %get3A_36 : vector<1x128xf32> to vector<1000x128xf32>
      %add3A_38 = arith.addf %mul3A_33, %add3A_37 : vector<1000x128xf32>
      %iota3A = tpu.iota {dimensions = array<i32: 1>} : vector<1x128xi32>
      %convert_element_type3A_39 = arith.sitofp %iota3A : vector<1x128xi32> to vector<1x128xf32>
      %get3A_40 = arith.constant 0 : index
      %get3A_41 = arith.constant 0 : index
      %get3A_42 = vector.load %arg2[%get3A_40, %get3A_41] : memref<1000x1xf32, #tpu.memory_space<vmem>>, vector<1000x1xf32>
      %eq3A = vector.broadcast %get3A_42 : vector<1000x1xf32> to vector<1000x128xf32>
      %eq3A_43 = vector.broadcast %convert_element_type3A_39 : vector<1x128xf32> to vector<1000x128xf32>
      %eq3A_44 = arith.cmpf oeq, %eq3A, %eq3A_43 : vector<1000x128xf32>
      %convert_element_type3A_45 = arith.extui %eq3A_44 : vector<1000x128xi1> to vector<1000x128xi32>
      %convert_element_type3A_46 = arith.sitofp %convert_element_type3A_45 : vector<1000x128xi32> to vector<1000x128xf32>
      %eq3A_47 = arith.constant 0 : i32
      %eq3A_48 = arith.cmpi eq, %sub3A_6, %eq3A_47 : i32
      %convert_element_type3A_49 = arith.extui %eq3A_48 : i1 to i32
      %cond3A_50 = arith.constant 0 : i32
      %cond3A_51 = arith.cmpi ne, %convert_element_type3A_49, %cond3A_50 : i32
      scf.if %cond3A_51 {
        %broadcast_in_dim3A = arith.constant 0.000000e+00 : f32
        %broadcast_in_dim3A_64 = vector.broadcast %broadcast_in_dim3A : f32 to vector<128x128xf32>
        %swap3A_65 = arith.constant 0 : index
        %swap3A_66 = arith.constant 0 : index
        %swap3A_67 = vector.load %arg17[%swap3A_65, %swap3A_66] : memref<128x128xf32, #tpu.memory_space<vmem>>, vector<128x128xf32>
        tpu.vector_store %arg17[%swap3A_65, %swap3A_66], %broadcast_in_dim3A_64 {strides = array<i32>} : memref<128x128xf32, #tpu.memory_space<vmem>>, vector<128x128xf32>,
      } else {
      }
      %get3A_52 = arith.constant 0 : index
      %get3A_53 = arith.constant 0 : index
      %get3A_54 = vector.load %arg17[%get3A_52, %get3A_53] : memref<128x128xf32, #tpu.memory_space<vmem>>, vector<128x128xf32>
      %dot_general3A = arith.constant dense<0.000000e+00> : vector<128x128xf32>
      %dot_general3A_55 = tpu.matmul %convert_element_type3A_46, %add3A_38, %dot_general3A {dimension_numbers = #tpu.dot_dimension_numbers<[0], [0], [1], [1], [0, 1, 1, 1], [], []>, transpose_lhs_hint = false} : vector<1000x128xf32>, vector<1000x128xf32>, vector<128x128xf32> -> vector<128x128xf32>
      %add3A_56 = arith.addf %get3A_54, %dot_general3A_55 : vector<128x128xf32>
      %swap3A = arith.constant 0 : index
      %swap3A_57 = arith.constant 0 : index
      %swap3A_58 = vector.load %arg17[%swap3A, %swap3A_57] : memref<128x128xf32, #tpu.memory_space<vmem>>, vector<128x128xf32>
      tpu.vector_store %arg17[%swap3A, %swap3A_57], %add3A_56 {strides = array<i32>} : memref<128x128xf32, #tpu.memory_space<vmem>>, vector<128x128xf32>,
      %eq3A_59 = arith.constant 9 : i32
      %eq3A_60 = arith.cmpi eq, %sub3A_6, %eq3A_59 : i32
      %convert_element_type3A_61 = arith.extui %eq3A_60 : i1 to i32
      %cond3A_62 = arith.constant 0 : i32
      %cond3A_63 = arith.cmpi ne, %convert_element_type3A_61, %cond3A_62 : i32
      scf.if %cond3A_63 {
        %get3A_64 = arith.constant 0 : index
        %get3A_65 = arith.constant 0 : index
        %get3A_66 = vector.load %arg17[%get3A_64, %get3A_65] : memref<128x128xf32, #tpu.memory_space<vmem>>, vector<128x128xf32>
        %get3A_67 = arith.constant 0 : index
        %get3A_68 = arith.constant 0 : index
        %get3A_69 = vector.load %arg9[%get3A_67, %get3A_68] : memref<128x128xf32, #tpu.memory_space<vmem>>, vector<128x128xf32>
        %dot_general3A_70 = arith.constant dense<0.000000e+00> : vector<128x128xf32>
        %dot_general3A_71 = tpu.matmul %get3A_66, %get3A_69, %dot_general3A_70 {dimension_numbers = #tpu.dot_dimension_numbers<[1], [0], [0], [1], [0, 0, 1, 1], [], []>, transpose_lhs_hint = false} : vector<128x128xf32>, vector<128x128xf32>, vector<128x128xf32> -> vector<128x128xf32>
        %get3A_72 = arith.constant 0 : index
        %get3A_73 = arith.constant 0 : index
        %get3A_74 = vector.load %arg10[%get3A_72, %get3A_73] : memref<1x128xf32, #tpu.memory_space<vmem>>, vector<1x128xf32>
        %add3A_75 = vector.broadcast %get3A_74 : vector<1x128xf32> to vector<128x128xf32>
        %add3A_76 = arith.addf %dot_general3A_71, %add3A_75 : vector<128x128xf32>
        %max3A = arith.constant 0.000000e+00 : f32
        %max3A_77 = vector.broadcast %max3A : f32 to vector<128x128xf32>
        %max3A_78 = arith.maximumf %add3A_76, %max3A_77 : vector<128x128xf32>
        %get3A_79 = arith.constant 0 : index
        %get3A_80 = arith.constant 0 : index
        %get3A_81 = vector.load %arg11[%get3A_79, %get3A_80] : memref<128x10xf32, #tpu.memory_space<vmem>>, vector<128x10xf32>
        %dot_general3A_82 = arith.constant dense<0.000000e+00> : vector<128x10xf32>
        %dot_general3A_83 = tpu.matmul %max3A_78, %get3A_81, %dot_general3A_82 {dimension_numbers = #tpu.dot_dimension_numbers<[1], [0], [0], [1], [0, 0, 1, 1], [], []>, transpose_lhs_hint = false} : vector<128x128xf32>, vector<128x10xf32>, vector<128x10xf32> -> vector<128x10xf32>
        %get3A_84 = arith.constant 0 : index
        %get3A_85 = arith.constant 0 : index
        %get3A_86 = vector.load %arg12[%get3A_84, %get3A_85] : memref<1x10xf32, #tpu.memory_space<vmem>>, vector<1x10xf32>
        %add3A_87 = vector.broadcast %get3A_86 : vector<1x10xf32> to vector<128x10xf32>
        %add3A_88 = arith.addf %dot_general3A_83, %add3A_87 : vector<128x10xf32>
        %swap3A_89 = arith.constant 0 : index
        %swap3A_90 = arith.constant 0 : index
        %swap3A_91 = vector.load %arg13[%swap3A_89, %swap3A_90] : memref<128x10xf32, #tpu.memory_space<vmem>>, vector<128x10xf32>
        tpu.vector_store %arg13[%swap3A_89, %swap3A_90], %add3A_88 {strides = array<i32>} : memref<128x10xf32, #tpu.memory_space<vmem>>, vector<128x10xf32>,
      } else {
      }
    } else {
    }
    return
  }
  func.func @transform_0(%arg0: i32) -> (i32, i32, i32) {
    %min3A = arith.constant 9 : i32
    %min3A_0 = arith.minsi %arg0, %min3A : i32
    %c0_i32 = arith.constant 0 : i32
    %c0_i32_1 = arith.constant 0 : i32
    %c0_i32_2 = arith.constant 0 : i32
    return %c0_i32, %min3A_0, %c0_i32_1 : i32, i32, i32
  }
  func.func @transform_1(%arg0: i32) -> (i32, i32) {
    %sub3A = arith.constant 10 : i32
    %sub3A_0 = arith.subi %arg0, %sub3A : i32
    %max3A = arith.constant 0 : i32
    %max3A_1 = arith.maxsi %sub3A_0, %max3A : i32
    %c0_i32 = arith.constant 0 : i32
    %c0_i32_2 = arith.constant 0 : i32
    return %max3A_1, %c0_i32 : i32, i32
  }
  func.func @transform_2(%arg0: i32) -> (i32, i32) {
    %c0_i32 = arith.constant 0 : i32
    %c0_i32_0 = arith.constant 0 : i32
    %c0_i32_1 = arith.constant 0 : i32
    return %c0_i32, %c0_i32_0 : i32, i32
  }
  func.func @transform_3(%arg0: i32) -> (i32, i32) {
    %c0_i32 = arith.constant 0 : i32
    %c0_i32_0 = arith.constant 0 : i32
    %c0_i32_1 = arith.constant 0 : i32
    return %c0_i32, %c0_i32_0 : i32, i32
  }
  func.func @transform_4(%arg0: i32) -> (i32, i32) {
    %c0_i32 = arith.constant 0 : i32
    %c0_i32_0 = arith.constant 0 : i32
    %c0_i32_1 = arith.constant 0 : i32
    return %c0_i32, %c0_i32_0 : i32, i32
  }
  func.func @transform_5(%arg0: i32) -> (i32, i32) {
    %c0_i32 = arith.constant 0 : i32
    %c0_i32_0 = arith.constant 0 : i32
    %c0_i32_1 = arith.constant 0 : i32
    return %c0_i32, %c0_i32_0 : i32, i32
  }
  func.func @transform_6(%arg0: i32) -> (i32, i32) {
    %c0_i32 = arith.constant 0 : i32
    %c0_i32_0 = arith.constant 0 : i32
    %c0_i32_1 = arith.constant 0 : i32
    return %c0_i32, %c0_i32_0 : i32, i32
  }
  func.func @transform_7(%arg0: i32) -> (i32, i32) {
    %c0_i32 = arith.constant 0 : i32
    %c0_i32_0 = arith.constant 0 : i32
    %c0_i32_1 = arith.constant 0 : i32
    return %c0_i32, %c0_i32_0 : i32, i32
  }
  func.func @transform_8(%arg0: i32) -> (i32, i32) {
    %c0_i32 = arith.constant 0 : i32
    %c0_i32_0 = arith.constant 0 : i32
    %c0_i32_1 = arith.constant 0 : i32
    return %c0_i32, %c0_i32_0 : i32, i32
  }
  func.func @transform_9(%arg0: i32) -> (i32, i32) {
    %c0_i32 = arith.constant 0 : i32
    %c0_i32_0 = arith.constant 0 : i32
    %c0_i32_1 = arith.constant 0 : i32
    return %c0_i32, %c0_i32_0 : i32, i32
  }
  func.func @transform_10(%arg0: i32) -> (i32, i32) {
    %c0_i32 = arith.constant 0 : i32
    %c0_i32_0 = arith.constant 0 : i32
    %c0_i32_1 = arith.constant 0 : i32
    return %c0_i32, %c0_i32_0 : i32, i32
  }
  func.func @transform_11(%arg0: i32) -> (i32, i32) {
    %c0_i32 = arith.constant 0 : i32
    %c0_i32_0 = arith.constant 0 : i32
    %c0_i32_1 = arith.constant 0 : i32
    return %c0_i32, %c0_i32_0 : i32, i32
  }
  func.func @transform_12(%arg0: i32) -> (i32, i32) {
    %c0_i32 = arith.constant 0 : i32
    %c0_i32_0 = arith.constant 0 : i32
    %c0_i32_1 = arith.constant 0 : i32
    return %c0_i32, %c0_i32_0 : i32, i32
  }
}

</mosaic_0001>

<sc_bundles>
// kernel: kernel.11.cloned.1.call-start
scs
__scs_entry_jumppad:
0x0: {  	(pc) =	sbr.rel $0x88, $3  }
0x1: {  	(tag) =	ssettag $0x0;
	lr =	simm.s32 $0x1  }
0x2: {  	[smem:$0x3F88] =	sst lr;
	_ =	strace $0xD0000000  }
0x3: {  	_ = 	snop  }
0x4: {  	_ = 	snop  }
0x5: {  	_ = 	snop  }
0x6: {  	_ = 	snop  }
0x7: {  	_ = 	snop  }
__scs_overlays_trampoline_lowered:
0x8: {  	[smem:$0x3F97] =	sst s0  }
0x9: {  	[smem:$0x3F98] =	sst s1  }
0xa: {  	[smem:$0x3F99] =	sst s2  }
0xb: {  	[smem:$0x3F9A] =	sst s3  }
0xc: {  	[smem:$0x3F9B] =	sst s4  }
0xd: {  	[smem:$0x3F9C] =	sst s5  }
0xe: {  	[smem:$0x3F9D] =	sst s6  }
0xf: {  	[smem:$0x3F9E] =	sst s7  }
0x10: {  	[smem:$0x3F9F] =	sst s8  }
0x11: {  	[smem:$0x3FA0] =	sst s9;
	s0 =	simm.s32 @!p0 $0x0  }
0x12: {  	s1 =	sld [smem:$0x3F86];
	s0 =	simm.s32 @p0 $0x1  }
0x13: {  	[smem:$0x3FA1] =	sst s0;
	s0 =	simm.s32 @!p1 $0x0  }
0x14: {  	s2 =	sld [smem:$0x3F85];
	s0 =	simm.s32 @p1 $0x1  }
0x15: {  	[smem:$0x3FA2] =	sst s0;
	s0 =	simm.s32 @!p2 $0x0  }
0x16: {  	s3 =	sld [smem:$0x3FDB];
	s0 =	simm.s32 @p2 $0x1  }
0x17: {  	s4 =	simm.s32 $0x1BF5;
	[smem:$0x3FA4] =	sst s0  }
0x18: {  	s0 =	sld [smem:$0x3F87];
	_ =	swait.ge [sflag:s4], $0x0  }
0x19: {  	s7 =	sld [smem:$0x3F88]  }
0x1a: {  	s8 =	sadd.s32 $0xFFFFE003, lr  }
0x1b: {  	s9 =	sadd.s32 $0xFFFFFEF7, lr;
	s5 =	simm.s32 $0xFFFFFFFF;
	p2 =	slt.u32 s8, $0xFFFFF086  }
0x1c: {  	p1 =	slt.u32 s9, $0xF7A;
	s5 =	simm.s32 @!p2 $0x0  }
0x1d: {  	s5 =	simm.s32 @p1 $0x1;
	p0 =	seq.s32 s7, s2  }
0x1e: {  	s7 =	smul.u32 @!p0 $0xF7A, s2;
	p2 =	seq.s32 @!p0 s5, $0x0  }
0x1f: {  	s9 =	smul.u32 $0xF7A, s1;
	s8 =	simm.s32 @!p0 $0x1BF5;
	p2 =	por !p2, p0  }
0x20: {  	[sflag:s8] =	ssyncset.s32 @!p0 $0xFFFFF086;
	s6 =	sadd.s32 @!p0 s3, s7;
	s7 =	simm.s32 @!p0 $0x108  }
0x21: {  	s3 =	sadd.s32 s3, s9;
	s6 =	sadd.s32 @!p0 $0x88, s6;
	s7 =	simm.s32 @p2 $0x1082  }
0x22: {  	[simem:s7], [sflag:s8] =	dma.local @!p0 [hbm:s6], $0xF7A  }
0x23: {  	s9 =	sor.u32 $0xD0000000, s2;
	s6 =	simm.s32 $0x108;
	_ =	swait.ge @!p0 [sflag:s8], $0x0  }
0x24: {  	s3 =	sadd.s32 $0x88, s3;
	s6 =	simm.s32 @!p1 $0x1082;
	[sflag:s4] =	ssyncset.s32 $0xFFFFF086  }
0x25: {  	[simem:s6], [sflag:s4] =	dma.local [hbm:s3], $0xF7A  }
0x26: {  	[smem:$0x3F88] =	sst s1;
	(tag) =	ssettag s2;
	_ =	strace s9  }
0x27: {  	s1 =	sld [smem:$0x3F98]  }
0x28: {  	s2 =	sld [smem:$0x3F99]  }
0x29: {  	s4 =	sld [smem:$0x3F9B]  }
0x2a: {  	p0 =	seq.s32 s5, $0x0;
	s5 =	sld [smem:$0x3F9C]  }
0x2b: {  	s6 =	sld [smem:$0x3F9D]  }
0x2c: {  	s7 =	sld [smem:$0x3F9E]  }
0x2d: {  	s3 =	simm.s32 $0x108;
	s8 =	sld [smem:$0x3F9F]  }
0x2e: {  	s3 =	simm.s32 @!p0 $0x1082;
	s9 =	sld [smem:$0x3FA0]  }
0x2f: {  	lr =	sadd.s32 s0, s3;
	s0 =	sld [smem:$0x3F97]  }
0x30: {  	s3 =	sld [smem:$0x3F9A]  }
0x31: {  	[smem:$0x3FA3] =	sst s10  }
0x32: {  	s10 =	sld [smem:$0x3FA1];
	_ =	sdelay $0x3  }
0x33: {  	p0 =	seq.s32 s10, $0x1;
	s10 =	sld [smem:$0x3FA3];
	_ =	sdelay $0x3  }
0x34: {  	[smem:$0x3FA3] =	sst s10  }
0x35: {  	s10 =	sld [smem:$0x3FA2];
	_ =	sdelay $0x3  }
0x36: {  	p1 =	seq.s32 s10, $0x1;
	s10 =	sld [smem:$0x3FA3];
	_ =	sdelay $0x3  }
0x37: {  	[smem:$0x3FA3] =	sst s10  }
0x38: {  	s10 =	sld [smem:$0x3FA4]  }
0x39: {  	_ = 	snop;
	(pc) =	sbr.ind lr, $3  }
0x3a: {  	_ = 	snop  }
0x3b: {  	_ = 	snop  }
0x3c: {  	p2 =	seq.s32 s10, $0x1;
	s10 =	sld [smem:$0x3FA3]  }
0x3d: {  	_ =	shalt  }
0x3e: {  	_ =	shalt  }
0x3f: {  	_ =	shalt  }
0x40: {  	_ =	shalt  }
0x41: {  	_ =	shalt  }
0x42: {  	_ =	shalt  }
0x43: {  	_ =	shalt  }
0x44: {  	_ =	shalt  }
0x45: {  	_ =	shalt  }
0x46: {  	_ =	shalt  }
0x47: {  	_ =	shalt  }
0x48: {  	_ =	shalt  }
0x49: {  	_ =	shalt  }
0x4a: {  	_ =	shalt  }
0x4b: {  	_ =	shalt  }
0x4c: {  	_ =	shalt  }
0x4d: {  	_ =	shalt  }
0x4e: {  	_ =	shalt  }
0x4f: {  	_ =	shalt  }
0x50: {  	_ =	shalt  }
0x51: {  	_ =	shalt  }
0x52: {  	_ =	shalt  }
0x53: {  	_ =	shalt  }
0x54: {  	_ =	shalt  }
0x55: {  	_ =	shalt  }
0x56: {  	_ =	shalt  }
0x57: {  	_ =	shalt  }
0x58: {  	_ =	shalt  }
0x59: {  	_ =	shalt  }
0x5a: {  	_ =	shalt  }
0x5b: {  	_ =	shalt  }
0x5c: {  	_ =	shalt  }
0x5d: {  	_ =	shalt  }
0x5e: {  	_ =	shalt  }
0x5f: {  	_ =	shalt  }
0x60: {  	_ =	shalt  }
0x61: {  	_ =	shalt  }
0x62: {  	_ =	shalt  }
0x63: {  	_ =	shalt  }
0x64: {  	_ =	shalt  }
0x65: {  	_ =	shalt  }
0x66: {  	_ =	shalt  }
0x67: {  	_ =	shalt  }
0x68: {  	_ =	shalt  }
0x69: {  	_ =	shalt  }
0x6a: {  	_ =	shalt  }
0x6b: {  	_ =	shalt  }
0x6c: {  	_ =	shalt  }
0x6d: {  	_ =	shalt  }
0x6e: {  	_ =	shalt  }
0x6f: {  	_ =	shalt  }
0x70: {  	_ =	shalt  }
0x71: {  	_ =	shalt  }
0x72: {  	_ =	shalt  }
0x73: {  	_ =	shalt  }
0x74: {  	_ =	shalt  }
0x75: {  	_ =	shalt  }
0x76: {  	_ =	shalt  }
0x77: {  	_ =	shalt  }
0x78: {  	_ =	shalt  }
0x79: {  	_ =	shalt  }
0x7a: {  	_ =	shalt  }
0x7b: {  	_ =	shalt  }
0x7c: {  	_ =	shalt  }
0x7d: {  	_ =	shalt  }
0x7e: {  	_ =	shalt  }
0x7f: {  	_ =	shalt  }
0x80: {  	_ =	shalt  }
0x81: {  	_ =	shalt  }
0x82: {  	_ =	shalt  }
0x83: {  	_ =	shalt  }
0x84: {  	_ =	shalt  }
0x85: {  	_ =	shalt  }
0x86: {  	_ =	shalt  }
0x87: {  	_ =	shalt  }
.Lfunc_end0:
.L_simem_size_0:
called_computation.1_lowered:
.L_overlay_start_0:
0x88: {  	s2 =	sld [smem:$0x3FD9]  }
0x89: {  	s3 =	sld [smem:$0x3FFE];
	_ =	sdelay $0x1  }
0x8a: {  	s1 =	srdreg.scid  }
0x8b: {  	s0 =	sand.u32 $0x1, s1  }
0x8c: {  	s16 =	sshll.u32 s0, $0xA;
	s2 =	sadd.s32 s3, s2  }
0x8d: {  	s2 =	sadd.s32 s2, s16  }
0x8e: {  	[smem:$0x3FAF] =	sst s2  }
0x8f: {  	_ = 	snop  }
0x90: {  	(tm) =	ssettm $0x1  }
0x91: {  	s17 =	sld [smem:$0x3FFB];
	_ =	sdelay $0x3  }
0x92: {  	_ =	strace s17  }
0x93: {  	s2 =	sld [smem:$0x3FFC];
	_ =	sdelay $0x3  }
0x94: {  	_ =	strace s2  }
0x95: {  	s2 =	sld [smem:$0x3FFD];
	_ =	sdelay $0x3  }
0x96: {  	_ =	strace s2  }
0x97: {  	_ =	strace $0x8FFFFFFF  }
0x98: {  	s18 =	sld [smem:$0x3FDB];
	_ =	sdelay $0x1  }
0x99: {  	s19 =	simm.s32 $_scs_section_size  }
0x9a: {  	s4 =	simm.s32 $_size__tile_overlayer_lowered;
	s5 =	simm.s32 $_tile_overlayer_lowered  }
0x9b: {  	s22 =	simm.s32 $0x1BFF;
	s21 =	sshll.u32 s5, $0x1;
	s2 =	sadd.s32 s19, s18  }
0x9c: {  	s6 =	simm.s32 $0x0;
	s20 =	sshll.u32 s4, $0x1;
	s4 =	sadd.s32 s21, s2  }
0x9d: {  	[timem:s6], [sflag:s22] =	dma.local [hbm:s4], s20  }
0x9e: {  	_ =	swait.ge [sflag:s22], s20  }
0x9f: {  	s3 =	ssub.s32 $0x0, s20;
	[sflag:s22] =	ssyncset.done $0x0  }
0xa0: {  	[sflag:s22] =	ssyncadd.s32 s3;
	_ =	sdelay $0x1  }
0xa1: {  	s23 =	simm.s32 $0x1B8B  }
0xa2: {  	_ =	swait.ge [sflag:s23], $0x1  }
0xa3: {  	[sflag:s23] =	ssyncset.done $0x0  }
0xa4: {  	s25 =	simm.s32 $0x1B8E;
	s24 =	sld [smem:$0x3FFE];
	[sflag:s23] =	ssyncadd.s32 $0xFFFFFFFF  }
0xa5: {  	s26 =	simm.s32 $execute0_lowered;
	[smem:$0x3FD2] =	sst s25  }
0xa6: {  	s4 =	sshll.u32 s26, $0x1;
	_ =	strace $0x80000049;
	[dreg:$0x1] =	wrdreg $0xFFFFFFFF  }
0xa7: {  	s28 =	simm.s32 $_size_execute0_lowered;
	s2 =	sadd.s32 s2, s4;
	[dreg:$0x0] =	wrdreg $0x0  }
0xa8: {  	s4 =	sshll.u32 s28, $0x1;
	[dreg:$0x2] =	wrdreg s2  }
0xa9: {  	[dreg:$0x3] =	wrdreg s4  }
0xaa: {  	[dreg:$0x4] =	wrdreg $0xC0  }
0xab: {  	_ =	task [dreg:s6], $0x5FFFF  }
0xac: {  	[dreg:$0x1] =	wrdreg $0xFFFFFFFF  }
0xad: {  	[dreg:$0x0] =	wrdreg $0x60  }
0xae: {  	[dreg:$0x2] =	wrdreg s24  }
0xaf: {  	[dreg:$0x3] =	wrdreg $0x69000  }
0xb0: {  	[dreg:$0x4] =	wrdreg $0x9  }
0xb1: {  	_ =	task.clear_ibuf [dreg:s6], $0x5FFFF;
	_ =	strace $0x90000049  }
0xb2: {  	s29 =	simm.s32 $0x9;
	_ =	strace $0x8000004B  }
0xb3: {  	_ =	swait.ge [sflag:s29], $0x1  }
0xb4: {  	[sflag:s29] =	ssyncadd.s32 $0xFFFFFFFF  }
0xb5: {  	_ =	strace $0x9000004B  }
0xb6: {  	_ =	sfence  }
0xb7: {  	s30 =	sld [smem:$0x0];
	_ =	sdelay $0x2  }
0xb8: {  	s31 =	sshll.u32 s1, $0xD;
	s1 =	sshrl.u32 s1, $0x2  }
0xb9: {  	s3 =	sand.u32 $0x4000, s31;
	s1 =	sadd.s32 s1, s30  }
0xba: {  	s0 =	sor.u32 s3, s0;
	s1 =	sshll.u32 s1, $0x11  }
0xbb: {  	s0 =	sor.u32 s1, s0  }
0xbc: {  	s0 =	sadd.s32 $0x8F2B, s0  }
0xbd: {  	[sflag:s0] =	ssyncadd.remote.s32 $0x1  }
0xbe: {  	_ =	sfence.sel $0xFFFF  }
0xbf: {  	[dreg:$0x0] =	wrdreg $0xFFFFFFFF;
	(pc) =	sbr.abs _section_cstart, $3  }
0xc0: {  	[dreg:$0x1] =	wrdreg $0xFFFFFFFF  }
0xc1: {  	_ =	task.clear_ibuf [dreg:s6], $0x2FFFF;
	_ =	strace $0x9FFFFFFF  }
0xc2: {  	(tm) =	ssettm $0x7FFFFFFF  }
0xc3: {  	_ =	shalt  }
tec
execute0_lowered:
.L_overlay_start_1:
0x0: {  	(tag) =	ssettag $0x1  }
0x1: {  	s0 =	rddreg [dreg:$0x0]  }
0x2: {  	s17 =	rddreg [dreg:$0x1]  }
0x3: {  	s2 =	simm.s32 $0x0;
	s3 =	srdreg.scid;
	s11 =	stileid.u32  }
0x4: {  	s28 =	simm.s32 $0x380;
	s29 =	simm.s32 $0xE;
	s30 =	simm.s32 $0x4100  }
0x5: {  	s31 =	simm.s32 $0x10;
	[smem:$0x7FF] =	sst s2;
	s3 =	sand.u32 $0x1, s3  }
0x6: {  	s4 =	sadd.s32 $0x3EA00, s0;
	s14 =	sadd.s32 $0xDA00, s0;
	s16 =	sadd.s32 $0x3C00, s0  }
0x7: {  	s12 =	sadd.s32 $0x17800, s0;
	s0 =	sadd.s32 $0x65C00, s0;
	s1 =	smul.u32 $0x2710, s11  }
0x8: {  	p1 =	sne.s32 s11, $0xF;
	s5 =	sshll.u32 s3, $0x4;
	s26 =	smul.u32 $0x27100, s3  }
0x9: {  	p2 =	seq.s32 s11, $0xF;
	s15 =	smul.u32 $0x138800, s3;
	s5 =	sor.u32 s11, s5  }
0xa: {  	_ =	strace $0x8000004A;
	s6 =	ssub.s32 $0x2, s3;
	s5 =	smul.u32 $0x2710, s5  }
0xb: {  	p0 =	seq.s32 s3, $0x1;
	[dreg:$0xb] =	wrdreg s12;
	s7 =	sshrl.u32 s6, $0x1  }
0xc: {  	s6 =	ssub.s32 s6, s7;
	s7 =	smul.u32 $0x2700, s11;
	s8 =	sshrl.u32 s5, $0x3  }
0xd: {  	s20 =	sshrl.u32 s15, $0x3;
	s9 =	sadd.s32 $0x28, s5;
	s10 =	sadd.s32 s14, s8  }
0xe: {  	s18 =	sadd.s32 s7, s26;
	s22 =	sadd.s32 s16, s8;
	[dreg:$0xc] =	wrdreg s10  }
0xf: {  	s9 =	sshrl.u32 s9, $0x3;
	s3 =	sadd.s32 s0, s18;
	[dreg:$0xd] =	wrdreg s22  }
0x10: {  	s5 =	sadd.s32 $0x78, s5;
	s23 =	sadd.s32 s14, s9;
	[dreg:$0x15] =	wrdreg s3  }
0x11: {  	s24 =	sadd.s32 $0xA, s8;
	s9 =	sadd.s32 s16, s9;
	[dreg:$0xe] =	wrdreg s23  }
0x12: {  	s5 =	sshrl.u32 s5, $0x3;
	s25 =	sadd.s32 s14, s24;
	[dreg:$0xf] =	wrdreg s9  }
0x13: {  	s15 =	smul.u32 $0x4E000, s11;
	s13 =	sadd.s32 s14, s5;
	[dreg:$0x10] =	wrdreg s25  }
0x14: {  	s0 =	sadd.s32 s0, s20;
	s5 =	sadd.s32 s16, s5;
	[dreg:$0x12] =	wrdreg s13  }
0x15: {  	s20 =	sshrl.u32 s15, $0x2;
	s0 =	sadd.s32 $0x27000, s0;
	[dreg:$0x13] =	wrdreg s5  }
0x16: {  	s15 =	simm.s32 $0x100;
	s9 =	sadd.s32 s16, s24;
	[dreg:$0x1b] =	wrdreg s0  }
0x17: {  	s5 =	sadd.s32 $0x14, s8;
	s0 =	simm.s32 $0x500;
	[dreg:$0x11] =	wrdreg s9  }
0x18: {  	s8 =	sadd.s32 s14, s5;
	s9 =	sadd.s32 s1, s26;
	s5 =	sadd.s32 s16, s5  }
0x19: {  	[dreg:$0x14] =	wrdreg s8;
	s19 =	sadd.s32 $0x168, s9;
	s23 =	sadd.s32 $0x140, s9  }
0x1a: {  	[dreg:$0x16] =	wrdreg s5;
	s5 =	sadd.s32 s20, s17;
	s21 =	sshrl.u32 s19, $0x3  }
0x1b: {  	s25 =	sshrl.u32 s23, $0x3;
	[dreg:$0x17] =	wrdreg s5;
	s23 =	sadd.s32 $0x138000, s17  }
0x1c: {  	s1 =	sadd.s32 $0x118, s9;
	s22 =	sadd.s32 s21, s16;
	[dreg:$0x19] =	wrdreg s23  }
0x1d: {  	s20 =	simm.s32 $0x200;
	s24 =	sadd.s32 s21, s14;
	[dreg:$0x3] =	wrdreg s22  }
0x1e: {  	s13 =	sshrl.u32 s1, $0x3;
	s26 =	sadd.s32 s25, s16;
	[dreg:$0x4] =	wrdreg s24  }
0x1f: {  	s19 =	sadd.s32 $0xF0, s9;
	s8 =	sadd.s32 s25, s14;
	[dreg:$0x5] =	wrdreg s26  }
0x20: {  	s1 =	simm.s32 $0x80;
	s18 =	sadd.s32 s13, s16;
	[dreg:$0x6] =	wrdreg s8  }
0x21: {  	s5 =	simm.s32 $0xC;
	s25 =	smax.u32 s6, $0x1;
	[dreg:$0x7] =	wrdreg s18  }
0x22: {  	s3 =	sshrl.u32 s19, $0x3;
	s8 =	sadd.s32 s13, s14;
	[dreg:$0x1c] =	wrdreg s25  }
0x23: {  	s6 =	simm.s32 $0x300;
	s21 =	sadd.s32 s3, s16;
	[dreg:$0x8] =	wrdreg s8  }
0x24: {  	s19 =	simm.s32 $0x180;
	s22 =	sadd.s32 s4, s7;
	[dreg:$0x9] =	wrdreg s21  }
0x25: {  	s23 =	simm.s32 $0x15;
	s3 =	sadd.s32 s3, s14;
	[dreg:$0x18] =	wrdreg s22  }
0x26: {  	s24 =	sadd.s32 s12, s7;
	s26 =	sadd.s32 $0xC8, s9;
	[dreg:$0xa] =	wrdreg s3  }
0x27: {  	s13 =	simm.s32 $0x480;
	s9 =	simm.s32 $0x28;
	[dreg:$0x1a] =	wrdreg s24  }
0x28: {  	s25 =	simm.s32 $0xD;
	s7 =	simm.s32 $0x1;
	[dreg:$0x1d] =	wrdreg s26  }
0x29: {  	s8 =	simm.s32 $0x280;
	s21 =	simm.s32 $0x400;
	s24 =	simm.s32 $0xB  }
0x2a: {  	s26 =	simm.s32 $0x1900;
	s22 =	simm.s32 $0xF;
	s3 =	simm.s32 $0x0  }
.LBB2_1:
0x2b: {  	s10 =	rddreg [dreg:$0xc]  }
0x2c: {  	s12 =	rddreg [dreg:$0xd]  }
0x2d: {  	s18 =	rddreg [dreg:$0xe]  }
0x2e: {  	s11 =	rddreg [dreg:$0x10]  }
0x2f: {  	[tilespmem:s2], [sflag:$0xB] =	stream.linear.gather [hbm4b:s10+s2], $0x28, $0x38;
	[tilespmem:$0x1A180] =	vst v63  }
0x30: {  	[dreg:$0x1e] =	wrdreg s3  }
0x31: {  	[tilespmem:s8], [sflag:$0x10] =	stream.linear.gather [hbm4b:s12+s2], $0x28, $0x38;
	[tilespmem:$0x1A180] =	vst v63  }
0x32: {  	s8 =	rddreg [dreg:$0xf]  }
0x33: {  	[tilespmem:s1], [sflag:$0xC] =	stream.linear.gather [hbm4b:s18+s2], $0x28, $0x38;
	[tilespmem:$0x1A180] =	vst v63  }
0x34: {  	s12 =	rddreg [dreg:$0x11]  }
0x35: {  	[tilespmem:s6], [sflag:$0x11] =	stream.linear.gather [hbm4b:s8+s2], $0x28, $0x38;
	[tilespmem:$0x1A180] =	vst v63  }
0x36: {  	s18 =	rddreg [dreg:$0x12]  }
0x37: {  	[tilespmem:s15], [sflag:$0xD] =	stream.linear.gather [hbm4b:s11+s2], $0x28, $0x38;
	[tilespmem:$0x1A180] =	vst v63  }
0x38: {  	s6 =	rddreg [dreg:$0x13]  }
0x39: {  	[tilespmem:s28], [sflag:$0x12] =	stream.linear.gather [hbm4b:s12+s2], $0x28, $0x38;
	[tilespmem:$0x1A180] =	vst v63  }
0x3a: {  	s8 =	rddreg [dreg:$0x14]  }
0x3b: {  	[tilespmem:s19], [sflag:$0xE] =	stream.linear.gather [hbm4b:s18+s2], $0x28, $0x38;
	[tilespmem:$0x1A180] =	vst v63  }
0x3c: {  	s11 =	rddreg [dreg:$0x16];
	s12 =	stileid.u32  }
0x3d: {  	[tilespmem:s21], [sflag:$0x13] =	stream.linear.gather [hbm4b:s6+s2], $0x28, $0x38;
	[tilespmem:$0x1A180] =	vst v63  }
.Ltmp0:
0x3e: {  	s18 =	rddreg [dreg:$0x17];
	s6 =	sshll.u32 s12, $0x6;
	(pc) =	sbr.rel @!p0 .LBB2_2-.Ltmp0, $4  }
0x3f: {  	[tilespmem:s20], [sflag:$0xF] =	stream.linear.gather [hbm4b:s8+s2], $0x28, $0x38;
	[tilespmem:$0x1A180] =	vst v63  }
0x40: {  	[dreg:$0x1f] =	wrdreg s6;
	s8 =	sshrl.u32 s18, $0x3  }
0x41: {  	s10 =	sor.u32 $0x1C15, s6;
	[smem:$0x7FD] =	sst s8  }
0x42: {  	[tilespmem:s13], [sflag:$0x14] =	stream.linear.gather [hbm4b:s11+s2], $0x28, $0x38;
	[tilespmem:$0x1A180] =	vst v63  }
0x43: {  	s10 =	sor.u32 $0x1C15, s6;
	s12 =	rddreg [dreg:$0x1a]  }
0x44: {  	[spmem:s8], [sflag:s10] =	dma.local [hbm:s12], $0x2700  }
.Ltmp1:
0x45: {  	_ = 	snop;
	(pc) =	sbr.rel @p1 .LBB2_5-.Ltmp1, $4  }
.Ltmp2:
0x46: {  	_ = 	snop;
	(pc) =	sbr.rel @!p1 .LBB2_4-.Ltmp2, $4  }
0x47: {  	_ =	swait.ge [sflag:s23], $0x2700  }
0x48: {  	[sflag:s23] =	ssyncset.done $0x0  }
0x49: {  	s12 =	rddreg [dreg:$0xb];
	[sflag:s23] =	ssyncadd.s32 $0xFFFFD900  }
0x4a: {  	_ = 	snop  }
.LBB2_2:
.Ltmp3:
0x4b: {  	s12 =	rddreg [dreg:$0x18];
	(pc) =	sbr.rel @!p2 .LBB2_5-.Ltmp3, $4  }
0x4c: {  	[spmem:s8], [sflag:s10] =	dma.local [hbm:s12], $0x2700  }
0x4d: {  	_ =	swait.ge [sflag:s23], $0x2700  }
0x4e: {  	[sflag:s23] =	ssyncset.done $0x0  }
0x4f: {  	s12 =	smov.u32 s4;
	[sflag:s23] =	ssyncadd.s32 $0xFFFFD900  }
.LBB2_4:
0x50: {  	s18 =	rddreg [dreg:$0x19]  }
0x51: {  	s12 =	sadd.s32 $0x27000, s12;
	s20 =	sshrl.u32 s18, $0x3  }
0x52: {  	[spmem:s20], [sflag:s10] =	dma.local [hbm:s12], $0x100  }
0x53: {  	_ =	swait.ge [sflag:s23], $0x100  }
0x54: {  	[sflag:s23] =	ssyncset.done $0x0  }
0x55: {  	s20 =	simm.s32 $0x200;
	[sflag:s23] =	ssyncadd.s32 $0xFFFFFF00  }
.LBB2_5:
0x56: {  	_ =	swait.ge [sflag:s24], $0x28  }
0x57: {  	[sflag:s24] =	ssyncset.done $0x0  }
0x58: {  	s10 =	simm.s32 $0x0;
	[sflag:s24] =	ssyncadd.s32 $0xFFFFFFD8  }
0x59: {  	[tilespmem:s0], [sflag:$0x1] =	stream.indirect.gather [hbm4b:s4+s9], $0x80, s10, s9, $0xb8;
	[tilespmem:$0x1A180] =	vst v63  }
0x5a: {  	_ =	swait.ge [sflag:s5], $0x28  }
0x5b: {  	[sflag:s5] =	ssyncset.done $0x0  }
0x5c: {  	[sflag:s5] =	ssyncadd.s32 $0xFFFFFFD8  }
0x5d: {  	[tilespmem:s26], [sflag:$0x2] =	stream.indirect.gather [hbm4b:s4+s9], $0x80, s1, s9, $0xb8;
	[tilespmem:$0x1A180] =	vst v63  }
0x5e: {  	_ =	swait.ge [sflag:s25], $0x28  }
0x5f: {  	[sflag:s25] =	ssyncset.done $0x0  }
0x60: {  	s8 =	simm.s32 $0x2D00;
	[sflag:s25] =	ssyncadd.s32 $0xFFFFFFD8  }
0x61: {  	[tilespmem:s8], [sflag:$0x3] =	stream.indirect.gather [hbm4b:s4+s9], $0x80, s15, s9, $0xb8;
	[tilespmem:$0x1A180] =	vst v63  }
0x62: {  	_ =	swait.ge [sflag:s29], $0x28  }
0x63: {  	[sflag:s29] =	ssyncset.done $0x0  }
0x64: {  	[sflag:s29] =	ssyncadd.s32 $0xFFFFFFD8  }
0x65: {  	[tilespmem:s30], [sflag:$0x4] =	stream.indirect.gather [hbm4b:s4+s9], $0x80, s19, s9, $0xb8;
	[tilespmem:$0x1A180] =	vst v63  }
0x66: {  	_ =	swait.ge [sflag:s22], $0x28  }
0x67: {  	[sflag:s22] =	ssyncset.done $0x0  }
0x68: {  	s23 =	simm.s32 $0x5500;
	[sflag:s22] =	ssyncadd.s32 $0xFFFFFFD8  }
0x69: {  	[tilespmem:s23], [sflag:$0x5] =	stream.indirect.gather [hbm4b:s4+s9], $0x80, s20, s9, $0xb8;
	[tilespmem:$0x1A180] =	vst v63  }
0x6a: {  	[bflag:$0x0] =	sbarrier.arrive $0xFFFF  }
0x6b: {  	_ =	swait.ge [sflag:s7], $0x1400  }
0x6c: {  	s18 =	rddreg [dreg:$0x1d]  }
0x6d: {  	[sflag:s7] =	ssyncset.done $0x0;
	s10 =	sshrl.u32 s18, $0x3  }
0x6e: {  	[sflag:s7] =	ssyncadd.s32 $0xFFFFEC00;
	s12 =	sadd.s32 s14, s10  }
0x6f: {  	[tilespmem:s2], [sflag:$0xB] =	stream.linear.gather [hbm4b:s12+s2], $0x28, $0x38;
	[tilespmem:$0x1A180] =	vst v63  }
0x70: {  	_ =	swait.ge [sflag:s31], $0x28  }
0x71: {  	[sflag:s31] =	ssyncset.done $0x0  }
0x72: {  	s3 =	simm.s32 $0x2;
	s7 =	simm.s32 $0x280;
	[sflag:s31] =	ssyncadd.s32 $0xFFFFFFD8  }
0x73: {  	[spmem:s17] =	stream.indirect.scatter.add.f32 [tilespmem:s0], [sflag:$0x6], $0x80, s7, s9, $0xb8;
	[tilespmem:$0x1A180] =	vst v63  }
0x74: {  	_ =	swait.ge [sflag:s3], $0x1400  }
0x75: {  	s6 =	rddreg [dreg:$0xa];
	[sflag:s3] =	ssyncset.done $0x0  }
0x76: {  	s11 =	simm.s32 $0x11;
	[sflag:s3] =	ssyncadd.s32 $0xFFFFEC00;
	s12 =	sadd.s32 $0x0, s6  }
0x77: {  	[tilespmem:s1], [sflag:$0xC] =	stream.linear.gather [hbm4b:s12+s2], $0x28, $0x38;
	[tilespmem:$0x1A180] =	vst v63  }
0x78: {  	_ =	swait.ge [sflag:s11], $0x28  }
0x79: {  	[sflag:s11] =	ssyncset.done $0x0  }
0x7a: {  	s6 =	simm.s32 $0x300;
	s12 =	simm.s32 $0x3;
	[sflag:s11] =	ssyncadd.s32 $0xFFFFFFD8  }
0x7b: {  	[spmem:s17] =	stream.indirect.scatter.add.f32 [tilespmem:s26], [sflag:$0x7], $0x80, s6, s9, $0xb8;
	[tilespmem:$0x1A180] =	vst v63  }
0x7c: {  	_ =	swait.ge [sflag:s12], $0x1400  }
0x7d: {  	s11 =	rddreg [dreg:$0x8];
	[sflag:s12] =	ssyncset.done $0x0  }
0x7e: {  	[sflag:s12] =	ssyncadd.s32 $0xFFFFEC00;
	s12 =	sadd.s32 $0x0, s11;
	s11 =	simm.s32 $0x12  }
0x7f: {  	[tilespmem:s15], [sflag:$0xD] =	stream.linear.gather [hbm4b:s12+s2], $0x28, $0x38;
	[tilespmem:$0x1A180] =	vst v63  }
0x80: {  	_ =	swait.ge [sflag:s11], $0x28  }
0x81: {  	[sflag:s11] =	ssyncset.done $0x0  }
0x82: {  	s3 =	simm.s32 $0x4;
	[sflag:s11] =	ssyncadd.s32 $0xFFFFFFD8  }
0x83: {  	[spmem:s17] =	stream.indirect.scatter.add.f32 [tilespmem:s8], [sflag:$0x8], $0x80, s28, s9, $0xb8;
	[tilespmem:$0x1A180] =	vst v63  }
0x84: {  	_ =	swait.ge [sflag:s3], $0x1400  }
0x85: {  	s12 =	rddreg [dreg:$0x6];
	[sflag:s3] =	ssyncset.done $0x0  }
0x86: {  	[sflag:s3] =	ssyncadd.s32 $0xFFFFEC00;
	s12 =	sadd.s32 $0x0, s12  }
0x87: {  	[tilespmem:s19], [sflag:$0xE] =	stream.linear.gather [hbm4b:s12+s2], $0x28, $0x38;
	[tilespmem:$0x1A180] =	vst v63  }
0x88: {  	s12 =	simm.s32 $0x13  }
0x89: {  	_ =	swait.ge [sflag:s12], $0x28  }
0x8a: {  	[sflag:s12] =	ssyncset.done $0x0  }
0x8b: {  	s3 =	simm.s32 $0x5;
	[sflag:s12] =	ssyncadd.s32 $0xFFFFFFD8  }
0x8c: {  	[spmem:s17] =	stream.indirect.scatter.add.f32 [tilespmem:s30], [sflag:$0x9], $0x80, s21, s9, $0xb8;
	[tilespmem:$0x1A180] =	vst v63  }
0x8d: {  	_ =	swait.ge [sflag:s3], $0x1400  }
0x8e: {  	s12 =	rddreg [dreg:$0x4];
	[sflag:s3] =	ssyncset.done $0x0  }
0x8f: {  	[sflag:s3] =	ssyncadd.s32 $0xFFFFEC00;
	s12 =	sadd.s32 $0x0, s12  }
0x90: {  	[tilespmem:s20], [sflag:$0xF] =	stream.linear.gather [hbm4b:s12+s2], $0x28, $0x38;
	[tilespmem:$0x1A180] =	vst v63  }
0x91: {  	s20 =	simm.s32 $0x14  }
0x92: {  	_ =	swait.ge [sflag:s20], $0x28  }
0x93: {  	[sflag:s20] =	ssyncset.done $0x0  }
0x94: {  	s12 =	simm.s32 $0x6;
	[sflag:s20] =	ssyncadd.s32 $0xFFFFFFD8  }
0x95: {  	[spmem:s17] =	stream.indirect.scatter.add.f32 [tilespmem:s23], [sflag:$0xA], $0x80, s13, s9, $0xb8;
	[tilespmem:$0x1A180] =	vst v63  }
0x96: {  	_ =	swait.ge [sflag:s12], $0x1400  }
0x97: {  	[sflag:s12] =	ssyncset.done $0x0  }
0x98: {  	s10 =	sadd.s32 s16, s10;
	[sflag:s12] =	ssyncadd.s32 $0xFFFFEC00  }
0x99: {  	[tilespmem:s7], [sflag:$0x10] =	stream.linear.gather [hbm4b:s10+s2], $0x28, $0x38;
	[tilespmem:$0x1A180] =	vst v63  }
0x9a: {  	_ =	swait.ge [sflag:s24], $0x28  }
0x9b: {  	[sflag:s24] =	ssyncset.done $0x0  }
0x9c: {  	s11 =	smov.u32 s17;
	s17 =	simm.s32 $0x7;
	[sflag:s24] =	ssyncadd.s32 $0xFFFFFFD8  }
0x9d: {  	[tilespmem:s0], [sflag:$0x1] =	stream.indirect.gather [hbm4b:s4+s9], $0x80, s2, s9, $0xb8;
	[tilespmem:$0x1A180] =	vst v63  }
0x9e: {  	_ =	swait.ge [sflag:s17], $0x1400  }
0x9f: {  	s20 =	rddreg [dreg:$0x9];
	[sflag:s17] =	ssyncset.done $0x0  }
0xa0: {  	[sflag:s17] =	ssyncadd.s32 $0xFFFFEC00;
	s10 =	sadd.s32 $0x0, s20  }
0xa1: {  	[tilespmem:s6], [sflag:$0x11] =	stream.linear.gather [hbm4b:s10+s2], $0x28, $0x38;
	[tilespmem:$0x1A180] =	vst v63  }
0xa2: {  	_ =	swait.ge [sflag:s5], $0x28  }
0xa3: {  	[sflag:s5] =	ssyncset.done $0x0  }
0xa4: {  	s23 =	simm.s32 $0x8;
	[sflag:s5] =	ssyncadd.s32 $0xFFFFFFD8  }
0xa5: {  	[tilespmem:s26], [sflag:$0x2] =	stream.indirect.gather [hbm4b:s4+s9], $0x80, s1, s9, $0xb8;
	[tilespmem:$0x1A180] =	vst v63  }
0xa6: {  	_ =	swait.ge [sflag:s23], $0x1400  }
0xa7: {  	s24 =	rddreg [dreg:$0x7];
	[sflag:s23] =	ssyncset.done $0x0  }
0xa8: {  	[sflag:s23] =	ssyncadd.s32 $0xFFFFEC00;
	s10 =	sadd.s32 $0x0, s24  }
0xa9: {  	[tilespmem:s28], [sflag:$0x12] =	stream.linear.gather [hbm4b:s10+s2], $0x28, $0x38;
	[tilespmem:$0x1A180] =	vst v63  }
0xaa: {  	_ =	swait.ge [sflag:s25], $0x28  }
0xab: {  	[sflag:s25] =	ssyncset.done $0x0  }
0xac: {  	[sflag:s25] =	ssyncadd.s32 $0xFFFFFFD8;
	s25 =	simm.s32 $0x9  }
0xad: {  	[tilespmem:s8], [sflag:$0x3] =	stream.indirect.gather [hbm4b:s4+s9], $0x80, s15, s9, $0xb8;
	[tilespmem:$0x1A180] =	vst v63  }
0xae: {  	_ =	swait.ge [sflag:s25], $0x1400  }
0xaf: {  	s26 =	rddreg [dreg:$0x5];
	[sflag:s25] =	ssyncset.done $0x0  }
0xb0: {  	[sflag:s25] =	ssyncadd.s32 $0xFFFFEC00;
	s10 =	sadd.s32 $0x0, s26  }
0xb1: {  	[tilespmem:s21], [sflag:$0x13] =	stream.linear.gather [hbm4b:s10+s2], $0x28, $0x38;
	[tilespmem:$0x1A180] =	vst v63  }
0xb2: {  	_ =	swait.ge [sflag:s29], $0x28  }
0xb3: {  	[sflag:s29] =	ssyncset.done $0x0  }
0xb4: {  	s28 =	simm.s32 $0xA;
	[sflag:s29] =	ssyncadd.s32 $0xFFFFFFD8  }
0xb5: {  	[tilespmem:s30], [sflag:$0x4] =	stream.indirect.gather [hbm4b:s4+s9], $0x80, s19, s9, $0xb8;
	[tilespmem:$0x1A180] =	vst v63  }
0xb6: {  	_ =	swait.ge [sflag:s28], $0x1400  }
0xb7: {  	s30 =	rddreg [dreg:$0x3];
	[sflag:s28] =	ssyncset.done $0x0  }
0xb8: {  	[sflag:s28] =	ssyncadd.s32 $0xFFFFEC00;
	s10 =	sadd.s32 $0x0, s30  }
0xb9: {  	[tilespmem:s13], [sflag:$0x14] =	stream.linear.gather [hbm4b:s10+s2], $0x28, $0x38;
	[tilespmem:$0x1A180] =	vst v63  }
0xba: {  	s31 =	simm.s32 $0xF;
	_ =	swait.ge [sflag:s22], $0x28  }
0xbb: {  	s20 =	simm.s32 $0x19;
	s26 =	simm.s32 $0xD;
	[sflag:s22] =	ssyncset.done $0x0  }
0xbc: {  	s29 =	simm.s32 $0xE;
	s22 =	sadd.s32 $0xC8, s18;
	[sflag:s31] =	ssyncadd.s32 $0xFFFFFFD8  }
.LBB2_6:
0xbd: {  	s21 =	simm.s32 $0x5500;
	s19 =	simm.s32 $0x200;
	s0 =	simm.s32 $0x1  }
0xbe: {  	[tilespmem:s21], [sflag:$0x5] =	stream.indirect.gather [hbm4b:s4+s9], $0x80, s19, s9, $0xb8;
	[tilespmem:$0x1A180] =	vst v63  }
0xbf: {  	_ =	swait.ge [sflag:s0], $0x1400  }
0xc0: {  	s12 =	sshrl.u32 s22, $0x3;
	[sflag:s0] =	ssyncset.done $0x0  }
0xc1: {  	s7 =	simm.s32 $0x10;
	s6 =	sadd.s32 s14, s12;
	[sflag:s0] =	ssyncadd.s32 $0xFFFFEC00  }
0xc2: {  	[tilespmem:s2], [sflag:$0xB] =	stream.linear.gather [hbm4b:s6+s2], $0x28, $0x38;
	[tilespmem:$0x1A180] =	vst v63  }
0xc3: {  	_ =	swait.ge [sflag:s7], $0x28  }
0xc4: {  	s10 =	smov.u32 s20;
	s24 =	simm.s32 $0x500;
	[sflag:s7] =	ssyncset.done $0x0  }
0xc5: {  	s1 =	simm.s32 $0x280;
	s23 =	simm.s32 $0x2;
	[sflag:s7] =	ssyncadd.s32 $0xFFFFFFD8  }
0xc6: {  	[spmem:s11] =	stream.indirect.scatter.add.f32 [tilespmem:s24], [sflag:$0x6], $0x80, s1, s9, $0xb8;
	[tilespmem:$0x1A180] =	vst v63  }
0xc7: {  	s18 =	smov.u32 s16;
	s16 =	smov.u32 s14;
	_ =	swait.ge [sflag:s23], $0x1400  }
0xc8: {  	s13 =	simm.s32 $0x11;
	s8 =	rddreg [dreg:$0xa];
	[sflag:s23] =	ssyncset.done $0x0  }
0xc9: {  	s7 =	simm.s32 $0x80;
	[sflag:s23] =	ssyncadd.s32 $0xFFFFEC00;
	s14 =	sadd.s32 s10, s8  }
0xca: {  	[tilespmem:s7], [sflag:$0xC] =	stream.linear.gather [hbm4b:s14+s2], $0x28, $0x38;
	[tilespmem:$0x1A180] =	vst v63  }
0xcb: {  	_ =	swait.ge [sflag:s13], $0x28  }
0xcc: {  	s15 =	simm.s32 $0x300;
	[sflag:s13] =	ssyncset.done $0x0  }
0xcd: {  	s14 =	simm.s32 $0x3;
	[sflag:s13] =	ssyncadd.s32 $0xFFFFFFD8;
	s13 =	simm.s32 $0x1900  }
0xce: {  	[spmem:s11] =	stream.indirect.scatter.add.f32 [tilespmem:s13], [sflag:$0x7], $0x80, s15, s9, $0xb8;
	[tilespmem:$0x1A180] =	vst v63  }
0xcf: {  	_ =	swait.ge [sflag:s14], $0x1400  }
0xd0: {  	s25 =	simm.s32 $0x100;
	s17 =	rddreg [dreg:$0x8];
	[sflag:s14] =	ssyncset.done $0x0  }
0xd1: {  	s6 =	simm.s32 $0x12;
	[sflag:s14] =	ssyncadd.s32 $0xFFFFEC00;
	s14 =	sadd.s32 s10, s17  }
0xd2: {  	[tilespmem:s25], [sflag:$0xD] =	stream.linear.gather [hbm4b:s14+s2], $0x28, $0x38;
	[tilespmem:$0x1A180] =	vst v63  }
0xd3: {  	_ =	swait.ge [sflag:s6], $0x28  }
0xd4: {  	s28 =	simm.s32 $0x2D00;
	[sflag:s6] =	ssyncset.done $0x0  }
0xd5: {  	s8 =	simm.s32 $0x380;
	s17 =	simm.s32 $0x4;
	[sflag:s6] =	ssyncadd.s32 $0xFFFFFFD8  }
0xd6: {  	[spmem:s11] =	stream.indirect.scatter.add.f32 [tilespmem:s28], [sflag:$0x8], $0x80, s8, s9, $0xb8;
	[tilespmem:$0x1A180] =	vst v63  }
0xd7: {  	_ =	swait.ge [sflag:s17], $0x1400  }
0xd8: {  	s5 =	simm.s32 $0x180;
	s23 =	rddreg [dreg:$0x6];
	[sflag:s17] =	ssyncset.done $0x0  }
0xd9: {  	s30 =	simm.s32 $0x13;
	[sflag:s17] =	ssyncadd.s32 $0xFFFFEC00;
	s14 =	sadd.s32 s10, s23  }
0xda: {  	[tilespmem:s5], [sflag:$0xE] =	stream.linear.gather [hbm4b:s14+s2], $0x28, $0x38;
	[tilespmem:$0x1A180] =	vst v63  }
0xdb: {  	_ =	swait.ge [sflag:s30], $0x28  }
0xdc: {  	s3 =	simm.s32 $0x5;
	[sflag:s30] =	ssyncset.done $0x0  }
0xdd: {  	s23 =	simm.s32 $0x4100;
	s17 =	simm.s32 $0x400;
	[sflag:s30] =	ssyncadd.s32 $0xFFFFFFD8  }
0xde: {  	[spmem:s11] =	stream.indirect.scatter.add.f32 [tilespmem:s23], [sflag:$0x9], $0x80, s17, s9, $0xb8;
	[tilespmem:$0x1A180] =	vst v63  }
0xdf: {  	_ =	swait.ge [sflag:s3], $0x1400  }
0xe0: {  	s0 =	rddreg [dreg:$0x4];
	[sflag:s3] =	ssyncset.done $0x0  }
0xe1: {  	s6 =	simm.s32 $0x14;
	[sflag:s3] =	ssyncadd.s32 $0xFFFFEC00;
	s14 =	sadd.s32 s10, s0  }
0xe2: {  	[tilespmem:s19], [sflag:$0xF] =	stream.linear.gather [hbm4b:s14+s2], $0x28, $0x38;
	[tilespmem:$0x1A180] =	vst v63  }
0xe3: {  	_ =	swait.ge [sflag:s6], $0x28  }
0xe4: {  	[sflag:s6] =	ssyncset.done $0x0  }
0xe5: {  	s30 =	simm.s32 $0x480;
	s19 =	simm.s32 $0x6;
	[sflag:s6] =	ssyncadd.s32 $0xFFFFFFD8  }
0xe6: {  	[spmem:s11] =	stream.indirect.scatter.add.f32 [tilespmem:s21], [sflag:$0xA], $0x80, s30, s9, $0xb8;
	[tilespmem:$0x1A180] =	vst v63  }
0xe7: {  	_ =	swait.ge [sflag:s19], $0x1400  }
0xe8: {  	[sflag:s19] =	ssyncset.done $0x0  }
0xe9: {  	s12 =	sadd.s32 s18, s12;
	s21 =	simm.s32 $0xB;
	[sflag:s19] =	ssyncadd.s32 $0xFFFFEC00  }
0xea: {  	[tilespmem:s1], [sflag:$0x10] =	stream.linear.gather [hbm4b:s12+s2], $0x28, $0x38;
	[tilespmem:$0x1A180] =	vst v63  }
0xeb: {  	_ =	swait.ge [sflag:s21], $0x28  }
0xec: {  	[sflag:s21] =	ssyncset.done $0x0  }
0xed: {  	[sflag:s21] =	ssyncadd.s32 $0xFFFFFFD8  }
0xee: {  	[tilespmem:s24], [sflag:$0x1] =	stream.indirect.gather [hbm4b:s4+s9], $0x80, s2, s9, $0xb8;
	[tilespmem:$0x1A180] =	vst v63  }
0xef: {  	s24 =	simm.s32 $0x7  }
0xf0: {  	_ =	swait.ge [sflag:s24], $0x1400  }
0xf1: {  	s6 =	rddreg [dreg:$0x9];
	[sflag:s24] =	ssyncset.done $0x0  }
0xf2: {  	[sflag:s24] =	ssyncadd.s32 $0xFFFFEC00;
	s12 =	sadd.s32 s10, s6  }
0xf3: {  	[tilespmem:s15], [sflag:$0x11] =	stream.linear.gather [hbm4b:s12+s2], $0x28, $0x38;
	[tilespmem:$0x1A180] =	vst v63  }
0xf4: {  	s12 =	simm.s32 $0xC  }
0xf5: {  	_ =	swait.ge [sflag:s12], $0x28  }
0xf6: {  	[sflag:s12] =	ssyncset.done $0x0  }
0xf7: {  	[sflag:s12] =	ssyncadd.s32 $0xFFFFFFD8  }
0xf8: {  	[tilespmem:s13], [sflag:$0x2] =	stream.indirect.gather [hbm4b:s4+s9], $0x80, s7, s9, $0xb8;
	[tilespmem:$0x1A180] =	vst v63  }
0xf9: {  	s13 =	simm.s32 $0x8  }
0xfa: {  	_ =	swait.ge [sflag:s13], $0x1400  }
0xfb: {  	s15 =	rddreg [dreg:$0x7];
	[sflag:s13] =	ssyncset.done $0x0  }
0xfc: {  	[sflag:s13] =	ssyncadd.s32 $0xFFFFEC00;
	s12 =	sadd.s32 s10, s15  }
0xfd: {  	[tilespmem:s8], [sflag:$0x12] =	stream.linear.gather [hbm4b:s12+s2], $0x28, $0x38;
	[tilespmem:$0x1A180] =	vst v63  }
0xfe: {  	_ =	swait.ge [sflag:s26], $0x28  }
0xff: {  	s14 =	smov.u32 s16;
	[sflag:s26] =	ssyncset.done $0x0  }
0x100: {  	s16 =	smov.u32 s18;
	s18 =	simm.s32 $0x9;
	[sflag:s26] =	ssyncadd.s32 $0xFFFFFFD8  }
0x101: {  	[tilespmem:s28], [sflag:$0x3] =	stream.indirect.gather [hbm4b:s4+s9], $0x80, s25, s9, $0xb8;
	[tilespmem:$0x1A180] =	vst v63  }
0x102: {  	_ =	swait.ge [sflag:s18], $0x1400  }
0x103: {  	s21 =	rddreg [dreg:$0x5];
	[sflag:s18] =	ssyncset.done $0x0  }
0x104: {  	[sflag:s18] =	ssyncadd.s32 $0xFFFFEC00;
	s12 =	sadd.s32 s10, s21  }
0x105: {  	[tilespmem:s17], [sflag:$0x13] =	stream.linear.gather [hbm4b:s12+s2], $0x28, $0x38;
	[tilespmem:$0x1A180] =	vst v63  }
0x106: {  	p3 =	sne.s32 s20, $0x4B0;
	_ =	swait.ge [sflag:s29], $0x28  }
0x107: {  	s20 =	sadd.s32 $0x19, s20;
	s22 =	sadd.s32 $0xC8, s22;
	[sflag:s29] =	ssyncset.done $0x0  }
0x108: {  	s0 =	simm.s32 $0x200;
	s25 =	simm.s32 $0xA;
	[sflag:s29] =	ssyncadd.s32 $0xFFFFFFD8  }
0x109: {  	[tilespmem:s23], [sflag:$0x4] =	stream.indirect.gather [hbm4b:s4+s9], $0x80, s5, s9, $0xb8;
	[tilespmem:$0x1A180] =	vst v63  }
0x10a: {  	s3 =	simm.s32 $0x1900;
	s19 =	simm.s32 $0x280;
	_ =	swait.ge [sflag:s25], $0x1400  }
0x10b: {  	s1 =	simm.s32 $0x500;
	s28 =	rddreg [dreg:$0x3];
	[sflag:s25] =	ssyncset.done $0x0  }
.Ltmp4:
0x10c: {  	[sflag:s25] =	ssyncadd.s32 $0xFFFFEC00;
	s10 =	sadd.s32 s10, s28;
	(pc) =	sbr.rel @p3 .LBB2_6-.Ltmp4, $4  }
0x10d: {  	[tilespmem:s30], [sflag:$0x14] =	stream.linear.gather [hbm4b:s10+s2], $0x28, $0x38;
	[tilespmem:$0x1A180] =	vst v63  }
0x10e: {  	s24 =	simm.s32 $0x300;
	s6 =	simm.s32 $0x2D00;
	_ =	swait.ge [sflag:s31], $0x28  }
0x10f: {  	s13 =	simm.s32 $0x380;
	s21 =	simm.s32 $0x400;
	[sflag:s31] =	ssyncset.done $0x0  }
0x110: {  	s18 =	simm.s32 $0x4100;
	s12 =	simm.s32 $0x480;
	[sflag:s31] =	ssyncadd.s32 $0xFFFFFFD8  }
0x111: {  	s5 =	simm.s32 $0x5500;
	s23 =	simm.s32 $0x1  }
0x112: {  	[tilespmem:s5], [sflag:$0x5] =	stream.indirect.gather [hbm4b:s4+s9], $0x80, s0, s9, $0xb8;
	[tilespmem:$0x1A180] =	vst v63  }
0x113: {  	_ =	swait.ge [sflag:s23], $0x1400  }
0x114: {  	[sflag:s23] =	ssyncset.done $0x0  }
0x115: {  	s25 =	simm.s32 $0x10;
	[sflag:s23] =	ssyncadd.s32 $0xFFFFEC00  }
0x116: {  	_ =	swait.ge [sflag:s25], $0x28  }
0x117: {  	[sflag:s25] =	ssyncset.done $0x0  }
0x118: {  	s26 =	simm.s32 $0x2;
	[sflag:s25] =	ssyncadd.s32 $0xFFFFFFD8  }
0x119: {  	[spmem:s11] =	stream.indirect.scatter.add.f32 [tilespmem:s1], [sflag:$0x6], $0x80, s19, s9, $0xb8;
	[tilespmem:$0x1A180] =	vst v63  }
0x11a: {  	_ =	swait.ge [sflag:s26], $0x1400  }
0x11b: {  	[sflag:s26] =	ssyncset.done $0x0  }
0x11c: {  	s1 =	simm.s32 $0x11;
	[sflag:s26] =	ssyncadd.s32 $0xFFFFEC00  }
0x11d: {  	_ =	swait.ge [sflag:s1], $0x28  }
0x11e: {  	[sflag:s1] =	ssyncset.done $0x0  }
0x11f: {  	[sflag:s1] =	ssyncadd.s32 $0xFFFFFFD8  }
0x120: {  	[spmem:s11] =	stream.indirect.scatter.add.f32 [tilespmem:s3], [sflag:$0x7], $0x80, s24, s9, $0xb8;
	[tilespmem:$0x1A180] =	vst v63  }
0x121: {  	s3 =	simm.s32 $0x3  }
0x122: {  	_ =	swait.ge [sflag:s3], $0x1400  }
0x123: {  	[sflag:s3] =	ssyncset.done $0x0  }
0x124: {  	s7 =	simm.s32 $0x12;
	[sflag:s3] =	ssyncadd.s32 $0xFFFFEC00  }
0x125: {  	_ =	swait.ge [sflag:s7], $0x28  }
0x126: {  	[sflag:s7] =	ssyncset.done $0x0  }
0x127: {  	s8 =	simm.s32 $0x4;
	[sflag:s7] =	ssyncadd.s32 $0xFFFFFFD8  }
0x128: {  	[spmem:s11] =	stream.indirect.scatter.add.f32 [tilespmem:s6], [sflag:$0x8], $0x80, s13, s9, $0xb8;
	[tilespmem:$0x1A180] =	vst v63  }
0x129: {  	_ =	swait.ge [sflag:s8], $0x1400  }
0x12a: {  	[sflag:s8] =	ssyncset.done $0x0  }
0x12b: {  	s10 =	simm.s32 $0x13;
	[sflag:s8] =	ssyncadd.s32 $0xFFFFEC00  }
0x12c: {  	_ =	swait.ge [sflag:s10], $0x28  }
0x12d: {  	[sflag:s10] =	ssyncset.done $0x0  }
0x12e: {  	s13 =	simm.s32 $0x5;
	[sflag:s10] =	ssyncadd.s32 $0xFFFFFFD8  }
0x12f: {  	[spmem:s11] =	stream.indirect.scatter.add.f32 [tilespmem:s18], [sflag:$0x9], $0x80, s21, s9, $0xb8;
	[tilespmem:$0x1A180] =	vst v63  }
0x130: {  	_ =	swait.ge [sflag:s13], $0x1400  }
0x131: {  	[sflag:s13] =	ssyncset.done $0x0  }
0x132: {  	s15 =	simm.s32 $0x14;
	[sflag:s13] =	ssyncadd.s32 $0xFFFFEC00  }
0x133: {  	_ =	swait.ge [sflag:s15], $0x28  }
0x134: {  	[sflag:s15] =	ssyncset.done $0x0  }
0x135: {  	s17 =	simm.s32 $0x6;
	[sflag:s15] =	ssyncadd.s32 $0xFFFFFFD8  }
0x136: {  	[spmem:s11] =	stream.indirect.scatter.add.f32 [tilespmem:s5], [sflag:$0xA], $0x80, s12, s9, $0xb8;
	[tilespmem:$0x1A180] =	vst v63  }
0x137: {  	_ =	swait.ge [sflag:s17], $0x1400  }
0x138: {  	[sflag:s17] =	ssyncset.done $0x0  }
0x139: {  	s18 =	simm.s32 $0x7;
	[sflag:s17] =	ssyncadd.s32 $0xFFFFEC00  }
0x13a: {  	_ =	swait.ge [sflag:s18], $0x1400  }
0x13b: {  	[sflag:s18] =	ssyncset.done $0x0  }
0x13c: {  	s19 =	simm.s32 $0x8;
	[sflag:s18] =	ssyncadd.s32 $0xFFFFEC00  }
0x13d: {  	_ =	swait.ge [sflag:s19], $0x1400  }
0x13e: {  	[sflag:s19] =	ssyncset.done $0x0  }
0x13f: {  	s20 =	simm.s32 $0x9;
	[sflag:s19] =	ssyncadd.s32 $0xFFFFEC00  }
0x140: {  	_ =	swait.ge [sflag:s20], $0x1400  }
0x141: {  	[sflag:s20] =	ssyncset.done $0x0  }
0x142: {  	s21 =	simm.s32 $0xA;
	[sflag:s20] =	ssyncadd.s32 $0xFFFFEC00  }
0x143: {  	_ =	swait.ge [sflag:s21], $0x1400  }
0x144: {  	[sflag:s21] =	ssyncset.done $0x0  }
0x145: {  	[sflag:s21] =	ssyncadd.s32 $0xFFFFEC00  }
0x146: {  	[bflag:$0x0] =	sbarrier.arrive $0xFFFF  }
0x147: {  	s24 =	sld [smem:$0x7FD]  }
0x148: {  	s22 =	rddreg [dreg:$0x1f]  }
0x149: {  	s23 =	rddreg [dreg:$0x15];
	s10 =	sor.u32 $0x1C15, s22  }
0x14a: {  	[hbm:s23], [sflag:s10] =	dma.local [spmem:s24], $0x2700  }
0x14b: {  	s23 =	simm.s32 $0x15  }
0x14c: {  	_ =	swait.ge [sflag:s23], $0x2700  }
0x14d: {  	[sflag:s23] =	ssyncset.done $0x0;
	s12 =	rddreg [dreg:$0x19]  }
0x14e: {  	s18 =	rddreg [dreg:$0x1b];
	[sflag:s23] =	ssyncadd.s32 $0xFFFFD900;
	s12 =	sshrl.u32 @!p1 s12, $0x3  }
0x14f: {  	[hbm:s18], [sflag:s10] =	dma.local @!p1 [spmem:s12], $0x100  }
0x150: {  	s28 =	simm.s32 $0x380;
	s10 =	simm.s32 @!p1 $0x15  }
0x151: {  	s29 =	simm.s32 $0xE;
	s30 =	simm.s32 $0x4100;
	_ =	swait.ge @!p1 [sflag:s10], $0x100  }
0x152: {  	s31 =	simm.s32 $0x10;
	s0 =	simm.s32 $0x500;
	s25 =	rddreg [dreg:$0x1e]  }
0x153: {  	s1 =	simm.s32 $0x80;
	s26 =	rddreg [dreg:$0x1c];
	s3 =	sadd.s32 $0x1, s25  }
0x154: {  	s7 =	simm.s32 $0x1;
	s6 =	simm.s32 $0x300;
	p3 =	sne.s32 s3, s26  }
.Ltmp5:
0x155: {  	s8 =	simm.s32 $0x280;
	s13 =	simm.s32 $0x480;
	(pc) =	sbr.rel @p3 .LBB2_1-.Ltmp5, $4  }
0x156: {  	s15 =	simm.s32 $0x100;
	s5 =	simm.s32 $0xC;
	s17 =	smov.u32 s11  }
0x157: {  	s19 =	simm.s32 $0x180;
	s20 =	simm.s32 $0x200;
	s21 =	simm.s32 $0x400  }
0x158: {  	s22 =	simm.s32 $0xF;
	s24 =	simm.s32 $0xB;
	[sflag:s10] =	ssyncset.done @!p1 $0x0  }
0x159: {  	[sflag:s10] =	ssyncadd.s32 @!p1 $0xFFFFFF00;
	s25 =	simm.s32 $0xD;
	s26 =	simm.s32 $0x1900  }
0x15a: {  	_ =	sfence.sel $0x180000  }
0x15b: {  	[bflag:$0x0] =	sbarrier.arrive $0xFFFF  }
0x15c: {  	_ =	strace $0x9000004A  }
0x15d: {  	s0 =	stileid.u32;
	[bflag:$0x2] =	sbarrier.arrive $0xFFFF  }
0x15e: {  	p0 =	sne.s32 s0, $0x0;
	s0 =	rddreg [dreg:$0x2]  }
0x15f: {  	s0 =	sadd.s32 @!p0 $0x100000, s0  }
0x160: {  	[sflag:s0] =	ssyncadd.tile.s32 @!p0 $0x1;
	_ =	shalt  }
.Lfunc_end2:
_tile_overlayer_lowered:
.L_overlay_start_2:
0x161: {  	(tag) =	ssettag $0x2  }
0x162: {  	s0 =	rddreg [dreg:$0x0];
	s2 =	stileid.u32  }
0x163: {  	s1 =	rddreg [dreg:$0x1];
	p0 =	sne.s32 s2, $0x0  }
0x164: {  	s3 =	rddreg [dreg:$0x2];
	[bflag:$0x3] =	sbarrier.arrive $0xFFFF;
	s2 =	simm.s32 @!p0 $0x1C15  }
0x165: {  	[timem:s3], [sflag:s2] =	dma.local @!p0 [hbm:s0], s1  }
0x166: {  	s0 =	simm.s32 @!p0 $0x15  }
0x167: {  	_ =	swait.ge @!p0 [sflag:s0], s1  }
0x168: {  	s1 =	ssub.s32 @!p0 $0x0, s1;
	[sflag:s0] =	ssyncset.done @!p0 $0x0  }
0x169: {  	[sflag:s0] =	ssyncadd.s32 @!p0 s1  }
0x16a: {  	[bflag:$0x3] =	sbarrier.arrive $0xFFFF  }
0x16b: {  	_ =	shalt  }

// kernel: kernel.14.cloned.1.call-start
scs
__scs_entry_jumppad:
0x0: {  	(pc) =	sbr.rel $0x88, $3  }
0x1: {  	(tag) =	ssettag $0x0;
	lr =	simm.s32 $0x1  }
0x2: {  	[smem:$0x3F88] =	sst lr;
	_ =	strace $0xD0000000  }
0x3: {  	_ = 	snop  }
0x4: {  	_ = 	snop  }
0x5: {  	_ = 	snop  }
0x6: {  	_ = 	snop  }
0x7: {  	_ = 	snop  }
__scs_overlays_trampoline_lowered:
0x8: {  	[smem:$0x3F97] =	sst s0  }
0x9: {  	[smem:$0x3F98] =	sst s1  }
0xa: {  	[smem:$0x3F99] =	sst s2  }
0xb: {  	[smem:$0x3F9A] =	sst s3  }
0xc: {  	[smem:$0x3F9B] =	sst s4  }
0xd: {  	[smem:$0x3F9C] =	sst s5  }
0xe: {  	[smem:$0x3F9D] =	sst s6  }
0xf: {  	[smem:$0x3F9E] =	sst s7  }
0x10: {  	[smem:$0x3F9F] =	sst s8  }
0x11: {  	[smem:$0x3FA0] =	sst s9;
	s0 =	simm.s32 @!p0 $0x0  }
0x12: {  	s1 =	sld [smem:$0x3F86];
	s0 =	simm.s32 @p0 $0x1  }
0x13: {  	[smem:$0x3FA1] =	sst s0;
	s0 =	simm.s32 @!p1 $0x0  }
0x14: {  	s2 =	sld [smem:$0x3F85];
	s0 =	simm.s32 @p1 $0x1  }
0x15: {  	[smem:$0x3FA2] =	sst s0;
	s0 =	simm.s32 @!p2 $0x0  }
0x16: {  	s3 =	sld [smem:$0x3FDB];
	s0 =	simm.s32 @p2 $0x1  }
0x17: {  	s4 =	simm.s32 $0x1BF5;
	[smem:$0x3FA4] =	sst s0  }
0x18: {  	s0 =	sld [smem:$0x3F87];
	_ =	swait.ge [sflag:s4], $0x0  }
0x19: {  	s7 =	sld [smem:$0x3F88]  }
0x1a: {  	s8 =	sadd.s32 $0xFFFFE003, lr  }
0x1b: {  	s9 =	sadd.s32 $0xFFFFFEF7, lr;
	s5 =	simm.s32 $0xFFFFFFFF;
	p2 =	slt.u32 s8, $0xFFFFF086  }
0x1c: {  	p1 =	slt.u32 s9, $0xF7A;
	s5 =	simm.s32 @!p2 $0x0  }
0x1d: {  	s5 =	simm.s32 @p1 $0x1;
	p0 =	seq.s32 s7, s2  }
0x1e: {  	s7 =	smul.u32 @!p0 $0xF7A, s2;
	p2 =	seq.s32 @!p0 s5, $0x0  }
0x1f: {  	s9 =	smul.u32 $0xF7A, s1;
	s8 =	simm.s32 @!p0 $0x1BF5;
	p2 =	por !p2, p0  }
0x20: {  	[sflag:s8] =	ssyncset.s32 @!p0 $0xFFFFF086;
	s6 =	sadd.s32 @!p0 s3, s7;
	s7 =	simm.s32 @!p0 $0x108  }
0x21: {  	s3 =	sadd.s32 s3, s9;
	s6 =	sadd.s32 @!p0 $0x88, s6;
	s7 =	simm.s32 @p2 $0x1082  }
0x22: {  	[simem:s7], [sflag:s8] =	dma.local @!p0 [hbm:s6], $0xF7A  }
0x23: {  	s9 =	sor.u32 $0xD0000000, s2;
	s6 =	simm.s32 $0x108;
	_ =	swait.ge @!p0 [sflag:s8], $0x0  }
0x24: {  	s3 =	sadd.s32 $0x88, s3;
	s6 =	simm.s32 @!p1 $0x1082;
	[sflag:s4] =	ssyncset.s32 $0xFFFFF086  }
0x25: {  	[simem:s6], [sflag:s4] =	dma.local [hbm:s3], $0xF7A  }
0x26: {  	[smem:$0x3F88] =	sst s1;
	(tag) =	ssettag s2;
	_ =	strace s9  }
0x27: {  	s1 =	sld [smem:$0x3F98]  }
0x28: {  	s2 =	sld [smem:$0x3F99]  }
0x29: {  	s4 =	sld [smem:$0x3F9B]  }
0x2a: {  	p0 =	seq.s32 s5, $0x0;
	s5 =	sld [smem:$0x3F9C]  }
0x2b: {  	s6 =	sld [smem:$0x3F9D]  }
0x2c: {  	s7 =	sld [smem:$0x3F9E]  }
0x2d: {  	s3 =	simm.s32 $0x108;
	s8 =	sld [smem:$0x3F9F]  }
0x2e: {  	s3 =	simm.s32 @!p0 $0x1082;
	s9 =	sld [smem:$0x3FA0]  }
0x2f: {  	lr =	sadd.s32 s0, s3;
	s0 =	sld [smem:$0x3F97]  }
0x30: {  	s3 =	sld [smem:$0x3F9A]  }
0x31: {  	[smem:$0x3FA3] =	sst s10  }
0x32: {  	s10 =	sld [smem:$0x3FA1];
	_ =	sdelay $0x3  }
0x33: {  	p0 =	seq.s32 s10, $0x1;
	s10 =	sld [smem:$0x3FA3];
	_ =	sdelay $0x3  }
0x34: {  	[smem:$0x3FA3] =	sst s10  }
0x35: {  	s10 =	sld [smem:$0x3FA2];
	_ =	sdelay $0x3  }
0x36: {  	p1 =	seq.s32 s10, $0x1;
	s10 =	sld [smem:$0x3FA3];
	_ =	sdelay $0x3  }
0x37: {  	[smem:$0x3FA3] =	sst s10  }
0x38: {  	s10 =	sld [smem:$0x3FA4]  }
0x39: {  	_ = 	snop;
	(pc) =	sbr.ind lr, $3  }
0x3a: {  	_ = 	snop  }
0x3b: {  	_ = 	snop  }
0x3c: {  	p2 =	seq.s32 s10, $0x1;
	s10 =	sld [smem:$0x3FA3]  }
0x3d: {  	_ =	shalt  }
0x3e: {  	_ =	shalt  }
0x3f: {  	_ =	shalt  }
0x40: {  	_ =	shalt  }
0x41: {  	_ =	shalt  }
0x42: {  	_ =	shalt  }
0x43: {  	_ =	shalt  }
0x44: {  	_ =	shalt  }
0x45: {  	_ =	shalt  }
0x46: {  	_ =	shalt  }
0x47: {  	_ =	shalt  }
0x48: {  	_ =	shalt  }
0x49: {  	_ =	shalt  }
0x4a: {  	_ =	shalt  }
0x4b: {  	_ =	shalt  }
0x4c: {  	_ =	shalt  }
0x4d: {  	_ =	shalt  }
0x4e: {  	_ =	shalt  }
0x4f: {  	_ =	shalt  }
0x50: {  	_ =	shalt  }
0x51: {  	_ =	shalt  }
0x52: {  	_ =	shalt  }
0x53: {  	_ =	shalt  }
0x54: {  	_ =	shalt  }
0x55: {  	_ =	shalt  }
0x56: {  	_ =	shalt  }
0x57: {  	_ =	shalt  }
0x58: {  	_ =	shalt  }
0x59: {  	_ =	shalt  }
0x5a: {  	_ =	shalt  }
0x5b: {  	_ =	shalt  }
0x5c: {  	_ =	shalt  }
0x5d: {  	_ =	shalt  }
0x5e: {  	_ =	shalt  }
0x5f: {  	_ =	shalt  }
0x60: {  	_ =	shalt  }
0x61: {  	_ =	shalt  }
0x62: {  	_ =	shalt  }
0x63: {  	_ =	shalt  }
0x64: {  	_ =	shalt  }
0x65: {  	_ =	shalt  }
0x66: {  	_ =	shalt  }
0x67: {  	_ =	shalt  }
0x68: {  	_ =	shalt  }
0x69: {  	_ =	shalt  }
0x6a: {  	_ =	shalt  }
0x6b: {  	_ =	shalt  }
0x6c: {  	_ =	shalt  }
0x6d: {  	_ =	shalt  }
0x6e: {  	_ =	shalt  }
0x6f: {  	_ =	shalt  }
0x70: {  	_ =	shalt  }
0x71: {  	_ =	shalt  }
0x72: {  	_ =	shalt  }
0x73: {  	_ =	shalt  }
0x74: {  	_ =	shalt  }
0x75: {  	_ =	shalt  }
0x76: {  	_ =	shalt  }
0x77: {  	_ =	shalt  }
0x78: {  	_ =	shalt  }
0x79: {  	_ =	shalt  }
0x7a: {  	_ =	shalt  }
0x7b: {  	_ =	shalt  }
0x7c: {  	_ =	shalt  }
0x7d: {  	_ =	shalt  }
0x7e: {  	_ =	shalt  }
0x7f: {  	_ =	shalt  }
0x80: {  	_ =	shalt  }
0x81: {  	_ =	shalt  }
0x82: {  	_ =	shalt  }
0x83: {  	_ =	shalt  }
0x84: {  	_ =	shalt  }
0x85: {  	_ =	shalt  }
0x86: {  	_ =	shalt  }
0x87: {  	_ =	shalt  }
.Lfunc_end0:
.L_simem_size_0:
called_computation.2_lowered:
.L_overlay_start_0:
0x88: {  	s2 =	sld [smem:$0x3FD9]  }
0x89: {  	s3 =	sld [smem:$0x3FFE];
	_ =	sdelay $0x1  }
0x8a: {  	s1 =	srdreg.scid  }
0x8b: {  	s0 =	sand.u32 $0x1, s1  }
0x8c: {  	s16 =	sshll.u32 s0, $0xA;
	s2 =	sadd.s32 s3, s2  }
0x8d: {  	s2 =	sadd.s32 s2, s16  }
0x8e: {  	[smem:$0x3FAF] =	sst s2  }
0x8f: {  	_ = 	snop  }
0x90: {  	(tm) =	ssettm $0x1  }
0x91: {  	s17 =	sld [smem:$0x3FFB];
	_ =	sdelay $0x3  }
0x92: {  	_ =	strace s17  }
0x93: {  	s2 =	sld [smem:$0x3FFC];
	_ =	sdelay $0x3  }
0x94: {  	_ =	strace s2  }
0x95: {  	s2 =	sld [smem:$0x3FFD];
	_ =	sdelay $0x3  }
0x96: {  	_ =	strace s2  }
0x97: {  	_ =	strace $0x8FFFFFFF  }
0x98: {  	s18 =	sld [smem:$0x3FDB];
	_ =	sdelay $0x1  }
0x99: {  	s19 =	simm.s32 $_scs_section_size  }
0x9a: {  	s4 =	simm.s32 $_size__tile_overlayer_lowered;
	s5 =	simm.s32 $_tile_overlayer_lowered  }
0x9b: {  	s22 =	simm.s32 $0x1BFF;
	s21 =	sshll.u32 s5, $0x1;
	s2 =	sadd.s32 s19, s18  }
0x9c: {  	s6 =	simm.s32 $0x0;
	s20 =	sshll.u32 s4, $0x1;
	s4 =	sadd.s32 s21, s2  }
0x9d: {  	[timem:s6], [sflag:s22] =	dma.local [hbm:s4], s20  }
0x9e: {  	_ =	swait.ge [sflag:s22], s20  }
0x9f: {  	s3 =	ssub.s32 $0x0, s20;
	[sflag:s22] =	ssyncset.done $0x0  }
0xa0: {  	[sflag:s22] =	ssyncadd.s32 s3;
	_ =	sdelay $0x1  }
0xa1: {  	s23 =	simm.s32 $0x1B8B  }
0xa2: {  	_ =	swait.ge [sflag:s23], $0x1  }
0xa3: {  	[sflag:s23] =	ssyncset.done $0x0  }
0xa4: {  	s25 =	simm.s32 $0x1B8E;
	s24 =	sld [smem:$0x3FFE];
	[sflag:s23] =	ssyncadd.s32 $0xFFFFFFFF  }
0xa5: {  	s26 =	simm.s32 $execute0_lowered;
	[smem:$0x3FD2] =	sst s25  }
0xa6: {  	s4 =	sshll.u32 s26, $0x1;
	_ =	strace $0x8000004C;
	[dreg:$0x1] =	wrdreg $0xFFFFFFFF  }
0xa7: {  	s28 =	simm.s32 $_size_execute0_lowered;
	s2 =	sadd.s32 s2, s4;
	[dreg:$0x0] =	wrdreg $0x0  }
0xa8: {  	s4 =	sshll.u32 s28, $0x1;
	[dreg:$0x2] =	wrdreg s2  }
0xa9: {  	[dreg:$0x3] =	wrdreg s4  }
0xaa: {  	[dreg:$0x4] =	wrdreg $0xC0  }
0xab: {  	_ =	task [dreg:s6], $0x5FFFF  }
0xac: {  	[dreg:$0x1] =	wrdreg $0xFFFFFFFF  }
0xad: {  	[dreg:$0x0] =	wrdreg $0x60  }
0xae: {  	[dreg:$0x2] =	wrdreg s24  }
0xaf: {  	[dreg:$0x3] =	wrdreg $0x69000  }
0xb0: {  	[dreg:$0x4] =	wrdreg $0x9  }
0xb1: {  	_ =	task.clear_ibuf [dreg:s6], $0x5FFFF;
	_ =	strace $0x9000004C  }
0xb2: {  	s29 =	simm.s32 $0x9;
	_ =	strace $0x8000004E  }
0xb3: {  	_ =	swait.ge [sflag:s29], $0x1  }
0xb4: {  	[sflag:s29] =	ssyncadd.s32 $0xFFFFFFFF  }
0xb5: {  	_ =	strace $0x9000004E  }
0xb6: {  	_ =	sfence  }
0xb7: {  	s30 =	sld [smem:$0x0];
	_ =	sdelay $0x2  }
0xb8: {  	s31 =	sshll.u32 s1, $0xD;
	s1 =	sshrl.u32 s1, $0x2  }
0xb9: {  	s3 =	sand.u32 $0x4000, s31;
	s1 =	sadd.s32 s1, s30  }
0xba: {  	s0 =	sor.u32 s3, s0;
	s1 =	sshll.u32 s1, $0x11  }
0xbb: {  	s0 =	sor.u32 s1, s0  }
0xbc: {  	s0 =	sadd.s32 $0x8F2B, s0  }
0xbd: {  	[sflag:s0] =	ssyncadd.remote.s32 $0x1  }
0xbe: {  	_ =	sfence.sel $0xFFFF  }
0xbf: {  	[dreg:$0x0] =	wrdreg $0xFFFFFFFF;
	(pc) =	sbr.abs _section_cstart, $3  }
0xc0: {  	[dreg:$0x1] =	wrdreg $0xFFFFFFFF  }
0xc1: {  	_ =	task.clear_ibuf [dreg:s6], $0x2FFFF;
	_ =	strace $0x9FFFFFFF  }
0xc2: {  	(tm) =	ssettm $0x7FFFFFFF  }
0xc3: {  	_ =	shalt  }
tec
execute0_lowered:
.L_overlay_start_1:
0x0: {  	(tag) =	ssettag $0x1  }
0x1: {  	s0 =	rddreg [dreg:$0x0]  }
0x2: {  	s17 =	rddreg [dreg:$0x1]  }
0x3: {  	s2 =	simm.s32 $0x0;
	s3 =	srdreg.scid;
	s11 =	stileid.u32  }
0x4: {  	s28 =	simm.s32 $0x380;
	s29 =	simm.s32 $0xE;
	s30 =	simm.s32 $0x4100  }
0x5: {  	s31 =	simm.s32 $0x10;
	[smem:$0x7FF] =	sst s2;
	s3 =	sand.u32 $0x1, s3  }
0x6: {  	s4 =	sadd.s32 $0x3EA00, s0;
	s14 =	sadd.s32 $0xDA00, s0;
	s16 =	sadd.s32 $0x3C00, s0  }
0x7: {  	s12 =	sadd.s32 $0x17800, s0;
	s0 =	sadd.s32 $0x65C00, s0;
	s1 =	smul.u32 $0x2710, s11  }
0x8: {  	p1 =	sne.s32 s11, $0xF;
	s5 =	sshll.u32 s3, $0x4;
	s26 =	smul.u32 $0x27100, s3  }
0x9: {  	p2 =	seq.s32 s11, $0xF;
	s15 =	smul.u32 $0x138800, s3;
	s5 =	sor.u32 s11, s5  }
0xa: {  	_ =	strace $0x8000004D;
	s6 =	ssub.s32 $0x2, s3;
	s5 =	smul.u32 $0x2710, s5  }
0xb: {  	p0 =	seq.s32 s3, $0x1;
	[dreg:$0xb] =	wrdreg s12;
	s7 =	sshrl.u32 s6, $0x1  }
0xc: {  	s6 =	ssub.s32 s6, s7;
	s7 =	smul.u32 $0x2700, s11;
	s8 =	sshrl.u32 s5, $0x3  }
0xd: {  	s20 =	sshrl.u32 s15, $0x3;
	s9 =	sadd.s32 $0x28, s5;
	s10 =	sadd.s32 s14, s8  }
0xe: {  	s18 =	sadd.s32 s7, s26;
	s22 =	sadd.s32 s16, s8;
	[dreg:$0xc] =	wrdreg s10  }
0xf: {  	s9 =	sshrl.u32 s9, $0x3;
	s3 =	sadd.s32 s0, s18;
	[dreg:$0xd] =	wrdreg s22  }
0x10: {  	s5 =	sadd.s32 $0x78, s5;
	s23 =	sadd.s32 s14, s9;
	[dreg:$0x15] =	wrdreg s3  }
0x11: {  	s24 =	sadd.s32 $0xA, s8;
	s9 =	sadd.s32 s16, s9;
	[dreg:$0xe] =	wrdreg s23  }
0x12: {  	s5 =	sshrl.u32 s5, $0x3;
	s25 =	sadd.s32 s14, s24;
	[dreg:$0xf] =	wrdreg s9  }
0x13: {  	s15 =	smul.u32 $0x4E000, s11;
	s13 =	sadd.s32 s14, s5;
	[dreg:$0x10] =	wrdreg s25  }
0x14: {  	s0 =	sadd.s32 s0, s20;
	s5 =	sadd.s32 s16, s5;
	[dreg:$0x12] =	wrdreg s13  }
0x15: {  	s20 =	sshrl.u32 s15, $0x2;
	s0 =	sadd.s32 $0x27000, s0;
	[dreg:$0x13] =	wrdreg s5  }
0x16: {  	s15 =	simm.s32 $0x100;
	s9 =	sadd.s32 s16, s24;
	[dreg:$0x1b] =	wrdreg s0  }
0x17: {  	s5 =	sadd.s32 $0x14, s8;
	s0 =	simm.s32 $0x500;
	[dreg:$0x11] =	wrdreg s9  }
0x18: {  	s8 =	sadd.s32 s14, s5;
	s9 =	sadd.s32 s1, s26;
	s5 =	sadd.s32 s16, s5  }
0x19: {  	[dreg:$0x14] =	wrdreg s8;
	s19 =	sadd.s32 $0x168, s9;
	s23 =	sadd.s32 $0x140, s9  }
0x1a: {  	[dreg:$0x16] =	wrdreg s5;
	s5 =	sadd.s32 s20, s17;
	s21 =	sshrl.u32 s19, $0x3  }
0x1b: {  	s25 =	sshrl.u32 s23, $0x3;
	[dreg:$0x17] =	wrdreg s5;
	s23 =	sadd.s32 $0x138000, s17  }
0x1c: {  	s1 =	sadd.s32 $0x118, s9;
	s22 =	sadd.s32 s21, s16;
	[dreg:$0x19] =	wrdreg s23  }
0x1d: {  	s20 =	simm.s32 $0x200;
	s24 =	sadd.s32 s21, s14;
	[dreg:$0x3] =	wrdreg s22  }
0x1e: {  	s13 =	sshrl.u32 s1, $0x3;
	s26 =	sadd.s32 s25, s16;
	[dreg:$0x4] =	wrdreg s24  }
0x1f: {  	s19 =	sadd.s32 $0xF0, s9;
	s8 =	sadd.s32 s25, s14;
	[dreg:$0x5] =	wrdreg s26  }
0x20: {  	s1 =	simm.s32 $0x80;
	s18 =	sadd.s32 s13, s16;
	[dreg:$0x6] =	wrdreg s8  }
0x21: {  	s5 =	simm.s32 $0xC;
	s25 =	smax.u32 s6, $0x1;
	[dreg:$0x7] =	wrdreg s18  }
0x22: {  	s3 =	sshrl.u32 s19, $0x3;
	s8 =	sadd.s32 s13, s14;
	[dreg:$0x1c] =	wrdreg s25  }
0x23: {  	s6 =	simm.s32 $0x300;
	s21 =	sadd.s32 s3, s16;
	[dreg:$0x8] =	wrdreg s8  }
0x24: {  	s19 =	simm.s32 $0x180;
	s22 =	sadd.s32 s4, s7;
	[dreg:$0x9] =	wrdreg s21  }
0x25: {  	s23 =	simm.s32 $0x15;
	s3 =	sadd.s32 s3, s14;
	[dreg:$0x18] =	wrdreg s22  }
0x26: {  	s24 =	sadd.s32 s12, s7;
	s26 =	sadd.s32 $0xC8, s9;
	[dreg:$0xa] =	wrdreg s3  }
0x27: {  	s13 =	simm.s32 $0x480;
	s9 =	simm.s32 $0x28;
	[dreg:$0x1a] =	wrdreg s24  }
0x28: {  	s25 =	simm.s32 $0xD;
	s7 =	simm.s32 $0x1;
	[dreg:$0x1d] =	wrdreg s26  }
0x29: {  	s8 =	simm.s32 $0x280;
	s21 =	simm.s32 $0x400;
	s24 =	simm.s32 $0xB  }
0x2a: {  	s26 =	simm.s32 $0x1900;
	s22 =	simm.s32 $0xF;
	s3 =	simm.s32 $0x0  }
.LBB2_1:
0x2b: {  	s10 =	rddreg [dreg:$0xc]  }
0x2c: {  	s12 =	rddreg [dreg:$0xd]  }
0x2d: {  	s18 =	rddreg [dreg:$0xe]  }
0x2e: {  	s11 =	rddreg [dreg:$0x10]  }
0x2f: {  	[tilespmem:s2], [sflag:$0xB] =	stream.linear.gather [hbm4b:s10+s2], $0x28, $0x38;
	[tilespmem:$0x1A180] =	vst v63  }
0x30: {  	[dreg:$0x1e] =	wrdreg s3  }
0x31: {  	[tilespmem:s8], [sflag:$0x10] =	stream.linear.gather [hbm4b:s12+s2], $0x28, $0x38;
	[tilespmem:$0x1A180] =	vst v63  }
0x32: {  	s8 =	rddreg [dreg:$0xf]  }
0x33: {  	[tilespmem:s1], [sflag:$0xC] =	stream.linear.gather [hbm4b:s18+s2], $0x28, $0x38;
	[tilespmem:$0x1A180] =	vst v63  }
0x34: {  	s12 =	rddreg [dreg:$0x11]  }
0x35: {  	[tilespmem:s6], [sflag:$0x11] =	stream.linear.gather [hbm4b:s8+s2], $0x28, $0x38;
	[tilespmem:$0x1A180] =	vst v63  }
0x36: {  	s18 =	rddreg [dreg:$0x12]  }
0x37: {  	[tilespmem:s15], [sflag:$0xD] =	stream.linear.gather [hbm4b:s11+s2], $0x28, $0x38;
	[tilespmem:$0x1A180] =	vst v63  }
0x38: {  	s6 =	rddreg [dreg:$0x13]  }
0x39: {  	[tilespmem:s28], [sflag:$0x12] =	stream.linear.gather [hbm4b:s12+s2], $0x28, $0x38;
	[tilespmem:$0x1A180] =	vst v63  }
0x3a: {  	s8 =	rddreg [dreg:$0x14]  }
0x3b: {  	[tilespmem:s19], [sflag:$0xE] =	stream.linear.gather [hbm4b:s18+s2], $0x28, $0x38;
	[tilespmem:$0x1A180] =	vst v63  }
0x3c: {  	s11 =	rddreg [dreg:$0x16];
	s12 =	stileid.u32  }
0x3d: {  	[tilespmem:s21], [sflag:$0x13] =	stream.linear.gather [hbm4b:s6+s2], $0x28, $0x38;
	[tilespmem:$0x1A180] =	vst v63  }
.Ltmp0:
0x3e: {  	s18 =	rddreg [dreg:$0x17];
	s6 =	sshll.u32 s12, $0x6;
	(pc) =	sbr.rel @!p0 .LBB2_2-.Ltmp0, $4  }
0x3f: {  	[tilespmem:s20], [sflag:$0xF] =	stream.linear.gather [hbm4b:s8+s2], $0x28, $0x38;
	[tilespmem:$0x1A180] =	vst v63  }
0x40: {  	[dreg:$0x1f] =	wrdreg s6;
	s8 =	sshrl.u32 s18, $0x3  }
0x41: {  	s10 =	sor.u32 $0x1C15, s6;
	[smem:$0x7FD] =	sst s8  }
0x42: {  	[tilespmem:s13], [sflag:$0x14] =	stream.linear.gather [hbm4b:s11+s2], $0x28, $0x38;
	[tilespmem:$0x1A180] =	vst v63  }
0x43: {  	s10 =	sor.u32 $0x1C15, s6;
	s12 =	rddreg [dreg:$0x1a]  }
0x44: {  	[spmem:s8], [sflag:s10] =	dma.local [hbm:s12], $0x2700  }
.Ltmp1:
0x45: {  	_ = 	snop;
	(pc) =	sbr.rel @p1 .LBB2_5-.Ltmp1, $4  }
.Ltmp2:
0x46: {  	_ = 	snop;
	(pc) =	sbr.rel @!p1 .LBB2_4-.Ltmp2, $4  }
0x47: {  	_ =	swait.ge [sflag:s23], $0x2700  }
0x48: {  	[sflag:s23] =	ssyncset.done $0x0  }
0x49: {  	s12 =	rddreg [dreg:$0xb];
	[sflag:s23] =	ssyncadd.s32 $0xFFFFD900  }
0x4a: {  	_ = 	snop  }
.LBB2_2:
.Ltmp3:
0x4b: {  	s12 =	rddreg [dreg:$0x18];
	(pc) =	sbr.rel @!p2 .LBB2_5-.Ltmp3, $4  }
0x4c: {  	[spmem:s8], [sflag:s10] =	dma.local [hbm:s12], $0x2700  }
0x4d: {  	_ =	swait.ge [sflag:s23], $0x2700  }
0x4e: {  	[sflag:s23] =	ssyncset.done $0x0  }
0x4f: {  	s12 =	smov.u32 s4;
	[sflag:s23] =	ssyncadd.s32 $0xFFFFD900  }
.LBB2_4:
0x50: {  	s18 =	rddreg [dreg:$0x19]  }
0x51: {  	s12 =	sadd.s32 $0x27000, s12;
	s20 =	sshrl.u32 s18, $0x3  }
0x52: {  	[spmem:s20], [sflag:s10] =	dma.local [hbm:s12], $0x100  }
0x53: {  	_ =	swait.ge [sflag:s23], $0x100  }
0x54: {  	[sflag:s23] =	ssyncset.done $0x0  }
0x55: {  	s20 =	simm.s32 $0x200;
	[sflag:s23] =	ssyncadd.s32 $0xFFFFFF00  }
.LBB2_5:
0x56: {  	_ =	swait.ge [sflag:s24], $0x28  }
0x57: {  	[sflag:s24] =	ssyncset.done $0x0  }
0x58: {  	s10 =	simm.s32 $0x0;
	[sflag:s24] =	ssyncadd.s32 $0xFFFFFFD8  }
0x59: {  	[tilespmem:s0], [sflag:$0x1] =	stream.indirect.gather [hbm4b:s4+s9], $0x80, s10, s9, $0xb8;
	[tilespmem:$0x1A180] =	vst v63  }
0x5a: {  	_ =	swait.ge [sflag:s5], $0x28  }
0x5b: {  	[sflag:s5] =	ssyncset.done $0x0  }
0x5c: {  	[sflag:s5] =	ssyncadd.s32 $0xFFFFFFD8  }
0x5d: {  	[tilespmem:s26], [sflag:$0x2] =	stream.indirect.gather [hbm4b:s4+s9], $0x80, s1, s9, $0xb8;
	[tilespmem:$0x1A180] =	vst v63  }
0x5e: {  	_ =	swait.ge [sflag:s25], $0x28  }
0x5f: {  	[sflag:s25] =	ssyncset.done $0x0  }
0x60: {  	s8 =	simm.s32 $0x2D00;
	[sflag:s25] =	ssyncadd.s32 $0xFFFFFFD8  }
0x61: {  	[tilespmem:s8], [sflag:$0x3] =	stream.indirect.gather [hbm4b:s4+s9], $0x80, s15, s9, $0xb8;
	[tilespmem:$0x1A180] =	vst v63  }
0x62: {  	_ =	swait.ge [sflag:s29], $0x28  }
0x63: {  	[sflag:s29] =	ssyncset.done $0x0  }
0x64: {  	[sflag:s29] =	ssyncadd.s32 $0xFFFFFFD8  }
0x65: {  	[tilespmem:s30], [sflag:$0x4] =	stream.indirect.gather [hbm4b:s4+s9], $0x80, s19, s9, $0xb8;
	[tilespmem:$0x1A180] =	vst v63  }
0x66: {  	_ =	swait.ge [sflag:s22], $0x28  }
0x67: {  	[sflag:s22] =	ssyncset.done $0x0  }
0x68: {  	s23 =	simm.s32 $0x5500;
	[sflag:s22] =	ssyncadd.s32 $0xFFFFFFD8  }
0x69: {  	[tilespmem:s23], [sflag:$0x5] =	stream.indirect.gather [hbm4b:s4+s9], $0x80, s20, s9, $0xb8;
	[tilespmem:$0x1A180] =	vst v63  }
0x6a: {  	[bflag:$0x0] =	sbarrier.arrive $0xFFFF  }
0x6b: {  	_ =	swait.ge [sflag:s7], $0x1400  }
0x6c: {  	s18 =	rddreg [dreg:$0x1d]  }
0x6d: {  	[sflag:s7] =	ssyncset.done $0x0;
	s10 =	sshrl.u32 s18, $0x3  }
0x6e: {  	[sflag:s7] =	ssyncadd.s32 $0xFFFFEC00;
	s12 =	sadd.s32 s14, s10  }
0x6f: {  	[tilespmem:s2], [sflag:$0xB] =	stream.linear.gather [hbm4b:s12+s2], $0x28, $0x38;
	[tilespmem:$0x1A180] =	vst v63  }
0x70: {  	_ =	swait.ge [sflag:s31], $0x28  }
0x71: {  	[sflag:s31] =	ssyncset.done $0x0  }
0x72: {  	s3 =	simm.s32 $0x2;
	s7 =	simm.s32 $0x280;
	[sflag:s31] =	ssyncadd.s32 $0xFFFFFFD8  }
0x73: {  	[spmem:s17] =	stream.indirect.scatter.add.f32 [tilespmem:s0], [sflag:$0x6], $0x80, s7, s9, $0xb8;
	[tilespmem:$0x1A180] =	vst v63  }
0x74: {  	_ =	swait.ge [sflag:s3], $0x1400  }
0x75: {  	s6 =	rddreg [dreg:$0xa];
	[sflag:s3] =	ssyncset.done $0x0  }
0x76: {  	s11 =	simm.s32 $0x11;
	[sflag:s3] =	ssyncadd.s32 $0xFFFFEC00;
	s12 =	sadd.s32 $0x0, s6  }
0x77: {  	[tilespmem:s1], [sflag:$0xC] =	stream.linear.gather [hbm4b:s12+s2], $0x28, $0x38;
	[tilespmem:$0x1A180] =	vst v63  }
0x78: {  	_ =	swait.ge [sflag:s11], $0x28  }
0x79: {  	[sflag:s11] =	ssyncset.done $0x0  }
0x7a: {  	s6 =	simm.s32 $0x300;
	s12 =	simm.s32 $0x3;
	[sflag:s11] =	ssyncadd.s32 $0xFFFFFFD8  }
0x7b: {  	[spmem:s17] =	stream.indirect.scatter.add.f32 [tilespmem:s26], [sflag:$0x7], $0x80, s6, s9, $0xb8;
	[tilespmem:$0x1A180] =	vst v63  }
0x7c: {  	_ =	swait.ge [sflag:s12], $0x1400  }
0x7d: {  	s11 =	rddreg [dreg:$0x8];
	[sflag:s12] =	ssyncset.done $0x0  }
0x7e: {  	[sflag:s12] =	ssyncadd.s32 $0xFFFFEC00;
	s12 =	sadd.s32 $0x0, s11;
	s11 =	simm.s32 $0x12  }
0x7f: {  	[tilespmem:s15], [sflag:$0xD] =	stream.linear.gather [hbm4b:s12+s2], $0x28, $0x38;
	[tilespmem:$0x1A180] =	vst v63  }
0x80: {  	_ =	swait.ge [sflag:s11], $0x28  }
0x81: {  	[sflag:s11] =	ssyncset.done $0x0  }
0x82: {  	s3 =	simm.s32 $0x4;
	[sflag:s11] =	ssyncadd.s32 $0xFFFFFFD8  }
0x83: {  	[spmem:s17] =	stream.indirect.scatter.add.f32 [tilespmem:s8], [sflag:$0x8], $0x80, s28, s9, $0xb8;
	[tilespmem:$0x1A180] =	vst v63  }
0x84: {  	_ =	swait.ge [sflag:s3], $0x1400  }
0x85: {  	s12 =	rddreg [dreg:$0x6];
	[sflag:s3] =	ssyncset.done $0x0  }
0x86: {  	[sflag:s3] =	ssyncadd.s32 $0xFFFFEC00;
	s12 =	sadd.s32 $0x0, s12  }
0x87: {  	[tilespmem:s19], [sflag:$0xE] =	stream.linear.gather [hbm4b:s12+s2], $0x28, $0x38;
	[tilespmem:$0x1A180] =	vst v63  }
0x88: {  	s12 =	simm.s32 $0x13  }
0x89: {  	_ =	swait.ge [sflag:s12], $0x28  }
0x8a: {  	[sflag:s12] =	ssyncset.done $0x0  }
0x8b: {  	s3 =	simm.s32 $0x5;
	[sflag:s12] =	ssyncadd.s32 $0xFFFFFFD8  }
0x8c: {  	[spmem:s17] =	stream.indirect.scatter.add.f32 [tilespmem:s30], [sflag:$0x9], $0x80, s21, s9, $0xb8;
	[tilespmem:$0x1A180] =	vst v63  }
0x8d: {  	_ =	swait.ge [sflag:s3], $0x1400  }
0x8e: {  	s12 =	rddreg [dreg:$0x4];
	[sflag:s3] =	ssyncset.done $0x0  }
0x8f: {  	[sflag:s3] =	ssyncadd.s32 $0xFFFFEC00;
	s12 =	sadd.s32 $0x0, s12  }
0x90: {  	[tilespmem:s20], [sflag:$0xF] =	stream.linear.gather [hbm4b:s12+s2], $0x28, $0x38;
	[tilespmem:$0x1A180] =	vst v63  }
0x91: {  	s20 =	simm.s32 $0x14  }
0x92: {  	_ =	swait.ge [sflag:s20], $0x28  }
0x93: {  	[sflag:s20] =	ssyncset.done $0x0  }
0x94: {  	s12 =	simm.s32 $0x6;
	[sflag:s20] =	ssyncadd.s32 $0xFFFFFFD8  }
0x95: {  	[spmem:s17] =	stream.indirect.scatter.add.f32 [tilespmem:s23], [sflag:$0xA], $0x80, s13, s9, $0xb8;
	[tilespmem:$0x1A180] =	vst v63  }
0x96: {  	_ =	swait.ge [sflag:s12], $0x1400  }
0x97: {  	[sflag:s12] =	ssyncset.done $0x0  }
0x98: {  	s10 =	sadd.s32 s16, s10;
	[sflag:s12] =	ssyncadd.s32 $0xFFFFEC00  }
0x99: {  	[tilespmem:s7], [sflag:$0x10] =	stream.linear.gather [hbm4b:s10+s2], $0x28, $0x38;
	[tilespmem:$0x1A180] =	vst v63  }
0x9a: {  	_ =	swait.ge [sflag:s24], $0x28  }
0x9b: {  	[sflag:s24] =	ssyncset.done $0x0  }
0x9c: {  	s11 =	smov.u32 s17;
	s17 =	simm.s32 $0x7;
	[sflag:s24] =	ssyncadd.s32 $0xFFFFFFD8  }
0x9d: {  	[tilespmem:s0], [sflag:$0x1] =	stream.indirect.gather [hbm4b:s4+s9], $0x80, s2, s9, $0xb8;
	[tilespmem:$0x1A180] =	vst v63  }
0x9e: {  	_ =	swait.ge [sflag:s17], $0x1400  }
0x9f: {  	s20 =	rddreg [dreg:$0x9];
	[sflag:s17] =	ssyncset.done $0x0  }
0xa0: {  	[sflag:s17] =	ssyncadd.s32 $0xFFFFEC00;
	s10 =	sadd.s32 $0x0, s20  }
0xa1: {  	[tilespmem:s6], [sflag:$0x11] =	stream.linear.gather [hbm4b:s10+s2], $0x28, $0x38;
	[tilespmem:$0x1A180] =	vst v63  }
0xa2: {  	_ =	swait.ge [sflag:s5], $0x28  }
0xa3: {  	[sflag:s5] =	ssyncset.done $0x0  }
0xa4: {  	s23 =	simm.s32 $0x8;
	[sflag:s5] =	ssyncadd.s32 $0xFFFFFFD8  }
0xa5: {  	[tilespmem:s26], [sflag:$0x2] =	stream.indirect.gather [hbm4b:s4+s9], $0x80, s1, s9, $0xb8;
	[tilespmem:$0x1A180] =	vst v63  }
0xa6: {  	_ =	swait.ge [sflag:s23], $0x1400  }
0xa7: {  	s24 =	rddreg [dreg:$0x7];
	[sflag:s23] =	ssyncset.done $0x0  }
0xa8: {  	[sflag:s23] =	ssyncadd.s32 $0xFFFFEC00;
	s10 =	sadd.s32 $0x0, s24  }
0xa9: {  	[tilespmem:s28], [sflag:$0x12] =	stream.linear.gather [hbm4b:s10+s2], $0x28, $0x38;
	[tilespmem:$0x1A180] =	vst v63  }
0xaa: {  	_ =	swait.ge [sflag:s25], $0x28  }
0xab: {  	[sflag:s25] =	ssyncset.done $0x0  }
0xac: {  	[sflag:s25] =	ssyncadd.s32 $0xFFFFFFD8;
	s25 =	simm.s32 $0x9  }
0xad: {  	[tilespmem:s8], [sflag:$0x3] =	stream.indirect.gather [hbm4b:s4+s9], $0x80, s15, s9, $0xb8;
	[tilespmem:$0x1A180] =	vst v63  }
0xae: {  	_ =	swait.ge [sflag:s25], $0x1400  }
0xaf: {  	s26 =	rddreg [dreg:$0x5];
	[sflag:s25] =	ssyncset.done $0x0  }
0xb0: {  	[sflag:s25] =	ssyncadd.s32 $0xFFFFEC00;
	s10 =	sadd.s32 $0x0, s26  }
0xb1: {  	[tilespmem:s21], [sflag:$0x13] =	stream.linear.gather [hbm4b:s10+s2], $0x28, $0x38;
	[tilespmem:$0x1A180] =	vst v63  }
0xb2: {  	_ =	swait.ge [sflag:s29], $0x28  }
0xb3: {  	[sflag:s29] =	ssyncset.done $0x0  }
0xb4: {  	s28 =	simm.s32 $0xA;
	[sflag:s29] =	ssyncadd.s32 $0xFFFFFFD8  }
0xb5: {  	[tilespmem:s30], [sflag:$0x4] =	stream.indirect.gather [hbm4b:s4+s9], $0x80, s19, s9, $0xb8;
	[tilespmem:$0x1A180] =	vst v63  }
0xb6: {  	_ =	swait.ge [sflag:s28], $0x1400  }
0xb7: {  	s30 =	rddreg [dreg:$0x3];
	[sflag:s28] =	ssyncset.done $0x0  }
0xb8: {  	[sflag:s28] =	ssyncadd.s32 $0xFFFFEC00;
	s10 =	sadd.s32 $0x0, s30  }
0xb9: {  	[tilespmem:s13], [sflag:$0x14] =	stream.linear.gather [hbm4b:s10+s2], $0x28, $0x38;
	[tilespmem:$0x1A180] =	vst v63  }
0xba: {  	s31 =	simm.s32 $0xF;
	_ =	swait.ge [sflag:s22], $0x28  }
0xbb: {  	s20 =	simm.s32 $0x19;
	s26 =	simm.s32 $0xD;
	[sflag:s22] =	ssyncset.done $0x0  }
0xbc: {  	s29 =	simm.s32 $0xE;
	s22 =	sadd.s32 $0xC8, s18;
	[sflag:s31] =	ssyncadd.s32 $0xFFFFFFD8  }
.LBB2_6:
0xbd: {  	s21 =	simm.s32 $0x5500;
	s19 =	simm.s32 $0x200;
	s0 =	simm.s32 $0x1  }
0xbe: {  	[tilespmem:s21], [sflag:$0x5] =	stream.indirect.gather [hbm4b:s4+s9], $0x80, s19, s9, $0xb8;
	[tilespmem:$0x1A180] =	vst v63  }
0xbf: {  	_ =	swait.ge [sflag:s0], $0x1400  }
0xc0: {  	s12 =	sshrl.u32 s22, $0x3;
	[sflag:s0] =	ssyncset.done $0x0  }
0xc1: {  	s7 =	simm.s32 $0x10;
	s6 =	sadd.s32 s14, s12;
	[sflag:s0] =	ssyncadd.s32 $0xFFFFEC00  }
0xc2: {  	[tilespmem:s2], [sflag:$0xB] =	stream.linear.gather [hbm4b:s6+s2], $0x28, $0x38;
	[tilespmem:$0x1A180] =	vst v63  }
0xc3: {  	_ =	swait.ge [sflag:s7], $0x28  }
0xc4: {  	s10 =	smov.u32 s20;
	s24 =	simm.s32 $0x500;
	[sflag:s7] =	ssyncset.done $0x0  }
0xc5: {  	s1 =	simm.s32 $0x280;
	s23 =	simm.s32 $0x2;
	[sflag:s7] =	ssyncadd.s32 $0xFFFFFFD8  }
0xc6: {  	[spmem:s11] =	stream.indirect.scatter.add.f32 [tilespmem:s24], [sflag:$0x6], $0x80, s1, s9, $0xb8;
	[tilespmem:$0x1A180] =	vst v63  }
0xc7: {  	s18 =	smov.u32 s16;
	s16 =	smov.u32 s14;
	_ =	swait.ge [sflag:s23], $0x1400  }
0xc8: {  	s13 =	simm.s32 $0x11;
	s8 =	rddreg [dreg:$0xa];
	[sflag:s23] =	ssyncset.done $0x0  }
0xc9: {  	s7 =	simm.s32 $0x80;
	[sflag:s23] =	ssyncadd.s32 $0xFFFFEC00;
	s14 =	sadd.s32 s10, s8  }
0xca: {  	[tilespmem:s7], [sflag:$0xC] =	stream.linear.gather [hbm4b:s14+s2], $0x28, $0x38;
	[tilespmem:$0x1A180] =	vst v63  }
0xcb: {  	_ =	swait.ge [sflag:s13], $0x28  }
0xcc: {  	s15 =	simm.s32 $0x300;
	[sflag:s13] =	ssyncset.done $0x0  }
0xcd: {  	s14 =	simm.s32 $0x3;
	[sflag:s13] =	ssyncadd.s32 $0xFFFFFFD8;
	s13 =	simm.s32 $0x1900  }
0xce: {  	[spmem:s11] =	stream.indirect.scatter.add.f32 [tilespmem:s13], [sflag:$0x7], $0x80, s15, s9, $0xb8;
	[tilespmem:$0x1A180] =	vst v63  }
0xcf: {  	_ =	swait.ge [sflag:s14], $0x1400  }
0xd0: {  	s25 =	simm.s32 $0x100;
	s17 =	rddreg [dreg:$0x8];
	[sflag:s14] =	ssyncset.done $0x0  }
0xd1: {  	s6 =	simm.s32 $0x12;
	[sflag:s14] =	ssyncadd.s32 $0xFFFFEC00;
	s14 =	sadd.s32 s10, s17  }
0xd2: {  	[tilespmem:s25], [sflag:$0xD] =	stream.linear.gather [hbm4b:s14+s2], $0x28, $0x38;
	[tilespmem:$0x1A180] =	vst v63  }
0xd3: {  	_ =	swait.ge [sflag:s6], $0x28  }
0xd4: {  	s28 =	simm.s32 $0x2D00;
	[sflag:s6] =	ssyncset.done $0x0  }
0xd5: {  	s8 =	simm.s32 $0x380;
	s17 =	simm.s32 $0x4;
	[sflag:s6] =	ssyncadd.s32 $0xFFFFFFD8  }
0xd6: {  	[spmem:s11] =	stream.indirect.scatter.add.f32 [tilespmem:s28], [sflag:$0x8], $0x80, s8, s9, $0xb8;
	[tilespmem:$0x1A180] =	vst v63  }
0xd7: {  	_ =	swait.ge [sflag:s17], $0x1400  }
0xd8: {  	s5 =	simm.s32 $0x180;
	s23 =	rddreg [dreg:$0x6];
	[sflag:s17] =	ssyncset.done $0x0  }
0xd9: {  	s30 =	simm.s32 $0x13;
	[sflag:s17] =	ssyncadd.s32 $0xFFFFEC00;
	s14 =	sadd.s32 s10, s23  }
0xda: {  	[tilespmem:s5], [sflag:$0xE] =	stream.linear.gather [hbm4b:s14+s2], $0x28, $0x38;
	[tilespmem:$0x1A180] =	vst v63  }
0xdb: {  	_ =	swait.ge [sflag:s30], $0x28  }
0xdc: {  	s3 =	simm.s32 $0x5;
	[sflag:s30] =	ssyncset.done $0x0  }
0xdd: {  	s23 =	simm.s32 $0x4100;
	s17 =	simm.s32 $0x400;
	[sflag:s30] =	ssyncadd.s32 $0xFFFFFFD8  }
0xde: {  	[spmem:s11] =	stream.indirect.scatter.add.f32 [tilespmem:s23], [sflag:$0x9], $0x80, s17, s9, $0xb8;
	[tilespmem:$0x1A180] =	vst v63  }
0xdf: {  	_ =	swait.ge [sflag:s3], $0x1400  }
0xe0: {  	s0 =	rddreg [dreg:$0x4];
	[sflag:s3] =	ssyncset.done $0x0  }
0xe1: {  	s6 =	simm.s32 $0x14;
	[sflag:s3] =	ssyncadd.s32 $0xFFFFEC00;
	s14 =	sadd.s32 s10, s0  }
0xe2: {  	[tilespmem:s19], [sflag:$0xF] =	stream.linear.gather [hbm4b:s14+s2], $0x28, $0x38;
	[tilespmem:$0x1A180] =	vst v63  }
0xe3: {  	_ =	swait.ge [sflag:s6], $0x28  }
0xe4: {  	[sflag:s6] =	ssyncset.done $0x0  }
0xe5: {  	s30 =	simm.s32 $0x480;
	s19 =	simm.s32 $0x6;
	[sflag:s6] =	ssyncadd.s32 $0xFFFFFFD8  }
0xe6: {  	[spmem:s11] =	stream.indirect.scatter.add.f32 [tilespmem:s21], [sflag:$0xA], $0x80, s30, s9, $0xb8;
	[tilespmem:$0x1A180] =	vst v63  }
0xe7: {  	_ =	swait.ge [sflag:s19], $0x1400  }
0xe8: {  	[sflag:s19] =	ssyncset.done $0x0  }
0xe9: {  	s12 =	sadd.s32 s18, s12;
	s21 =	simm.s32 $0xB;
	[sflag:s19] =	ssyncadd.s32 $0xFFFFEC00  }
0xea: {  	[tilespmem:s1], [sflag:$0x10] =	stream.linear.gather [hbm4b:s12+s2], $0x28, $0x38;
	[tilespmem:$0x1A180] =	vst v63  }
0xeb: {  	_ =	swait.ge [sflag:s21], $0x28  }
0xec: {  	[sflag:s21] =	ssyncset.done $0x0  }
0xed: {  	[sflag:s21] =	ssyncadd.s32 $0xFFFFFFD8  }
0xee: {  	[tilespmem:s24], [sflag:$0x1] =	stream.indirect.gather [hbm4b:s4+s9], $0x80, s2, s9, $0xb8;
	[tilespmem:$0x1A180] =	vst v63  }
0xef: {  	s24 =	simm.s32 $0x7  }
0xf0: {  	_ =	swait.ge [sflag:s24], $0x1400  }
0xf1: {  	s6 =	rddreg [dreg:$0x9];
	[sflag:s24] =	ssyncset.done $0x0  }
0xf2: {  	[sflag:s24] =	ssyncadd.s32 $0xFFFFEC00;
	s12 =	sadd.s32 s10, s6  }
0xf3: {  	[tilespmem:s15], [sflag:$0x11] =	stream.linear.gather [hbm4b:s12+s2], $0x28, $0x38;
	[tilespmem:$0x1A180] =	vst v63  }
0xf4: {  	s12 =	simm.s32 $0xC  }
0xf5: {  	_ =	swait.ge [sflag:s12], $0x28  }
0xf6: {  	[sflag:s12] =	ssyncset.done $0x0  }
0xf7: {  	[sflag:s12] =	ssyncadd.s32 $0xFFFFFFD8  }
0xf8: {  	[tilespmem:s13], [sflag:$0x2] =	stream.indirect.gather [hbm4b:s4+s9], $0x80, s7, s9, $0xb8;
	[tilespmem:$0x1A180] =	vst v63  }
0xf9: {  	s13 =	simm.s32 $0x8  }
0xfa: {  	_ =	swait.ge [sflag:s13], $0x1400  }
0xfb: {  	s15 =	rddreg [dreg:$0x7];
	[sflag:s13] =	ssyncset.done $0x0  }
0xfc: {  	[sflag:s13] =	ssyncadd.s32 $0xFFFFEC00;
	s12 =	sadd.s32 s10, s15  }
0xfd: {  	[tilespmem:s8], [sflag:$0x12] =	stream.linear.gather [hbm4b:s12+s2], $0x28, $0x38;
	[tilespmem:$0x1A180] =	vst v63  }
0xfe: {  	_ =	swait.ge [sflag:s26], $0x28  }
0xff: {  	s14 =	smov.u32 s16;
	[sflag:s26] =	ssyncset.done $0x0  }
0x100: {  	s16 =	smov.u32 s18;
	s18 =	simm.s32 $0x9;
	[sflag:s26] =	ssyncadd.s32 $0xFFFFFFD8  }
0x101: {  	[tilespmem:s28], [sflag:$0x3] =	stream.indirect.gather [hbm4b:s4+s9], $0x80, s25, s9, $0xb8;
	[tilespmem:$0x1A180] =	vst v63  }
0x102: {  	_ =	swait.ge [sflag:s18], $0x1400  }
0x103: {  	s21 =	rddreg [dreg:$0x5];
	[sflag:s18] =	ssyncset.done $0x0  }
0x104: {  	[sflag:s18] =	ssyncadd.s32 $0xFFFFEC00;
	s12 =	sadd.s32 s10, s21  }
0x105: {  	[tilespmem:s17], [sflag:$0x13] =	stream.linear.gather [hbm4b:s12+s2], $0x28, $0x38;
	[tilespmem:$0x1A180] =	vst v63  }
0x106: {  	p3 =	sne.s32 s20, $0x4B0;
	_ =	swait.ge [sflag:s29], $0x28  }
0x107: {  	s20 =	sadd.s32 $0x19, s20;
	s22 =	sadd.s32 $0xC8, s22;
	[sflag:s29] =	ssyncset.done $0x0  }
0x108: {  	s0 =	simm.s32 $0x200;
	s25 =	simm.s32 $0xA;
	[sflag:s29] =	ssyncadd.s32 $0xFFFFFFD8  }
0x109: {  	[tilespmem:s23], [sflag:$0x4] =	stream.indirect.gather [hbm4b:s4+s9], $0x80, s5, s9, $0xb8;
	[tilespmem:$0x1A180] =	vst v63  }
0x10a: {  	s3 =	simm.s32 $0x1900;
	s19 =	simm.s32 $0x280;
	_ =	swait.ge [sflag:s25], $0x1400  }
0x10b: {  	s1 =	simm.s32 $0x500;
	s28 =	rddreg [dreg:$0x3];
	[sflag:s25] =	ssyncset.done $0x0  }
.Ltmp4:
0x10c: {  	[sflag:s25] =	ssyncadd.s32 $0xFFFFEC00;
	s10 =	sadd.s32 s10, s28;
	(pc) =	sbr.rel @p3 .LBB2_6-.Ltmp4, $4  }
0x10d: {  	[tilespmem:s30], [sflag:$0x14] =	stream.linear.gather [hbm4b:s10+s2], $0x28, $0x38;
	[tilespmem:$0x1A180] =	vst v63  }
0x10e: {  	s24 =	simm.s32 $0x300;
	s6 =	simm.s32 $0x2D00;
	_ =	swait.ge [sflag:s31], $0x28  }
0x10f: {  	s13 =	simm.s32 $0x380;
	s21 =	simm.s32 $0x400;
	[sflag:s31] =	ssyncset.done $0x0  }
0x110: {  	s18 =	simm.s32 $0x4100;
	s12 =	simm.s32 $0x480;
	[sflag:s31] =	ssyncadd.s32 $0xFFFFFFD8  }
0x111: {  	s5 =	simm.s32 $0x5500;
	s23 =	simm.s32 $0x1  }
0x112: {  	[tilespmem:s5], [sflag:$0x5] =	stream.indirect.gather [hbm4b:s4+s9], $0x80, s0, s9, $0xb8;
	[tilespmem:$0x1A180] =	vst v63  }
0x113: {  	_ =	swait.ge [sflag:s23], $0x1400  }
0x114: {  	[sflag:s23] =	ssyncset.done $0x0  }
0x115: {  	s25 =	simm.s32 $0x10;
	[sflag:s23] =	ssyncadd.s32 $0xFFFFEC00  }
0x116: {  	_ =	swait.ge [sflag:s25], $0x28  }
0x117: {  	[sflag:s25] =	ssyncset.done $0x0  }
0x118: {  	s26 =	simm.s32 $0x2;
	[sflag:s25] =	ssyncadd.s32 $0xFFFFFFD8  }
0x119: {  	[spmem:s11] =	stream.indirect.scatter.add.f32 [tilespmem:s1], [sflag:$0x6], $0x80, s19, s9, $0xb8;
	[tilespmem:$0x1A180] =	vst v63  }
0x11a: {  	_ =	swait.ge [sflag:s26], $0x1400  }
0x11b: {  	[sflag:s26] =	ssyncset.done $0x0  }
0x11c: {  	s1 =	simm.s32 $0x11;
	[sflag:s26] =	ssyncadd.s32 $0xFFFFEC00  }
0x11d: {  	_ =	swait.ge [sflag:s1], $0x28  }
0x11e: {  	[sflag:s1] =	ssyncset.done $0x0  }
0x11f: {  	[sflag:s1] =	ssyncadd.s32 $0xFFFFFFD8  }
0x120: {  	[spmem:s11] =	stream.indirect.scatter.add.f32 [tilespmem:s3], [sflag:$0x7], $0x80, s24, s9, $0xb8;
	[tilespmem:$0x1A180] =	vst v63  }
0x121: {  	s3 =	simm.s32 $0x3  }
0x122: {  	_ =	swait.ge [sflag:s3], $0x1400  }
0x123: {  	[sflag:s3] =	ssyncset.done $0x0  }
0x124: {  	s7 =	simm.s32 $0x12;
	[sflag:s3] =	ssyncadd.s32 $0xFFFFEC00  }
0x125: {  	_ =	swait.ge [sflag:s7], $0x28  }
0x126: {  	[sflag:s7] =	ssyncset.done $0x0  }
0x127: {  	s8 =	simm.s32 $0x4;
	[sflag:s7] =	ssyncadd.s32 $0xFFFFFFD8  }
0x128: {  	[spmem:s11] =	stream.indirect.scatter.add.f32 [tilespmem:s6], [sflag:$0x8], $0x80, s13, s9, $0xb8;
	[tilespmem:$0x1A180] =	vst v63  }
0x129: {  	_ =	swait.ge [sflag:s8], $0x1400  }
0x12a: {  	[sflag:s8] =	ssyncset.done $0x0  }
0x12b: {  	s10 =	simm.s32 $0x13;
	[sflag:s8] =	ssyncadd.s32 $0xFFFFEC00  }
0x12c: {  	_ =	swait.ge [sflag:s10], $0x28  }
0x12d: {  	[sflag:s10] =	ssyncset.done $0x0  }
0x12e: {  	s13 =	simm.s32 $0x5;
	[sflag:s10] =	ssyncadd.s32 $0xFFFFFFD8  }
0x12f: {  	[spmem:s11] =	stream.indirect.scatter.add.f32 [tilespmem:s18], [sflag:$0x9], $0x80, s21, s9, $0xb8;
	[tilespmem:$0x1A180] =	vst v63  }
0x130: {  	_ =	swait.ge [sflag:s13], $0x1400  }
0x131: {  	[sflag:s13] =	ssyncset.done $0x0  }
0x132: {  	s15 =	simm.s32 $0x14;
	[sflag:s13] =	ssyncadd.s32 $0xFFFFEC00  }
0x133: {  	_ =	swait.ge [sflag:s15], $0x28  }
0x134: {  	[sflag:s15] =	ssyncset.done $0x0  }
0x135: {  	s17 =	simm.s32 $0x6;
	[sflag:s15] =	ssyncadd.s32 $0xFFFFFFD8  }
0x136: {  	[spmem:s11] =	stream.indirect.scatter.add.f32 [tilespmem:s5], [sflag:$0xA], $0x80, s12, s9, $0xb8;
	[tilespmem:$0x1A180] =	vst v63  }
0x137: {  	_ =	swait.ge [sflag:s17], $0x1400  }
0x138: {  	[sflag:s17] =	ssyncset.done $0x0  }
0x139: {  	s18 =	simm.s32 $0x7;
	[sflag:s17] =	ssyncadd.s32 $0xFFFFEC00  }
0x13a: {  	_ =	swait.ge [sflag:s18], $0x1400  }
0x13b: {  	[sflag:s18] =	ssyncset.done $0x0  }
0x13c: {  	s19 =	simm.s32 $0x8;
	[sflag:s18] =	ssyncadd.s32 $0xFFFFEC00  }
0x13d: {  	_ =	swait.ge [sflag:s19], $0x1400  }
0x13e: {  	[sflag:s19] =	ssyncset.done $0x0  }
0x13f: {  	s20 =	simm.s32 $0x9;
	[sflag:s19] =	ssyncadd.s32 $0xFFFFEC00  }
0x140: {  	_ =	swait.ge [sflag:s20], $0x1400  }
0x141: {  	[sflag:s20] =	ssyncset.done $0x0  }
0x142: {  	s21 =	simm.s32 $0xA;
	[sflag:s20] =	ssyncadd.s32 $0xFFFFEC00  }
0x143: {  	_ =	swait.ge [sflag:s21], $0x1400  }
0x144: {  	[sflag:s21] =	ssyncset.done $0x0  }
0x145: {  	[sflag:s21] =	ssyncadd.s32 $0xFFFFEC00  }
0x146: {  	[bflag:$0x0] =	sbarrier.arrive $0xFFFF  }
0x147: {  	s24 =	sld [smem:$0x7FD]  }
0x148: {  	s22 =	rddreg [dreg:$0x1f]  }
0x149: {  	s23 =	rddreg [dreg:$0x15];
	s10 =	sor.u32 $0x1C15, s22  }
0x14a: {  	[hbm:s23], [sflag:s10] =	dma.local [spmem:s24], $0x2700  }
0x14b: {  	s23 =	simm.s32 $0x15  }
0x14c: {  	_ =	swait.ge [sflag:s23], $0x2700  }
0x14d: {  	[sflag:s23] =	ssyncset.done $0x0;
	s12 =	rddreg [dreg:$0x19]  }
0x14e: {  	s18 =	rddreg [dreg:$0x1b];
	[sflag:s23] =	ssyncadd.s32 $0xFFFFD900;
	s12 =	sshrl.u32 @!p1 s12, $0x3  }
0x14f: {  	[hbm:s18], [sflag:s10] =	dma.local @!p1 [spmem:s12], $0x100  }
0x150: {  	s28 =	simm.s32 $0x380;
	s10 =	simm.s32 @!p1 $0x15  }
0x151: {  	s29 =	simm.s32 $0xE;
	s30 =	simm.s32 $0x4100;
	_ =	swait.ge @!p1 [sflag:s10], $0x100  }
0x152: {  	s31 =	simm.s32 $0x10;
	s0 =	simm.s32 $0x500;
	s25 =	rddreg [dreg:$0x1e]  }
0x153: {  	s1 =	simm.s32 $0x80;
	s26 =	rddreg [dreg:$0x1c];
	s3 =	sadd.s32 $0x1, s25  }
0x154: {  	s7 =	simm.s32 $0x1;
	s6 =	simm.s32 $0x300;
	p3 =	sne.s32 s3, s26  }
.Ltmp5:
0x155: {  	s8 =	simm.s32 $0x280;
	s13 =	simm.s32 $0x480;
	(pc) =	sbr.rel @p3 .LBB2_1-.Ltmp5, $4  }
0x156: {  	s15 =	simm.s32 $0x100;
	s5 =	simm.s32 $0xC;
	s17 =	smov.u32 s11  }
0x157: {  	s19 =	simm.s32 $0x180;
	s20 =	simm.s32 $0x200;
	s21 =	simm.s32 $0x400  }
0x158: {  	s22 =	simm.s32 $0xF;
	s24 =	simm.s32 $0xB;
	[sflag:s10] =	ssyncset.done @!p1 $0x0  }
0x159: {  	[sflag:s10] =	ssyncadd.s32 @!p1 $0xFFFFFF00;
	s25 =	simm.s32 $0xD;
	s26 =	simm.s32 $0x1900  }
0x15a: {  	_ =	sfence.sel $0x180000  }
0x15b: {  	[bflag:$0x0] =	sbarrier.arrive $0xFFFF  }
0x15c: {  	_ =	strace $0x9000004D  }
0x15d: {  	s0 =	stileid.u32;
	[bflag:$0x2] =	sbarrier.arrive $0xFFFF  }
0x15e: {  	p0 =	sne.s32 s0, $0x0;
	s0 =	rddreg [dreg:$0x2]  }
0x15f: {  	s0 =	sadd.s32 @!p0 $0x100000, s0  }
0x160: {  	[sflag:s0] =	ssyncadd.tile.s32 @!p0 $0x1;
	_ =	shalt  }
.Lfunc_end2:
_tile_overlayer_lowered:
.L_overlay_start_2:
0x161: {  	(tag) =	ssettag $0x2  }
0x162: {  	s0 =	rddreg [dreg:$0x0];
	s2 =	stileid.u32  }
0x163: {  	s1 =	rddreg [dreg:$0x1];
	p0 =	sne.s32 s2, $0x0  }
0x164: {  	s3 =	rddreg [dreg:$0x2];
	[bflag:$0x3] =	sbarrier.arrive $0xFFFF;
	s2 =	simm.s32 @!p0 $0x1C15  }
0x165: {  	[timem:s3], [sflag:s2] =	dma.local @!p0 [hbm:s0], s1  }
0x166: {  	s0 =	simm.s32 @!p0 $0x15  }
0x167: {  	_ =	swait.ge @!p0 [sflag:s0], s1  }
0x168: {  	s1 =	ssub.s32 @!p0 $0x0, s1;
	[sflag:s0] =	ssyncset.done @!p0 $0x0  }
0x169: {  	[sflag:s0] =	ssyncadd.s32 @!p0 s1  }
0x16a: {  	[bflag:$0x3] =	sbarrier.arrive $0xFFFF  }
0x16b: {  	_ =	shalt  }

// kernel: kernel.8.cloned.1.call-start
scs
__scs_entry_jumppad:
0x0: {  	(pc) =	sbr.rel $0x88, $3  }
0x1: {  	(tag) =	ssettag $0x0;
	lr =	simm.s32 $0x1  }
0x2: {  	[smem:$0x3F88] =	sst lr;
	_ =	strace $0xD0000000  }
0x3: {  	_ = 	snop  }
0x4: {  	_ = 	snop  }
0x5: {  	_ = 	snop  }
0x6: {  	_ = 	snop  }
0x7: {  	_ = 	snop  }
__scs_overlays_trampoline_lowered:
0x8: {  	[smem:$0x3F97] =	sst s0  }
0x9: {  	[smem:$0x3F98] =	sst s1  }
0xa: {  	[smem:$0x3F99] =	sst s2  }
0xb: {  	[smem:$0x3F9A] =	sst s3  }
0xc: {  	[smem:$0x3F9B] =	sst s4  }
0xd: {  	[smem:$0x3F9C] =	sst s5  }
0xe: {  	[smem:$0x3F9D] =	sst s6  }
0xf: {  	[smem:$0x3F9E] =	sst s7  }
0x10: {  	[smem:$0x3F9F] =	sst s8  }
0x11: {  	[smem:$0x3FA0] =	sst s9;
	s0 =	simm.s32 @!p0 $0x0  }
0x12: {  	s1 =	sld [smem:$0x3F86];
	s0 =	simm.s32 @p0 $0x1  }
0x13: {  	[smem:$0x3FA1] =	sst s0;
	s0 =	simm.s32 @!p1 $0x0  }
0x14: {  	s2 =	sld [smem:$0x3F85];
	s0 =	simm.s32 @p1 $0x1  }
0x15: {  	[smem:$0x3FA2] =	sst s0;
	s0 =	simm.s32 @!p2 $0x0  }
0x16: {  	s3 =	sld [smem:$0x3FDB];
	s0 =	simm.s32 @p2 $0x1  }
0x17: {  	s4 =	simm.s32 $0x1BF5;
	[smem:$0x3FA4] =	sst s0  }
0x18: {  	s0 =	sld [smem:$0x3F87];
	_ =	swait.ge [sflag:s4], $0x0  }
0x19: {  	s7 =	sld [smem:$0x3F88]  }
0x1a: {  	s8 =	sadd.s32 $0xFFFFE003, lr  }
0x1b: {  	s9 =	sadd.s32 $0xFFFFFEF7, lr;
	s5 =	simm.s32 $0xFFFFFFFF;
	p2 =	slt.u32 s8, $0xFFFFF086  }
0x1c: {  	p1 =	slt.u32 s9, $0xF7A;
	s5 =	simm.s32 @!p2 $0x0  }
0x1d: {  	s5 =	simm.s32 @p1 $0x1;
	p0 =	seq.s32 s7, s2  }
0x1e: {  	s7 =	smul.u32 @!p0 $0xF7A, s2;
	p2 =	seq.s32 @!p0 s5, $0x0  }
0x1f: {  	s9 =	smul.u32 $0xF7A, s1;
	s8 =	simm.s32 @!p0 $0x1BF5;
	p2 =	por !p2, p0  }
0x20: {  	[sflag:s8] =	ssyncset.s32 @!p0 $0xFFFFF086;
	s6 =	sadd.s32 @!p0 s3, s7;
	s7 =	simm.s32 @!p0 $0x108  }
0x21: {  	s3 =	sadd.s32 s3, s9;
	s6 =	sadd.s32 @!p0 $0x88, s6;
	s7 =	simm.s32 @p2 $0x1082  }
0x22: {  	[simem:s7], [sflag:s8] =	dma.local @!p0 [hbm:s6], $0xF7A  }
0x23: {  	s9 =	sor.u32 $0xD0000000, s2;
	s6 =	simm.s32 $0x108;
	_ =	swait.ge @!p0 [sflag:s8], $0x0  }
0x24: {  	s3 =	sadd.s32 $0x88, s3;
	s6 =	simm.s32 @!p1 $0x1082;
	[sflag:s4] =	ssyncset.s32 $0xFFFFF086  }
0x25: {  	[simem:s6], [sflag:s4] =	dma.local [hbm:s3], $0xF7A  }
0x26: {  	[smem:$0x3F88] =	sst s1;
	(tag) =	ssettag s2;
	_ =	strace s9  }
0x27: {  	s1 =	sld [smem:$0x3F98]  }
0x28: {  	s2 =	sld [smem:$0x3F99]  }
0x29: {  	s4 =	sld [smem:$0x3F9B]  }
0x2a: {  	p0 =	seq.s32 s5, $0x0;
	s5 =	sld [smem:$0x3F9C]  }
0x2b: {  	s6 =	sld [smem:$0x3F9D]  }
0x2c: {  	s7 =	sld [smem:$0x3F9E]  }
0x2d: {  	s3 =	simm.s32 $0x108;
	s8 =	sld [smem:$0x3F9F]  }
0x2e: {  	s3 =	simm.s32 @!p0 $0x1082;
	s9 =	sld [smem:$0x3FA0]  }
0x2f: {  	lr =	sadd.s32 s0, s3;
	s0 =	sld [smem:$0x3F97]  }
0x30: {  	s3 =	sld [smem:$0x3F9A]  }
0x31: {  	[smem:$0x3FA3] =	sst s10  }
0x32: {  	s10 =	sld [smem:$0x3FA1];
	_ =	sdelay $0x3  }
0x33: {  	p0 =	seq.s32 s10, $0x1;
	s10 =	sld [smem:$0x3FA3];
	_ =	sdelay $0x3  }
0x34: {  	[smem:$0x3FA3] =	sst s10  }
0x35: {  	s10 =	sld [smem:$0x3FA2];
	_ =	sdelay $0x3  }
0x36: {  	p1 =	seq.s32 s10, $0x1;
	s10 =	sld [smem:$0x3FA3];
	_ =	sdelay $0x3  }
0x37: {  	[smem:$0x3FA3] =	sst s10  }
0x38: {  	s10 =	sld [smem:$0x3FA4]  }
0x39: {  	_ = 	snop;
	(pc) =	sbr.ind lr, $3  }
0x3a: {  	_ = 	snop  }
0x3b: {  	_ = 	snop  }
0x3c: {  	p2 =	seq.s32 s10, $0x1;
	s10 =	sld [smem:$0x3FA3]  }
0x3d: {  	_ =	shalt  }
0x3e: {  	_ =	shalt  }
0x3f: {  	_ =	shalt  }
0x40: {  	_ =	shalt  }
0x41: {  	_ =	shalt  }
0x42: {  	_ =	shalt  }
0x43: {  	_ =	shalt  }
0x44: {  	_ =	shalt  }
0x45: {  	_ =	shalt  }
0x46: {  	_ =	shalt  }
0x47: {  	_ =	shalt  }
0x48: {  	_ =	shalt  }
0x49: {  	_ =	shalt  }
0x4a: {  	_ =	shalt  }
0x4b: {  	_ =	shalt  }
0x4c: {  	_ =	shalt  }
0x4d: {  	_ =	shalt  }
0x4e: {  	_ =	shalt  }
0x4f: {  	_ =	shalt  }
0x50: {  	_ =	shalt  }
0x51: {  	_ =	shalt  }
0x52: {  	_ =	shalt  }
0x53: {  	_ =	shalt  }
0x54: {  	_ =	shalt  }
0x55: {  	_ =	shalt  }
0x56: {  	_ =	shalt  }
0x57: {  	_ =	shalt  }
0x58: {  	_ =	shalt  }
0x59: {  	_ =	shalt  }
0x5a: {  	_ =	shalt  }
0x5b: {  	_ =	shalt  }
0x5c: {  	_ =	shalt  }
0x5d: {  	_ =	shalt  }
0x5e: {  	_ =	shalt  }
0x5f: {  	_ =	shalt  }
0x60: {  	_ =	shalt  }
0x61: {  	_ =	shalt  }
0x62: {  	_ =	shalt  }
0x63: {  	_ =	shalt  }
0x64: {  	_ =	shalt  }
0x65: {  	_ =	shalt  }
0x66: {  	_ =	shalt  }
0x67: {  	_ =	shalt  }
0x68: {  	_ =	shalt  }
0x69: {  	_ =	shalt  }
0x6a: {  	_ =	shalt  }
0x6b: {  	_ =	shalt  }
0x6c: {  	_ =	shalt  }
0x6d: {  	_ =	shalt  }
0x6e: {  	_ =	shalt  }
0x6f: {  	_ =	shalt  }
0x70: {  	_ =	shalt  }
0x71: {  	_ =	shalt  }
0x72: {  	_ =	shalt  }
0x73: {  	_ =	shalt  }
0x74: {  	_ =	shalt  }
0x75: {  	_ =	shalt  }
0x76: {  	_ =	shalt  }
0x77: {  	_ =	shalt  }
0x78: {  	_ =	shalt  }
0x79: {  	_ =	shalt  }
0x7a: {  	_ =	shalt  }
0x7b: {  	_ =	shalt  }
0x7c: {  	_ =	shalt  }
0x7d: {  	_ =	shalt  }
0x7e: {  	_ =	shalt  }
0x7f: {  	_ =	shalt  }
0x80: {  	_ =	shalt  }
0x81: {  	_ =	shalt  }
0x82: {  	_ =	shalt  }
0x83: {  	_ =	shalt  }
0x84: {  	_ =	shalt  }
0x85: {  	_ =	shalt  }
0x86: {  	_ =	shalt  }
0x87: {  	_ =	shalt  }
.Lfunc_end0:
.L_simem_size_0:
called_computation_lowered:
.L_overlay_start_0:
0x88: {  	s2 =	sld [smem:$0x3FD9]  }
0x89: {  	s3 =	sld [smem:$0x3FFE];
	_ =	sdelay $0x1  }
0x8a: {  	s1 =	srdreg.scid  }
0x8b: {  	s0 =	sand.u32 $0x1, s1  }
0x8c: {  	s17 =	sshll.u32 s0, $0xA;
	s2 =	sadd.s32 s3, s2  }
0x8d: {  	s2 =	sadd.s32 s2, s17  }
0x8e: {  	[smem:$0x3FAF] =	sst s2  }
0x8f: {  	_ = 	snop  }
0x90: {  	s2 =	sld [smem:$0x3FC9];
	(tm) =	ssettm $0x1  }
0x91: {  	s18 =	sld [smem:$0x3FFB];
	_ =	sdelay $0x3  }
0x92: {  	_ =	strace s18  }
0x93: {  	s3 =	sld [smem:$0x3FFC];
	_ =	sdelay $0x3  }
0x94: {  	_ =	strace s3  }
0x95: {  	s3 =	sld [smem:$0x3FFD];
	_ =	sdelay $0x3  }
0x96: {  	_ =	strace s3  }
0x97: {  	_ =	strace $0x8FFFFFFF  }
0x98: {  	s19 =	sld [smem:$0x3FDB];
	_ =	sdelay $0x1  }
0x99: {  	s4 =	simm.s32 $_scs_section_size  }
0x9a: {  	s5 =	simm.s32 $_size__tile_overlayer_lowered;
	s6 =	simm.s32 $_tile_overlayer_lowered  }
0x9b: {  	s22 =	simm.s32 $0x1BFF;
	s21 =	sshll.u32 s6, $0x1;
	s3 =	sadd.s32 s4, s19  }
0x9c: {  	s7 =	simm.s32 $0x0;
	s20 =	sshll.u32 s5, $0x1;
	s5 =	sadd.s32 s21, s3  }
0x9d: {  	[timem:s7], [sflag:s22] =	dma.local [hbm:s5], s20  }
0x9e: {  	_ =	swait.ge [sflag:s22], s20  }
0x9f: {  	s4 =	ssub.s32 $0x0, s20;
	[sflag:s22] =	ssyncset.done $0x0  }
0xa0: {  	[sflag:s22] =	ssyncadd.s32 s4;
	_ =	sdelay $0x1  }
0xa1: {  	s23 =	simm.s32 $0x1B8B  }
0xa2: {  	_ =	swait.ge [sflag:s23], $0x1  }
0xa3: {  	[sflag:s23] =	ssyncset.done $0x0  }
0xa4: {  	s25 =	simm.s32 $0x1B8E;
	s24 =	sld [smem:$0x3FFE];
	[sflag:s23] =	ssyncadd.s32 $0xFFFFFFFF  }
0xa5: {  	s26 =	simm.s32 $execute0_lowered;
	[smem:$0x3FD2] =	sst s25  }
0xa6: {  	s5 =	sshll.u32 s26, $0x1;
	_ =	strace $0x80000046;
	[dreg:$0x1] =	wrdreg $0xFFFFFFFF  }
0xa7: {  	s28 =	simm.s32 $_size_execute0_lowered;
	s3 =	sadd.s32 s3, s5;
	[dreg:$0x0] =	wrdreg $0x0  }
0xa8: {  	s5 =	sshll.u32 s28, $0x1;
	[dreg:$0x2] =	wrdreg s3  }
0xa9: {  	[dreg:$0x3] =	wrdreg s5  }
0xaa: {  	[dreg:$0x4] =	wrdreg $0xC0  }
0xab: {  	_ =	task [dreg:s7], $0x5FFFF  }
0xac: {  	[dreg:$0x1] =	wrdreg $0xFFFFFFFF  }
0xad: {  	[dreg:$0x0] =	wrdreg $0x60  }
0xae: {  	[dreg:$0x2] =	wrdreg s2  }
0xaf: {  	[dreg:$0x3] =	wrdreg s24  }
0xb0: {  	[dreg:$0x4] =	wrdreg $0x69000  }
0xb1: {  	[dreg:$0x5] =	wrdreg $0x9  }
0xb2: {  	_ =	task.clear_ibuf [dreg:s7], $0x6FFFF;
	_ =	strace $0x90000046  }
0xb3: {  	s29 =	simm.s32 $0x9;
	_ =	strace $0x80000048  }
0xb4: {  	_ =	swait.ge [sflag:s29], $0x1  }
0xb5: {  	[sflag:s29] =	ssyncadd.s32 $0xFFFFFFFF  }
0xb6: {  	_ =	strace $0x90000048  }
0xb7: {  	_ =	sfence  }
0xb8: {  	s30 =	sld [smem:$0x0];
	_ =	sdelay $0x2  }
0xb9: {  	s31 =	sshll.u32 s1, $0xD;
	s1 =	sshrl.u32 s1, $0x2  }
0xba: {  	s3 =	sand.u32 $0x4000, s31;
	s1 =	sadd.s32 s1, s30  }
0xbb: {  	s0 =	sor.u32 s3, s0;
	s1 =	sshll.u32 s1, $0x11  }
0xbc: {  	s0 =	sor.u32 s1, s0  }
0xbd: {  	s0 =	sadd.s32 $0x8F2B, s0  }
0xbe: {  	[sflag:s0] =	ssyncadd.remote.s32 $0x1  }
0xbf: {  	_ =	sfence.sel $0xFFFF  }
0xc0: {  	[dreg:$0x0] =	wrdreg $0xFFFFFFFF;
	(pc) =	sbr.abs _section_cstart, $3  }
0xc1: {  	[dreg:$0x1] =	wrdreg $0xFFFFFFFF  }
0xc2: {  	_ =	task.clear_ibuf [dreg:s7], $0x2FFFF;
	_ =	strace $0x9FFFFFFF  }
0xc3: {  	(tm) =	ssettm $0x7FFFFFFF  }
tec
execute0_lowered:
.L_overlay_start_1:
0x0: {  	(tag) =	ssettag $0x1  }
0x1: {  	s2 =	rddreg [dreg:$0x0]  }
0x2: {  	s0 =	rddreg [dreg:$0x1]  }
0x3: {  	s1 =	rddreg [dreg:$0x2]  }
0x4: {  	s3 =	simm.s32 $0x0;
	s4 =	srdreg.scid;
	s11 =	stileid.u32  }
0x5: {  	s30 =	simm.s32 $0x280;
	s28 =	simm.s32 $0x2D00;
	s29 =	simm.s32 $0xE  }
0x6: {  	s31 =	simm.s32 $0x10;
	[smem:$0x7FF] =	sst s3;
	s4 =	sand.u32 $0x1, s4  }
0x7: {  	s14 =	sadd.s32 $0xDA00, s0;
	s16 =	sadd.s32 $0x3C00, s0;
	s12 =	sadd.s32 $0x17800, s0  }
0x8: {  	s0 =	sadd.s32 $0x3EA00, s0;
	s26 =	smul.u32 $0x2710, s11;
	p1 =	sne.s32 s11, $0xF  }
0x9: {  	p2 =	seq.s32 s11, $0xF;
	s5 =	sshll.u32 s4, $0x4;
	s25 =	smul.u32 $0x27100, s4  }
0xa: {  	s6 =	ssub.s32 $0x2, s4;
	s15 =	smul.u32 $0x138800, s4;
	s5 =	sor.u32 s11, s5  }
0xb: {  	_ =	strace $0x80000047;
	s7 =	sshrl.u32 s6, $0x1;
	s5 =	smul.u32 $0x2710, s5  }
0xc: {  	p0 =	seq.s32 s4, $0x1;
	[dreg:$0xc] =	wrdreg s12;
	s6 =	ssub.s32 s6, s7  }
0xd: {  	s7 =	smul.u32 $0x2700, s11;
	s19 =	sshrl.u32 s15, $0x3;
	s8 =	sshrl.u32 s5, $0x3  }
0xe: {  	s9 =	sadd.s32 $0x28, s5;
	s5 =	sadd.s32 $0x78, s5;
	s10 =	sadd.s32 s14, s8  }
0xf: {  	s17 =	sadd.s32 s7, s25;
	s21 =	sadd.s32 s16, s8;
	[dreg:$0xd] =	wrdreg s10  }
0x10: {  	s9 =	sshrl.u32 s9, $0x3;
	s4 =	sadd.s32 s0, s17;
	[dreg:$0xe] =	wrdreg s21  }
0x11: {  	s23 =	sadd.s32 $0xA, s8;
	s22 =	sadd.s32 s14, s9;
	[dreg:$0x16] =	wrdreg s4  }
0x12: {  	s5 =	sshrl.u32 s5, $0x3;
	s9 =	sadd.s32 s16, s9;
	[dreg:$0xf] =	wrdreg s22  }
0x13: {  	s0 =	sadd.s32 s0, s19;
	s24 =	sadd.s32 s14, s23;
	[dreg:$0x10] =	wrdreg s9  }
0x14: {  	s17 =	smul.u32 $0x4E000, s11;
	s13 =	sadd.s32 s14, s5;
	[dreg:$0x11] =	wrdreg s24  }
0x15: {  	s11 =	simm.s32 $0x80;
	s5 =	sadd.s32 s16, s5;
	[dreg:$0x13] =	wrdreg s13  }
0x16: {  	s0 =	sadd.s32 $0x27000, s0;
	s9 =	sadd.s32 s16, s23;
	[dreg:$0x14] =	wrdreg s5  }
0x17: {  	s5 =	sadd.s32 $0x14, s8;
	[dreg:$0x1c] =	wrdreg s0;
	s0 =	simm.s32 $0x500  }
0x18: {  	[dreg:$0x12] =	wrdreg s9;
	s8 =	sadd.s32 s14, s5;
	s9 =	sadd.s32 s26, s25  }
0x19: {  	s5 =	sadd.s32 s16, s5;
	[dreg:$0x15] =	wrdreg s8;
	s18 =	sadd.s32 $0x168, s9  }
0x1a: {  	s22 =	sadd.s32 $0x140, s9;
	s26 =	sadd.s32 $0x118, s9;
	[dreg:$0x17] =	wrdreg s5  }
0x1b: {  	s19 =	sadd.s32 $0xF0, s9;
	s20 =	sshrl.u32 s18, $0x3;
	s24 =	sshrl.u32 s22, $0x3  }
0x1c: {  	s15 =	sshrl.u32 s26, $0x3;
	s4 =	sshrl.u32 s19, $0x3;
	s22 =	sadd.s32 s2, s7  }
0x1d: {  	s26 =	sadd.s32 $0xC8, s9;
	s19 =	simm.s32 $0x180;
	[dreg:$0x19] =	wrdreg s22  }
0x1e: {  	s9 =	simm.s32 $0x28;
	s21 =	sadd.s32 s20, s16;
	[dreg:$0x1e] =	wrdreg s26  }
0x1f: {  	s2 =	simm.s32 $0x0;
	s23 =	sadd.s32 s20, s14;
	[dreg:$0x4] =	wrdreg s21  }
0x20: {  	s25 =	sadd.s32 s24, s16;
	s13 =	sadd.s32 s24, s14;
	[dreg:$0x5] =	wrdreg s23  }
0x21: {  	s18 =	sadd.s32 s15, s16;
	s20 =	sshrl.u32 s17, $0x2;
	[dreg:$0x6] =	wrdreg s25  }
0x22: {  	s8 =	sadd.s32 s15, s14;
	s24 =	sadd.s32 s12, s7;
	[dreg:$0x7] =	wrdreg s13  }
0x23: {  	s15 =	simm.s32 $0x100;
	s26 =	simm.s32 $0x1900;
	[dreg:$0x8] =	wrdreg s18  }
0x24: {  	s17 =	simm.s32 $0x4100;
	s22 =	simm.s32 $0xF;
	[dreg:$0x9] =	wrdreg s8  }
0x25: {  	s7 =	simm.s32 $0x1;
	s5 =	sadd.s32 s20, s1;
	[dreg:$0x1b] =	wrdreg s24  }
0x26: {  	s21 =	sadd.s32 s4, s16;
	s4 =	sadd.s32 s4, s14;
	[dreg:$0x18] =	wrdreg s5  }
0x27: {  	s23 =	sadd.s32 $0x138000, s1;
	s25 =	smax.u32 s6, $0x1;
	[dreg:$0xa] =	wrdreg s21  }
0x28: {  	s13 =	simm.s32 $0x380;
	s8 =	simm.s32 $0x400;
	[dreg:$0xb] =	wrdreg s4  }
0x29: {  	s20 =	simm.s32 $0x200;
	s6 =	simm.s32 $0x480;
	[dreg:$0x1a] =	wrdreg s23  }
0x2a: {  	s24 =	simm.s32 $0xB;
	[dreg:$0x1d] =	wrdreg s25;
	s21 =	simm.s32 $0x300  }
0x2b: {  	s23 =	simm.s32 $0x15;
	s5 =	simm.s32 $0xC;
	s25 =	simm.s32 $0xD  }
.LBB2_1:
0x2c: {  	[dreg:$0x1f] =	wrdreg s2  }
0x2d: {  	s10 =	rddreg [dreg:$0xd]  }
0x2e: {  	s4 =	rddreg [dreg:$0xe]  }
0x2f: {  	[tilespmem:s3], [sflag:$0xB] =	stream.linear.gather [hbm4b:s10+s3], $0x28, $0x38;
	[tilespmem:$0x1A180] =	vst v63  }
0x30: {  	s12 =	rddreg [dreg:$0xf]  }
0x31: {  	[tilespmem:s30], [sflag:$0x10] =	stream.linear.gather [hbm4b:s4+s3], $0x28, $0x38;
	[tilespmem:$0x1A180] =	vst v63  }
0x32: {  	s18 =	rddreg [dreg:$0x10]  }
0x33: {  	[tilespmem:s11], [sflag:$0xC] =	stream.linear.gather [hbm4b:s12+s3], $0x28, $0x38;
	[tilespmem:$0x1A180] =	vst v63  }
0x34: {  	s2 =	rddreg [dreg:$0x11]  }
0x35: {  	[tilespmem:s21], [sflag:$0x11] =	stream.linear.gather [hbm4b:s18+s3], $0x28, $0x38;
	[tilespmem:$0x1A180] =	vst v63  }
0x36: {  	s4 =	rddreg [dreg:$0x12]  }
0x37: {  	[tilespmem:s15], [sflag:$0xD] =	stream.linear.gather [hbm4b:s2+s3], $0x28, $0x38;
	[tilespmem:$0x1A180] =	vst v63  }
0x38: {  	s12 =	rddreg [dreg:$0x13]  }
0x39: {  	[tilespmem:s13], [sflag:$0x12] =	stream.linear.gather [hbm4b:s4+s3], $0x28, $0x38;
	[tilespmem:$0x1A180] =	vst v63  }
0x3a: {  	s18 =	rddreg [dreg:$0x14]  }
0x3b: {  	[tilespmem:s19], [sflag:$0xE] =	stream.linear.gather [hbm4b:s12+s3], $0x28, $0x38;
	[tilespmem:$0x1A180] =	vst v63  }
0x3c: {  	s2 =	rddreg [dreg:$0x15]  }
0x3d: {  	[tilespmem:s8], [sflag:$0x13] =	stream.linear.gather [hbm4b:s18+s3], $0x28, $0x38;
	[tilespmem:$0x1A180] =	vst v63  }
0x3e: {  	s4 =	rddreg [dreg:$0x17]  }
0x3f: {  	[tilespmem:s20], [sflag:$0xF] =	stream.linear.gather [hbm4b:s2+s3], $0x28, $0x38;
	[tilespmem:$0x1A180] =	vst v63  }
.Ltmp0:
0x40: {  	s12 =	stileid.u32;
	(pc) =	sbr.rel @!p0 .LBB2_2-.Ltmp0, $4  }
0x41: {  	s18 =	rddreg [dreg:$0x18];
	s2 =	sshll.u32 s12, $0x6  }
0x42: {  	[tilespmem:s6], [sflag:$0x14] =	stream.linear.gather [hbm4b:s4+s3], $0x28, $0x38;
	[tilespmem:$0x1A180] =	vst v63  }
0x43: {  	[smem:$0x7FC] =	sst s2;
	s4 =	sshrl.u32 s18, $0x3  }
0x44: {  	s10 =	sor.u32 $0x1C15, s2;
	[smem:$0x7FD] =	sst s4  }
0x45: {  	s10 =	sor.u32 $0x1C15, s2;
	s12 =	rddreg [dreg:$0x1b]  }
0x46: {  	[spmem:s4], [sflag:s10] =	dma.local [hbm:s12], $0x2700  }
.Ltmp1:
0x47: {  	_ = 	snop;
	(pc) =	sbr.rel @p1 .LBB2_5-.Ltmp1, $4  }
.Ltmp2:
0x48: {  	_ =	swait.ge [sflag:s23], $0x2700;
	(pc) =	sbr.rel @!p1 .LBB2_4-.Ltmp2, $4  }
0x49: {  	[sflag:s23] =	ssyncset.done $0x0  }
0x4a: {  	s12 =	rddreg [dreg:$0xc];
	[sflag:s23] =	ssyncadd.s32 $0xFFFFD900  }
0x4b: {  	s2 =	rddreg [dreg:$0x0]  }
0x4c: {  	_ = 	snop  }
.LBB2_2:
0x4d: {  	s12 =	rddreg [dreg:$0x19]  }
0x4e: {  	[spmem:s4], [sflag:s10] =	dma.local [hbm:s12], $0x2700  }
.Ltmp3:
0x4f: {  	_ =	swait.ge [sflag:s23], $0x2700;
	(pc) =	sbr.rel @!p2 .LBB2_5-.Ltmp3, $4  }
0x50: {  	[sflag:s23] =	ssyncset.done $0x0  }
0x51: {  	[sflag:s23] =	ssyncadd.s32 $0xFFFFD900  }
0x52: {  	s2 =	rddreg [dreg:$0x0]  }
0x53: {  	s12 =	smov.u32 s2  }
.LBB2_4:
0x54: {  	s18 =	rddreg [dreg:$0x1a]  }
0x55: {  	s12 =	sadd.s32 $0x27000, s12;
	s20 =	sshrl.u32 s18, $0x3  }
0x56: {  	[spmem:s20], [sflag:s10] =	dma.local [hbm:s12], $0x100  }
0x57: {  	_ =	swait.ge [sflag:s23], $0x100  }
0x58: {  	[sflag:s23] =	ssyncset.done $0x0  }
0x59: {  	s20 =	simm.s32 $0x200;
	[sflag:s23] =	ssyncadd.s32 $0xFFFFFF00  }
.LBB2_5:
0x5a: {  	_ =	swait.ge [sflag:s24], $0x28  }
0x5b: {  	[sflag:s24] =	ssyncset.done $0x0  }
0x5c: {  	s10 =	simm.s32 $0x0;
	[sflag:s24] =	ssyncadd.s32 $0xFFFFFFD8  }
0x5d: {  	[tilespmem:s0], [sflag:$0x1] =	stream.indirect.gather [hbm4b:s2+s9], $0x80, s10, s9, $0xb8;
	[tilespmem:$0x1A180] =	vst v63  }
0x5e: {  	_ =	swait.ge [sflag:s5], $0x28  }
0x5f: {  	[sflag:s5] =	ssyncset.done $0x0  }
0x60: {  	[sflag:s5] =	ssyncadd.s32 $0xFFFFFFD8  }
0x61: {  	[tilespmem:s26], [sflag:$0x2] =	stream.indirect.gather [hbm4b:s2+s9], $0x80, s11, s9, $0xb8;
	[tilespmem:$0x1A180] =	vst v63  }
0x62: {  	_ =	swait.ge [sflag:s25], $0x28  }
0x63: {  	[sflag:s25] =	ssyncset.done $0x0  }
0x64: {  	[sflag:s25] =	ssyncadd.s32 $0xFFFFFFD8  }
0x65: {  	[tilespmem:s28], [sflag:$0x3] =	stream.indirect.gather [hbm4b:s2+s9], $0x80, s15, s9, $0xb8;
	[tilespmem:$0x1A180] =	vst v63  }
0x66: {  	_ =	swait.ge [sflag:s29], $0x28  }
0x67: {  	[sflag:s29] =	ssyncset.done $0x0  }
0x68: {  	[sflag:s29] =	ssyncadd.s32 $0xFFFFFFD8  }
0x69: {  	[tilespmem:s17], [sflag:$0x4] =	stream.indirect.gather [hbm4b:s2+s9], $0x80, s19, s9, $0xb8;
	[tilespmem:$0x1A180] =	vst v63  }
0x6a: {  	_ =	swait.ge [sflag:s22], $0x28  }
0x6b: {  	[sflag:s22] =	ssyncset.done $0x0  }
0x6c: {  	s23 =	simm.s32 $0x5500;
	[sflag:s22] =	ssyncadd.s32 $0xFFFFFFD8  }
0x6d: {  	[tilespmem:s23], [sflag:$0x5] =	stream.indirect.gather [hbm4b:s2+s9], $0x80, s20, s9, $0xb8;
	[tilespmem:$0x1A180] =	vst v63  }
0x6e: {  	[bflag:$0x0] =	sbarrier.arrive $0xFFFF  }
0x6f: {  	_ =	swait.ge [sflag:s7], $0x1400  }
0x70: {  	s18 =	rddreg [dreg:$0x1e]  }
0x71: {  	[sflag:s7] =	ssyncset.done $0x0;
	s10 =	sshrl.u32 s18, $0x3  }
0x72: {  	[sflag:s7] =	ssyncadd.s32 $0xFFFFEC00;
	s12 =	sadd.s32 s14, s10  }
0x73: {  	[tilespmem:s3], [sflag:$0xB] =	stream.linear.gather [hbm4b:s12+s3], $0x28, $0x38;
	[tilespmem:$0x1A180] =	vst v63  }
0x74: {  	_ =	swait.ge [sflag:s31], $0x28  }
0x75: {  	[sflag:s31] =	ssyncset.done $0x0  }
0x76: {  	s4 =	simm.s32 $0x2;
	[sflag:s31] =	ssyncadd.s32 $0xFFFFFFD8  }
0x77: {  	[spmem:s1] =	stream.indirect.scatter.add.f32 [tilespmem:s0], [sflag:$0x6], $0x80, s30, s9, $0xb8;
	[tilespmem:$0x1A180] =	vst v63  }
0x78: {  	_ =	swait.ge [sflag:s4], $0x1400  }
0x79: {  	s7 =	rddreg [dreg:$0xb];
	[sflag:s4] =	ssyncset.done $0x0  }
0x7a: {  	[sflag:s4] =	ssyncadd.s32 $0xFFFFEC00;
	s12 =	sadd.s32 $0x0, s7;
	s7 =	simm.s32 $0x11  }
0x7b: {  	[tilespmem:s11], [sflag:$0xC] =	stream.linear.gather [hbm4b:s12+s3], $0x28, $0x38;
	[tilespmem:$0x1A180] =	vst v63  }
0x7c: {  	_ =	swait.ge [sflag:s7], $0x28  }
0x7d: {  	[sflag:s7] =	ssyncset.done $0x0  }
0x7e: {  	s12 =	simm.s32 $0x3;
	[sflag:s7] =	ssyncadd.s32 $0xFFFFFFD8  }
0x7f: {  	[spmem:s1] =	stream.indirect.scatter.add.f32 [tilespmem:s26], [sflag:$0x7], $0x80, s21, s9, $0xb8;
	[tilespmem:$0x1A180] =	vst v63  }
0x80: {  	_ =	swait.ge [sflag:s12], $0x1400  }
0x81: {  	s7 =	rddreg [dreg:$0x9];
	[sflag:s12] =	ssyncset.done $0x0  }
0x82: {  	[sflag:s12] =	ssyncadd.s32 $0xFFFFEC00;
	s12 =	sadd.s32 $0x0, s7;
	s7 =	simm.s32 $0x12  }
0x83: {  	[tilespmem:s15], [sflag:$0xD] =	stream.linear.gather [hbm4b:s12+s3], $0x28, $0x38;
	[tilespmem:$0x1A180] =	vst v63  }
0x84: {  	_ =	swait.ge [sflag:s7], $0x28  }
0x85: {  	[sflag:s7] =	ssyncset.done $0x0  }
0x86: {  	s12 =	simm.s32 $0x4;
	[sflag:s7] =	ssyncadd.s32 $0xFFFFFFD8  }
0x87: {  	[spmem:s1] =	stream.indirect.scatter.add.f32 [tilespmem:s28], [sflag:$0x8], $0x80, s13, s9, $0xb8;
	[tilespmem:$0x1A180] =	vst v63  }
0x88: {  	_ =	swait.ge [sflag:s12], $0x1400  }
0x89: {  	s7 =	rddreg [dreg:$0x7];
	[sflag:s12] =	ssyncset.done $0x0  }
0x8a: {  	[sflag:s12] =	ssyncadd.s32 $0xFFFFEC00;
	s12 =	sadd.s32 $0x0, s7;
	s7 =	simm.s32 $0x13  }
0x8b: {  	[tilespmem:s19], [sflag:$0xE] =	stream.linear.gather [hbm4b:s12+s3], $0x28, $0x38;
	[tilespmem:$0x1A180] =	vst v63  }
0x8c: {  	_ =	swait.ge [sflag:s7], $0x28  }
0x8d: {  	[sflag:s7] =	ssyncset.done $0x0  }
0x8e: {  	s12 =	simm.s32 $0x5;
	[sflag:s7] =	ssyncadd.s32 $0xFFFFFFD8  }
0x8f: {  	[spmem:s1] =	stream.indirect.scatter.add.f32 [tilespmem:s17], [sflag:$0x9], $0x80, s8, s9, $0xb8;
	[tilespmem:$0x1A180] =	vst v63  }
0x90: {  	_ =	swait.ge [sflag:s12], $0x1400  }
0x91: {  	s7 =	rddreg [dreg:$0x5];
	[sflag:s12] =	ssyncset.done $0x0  }
0x92: {  	[sflag:s12] =	ssyncadd.s32 $0xFFFFEC00;
	s12 =	sadd.s32 $0x0, s7  }
0x93: {  	[tilespmem:s20], [sflag:$0xF] =	stream.linear.gather [hbm4b:s12+s3], $0x28, $0x38;
	[tilespmem:$0x1A180] =	vst v63  }
0x94: {  	s20 =	simm.s32 $0x14  }
0x95: {  	_ =	swait.ge [sflag:s20], $0x28  }
0x96: {  	[sflag:s20] =	ssyncset.done $0x0  }
0x97: {  	s7 =	simm.s32 $0x6;
	[sflag:s20] =	ssyncadd.s32 $0xFFFFFFD8  }
0x98: {  	[spmem:s1] =	stream.indirect.scatter.add.f32 [tilespmem:s23], [sflag:$0xA], $0x80, s6, s9, $0xb8;
	[tilespmem:$0x1A180] =	vst v63  }
0x99: {  	_ =	swait.ge [sflag:s7], $0x1400  }
0x9a: {  	[sflag:s7] =	ssyncset.done $0x0  }
0x9b: {  	s10 =	sadd.s32 s16, s10;
	[sflag:s7] =	ssyncadd.s32 $0xFFFFEC00  }
0x9c: {  	[tilespmem:s30], [sflag:$0x10] =	stream.linear.gather [hbm4b:s10+s3], $0x28, $0x38;
	[tilespmem:$0x1A180] =	vst v63  }
0x9d: {  	_ =	swait.ge [sflag:s24], $0x28  }
0x9e: {  	[sflag:s24] =	ssyncset.done $0x0  }
0x9f: {  	s12 =	simm.s32 $0x7;
	[sflag:s24] =	ssyncadd.s32 $0xFFFFFFD8  }
0xa0: {  	[tilespmem:s0], [sflag:$0x1] =	stream.indirect.gather [hbm4b:s2+s9], $0x80, s3, s9, $0xb8;
	[tilespmem:$0x1A180] =	vst v63  }
0xa1: {  	_ =	swait.ge [sflag:s12], $0x1400  }
0xa2: {  	s20 =	rddreg [dreg:$0xa];
	[sflag:s12] =	ssyncset.done $0x0  }
0xa3: {  	[sflag:s12] =	ssyncadd.s32 $0xFFFFEC00;
	s10 =	sadd.s32 $0x0, s20  }
0xa4: {  	[tilespmem:s21], [sflag:$0x11] =	stream.linear.gather [hbm4b:s10+s3], $0x28, $0x38;
	[tilespmem:$0x1A180] =	vst v63  }
0xa5: {  	_ =	swait.ge [sflag:s5], $0x28  }
0xa6: {  	[sflag:s5] =	ssyncset.done $0x0  }
0xa7: {  	s23 =	simm.s32 $0x8;
	[sflag:s5] =	ssyncadd.s32 $0xFFFFFFD8  }
0xa8: {  	[tilespmem:s26], [sflag:$0x2] =	stream.indirect.gather [hbm4b:s2+s9], $0x80, s11, s9, $0xb8;
	[tilespmem:$0x1A180] =	vst v63  }
0xa9: {  	_ =	swait.ge [sflag:s23], $0x1400  }
0xaa: {  	s24 =	rddreg [dreg:$0x8];
	[sflag:s23] =	ssyncset.done $0x0  }
0xab: {  	[sflag:s23] =	ssyncadd.s32 $0xFFFFEC00;
	s10 =	sadd.s32 $0x0, s24  }
0xac: {  	[tilespmem:s13], [sflag:$0x12] =	stream.linear.gather [hbm4b:s10+s3], $0x28, $0x38;
	[tilespmem:$0x1A180] =	vst v63  }
0xad: {  	_ =	swait.ge [sflag:s25], $0x28  }
0xae: {  	[sflag:s25] =	ssyncset.done $0x0  }
0xaf: {  	[sflag:s25] =	ssyncadd.s32 $0xFFFFFFD8;
	s25 =	simm.s32 $0x9  }
0xb0: {  	[tilespmem:s28], [sflag:$0x3] =	stream.indirect.gather [hbm4b:s2+s9], $0x80, s15, s9, $0xb8;
	[tilespmem:$0x1A180] =	vst v63  }
0xb1: {  	_ =	swait.ge [sflag:s25], $0x1400  }
0xb2: {  	s26 =	rddreg [dreg:$0x6];
	[sflag:s25] =	ssyncset.done $0x0  }
0xb3: {  	[sflag:s25] =	ssyncadd.s32 $0xFFFFEC00;
	s10 =	sadd.s32 $0x0, s26  }
0xb4: {  	[tilespmem:s8], [sflag:$0x13] =	stream.linear.gather [hbm4b:s10+s3], $0x28, $0x38;
	[tilespmem:$0x1A180] =	vst v63  }
0xb5: {  	_ =	swait.ge [sflag:s29], $0x28  }
0xb6: {  	[sflag:s29] =	ssyncset.done $0x0  }
0xb7: {  	s28 =	simm.s32 $0xA;
	[sflag:s29] =	ssyncadd.s32 $0xFFFFFFD8  }
0xb8: {  	[tilespmem:s17], [sflag:$0x4] =	stream.indirect.gather [hbm4b:s2+s9], $0x80, s19, s9, $0xb8;
	[tilespmem:$0x1A180] =	vst v63  }
0xb9: {  	_ =	swait.ge [sflag:s28], $0x1400  }
0xba: {  	s30 =	rddreg [dreg:$0x4];
	[sflag:s28] =	ssyncset.done $0x0  }
0xbb: {  	[sflag:s28] =	ssyncadd.s32 $0xFFFFEC00;
	s10 =	sadd.s32 $0x0, s30  }
0xbc: {  	[tilespmem:s6], [sflag:$0x14] =	stream.linear.gather [hbm4b:s10+s3], $0x28, $0x38;
	[tilespmem:$0x1A180] =	vst v63  }
0xbd: {  	s31 =	simm.s32 $0xF;
	s20 =	simm.s32 $0x19;
	_ =	swait.ge [sflag:s22], $0x28  }
0xbe: {  	s11 =	smov.u32 s2;
	s26 =	simm.s32 $0xD;
	[sflag:s22] =	ssyncset.done $0x0  }
0xbf: {  	s29 =	simm.s32 $0xE;
	s22 =	sadd.s32 $0xC8, s18;
	[sflag:s31] =	ssyncadd.s32 $0xFFFFFFD8  }
.LBB2_6:
0xc0: {  	s21 =	simm.s32 $0x5500;
	s19 =	simm.s32 $0x200;
	s0 =	simm.s32 $0x1  }
0xc1: {  	[tilespmem:s21], [sflag:$0x5] =	stream.indirect.gather [hbm4b:s11+s9], $0x80, s19, s9, $0xb8;
	[tilespmem:$0x1A180] =	vst v63  }
0xc2: {  	_ =	swait.ge [sflag:s0], $0x1400  }
0xc3: {  	s12 =	sshrl.u32 s22, $0x3;
	[sflag:s0] =	ssyncset.done $0x0  }
0xc4: {  	s7 =	simm.s32 $0x10;
	s6 =	sadd.s32 s14, s12;
	[sflag:s0] =	ssyncadd.s32 $0xFFFFEC00  }
0xc5: {  	[tilespmem:s3], [sflag:$0xB] =	stream.linear.gather [hbm4b:s6+s3], $0x28, $0x38;
	[tilespmem:$0x1A180] =	vst v63  }
0xc6: {  	_ =	swait.ge [sflag:s7], $0x28  }
0xc7: {  	s10 =	smov.u32 s20;
	s24 =	simm.s32 $0x500;
	[sflag:s7] =	ssyncset.done $0x0  }
0xc8: {  	s2 =	simm.s32 $0x280;
	s23 =	simm.s32 $0x2;
	[sflag:s7] =	ssyncadd.s32 $0xFFFFFFD8  }
0xc9: {  	[spmem:s1] =	stream.indirect.scatter.add.f32 [tilespmem:s24], [sflag:$0x6], $0x80, s2, s9, $0xb8;
	[tilespmem:$0x1A180] =	vst v63  }
0xca: {  	s18 =	smov.u32 s16;
	s16 =	smov.u32 s14;
	_ =	swait.ge [sflag:s23], $0x1400  }
0xcb: {  	s13 =	simm.s32 $0x11;
	s8 =	rddreg [dreg:$0xb];
	[sflag:s23] =	ssyncset.done $0x0  }
0xcc: {  	s7 =	simm.s32 $0x80;
	[sflag:s23] =	ssyncadd.s32 $0xFFFFEC00;
	s14 =	sadd.s32 s10, s8  }
0xcd: {  	[tilespmem:s7], [sflag:$0xC] =	stream.linear.gather [hbm4b:s14+s3], $0x28, $0x38;
	[tilespmem:$0x1A180] =	vst v63  }
0xce: {  	_ =	swait.ge [sflag:s13], $0x28  }
0xcf: {  	s15 =	simm.s32 $0x300;
	[sflag:s13] =	ssyncset.done $0x0  }
0xd0: {  	s14 =	simm.s32 $0x3;
	[sflag:s13] =	ssyncadd.s32 $0xFFFFFFD8;
	s13 =	simm.s32 $0x1900  }
0xd1: {  	[spmem:s1] =	stream.indirect.scatter.add.f32 [tilespmem:s13], [sflag:$0x7], $0x80, s15, s9, $0xb8;
	[tilespmem:$0x1A180] =	vst v63  }
0xd2: {  	_ =	swait.ge [sflag:s14], $0x1400  }
0xd3: {  	s25 =	simm.s32 $0x100;
	s17 =	rddreg [dreg:$0x9];
	[sflag:s14] =	ssyncset.done $0x0  }
0xd4: {  	s6 =	simm.s32 $0x12;
	[sflag:s14] =	ssyncadd.s32 $0xFFFFEC00;
	s14 =	sadd.s32 s10, s17  }
0xd5: {  	[tilespmem:s25], [sflag:$0xD] =	stream.linear.gather [hbm4b:s14+s3], $0x28, $0x38;
	[tilespmem:$0x1A180] =	vst v63  }
0xd6: {  	_ =	swait.ge [sflag:s6], $0x28  }
0xd7: {  	s28 =	simm.s32 $0x2D00;
	[sflag:s6] =	ssyncset.done $0x0  }
0xd8: {  	s8 =	simm.s32 $0x380;
	s17 =	simm.s32 $0x4;
	[sflag:s6] =	ssyncadd.s32 $0xFFFFFFD8  }
0xd9: {  	[spmem:s1] =	stream.indirect.scatter.add.f32 [tilespmem:s28], [sflag:$0x8], $0x80, s8, s9, $0xb8;
	[tilespmem:$0x1A180] =	vst v63  }
0xda: {  	_ =	swait.ge [sflag:s17], $0x1400  }
0xdb: {  	s5 =	simm.s32 $0x180;
	s23 =	rddreg [dreg:$0x7];
	[sflag:s17] =	ssyncset.done $0x0  }
0xdc: {  	s30 =	simm.s32 $0x13;
	[sflag:s17] =	ssyncadd.s32 $0xFFFFEC00;
	s14 =	sadd.s32 s10, s23  }
0xdd: {  	[tilespmem:s5], [sflag:$0xE] =	stream.linear.gather [hbm4b:s14+s3], $0x28, $0x38;
	[tilespmem:$0x1A180] =	vst v63  }
0xde: {  	_ =	swait.ge [sflag:s30], $0x28  }
0xdf: {  	s4 =	simm.s32 $0x5;
	[sflag:s30] =	ssyncset.done $0x0  }
0xe0: {  	s23 =	simm.s32 $0x4100;
	s17 =	simm.s32 $0x400;
	[sflag:s30] =	ssyncadd.s32 $0xFFFFFFD8  }
0xe1: {  	[spmem:s1] =	stream.indirect.scatter.add.f32 [tilespmem:s23], [sflag:$0x9], $0x80, s17, s9, $0xb8;
	[tilespmem:$0x1A180] =	vst v63  }
0xe2: {  	_ =	swait.ge [sflag:s4], $0x1400  }
0xe3: {  	s0 =	rddreg [dreg:$0x5];
	[sflag:s4] =	ssyncset.done $0x0  }
0xe4: {  	s6 =	simm.s32 $0x14;
	[sflag:s4] =	ssyncadd.s32 $0xFFFFEC00;
	s14 =	sadd.s32 s10, s0  }
0xe5: {  	[tilespmem:s19], [sflag:$0xF] =	stream.linear.gather [hbm4b:s14+s3], $0x28, $0x38;
	[tilespmem:$0x1A180] =	vst v63  }
0xe6: {  	_ =	swait.ge [sflag:s6], $0x28  }
0xe7: {  	[sflag:s6] =	ssyncset.done $0x0  }
0xe8: {  	s30 =	simm.s32 $0x480;
	s19 =	simm.s32 $0x6;
	[sflag:s6] =	ssyncadd.s32 $0xFFFFFFD8  }
0xe9: {  	[spmem:s1] =	stream.indirect.scatter.add.f32 [tilespmem:s21], [sflag:$0xA], $0x80, s30, s9, $0xb8;
	[tilespmem:$0x1A180] =	vst v63  }
0xea: {  	_ =	swait.ge [sflag:s19], $0x1400  }
0xeb: {  	[sflag:s19] =	ssyncset.done $0x0  }
0xec: {  	s12 =	sadd.s32 s18, s12;
	s21 =	simm.s32 $0xB;
	[sflag:s19] =	ssyncadd.s32 $0xFFFFEC00  }
0xed: {  	[tilespmem:s2], [sflag:$0x10] =	stream.linear.gather [hbm4b:s12+s3], $0x28, $0x38;
	[tilespmem:$0x1A180] =	vst v63  }
0xee: {  	_ =	swait.ge [sflag:s21], $0x28  }
0xef: {  	[sflag:s21] =	ssyncset.done $0x0  }
0xf0: {  	[sflag:s21] =	ssyncadd.s32 $0xFFFFFFD8  }
0xf1: {  	[tilespmem:s24], [sflag:$0x1] =	stream.indirect.gather [hbm4b:s11+s9], $0x80, s3, s9, $0xb8;
	[tilespmem:$0x1A180] =	vst v63  }
0xf2: {  	s24 =	simm.s32 $0x7  }
0xf3: {  	_ =	swait.ge [sflag:s24], $0x1400  }
0xf4: {  	s6 =	rddreg [dreg:$0xa];
	[sflag:s24] =	ssyncset.done $0x0  }
0xf5: {  	[sflag:s24] =	ssyncadd.s32 $0xFFFFEC00;
	s12 =	sadd.s32 s10, s6  }
0xf6: {  	[tilespmem:s15], [sflag:$0x11] =	stream.linear.gather [hbm4b:s12+s3], $0x28, $0x38;
	[tilespmem:$0x1A180] =	vst v63  }
0xf7: {  	s12 =	simm.s32 $0xC  }
0xf8: {  	_ =	swait.ge [sflag:s12], $0x28  }
0xf9: {  	[sflag:s12] =	ssyncset.done $0x0  }
0xfa: {  	[sflag:s12] =	ssyncadd.s32 $0xFFFFFFD8  }
0xfb: {  	[tilespmem:s13], [sflag:$0x2] =	stream.indirect.gather [hbm4b:s11+s9], $0x80, s7, s9, $0xb8;
	[tilespmem:$0x1A180] =	vst v63  }
0xfc: {  	s13 =	simm.s32 $0x8  }
0xfd: {  	_ =	swait.ge [sflag:s13], $0x1400  }
0xfe: {  	s15 =	rddreg [dreg:$0x8];
	[sflag:s13] =	ssyncset.done $0x0  }
0xff: {  	[sflag:s13] =	ssyncadd.s32 $0xFFFFEC00;
	s12 =	sadd.s32 s10, s15  }
0x100: {  	[tilespmem:s8], [sflag:$0x12] =	stream.linear.gather [hbm4b:s12+s3], $0x28, $0x38;
	[tilespmem:$0x1A180] =	vst v63  }
0x101: {  	_ =	swait.ge [sflag:s26], $0x28  }
0x102: {  	s14 =	smov.u32 s16;
	[sflag:s26] =	ssyncset.done $0x0  }
0x103: {  	s16 =	smov.u32 s18;
	s18 =	simm.s32 $0x9;
	[sflag:s26] =	ssyncadd.s32 $0xFFFFFFD8  }
0x104: {  	[tilespmem:s28], [sflag:$0x3] =	stream.indirect.gather [hbm4b:s11+s9], $0x80, s25, s9, $0xb8;
	[tilespmem:$0x1A180] =	vst v63  }
0x105: {  	_ =	swait.ge [sflag:s18], $0x1400  }
0x106: {  	s21 =	rddreg [dreg:$0x6];
	[sflag:s18] =	ssyncset.done $0x0  }
0x107: {  	[sflag:s18] =	ssyncadd.s32 $0xFFFFEC00;
	s12 =	sadd.s32 s10, s21  }
0x108: {  	[tilespmem:s17], [sflag:$0x13] =	stream.linear.gather [hbm4b:s12+s3], $0x28, $0x38;
	[tilespmem:$0x1A180] =	vst v63  }
0x109: {  	p3 =	sne.s32 s20, $0x4B0;
	_ =	swait.ge [sflag:s29], $0x28  }
0x10a: {  	s20 =	sadd.s32 $0x19, s20;
	s22 =	sadd.s32 $0xC8, s22;
	[sflag:s29] =	ssyncset.done $0x0  }
0x10b: {  	s0 =	simm.s32 $0x200;
	s25 =	simm.s32 $0xA;
	[sflag:s29] =	ssyncadd.s32 $0xFFFFFFD8  }
0x10c: {  	[tilespmem:s23], [sflag:$0x4] =	stream.indirect.gather [hbm4b:s11+s9], $0x80, s5, s9, $0xb8;
	[tilespmem:$0x1A180] =	vst v63  }
0x10d: {  	s4 =	simm.s32 $0x1900;
	s19 =	simm.s32 $0x280;
	_ =	swait.ge [sflag:s25], $0x1400  }
0x10e: {  	s2 =	simm.s32 $0x500;
	s28 =	rddreg [dreg:$0x4];
	[sflag:s25] =	ssyncset.done $0x0  }
.Ltmp4:
0x10f: {  	[sflag:s25] =	ssyncadd.s32 $0xFFFFEC00;
	s10 =	sadd.s32 s10, s28;
	(pc) =	sbr.rel @p3 .LBB2_6-.Ltmp4, $4  }
0x110: {  	[tilespmem:s30], [sflag:$0x14] =	stream.linear.gather [hbm4b:s10+s3], $0x28, $0x38;
	[tilespmem:$0x1A180] =	vst v63  }
0x111: {  	s24 =	simm.s32 $0x300;
	s6 =	simm.s32 $0x2D00;
	_ =	swait.ge [sflag:s31], $0x28  }
0x112: {  	s13 =	simm.s32 $0x380;
	s21 =	simm.s32 $0x400;
	[sflag:s31] =	ssyncset.done $0x0  }
0x113: {  	s18 =	simm.s32 $0x4100;
	s12 =	simm.s32 $0x480;
	[sflag:s31] =	ssyncadd.s32 $0xFFFFFFD8  }
0x114: {  	s5 =	simm.s32 $0x5500;
	s23 =	simm.s32 $0x1  }
0x115: {  	[tilespmem:s5], [sflag:$0x5] =	stream.indirect.gather [hbm4b:s11+s9], $0x80, s0, s9, $0xb8;
	[tilespmem:$0x1A180] =	vst v63  }
0x116: {  	_ =	swait.ge [sflag:s23], $0x1400  }
0x117: {  	[sflag:s23] =	ssyncset.done $0x0  }
0x118: {  	s25 =	simm.s32 $0x10;
	[sflag:s23] =	ssyncadd.s32 $0xFFFFEC00  }
0x119: {  	_ =	swait.ge [sflag:s25], $0x28  }
0x11a: {  	[sflag:s25] =	ssyncset.done $0x0  }
0x11b: {  	s26 =	simm.s32 $0x2;
	[sflag:s25] =	ssyncadd.s32 $0xFFFFFFD8  }
0x11c: {  	[spmem:s1] =	stream.indirect.scatter.add.f32 [tilespmem:s2], [sflag:$0x6], $0x80, s19, s9, $0xb8;
	[tilespmem:$0x1A180] =	vst v63  }
0x11d: {  	_ =	swait.ge [sflag:s26], $0x1400  }
0x11e: {  	[sflag:s26] =	ssyncset.done $0x0  }
0x11f: {  	s2 =	simm.s32 $0x11;
	[sflag:s26] =	ssyncadd.s32 $0xFFFFEC00  }
0x120: {  	_ =	swait.ge [sflag:s2], $0x28  }
0x121: {  	[sflag:s2] =	ssyncset.done $0x0  }
0x122: {  	s7 =	simm.s32 $0x3;
	[sflag:s2] =	ssyncadd.s32 $0xFFFFFFD8  }
0x123: {  	[spmem:s1] =	stream.indirect.scatter.add.f32 [tilespmem:s4], [sflag:$0x7], $0x80, s24, s9, $0xb8;
	[tilespmem:$0x1A180] =	vst v63  }
0x124: {  	_ =	swait.ge [sflag:s7], $0x1400  }
0x125: {  	[sflag:s7] =	ssyncset.done $0x0  }
0x126: {  	s8 =	simm.s32 $0x12;
	[sflag:s7] =	ssyncadd.s32 $0xFFFFEC00  }
0x127: {  	_ =	swait.ge [sflag:s8], $0x28  }
0x128: {  	[sflag:s8] =	ssyncset.done $0x0  }
0x129: {  	s10 =	simm.s32 $0x4;
	[sflag:s8] =	ssyncadd.s32 $0xFFFFFFD8  }
0x12a: {  	[spmem:s1] =	stream.indirect.scatter.add.f32 [tilespmem:s6], [sflag:$0x8], $0x80, s13, s9, $0xb8;
	[tilespmem:$0x1A180] =	vst v63  }
0x12b: {  	_ =	swait.ge [sflag:s10], $0x1400  }
0x12c: {  	[sflag:s10] =	ssyncset.done $0x0  }
0x12d: {  	s11 =	simm.s32 $0x13;
	[sflag:s10] =	ssyncadd.s32 $0xFFFFEC00  }
0x12e: {  	_ =	swait.ge [sflag:s11], $0x28  }
0x12f: {  	[sflag:s11] =	ssyncset.done $0x0  }
0x130: {  	s13 =	simm.s32 $0x5;
	[sflag:s11] =	ssyncadd.s32 $0xFFFFFFD8  }
0x131: {  	[spmem:s1] =	stream.indirect.scatter.add.f32 [tilespmem:s18], [sflag:$0x9], $0x80, s21, s9, $0xb8;
	[tilespmem:$0x1A180] =	vst v63  }
0x132: {  	_ =	swait.ge [sflag:s13], $0x1400  }
0x133: {  	[sflag:s13] =	ssyncset.done $0x0  }
0x134: {  	s15 =	simm.s32 $0x14;
	[sflag:s13] =	ssyncadd.s32 $0xFFFFEC00  }
0x135: {  	_ =	swait.ge [sflag:s15], $0x28  }
0x136: {  	[sflag:s15] =	ssyncset.done $0x0  }
0x137: {  	s17 =	simm.s32 $0x6;
	[sflag:s15] =	ssyncadd.s32 $0xFFFFFFD8  }
0x138: {  	[spmem:s1] =	stream.indirect.scatter.add.f32 [tilespmem:s5], [sflag:$0xA], $0x80, s12, s9, $0xb8;
	[tilespmem:$0x1A180] =	vst v63  }
0x139: {  	_ =	swait.ge [sflag:s17], $0x1400  }
0x13a: {  	[sflag:s17] =	ssyncset.done $0x0  }
0x13b: {  	s18 =	simm.s32 $0x7;
	[sflag:s17] =	ssyncadd.s32 $0xFFFFEC00  }
0x13c: {  	_ =	swait.ge [sflag:s18], $0x1400  }
0x13d: {  	[sflag:s18] =	ssyncset.done $0x0  }
0x13e: {  	s19 =	simm.s32 $0x8;
	[sflag:s18] =	ssyncadd.s32 $0xFFFFEC00  }
0x13f: {  	_ =	swait.ge [sflag:s19], $0x1400  }
0x140: {  	[sflag:s19] =	ssyncset.done $0x0  }
0x141: {  	s20 =	simm.s32 $0x9;
	[sflag:s19] =	ssyncadd.s32 $0xFFFFEC00  }
0x142: {  	_ =	swait.ge [sflag:s20], $0x1400  }
0x143: {  	[sflag:s20] =	ssyncset.done $0x0  }
0x144: {  	s21 =	simm.s32 $0xA;
	[sflag:s20] =	ssyncadd.s32 $0xFFFFEC00  }
0x145: {  	_ =	swait.ge [sflag:s21], $0x1400  }
0x146: {  	[sflag:s21] =	ssyncset.done $0x0  }
0x147: {  	[sflag:s21] =	ssyncadd.s32 $0xFFFFEC00  }
0x148: {  	[bflag:$0x0] =	sbarrier.arrive $0xFFFF  }
0x149: {  	s22 =	sld [smem:$0x7FC]  }
0x14a: {  	s24 =	sld [smem:$0x7FD];
	_ =	sdelay $0x1  }
0x14b: {  	s23 =	rddreg [dreg:$0x16];
	s10 =	sor.u32 $0x1C15, s22  }
0x14c: {  	[hbm:s23], [sflag:s10] =	dma.local [spmem:s24], $0x2700  }
0x14d: {  	s23 =	simm.s32 $0x15  }
0x14e: {  	_ =	swait.ge [sflag:s23], $0x2700  }
0x14f: {  	[sflag:s23] =	ssyncset.done $0x0;
	s12 =	rddreg [dreg:$0x1a]  }
0x150: {  	s18 =	rddreg [dreg:$0x1c];
	[sflag:s23] =	ssyncadd.s32 $0xFFFFD900;
	s12 =	sshrl.u32 @!p1 s12, $0x3  }
0x151: {  	[hbm:s18], [sflag:s10] =	dma.local @!p1 [spmem:s12], $0x100  }
0x152: {  	s30 =	simm.s32 $0x280;
	s10 =	simm.s32 @!p1 $0x15  }
0x153: {  	s28 =	simm.s32 $0x2D00;
	s29 =	simm.s32 $0xE;
	_ =	swait.ge @!p1 [sflag:s10], $0x100  }
0x154: {  	s31 =	simm.s32 $0x10;
	s0 =	simm.s32 $0x500;
	s25 =	rddreg [dreg:$0x1f]  }
0x155: {  	s7 =	simm.s32 $0x1;
	s26 =	rddreg [dreg:$0x1d];
	s2 =	sadd.s32 $0x1, s25  }
0x156: {  	s8 =	simm.s32 $0x400;
	s6 =	simm.s32 $0x480;
	p3 =	sne.s32 s2, s26  }
.Ltmp5:
0x157: {  	s11 =	simm.s32 $0x80;
	s13 =	simm.s32 $0x380;
	(pc) =	sbr.rel @p3 .LBB2_1-.Ltmp5, $4  }
0x158: {  	s15 =	simm.s32 $0x100;
	s5 =	simm.s32 $0xC;
	s17 =	simm.s32 $0x4100  }
0x159: {  	s19 =	simm.s32 $0x180;
	s20 =	simm.s32 $0x200;
	s21 =	simm.s32 $0x300  }
0x15a: {  	s22 =	simm.s32 $0xF;
	s24 =	simm.s32 $0xB;
	[sflag:s10] =	ssyncset.done @!p1 $0x0  }
0x15b: {  	[sflag:s10] =	ssyncadd.s32 @!p1 $0xFFFFFF00;
	s25 =	simm.s32 $0xD;
	s26 =	simm.s32 $0x1900  }
0x15c: {  	_ =	sfence.sel $0x180000  }
0x15d: {  	[bflag:$0x0] =	sbarrier.arrive $0xFFFF  }
0x15e: {  	_ =	strace $0x90000047  }
0x15f: {  	s0 =	stileid.u32;
	[bflag:$0x2] =	sbarrier.arrive $0xFFFF  }
0x160: {  	p0 =	sne.s32 s0, $0x0;
	s0 =	rddreg [dreg:$0x3]  }
0x161: {  	s0 =	sadd.s32 @!p0 $0x100000, s0  }
0x162: {  	[sflag:s0] =	ssyncadd.tile.s32 @!p0 $0x1;
	_ =	shalt  }
.Lfunc_end2:
_tile_overlayer_lowered:
.L_overlay_start_2:
0x163: {  	(tag) =	ssettag $0x2  }
0x164: {  	s0 =	rddreg [dreg:$0x0];
	s2 =	stileid.u32  }
0x165: {  	s1 =	rddreg [dreg:$0x1];
	p0 =	sne.s32 s2, $0x0  }
0x166: {  	s3 =	rddreg [dreg:$0x2];
	[bflag:$0x3] =	sbarrier.arrive $0xFFFF;
	s2 =	simm.s32 @!p0 $0x1C15  }
0x167: {  	[timem:s3], [sflag:s2] =	dma.local @!p0 [hbm:s0], s1  }
0x168: {  	s0 =	simm.s32 @!p0 $0x15  }
0x169: {  	_ =	swait.ge @!p0 [sflag:s0], s1  }
0x16a: {  	s1 =	ssub.s32 @!p0 $0x0, s1;
	[sflag:s0] =	ssyncset.done @!p0 $0x0  }
0x16b: {  	[sflag:s0] =	ssyncadd.s32 @!p0 s1  }
0x16c: {  	[bflag:$0x3] =	sbarrier.arrive $0xFFFF  }
0x16d: {  	_ =	shalt  }

</sc_bundles>
